<compile_context>
chip_gen: v7x
topology: tpu7x:2x2x1
jax: 0.10.2.dev20260603
libtpu: 0.0.44.dev20260713+nightly
codegen_flags: <defaults>
</compile_context>

<pallas_src>
import functools

import jax
import jax.numpy as jnp
import numpy as np
from jax import lax
from jax.experimental import pallas as pl
from jax.experimental.pallas import tpu as pltpu
from jax.experimental.pallas import tpu_sc as plsc

N = 10000
E = 320000
D = 128
H = 128
NPAD = 10240

NC = 2
NS = 16
NW = NC * NS
EPT = E // NW
CC = 40
NCHUNK = EPT // CC
KB = 10
NBLK = NCHUNK // KB
RPT = NPAD // NS
CPAD = 16


def _pre_body(feat_ref, we_ref, wms_ref, wmd_ref, h_ref, a_ref, b_ref):
    f = feat_ref[...]
    h = jnp.dot(f, we_ref[...], preferred_element_type=jnp.float32)
    h_ref[...] = h
    a_ref[...] = jnp.dot(
        h, wms_ref[...], preferred_element_type=jnp.float32
    ).astype(jnp.bfloat16)
    b_ref[...] = jnp.dot(
        h, wmd_ref[...], preferred_element_type=jnp.float32
    ).astype(jnp.bfloat16)


def _edge_body(a_hbm, b_hbm, cp_hbm, eg_hbm, wpk_hbm,
               agg_out, rcd_out,
               idxs, idxd, ar0, ar1, br0, br1, cs0, cs1, cd0, cd1,
               mb0, mb1, rb0, rb1, wbuf, aggs, rcds,
               gsem0, gsem1, ssem0, ssem1, isem):
    cid = lax.axis_index("c")
    sid = lax.axis_index("s")
    w = cid * NS + sid

    ar = (ar0, ar1)
    br = (br0, br1)
    cs = (cs0, cs1)
    cd = (cd0, cd1)
    mb = (mb0, mb1)
    rb = (rb0, rb1)
    gsem = (gsem0, gsem1)
    ssem = (ssem0, ssem1)

    pltpu.sync_copy(eg_hbm.at[0, w, 0], idxs.at[0])
    pltpu.sync_copy(eg_hbm.at[1, w, 0], idxd.at[0])
    pltpu.async_copy(eg_hbm.at[0, w, 1], idxs.at[1], isem)
    pltpu.async_copy(eg_hbm.at[1, w, 1], idxd.at[1], isem)
    pltpu.sync_copy(wpk_hbm, wbuf)
    wd2 = [wbuf[pl.ds(16 * j, 16)] for j in range(8)]
    wc = [wbuf[pl.ds(128 + 16 * j, 16)] for j in range(8)]
    lane = lax.iota(jnp.int32, 16)
    oh3 = jnp.where(lane == 3, 1.0, 0.0).astype(jnp.float32)
    zero16 = jnp.zeros((16,), jnp.float32)

    def _zrow(r, c):
        for j in range(8):
            mb0[r, pl.ds(16 * j, 16)] = zero16
        rb0[r] = zero16
        return c
    lax.fori_loop(0, CC, _zrow, 0)
    row0 = sid * RPT
    for k in range(RPT // CC):
        pltpu.sync_copy(mb0, aggs.at[pl.ds(row0 + k * CC, CC)])
        pltpu.sync_copy(rb0, rcds.at[pl.ds(row0 + k * CC, CC)])
    plsc.subcore_barrier()

    def idx_row(i, s):
        blk = i // KB
        return (idxs if s == 0 else idxd).at[blk % 2, i % KB]

    def issue_gather(i, b):
        pltpu.async_copy(a_hbm.at[idx_row(i, 0)], ar[b], gsem[b])
        pltpu.async_copy(b_hbm.at[idx_row(i, 1)], br[b], gsem[b])
        pltpu.async_copy(cp_hbm.at[idx_row(i, 0)], cs[b], gsem[b])
        pltpu.async_copy(cp_hbm.at[idx_row(i, 1)], cd[b], gsem[b])

    def wait_gather(b):
        pltpu.make_async_copy(a_hbm.at[pl.ds(0, CC)], ar[b], gsem[b]).wait()
        pltpu.make_async_copy(b_hbm.at[pl.ds(0, CC)], br[b], gsem[b]).wait()
        pltpu.make_async_copy(cp_hbm.at[pl.ds(0, CC)], cs[b], gsem[b]).wait()
        pltpu.make_async_copy(cp_hbm.at[pl.ds(0, CC)], cd[b], gsem[b]).wait()

    def issue_scatter(i, b):
        pltpu.async_copy(mb[b], aggs.at[idx_row(i, 1)], ssem[b], add=True)
        pltpu.async_copy(rb[b], rcds.at[idx_row(i, 1)], ssem[b], add=True)

    def wait_scatter(b):
        pltpu.make_async_copy(a_hbm.at[pl.ds(0, CC)], mb[b], ssem[b]).wait()
        pltpu.make_async_copy(cp_hbm.at[pl.ds(0, CC)], rb[b], ssem[b]).wait()

    def compute(b):
        arb, brb, csb, cdb, mbb, rbb = ar[b], br[b], cs[b], cd[b], mb[b], rb[b]

        @plsc.parallel_loop(0, CC, unroll=2)
        def _edge(e):
            rel = csb[e] - cdb[e]
            d2 = jnp.sum(rel * rel)
            cwa = zero16
            for jj in range(4):
                xa = arb[e, pl.ds(32 * jj, 32)]
                xb = brb[e, pl.ds(32 * jj, 32)]
                alo, ahi = plsc.unpack(
                    xa, format=plsc.PackFormat.INTERLEAVED,
                    preferred_element_type=jnp.float32)
                blo, bhi = plsc.unpack(
                    xb, format=plsc.PackFormat.INTERLEAVED,
                    preferred_element_type=jnp.float32)
                for h2, av, bv in ((0, alo, blo), (1, ahi, bhi)):
                    j = 2 * jj + h2
                    m = jnp.maximum(av + bv + d2 * wd2[j], 0.0)
                    mbb[e, pl.ds(32 * jj + 16 * h2, 16)] = m
                    cwa = cwa + m * wc[j]
            cw = jnp.sum(cwa)
            rbb[e] = rel * cw + oh3

    issue_gather(0, 0)

    def _pair(k, c):
        for b in range(2):
            i = 2 * k + b

            @pl.when(jnp.logical_and(i % KB == 8, i < (NBLK - 1) * KB))
            def _():
                pltpu.make_async_copy(
                    eg_hbm.at[0, w, 0], idxs.at[0], isem).wait()
                pltpu.make_async_copy(
                    eg_hbm.at[1, w, 0], idxd.at[0], isem).wait()

            @pl.when(i + 1 < NCHUNK)
            def _():
                issue_gather(i + 1, 1 - b)

            @pl.when(jnp.logical_and(i % KB == 2,
                                     jnp.logical_and(i >= KB + 2,
                                                     i < (NBLK - 1) * KB + 2)))
            def _():
                blk = i // KB + 1
                pltpu.async_copy(eg_hbm.at[0, w, blk], idxs.at[blk % 2], isem)
                pltpu.async_copy(eg_hbm.at[1, w, blk], idxd.at[blk % 2], isem)

            wait_gather(b)

            @pl.when(i >= 2)
            def _():
                wait_scatter(b)

            compute(b)
            issue_scatter(i, b)
        return c

    lax.fori_loop(0, NCHUNK // 2, _pair, 0)
    wait_scatter(0)
    wait_scatter(1)
    plsc.subcore_barrier()

    pltpu.sync_copy(aggs.at[pl.ds(row0, RPT)], agg_out.at[cid, pl.ds(row0, RPT)])
    pltpu.sync_copy(rcds.at[pl.ds(row0, RPT)], rcd_out.at[cid, pl.ds(row0, RPT)])


def _post_body(h_ref, agg_ref, rcd_ref, cp_ref, wnh_ref, wna_ref,
               wf1_ref, bf1_ref, wf2_ref, bf2_ref, out_ref):
    agg = agg_ref[0] + agg_ref[1]
    h = h_ref[...]
    hu = jnp.maximum(
        jnp.dot(h, wnh_ref[...], preferred_element_type=jnp.float32)
        + jnp.dot(agg, wna_ref[...], preferred_element_type=jnp.float32), 0.0)
    z = jnp.maximum(
        jnp.dot(hu, wf1_ref[...], preferred_element_type=jnp.float32)
        + bf1_ref[...], 0.0)
    s = jnp.sum(z * wf2_ref[...], axis=1, keepdims=True) + bf2_ref[...]
    sig = jax.nn.sigmoid(s)

    rcd = rcd_ref[0] + rcd_ref[1]
    lanes = lax.broadcasted_iota(jnp.int32, rcd.shape, 1)
    deg = jnp.sum(jnp.where(lanes == 3, rcd, 0.0), axis=1, keepdims=True)
    deg = jnp.maximum(deg, 1.0)
    xf = cp_ref[...] + rcd / deg
    out_ref[...] = jnp.concatenate(
        [sig, lax.slice(xf, (0, 0), (xf.shape[0], 3))], axis=1)


def _edge_call(a_tab, b_tab, coordsp, eg, wpk):
    f32 = jnp.float32
    mesh = plsc.VectorSubcoreMesh(
        core_axis_name="c", subcore_axis_name="s",
        num_cores=NC, num_subcores=NS)
    edge_fn = functools.partial(
        pl.kernel,
        out_type=(jax.ShapeDtypeStruct((NC, NPAD, H), f32),
                  jax.ShapeDtypeStruct((NC, NPAD, CPAD), f32)),
        mesh=mesh,
        scratch_types=[
            pltpu.VMEM((2, KB, CC), jnp.int32),
            pltpu.VMEM((2, KB, CC), jnp.int32),
            pltpu.VMEM((CC, H), jnp.bfloat16),
            pltpu.VMEM((CC, H), jnp.bfloat16),
            pltpu.VMEM((CC, H), jnp.bfloat16),
            pltpu.VMEM((CC, H), jnp.bfloat16),
            pltpu.VMEM((CC, CPAD), f32),
            pltpu.VMEM((CC, CPAD), f32),
            pltpu.VMEM((CC, CPAD), f32),
            pltpu.VMEM((CC, CPAD), f32),
            pltpu.VMEM((CC, H), f32),
            pltpu.VMEM((CC, H), f32),
            pltpu.VMEM((CC, CPAD), f32),
            pltpu.VMEM((CC, CPAD), f32),
            pltpu.VMEM((2 * H,), f32),
            pltpu.VMEM_SHARED((NPAD, H), f32),
            pltpu.VMEM_SHARED((NPAD, CPAD), f32),
            pltpu.SemaphoreType.DMA,
            pltpu.SemaphoreType.DMA,
            pltpu.SemaphoreType.DMA,
            pltpu.SemaphoreType.DMA,
            pltpu.SemaphoreType.DMA,
        ],
        compiler_params=pltpu.CompilerParams(
            needs_layout_passes=False, use_tc_tiling_on_sc=False),
    )(_edge_body)
    return edge_fn(a_tab, b_tab, coordsp, eg, wpk)


def kernel(feat, coords, W_embede, W_msg, W_coord, W_node, W_fc1, b_fc1,
           W_fc2, b_fc2, edge_index):
    f32 = jnp.float32
    perm = np.concatenate([
        np.concatenate([np.arange(32 * jj, 32 * jj + 32, 2),
                        np.arange(32 * jj + 1, 32 * jj + 32, 2)])
        for jj in range(4)])
    wms = W_msg[:D]
    wmd = W_msg[D:2 * D]
    wpk = jnp.concatenate([W_msg[2 * D][perm], W_coord[:, 0][perm]])
    coordsp = jnp.concatenate(
        [coords, jnp.zeros((N, CPAD - 3), f32)], axis=1)
    eg = edge_index.reshape(2, NW, NBLK, KB, CC)

    bn = 2000
    grid = (N // bn,)
    row_spec = pl.BlockSpec((bn, D), lambda i: (i, 0))
    w_spec = pl.BlockSpec((D, D), lambda i: (0, 0))
    h, a_tab, b_tab = pl.pallas_call(
        _pre_body,
        grid=grid,
        in_specs=[row_spec, w_spec, w_spec, w_spec],
        out_specs=[row_spec, row_spec, row_spec],
        out_shape=[jax.ShapeDtypeStruct((N, D), f32),
                   jax.ShapeDtypeStruct((N, D), jnp.bfloat16),
                   jax.ShapeDtypeStruct((N, D), jnp.bfloat16)],
    )(feat, W_embede, wms, wmd)

    agg2, rcd2 = _edge_call(a_tab, b_tab, coordsp, eg, wpk)

    wnh = W_node[:D]
    wna = W_node[D:][perm]
    bf1 = b_fc1.reshape(1, D)
    wf2r = W_fc2.T
    bf2 = b_fc2.reshape(1, 1)
    pad_spec = pl.BlockSpec((bn, CPAD), lambda i: (i, 0))
    out = pl.pallas_call(
        _post_body,
        grid=grid,
        in_specs=[
            row_spec,
            pl.BlockSpec((NC, bn, H), lambda i: (0, i, 0)),
            pl.BlockSpec((NC, bn, CPAD), lambda i: (0, i, 0)),
            pad_spec,
            w_spec, w_spec, w_spec,
            pl.BlockSpec((1, D), lambda i: (0, 0)),
            pl.BlockSpec((1, D), lambda i: (0, 0)),
            pl.BlockSpec((1, 1), lambda i: (0, 0)),
        ],
        out_specs=pl.BlockSpec((bn, 4), lambda i: (i, 0)),
        out_shape=jax.ShapeDtypeStruct((N, 4), f32),
    )(h, agg2, rcd2, coordsp, wnh, wna, W_fc1, bf1, wf2r, bf2)

    return out

# --- scband reference (transcript-rebuilt; emitter-appended) ---
"""Pipeline reference for scband-gnn-38714835206709 (READ-ONLY COPY).

The authoritative reference and input builder live on the scoring server;
editing this copy changes nothing except your own understanding.
"""

import jax, jax.numpy as jnp
import numpy as np

N = 10000
E = 320000
D = 128   # residue_emb_dim (= 2*embedding_dim after embede linear)
H = 128   # iegmn_lay_hid_dim
FC = 128  # d_FC_layer


def setup_inputs(seed: int = 0) -> dict:
    key = jax.random.key(seed)
    ks = jax.random.split(key, 12)
    feat = jax.random.normal(ks[0], (N, D), dtype=jnp.float32)
    coords = jax.random.normal(ks[1], (N, 3), dtype=jnp.float32)
    edge_index = jax.random.randint(ks[2], (2, E), 0, N, dtype=jnp.int32)
    # learned params (embede linear, IEGMN-style message/coord/node MLPs, FC head)
    W_embede = jax.random.normal(ks[3], (D, D), dtype=jnp.float32) / np.sqrt(D)
    W_msg = jax.random.normal(ks[4], (2 * D + 1, H), dtype=jnp.float32) / np.sqrt(2 * D + 1)
    W_coord = jax.random.normal(ks[5], (H, 1), dtype=jnp.float32) / np.sqrt(H)
    W_node = jax.random.normal(ks[6], (D + H, H), dtype=jnp.float32) / np.sqrt(D + H)
    W_fc1 = jax.random.normal(ks[7], (H, FC), dtype=jnp.float32) / np.sqrt(H)
    b_fc1 = jnp.zeros((FC,), dtype=jnp.float32)
    W_fc2 = jax.random.normal(ks[8], (FC, 1), dtype=jnp.float32) / np.sqrt(FC)
    b_fc2 = jnp.zeros((1,), dtype=jnp.float32)
    return {
        "feat": feat, "coords": coords,
        "W_embede": W_embede, "W_msg": W_msg, "W_coord": W_coord, "W_node": W_node,
        "W_fc1": W_fc1, "b_fc1": b_fc1, "W_fc2": W_fc2, "b_fc2": b_fc2,
        "edge_index": edge_index,
    }


def reference(feat, coords, W_embede, W_msg, W_coord, W_node, W_fc1, b_fc1, W_fc2, b_fc2, edge_index):
    src = edge_index[0]
    dst = edge_index[1]
    # embede: linear projection of node features (self.embede)
    h = feat @ W_embede
    # IEGMN/EGNN-style equivariant message passing layer
    rel = coords[src] - coords[dst]                       # gather coords
    d2 = jnp.sum(rel * rel, axis=-1, keepdims=True)
    m_in = jnp.concatenate([h[src], h[dst], d2], axis=-1)  # gather feats
    m = jax.nn.relu(m_in @ W_msg)                          # edge messages [E, H]
    agg = jax.ops.segment_sum(m, dst, num_segments=N)      # scatter-add
    deg = jax.ops.segment_sum(jnp.ones((E, 1), jnp.float32), dst, num_segments=N)
    deg = jnp.clip(deg, 1.0, None)
    coord_w = m @ W_coord                                  # [E, 1]
    x_upd = coords + jax.ops.segment_sum(rel * coord_w, dst, num_segments=N) / deg
    h_upd = jax.nn.relu(jnp.concatenate([h, agg], axis=-1) @ W_node)
    # fully_connected head + sigmoid (per-node scores)
    z = jax.nn.relu(h_upd @ W_fc1 + b_fc1)
    scores = jax.nn.sigmoid(z @ W_fc2 + b_fc2)             # [N, 1]
    return jnp.concatenate([scores, x_upd], axis=1)        # [N, 4]

if __name__ == "__main__":
    import jax
    _d = setup_inputs()
    print(jax.jit(kernel)(*tuple(_d.values())))

</pallas_src>

<mosaic_0001>
#map = affine_map<(d0, d1) -> (0, 0)>
#map1 = affine_map<(d0, d1) -> (0, 0, 0, 0, 0)>
#map2 = affine_map<(d0, d1) -> (0)>
#map3 = affine_map<(d0, d1) -> (0, 0, 0)>
module attributes {stable_mosaic.version = 14 : i64} {
  func.func @_edge_body(%arg0: i32, %arg1: i32, %arg2: memref<10000x128xbf16, #tpu.memory_space<hbm>>, %arg3: memref<10000x128xbf16, #tpu.memory_space<hbm>>, %arg4: memref<10000x16xf32, #tpu.memory_space<hbm>>, %arg5: memref<2x32x25x10x40xi32, #tpu.memory_space<hbm>>, %arg6: memref<256xf32, #tpu.memory_space<hbm>>, %arg7: memref<2x10240x128xf32, #tpu.memory_space<hbm>>, %arg8: memref<2x10240x16xf32, #tpu.memory_space<hbm>>, %arg9: memref<2x10x40xi32, #tpu.memory_space<vmem>>, %arg10: memref<2x10x40xi32, #tpu.memory_space<vmem>>, %arg11: memref<40x128xbf16, #tpu.memory_space<vmem>>, %arg12: memref<40x128xbf16, #tpu.memory_space<vmem>>, %arg13: memref<40x128xbf16, #tpu.memory_space<vmem>>, %arg14: memref<40x128xbf16, #tpu.memory_space<vmem>>, %arg15: memref<40x16xf32, #tpu.memory_space<vmem>>, %arg16: memref<40x16xf32, #tpu.memory_space<vmem>>, %arg17: memref<40x16xf32, #tpu.memory_space<vmem>>, %arg18: memref<40x16xf32, #tpu.memory_space<vmem>>, %arg19: memref<40x128xf32, #tpu.memory_space<vmem>>, %arg20: memref<40x128xf32, #tpu.memory_space<vmem>>, %arg21: memref<40x16xf32, #tpu.memory_space<vmem>>, %arg22: memref<40x16xf32, #tpu.memory_space<vmem>>, %arg23: memref<256xf32, #tpu.memory_space<vmem>>, %arg24: memref<10240x128xf32, #tpu.memory_space<vmem_shared>>, %arg25: memref<10240x16xf32, #tpu.memory_space<vmem_shared>>, %arg26: memref<!tpu.dma_semaphore, #tpu.memory_space<semaphore_mem>>, %arg27: memref<!tpu.dma_semaphore, #tpu.memory_space<semaphore_mem>>, %arg28: memref<!tpu.dma_semaphore, #tpu.memory_space<semaphore_mem>>, %arg29: memref<!tpu.dma_semaphore, #tpu.memory_space<semaphore_mem>>, %arg30: memref<!tpu.dma_semaphore, #tpu.memory_space<semaphore_mem>>) attributes {dimension_semantics = [#tpu.dimension_semantics<core_parallel>, #tpu.dimension_semantics<subcore_parallel>], iteration_bounds = array<i64: 2, 16>, scalar_prefetch = 0 : i64, scratch_operands = 22 : i64, tpu.core_type = #tpu.core_type<sc_vector_subcore>, window_params = [{transform_indices = #map}, {transform_indices = #map}, {transform_indices = #map}, {transform_indices = #map1}, {transform_indices = #map2}, {transform_indices = #map3}, {transform_indices = #map3}]} {
    %mul3A = arith.constant 16 : i32
    %mul3A_0 = arith.muli %arg0, %mul3A : i32
    %add3A = arith.addi %mul3A_0, %arg1 : i32
    %run_scoped3A = arith.constant 0 : i32
    %run_scoped3A_1 = arith.constant 0 : i32
    %run_scoped3A_2 = arith.constant 0 : i32
    "tpu.region"() ({
      %run_scoped3A_213 = tpu.sem_alloc : memref<!tpu.dma_semaphore, #tpu.memory_space<semaphore_mem>>
      %dma_start3A_214 = arith.constant 0 : i32
      %dma_start3A_215 = arith.constant 0 : i32
      %dma_start3A_216 = tpu.memref_slice %arg9[%run_scoped3A_2, %dma_start3A_214, %dma_start3A_215] : memref<2x10x40xi32, #tpu.memory_space<vmem>> -> memref<1x10x40xi32, #tpu.memory_space<vmem>>
      %dma_start3A_217 = tpu.memref_squeeze %dma_start3A_216 : memref<1x10x40xi32, #tpu.memory_space<vmem>> -> memref<10x40xi32, #tpu.memory_space<vmem>>
      %dma_start3A_218 = arith.constant 0 : i32
      %dma_start3A_219 = arith.constant 0 : i32
      %dma_start3A_220 = tpu.memref_slice %arg5[%run_scoped3A, %add3A, %run_scoped3A_1, %dma_start3A_218, %dma_start3A_219] : memref<2x32x25x10x40xi32, #tpu.memory_space<hbm>> -> memref<1x1x1x10x40xi32, #tpu.memory_space<hbm>>
      %dma_start3A_221 = tpu.memref_squeeze %dma_start3A_220 : memref<1x1x1x10x40xi32, #tpu.memory_space<hbm>> -> memref<10x40xi32, #tpu.memory_space<hbm>>
      %dma_start3A_222 = arith.constant 0 : i32
      %dma_start3A_223 = arith.constant 0 : i32
      %dma_start3A_224 = tpu.memref_slice %arg9[%run_scoped3A_2, %dma_start3A_222, %dma_start3A_223] : memref<2x10x40xi32, #tpu.memory_space<vmem>> -> memref<1x10x40xi32, #tpu.memory_space<vmem>>
      %dma_start3A_225 = tpu.memref_squeeze %dma_start3A_224 : memref<1x10x40xi32, #tpu.memory_space<vmem>> -> memref<10x40xi32, #tpu.memory_space<vmem>>
      %dma_start3A_226 = arith.constant 0 : i32
      %dma_start3A_227 = arith.constant 0 : i32
      %dma_start3A_228 = tpu.memref_slice %arg5[%run_scoped3A, %add3A, %run_scoped3A_1, %dma_start3A_226, %dma_start3A_227] : memref<2x32x25x10x40xi32, #tpu.memory_space<hbm>> -> memref<1x1x1x10x40xi32, #tpu.memory_space<hbm>>
      %dma_start3A_229 = tpu.memref_squeeze %dma_start3A_228 : memref<1x1x1x10x40xi32, #tpu.memory_space<hbm>> -> memref<10x40xi32, #tpu.memory_space<hbm>>
      tpu.enqueue_dma source(%dma_start3A_229 : memref<10x40xi32, #tpu.memory_space<hbm>>) target(%dma_start3A_225 : memref<10x40xi32, #tpu.memory_space<vmem>>) target_semaphore(%run_scoped3A_213 : memref<!tpu.dma_semaphore, #tpu.memory_space<semaphore_mem>>)
      %dma_wait3A_230 = arith.constant 0 : i32
      %dma_wait3A_231 = arith.constant 0 : i32
      %dma_wait3A_232 = tpu.memref_slice %arg9[%run_scoped3A_2, %dma_wait3A_230, %dma_wait3A_231] : memref<2x10x40xi32, #tpu.memory_space<vmem>> -> memref<1x10x40xi32, #tpu.memory_space<vmem>>
      %dma_wait3A_233 = tpu.memref_squeeze %dma_wait3A_232 : memref<1x10x40xi32, #tpu.memory_space<vmem>> -> memref<10x40xi32, #tpu.memory_space<vmem>>
      %dma_wait3A_234 = arith.constant 0 : i32
      %dma_wait3A_235 = arith.constant 0 : i32
      %dma_wait3A_236 = tpu.memref_slice %arg5[%run_scoped3A, %add3A, %run_scoped3A_1, %dma_wait3A_234, %dma_wait3A_235] : memref<2x32x25x10x40xi32, #tpu.memory_space<hbm>> -> memref<1x1x1x10x40xi32, #tpu.memory_space<hbm>>
      %dma_wait3A_237 = tpu.memref_squeeze %dma_wait3A_236 : memref<1x1x1x10x40xi32, #tpu.memory_space<hbm>> -> memref<10x40xi32, #tpu.memory_space<hbm>>
      %dma_wait3A_238 = arith.constant 0 : i32
      %dma_wait3A_239 = arith.constant 0 : i32
      %dma_wait3A_240 = tpu.memref_slice %arg9[%run_scoped3A_2, %dma_wait3A_238, %dma_wait3A_239] : memref<2x10x40xi32, #tpu.memory_space<vmem>> -> memref<1x10x40xi32, #tpu.memory_space<vmem>>
      %dma_wait3A_241 = tpu.memref_squeeze %dma_wait3A_240 : memref<1x10x40xi32, #tpu.memory_space<vmem>> -> memref<10x40xi32, #tpu.memory_space<vmem>>
      %dma_wait3A_242 = arith.constant 0 : i32
      %dma_wait3A_243 = arith.constant 0 : i32
      %dma_wait3A_244 = tpu.memref_slice %arg5[%run_scoped3A, %add3A, %run_scoped3A_1, %dma_wait3A_242, %dma_wait3A_243] : memref<2x32x25x10x40xi32, #tpu.memory_space<hbm>> -> memref<1x1x1x10x40xi32, #tpu.memory_space<hbm>>
      %dma_wait3A_245 = tpu.memref_squeeze %dma_wait3A_244 : memref<1x1x1x10x40xi32, #tpu.memory_space<hbm>> -> memref<10x40xi32, #tpu.memory_space<hbm>>
      tpu.wait_dma2 semaphore(%run_scoped3A_213 : memref<!tpu.dma_semaphore, #tpu.memory_space<semaphore_mem>>) src(%dma_wait3A_245 : memref<10x40xi32, #tpu.memory_space<hbm>>) dst(%dma_wait3A_241 : memref<10x40xi32, #tpu.memory_space<vmem>>)
      tpu.yield
    }) : () -> ()
    %run_scoped3A_3 = arith.constant 1 : i32
    %run_scoped3A_4 = arith.constant 0 : i32
    %run_scoped3A_5 = arith.constant 0 : i32
    "tpu.region"() ({
      %run_scoped3A_213 = tpu.sem_alloc : memref<!tpu.dma_semaphore, #tpu.memory_space<semaphore_mem>>
      %dma_start3A_214 = arith.constant 0 : i32
      %dma_start3A_215 = arith.constant 0 : i32
      %dma_start3A_216 = tpu.memref_slice %arg10[%run_scoped3A_5, %dma_start3A_214, %dma_start3A_215] : memref<2x10x40xi32, #tpu.memory_space<vmem>> -> memref<1x10x40xi32, #tpu.memory_space<vmem>>
      %dma_start3A_217 = tpu.memref_squeeze %dma_start3A_216 : memref<1x10x40xi32, #tpu.memory_space<vmem>> -> memref<10x40xi32, #tpu.memory_space<vmem>>
      %dma_start3A_218 = arith.constant 0 : i32
      %dma_start3A_219 = arith.constant 0 : i32
      %dma_start3A_220 = tpu.memref_slice %arg5[%run_scoped3A_3, %add3A, %run_scoped3A_4, %dma_start3A_218, %dma_start3A_219] : memref<2x32x25x10x40xi32, #tpu.memory_space<hbm>> -> memref<1x1x1x10x40xi32, #tpu.memory_space<hbm>>
      %dma_start3A_221 = tpu.memref_squeeze %dma_start3A_220 : memref<1x1x1x10x40xi32, #tpu.memory_space<hbm>> -> memref<10x40xi32, #tpu.memory_space<hbm>>
      %dma_start3A_222 = arith.constant 0 : i32
      %dma_start3A_223 = arith.constant 0 : i32
      %dma_start3A_224 = tpu.memref_slice %arg10[%run_scoped3A_5, %dma_start3A_222, %dma_start3A_223] : memref<2x10x40xi32, #tpu.memory_space<vmem>> -> memref<1x10x40xi32, #tpu.memory_space<vmem>>
      %dma_start3A_225 = tpu.memref_squeeze %dma_start3A_224 : memref<1x10x40xi32, #tpu.memory_space<vmem>> -> memref<10x40xi32, #tpu.memory_space<vmem>>
      %dma_start3A_226 = arith.constant 0 : i32
      %dma_start3A_227 = arith.constant 0 : i32
      %dma_start3A_228 = tpu.memref_slice %arg5[%run_scoped3A_3, %add3A, %run_scoped3A_4, %dma_start3A_226, %dma_start3A_227] : memref<2x32x25x10x40xi32, #tpu.memory_space<hbm>> -> memref<1x1x1x10x40xi32, #tpu.memory_space<hbm>>
      %dma_start3A_229 = tpu.memref_squeeze %dma_start3A_228 : memref<1x1x1x10x40xi32, #tpu.memory_space<hbm>> -> memref<10x40xi32, #tpu.memory_space<hbm>>
      tpu.enqueue_dma source(%dma_start3A_229 : memref<10x40xi32, #tpu.memory_space<hbm>>) target(%dma_start3A_225 : memref<10x40xi32, #tpu.memory_space<vmem>>) target_semaphore(%run_scoped3A_213 : memref<!tpu.dma_semaphore, #tpu.memory_space<semaphore_mem>>)
      %dma_wait3A_230 = arith.constant 0 : i32
      %dma_wait3A_231 = arith.constant 0 : i32
      %dma_wait3A_232 = tpu.memref_slice %arg10[%run_scoped3A_5, %dma_wait3A_230, %dma_wait3A_231] : memref<2x10x40xi32, #tpu.memory_space<vmem>> -> memref<1x10x40xi32, #tpu.memory_space<vmem>>
      %dma_wait3A_233 = tpu.memref_squeeze %dma_wait3A_232 : memref<1x10x40xi32, #tpu.memory_space<vmem>> -> memref<10x40xi32, #tpu.memory_space<vmem>>
      %dma_wait3A_234 = arith.constant 0 : i32
      %dma_wait3A_235 = arith.constant 0 : i32
      %dma_wait3A_236 = tpu.memref_slice %arg5[%run_scoped3A_3, %add3A, %run_scoped3A_4, %dma_wait3A_234, %dma_wait3A_235] : memref<2x32x25x10x40xi32, #tpu.memory_space<hbm>> -> memref<1x1x1x10x40xi32, #tpu.memory_space<hbm>>
      %dma_wait3A_237 = tpu.memref_squeeze %dma_wait3A_236 : memref<1x1x1x10x40xi32, #tpu.memory_space<hbm>> -> memref<10x40xi32, #tpu.memory_space<hbm>>
      %dma_wait3A_238 = arith.constant 0 : i32
      %dma_wait3A_239 = arith.constant 0 : i32
      %dma_wait3A_240 = tpu.memref_slice %arg10[%run_scoped3A_5, %dma_wait3A_238, %dma_wait3A_239] : memref<2x10x40xi32, #tpu.memory_space<vmem>> -> memref<1x10x40xi32, #tpu.memory_space<vmem>>
      %dma_wait3A_241 = tpu.memref_squeeze %dma_wait3A_240 : memref<1x10x40xi32, #tpu.memory_space<vmem>> -> memref<10x40xi32, #tpu.memory_space<vmem>>
      %dma_wait3A_242 = arith.constant 0 : i32
      %dma_wait3A_243 = arith.constant 0 : i32
      %dma_wait3A_244 = tpu.memref_slice %arg5[%run_scoped3A_3, %add3A, %run_scoped3A_4, %dma_wait3A_242, %dma_wait3A_243] : memref<2x32x25x10x40xi32, #tpu.memory_space<hbm>> -> memref<1x1x1x10x40xi32, #tpu.memory_space<hbm>>
      %dma_wait3A_245 = tpu.memref_squeeze %dma_wait3A_244 : memref<1x1x1x10x40xi32, #tpu.memory_space<hbm>> -> memref<10x40xi32, #tpu.memory_space<hbm>>
      tpu.wait_dma2 semaphore(%run_scoped3A_213 : memref<!tpu.dma_semaphore, #tpu.memory_space<semaphore_mem>>) src(%dma_wait3A_245 : memref<10x40xi32, #tpu.memory_space<hbm>>) dst(%dma_wait3A_241 : memref<10x40xi32, #tpu.memory_space<vmem>>)
      tpu.yield
    }) : () -> ()
    %dma_start3A = arith.constant 0 : i32
    %dma_start3A_6 = arith.constant 1 : i32
    %dma_start3A_7 = arith.constant 1 : i32
    %dma_start3A_8 = arith.constant 0 : i32
    %dma_start3A_9 = arith.constant 0 : i32
    %dma_start3A_10 = tpu.memref_slice %arg9[%dma_start3A_7, %dma_start3A_8, %dma_start3A_9] : memref<2x10x40xi32, #tpu.memory_space<vmem>> -> memref<1x10x40xi32, #tpu.memory_space<vmem>>
    %dma_start3A_11 = tpu.memref_squeeze %dma_start3A_10 : memref<1x10x40xi32, #tpu.memory_space<vmem>> -> memref<10x40xi32, #tpu.memory_space<vmem>>
    %dma_start3A_12 = arith.constant 0 : i32
    %dma_start3A_13 = arith.constant 0 : i32
    %dma_start3A_14 = tpu.memref_slice %arg5[%dma_start3A, %add3A, %dma_start3A_6, %dma_start3A_12, %dma_start3A_13] : memref<2x32x25x10x40xi32, #tpu.memory_space<hbm>> -> memref<1x1x1x10x40xi32, #tpu.memory_space<hbm>>
    %dma_start3A_15 = tpu.memref_squeeze %dma_start3A_14 : memref<1x1x1x10x40xi32, #tpu.memory_space<hbm>> -> memref<10x40xi32, #tpu.memory_space<hbm>>
    %dma_start3A_16 = arith.constant 0 : i32
    %dma_start3A_17 = arith.constant 0 : i32
    %dma_start3A_18 = tpu.memref_slice %arg9[%dma_start3A_7, %dma_start3A_16, %dma_start3A_17] : memref<2x10x40xi32, #tpu.memory_space<vmem>> -> memref<1x10x40xi32, #tpu.memory_space<vmem>>
    %dma_start3A_19 = tpu.memref_squeeze %dma_start3A_18 : memref<1x10x40xi32, #tpu.memory_space<vmem>> -> memref<10x40xi32, #tpu.memory_space<vmem>>
    %dma_start3A_20 = arith.constant 0 : i32
    %dma_start3A_21 = arith.constant 0 : i32
    %dma_start3A_22 = tpu.memref_slice %arg5[%dma_start3A, %add3A, %dma_start3A_6, %dma_start3A_20, %dma_start3A_21] : memref<2x32x25x10x40xi32, #tpu.memory_space<hbm>> -> memref<1x1x1x10x40xi32, #tpu.memory_space<hbm>>
    %dma_start3A_23 = tpu.memref_squeeze %dma_start3A_22 : memref<1x1x1x10x40xi32, #tpu.memory_space<hbm>> -> memref<10x40xi32, #tpu.memory_space<hbm>>
    tpu.enqueue_dma source(%dma_start3A_23 : memref<10x40xi32, #tpu.memory_space<hbm>>) target(%dma_start3A_19 : memref<10x40xi32, #tpu.memory_space<vmem>>) target_semaphore(%arg30 : memref<!tpu.dma_semaphore, #tpu.memory_space<semaphore_mem>>)
    %dma_start3A_24 = arith.constant 1 : i32
    %dma_start3A_25 = arith.constant 1 : i32
    %dma_start3A_26 = arith.constant 1 : i32
    %dma_start3A_27 = arith.constant 0 : i32
    %dma_start3A_28 = arith.constant 0 : i32
    %dma_start3A_29 = tpu.memref_slice %arg10[%dma_start3A_26, %dma_start3A_27, %dma_start3A_28] : memref<2x10x40xi32, #tpu.memory_space<vmem>> -> memref<1x10x40xi32, #tpu.memory_space<vmem>>
    %dma_start3A_30 = tpu.memref_squeeze %dma_start3A_29 : memref<1x10x40xi32, #tpu.memory_space<vmem>> -> memref<10x40xi32, #tpu.memory_space<vmem>>
    %dma_start3A_31 = arith.constant 0 : i32
    %dma_start3A_32 = arith.constant 0 : i32
    %dma_start3A_33 = tpu.memref_slice %arg5[%dma_start3A_24, %add3A, %dma_start3A_25, %dma_start3A_31, %dma_start3A_32] : memref<2x32x25x10x40xi32, #tpu.memory_space<hbm>> -> memref<1x1x1x10x40xi32, #tpu.memory_space<hbm>>
    %dma_start3A_34 = tpu.memref_squeeze %dma_start3A_33 : memref<1x1x1x10x40xi32, #tpu.memory_space<hbm>> -> memref<10x40xi32, #tpu.memory_space<hbm>>
    %dma_start3A_35 = arith.constant 0 : i32
    %dma_start3A_36 = arith.constant 0 : i32
    %dma_start3A_37 = tpu.memref_slice %arg10[%dma_start3A_26, %dma_start3A_35, %dma_start3A_36] : memref<2x10x40xi32, #tpu.memory_space<vmem>> -> memref<1x10x40xi32, #tpu.memory_space<vmem>>
    %dma_start3A_38 = tpu.memref_squeeze %dma_start3A_37 : memref<1x10x40xi32, #tpu.memory_space<vmem>> -> memref<10x40xi32, #tpu.memory_space<vmem>>
    %dma_start3A_39 = arith.constant 0 : i32
    %dma_start3A_40 = arith.constant 0 : i32
    %dma_start3A_41 = tpu.memref_slice %arg5[%dma_start3A_24, %add3A, %dma_start3A_25, %dma_start3A_39, %dma_start3A_40] : memref<2x32x25x10x40xi32, #tpu.memory_space<hbm>> -> memref<1x1x1x10x40xi32, #tpu.memory_space<hbm>>
    %dma_start3A_42 = tpu.memref_squeeze %dma_start3A_41 : memref<1x1x1x10x40xi32, #tpu.memory_space<hbm>> -> memref<10x40xi32, #tpu.memory_space<hbm>>
    tpu.enqueue_dma source(%dma_start3A_42 : memref<10x40xi32, #tpu.memory_space<hbm>>) target(%dma_start3A_38 : memref<10x40xi32, #tpu.memory_space<vmem>>) target_semaphore(%arg30 : memref<!tpu.dma_semaphore, #tpu.memory_space<semaphore_mem>>)
    "tpu.region"() ({
      %run_scoped3A_213 = tpu.sem_alloc : memref<!tpu.dma_semaphore, #tpu.memory_space<semaphore_mem>>
      tpu.enqueue_dma source(%arg6 : memref<256xf32, #tpu.memory_space<hbm>>) target(%arg23 : memref<256xf32, #tpu.memory_space<vmem>>) target_semaphore(%run_scoped3A_213 : memref<!tpu.dma_semaphore, #tpu.memory_space<semaphore_mem>>)
      tpu.wait_dma2 semaphore(%run_scoped3A_213 : memref<!tpu.dma_semaphore, #tpu.memory_space<semaphore_mem>>) src(%arg6 : memref<256xf32, #tpu.memory_space<hbm>>) dst(%arg23 : memref<256xf32, #tpu.memory_space<vmem>>)
      tpu.yield
    }) : () -> ()
    %get3A = arith.constant 0 : index
    %get3A_43 = tpu.vector_load %arg23[%get3A] {strides = array<i32>} : memref<256xf32, #tpu.memory_space<vmem>>, vector<16xf32>,
    %get3A_44 = arith.constant 16 : index
    %get3A_45 = tpu.vector_load %arg23[%get3A_44] {strides = array<i32>} : memref<256xf32, #tpu.memory_space<vmem>>, vector<16xf32>,
    %get3A_46 = arith.constant 32 : index
    %get3A_47 = tpu.vector_load %arg23[%get3A_46] {strides = array<i32>} : memref<256xf32, #tpu.memory_space<vmem>>, vector<16xf32>,
    %get3A_48 = arith.constant 48 : index
    %get3A_49 = tpu.vector_load %arg23[%get3A_48] {strides = array<i32>} : memref<256xf32, #tpu.memory_space<vmem>>, vector<16xf32>,
    %get3A_50 = arith.constant 64 : index
    %get3A_51 = tpu.vector_load %arg23[%get3A_50] {strides = array<i32>} : memref<256xf32, #tpu.memory_space<vmem>>, vector<16xf32>,
    %get3A_52 = arith.constant 80 : index
    %get3A_53 = tpu.vector_load %arg23[%get3A_52] {strides = array<i32>} : memref<256xf32, #tpu.memory_space<vmem>>, vector<16xf32>,
    %get3A_54 = arith.constant 96 : index
    %get3A_55 = tpu.vector_load %arg23[%get3A_54] {strides = array<i32>} : memref<256xf32, #tpu.memory_space<vmem>>, vector<16xf32>,
    %get3A_56 = arith.constant 112 : index
    %get3A_57 = tpu.vector_load %arg23[%get3A_56] {strides = array<i32>} : memref<256xf32, #tpu.memory_space<vmem>>, vector<16xf32>,
    %get3A_58 = arith.constant 128 : index
    %get3A_59 = tpu.vector_load %arg23[%get3A_58] {strides = array<i32>} : memref<256xf32, #tpu.memory_space<vmem>>, vector<16xf32>,
    %get3A_60 = arith.constant 144 : index
    %get3A_61 = tpu.vector_load %arg23[%get3A_60] {strides = array<i32>} : memref<256xf32, #tpu.memory_space<vmem>>, vector<16xf32>,
    %get3A_62 = arith.constant 160 : index
    %get3A_63 = tpu.vector_load %arg23[%get3A_62] {strides = array<i32>} : memref<256xf32, #tpu.memory_space<vmem>>, vector<16xf32>,
    %get3A_64 = arith.constant 176 : index
    %get3A_65 = tpu.vector_load %arg23[%get3A_64] {strides = array<i32>} : memref<256xf32, #tpu.memory_space<vmem>>, vector<16xf32>,
    %get3A_66 = arith.constant 192 : index
    %get3A_67 = tpu.vector_load %arg23[%get3A_66] {strides = array<i32>} : memref<256xf32, #tpu.memory_space<vmem>>, vector<16xf32>,
    %get3A_68 = arith.constant 208 : index
    %get3A_69 = tpu.vector_load %arg23[%get3A_68] {strides = array<i32>} : memref<256xf32, #tpu.memory_space<vmem>>, vector<16xf32>,
    %get3A_70 = arith.constant 224 : index
    %get3A_71 = tpu.vector_load %arg23[%get3A_70] {strides = array<i32>} : memref<256xf32, #tpu.memory_space<vmem>>, vector<16xf32>,
    %get3A_72 = arith.constant 240 : index
    %get3A_73 = tpu.vector_load %arg23[%get3A_72] {strides = array<i32>} : memref<256xf32, #tpu.memory_space<vmem>>, vector<16xf32>,
    %iota3A = tpu.iota {dimensions = array<i32: 0>} : vector<16xi32>
    %eq3A = arith.constant 3 : i32
    %eq3A_74 = vector.broadcast %eq3A : i32 to vector<16xi32>
    %eq3A_75 = arith.cmpi eq, %iota3A, %eq3A_74 : vector<16xi32>
    %jit3A = arith.constant 1.000000e+00 : f32
    %jit3A_76 = arith.constant 0.000000e+00 : f32
    %broadcast_in_dim3A = vector.broadcast %jit3A : f32 to vector<16xf32>
    %broadcast_in_dim3A_77 = vector.broadcast %jit3A_76 : f32 to vector<16xf32>
    %select_n3A = arith.select %eq3A_75, %broadcast_in_dim3A, %broadcast_in_dim3A_77 : vector<16xi1>, vector<16xf32>
    %broadcast_in_dim3A_78 = arith.constant 0.000000e+00 : f32
    %broadcast_in_dim3A_79 = vector.broadcast %broadcast_in_dim3A_78 : f32 to vector<16xf32>
    %scan3A = arith.constant 0 : i32
    %scan3A_80 = arith.constant 0 : i32
    %scan3A_81 = arith.constant 40 : i32
    %scan3A_82 = arith.addi %scan3A_80, %scan3A_81 : i32
    %scan3A_83 = arith.constant 1 : i32
    scf.for %scan3A_213 = %scan3A_80 to %scan3A_82 step %scan3A_83  : i32 {
      %swap3A = arith.index_cast %scan3A_213 : i32 to index
      %swap3A_214 = arith.constant 0 : index
      %swap3A_215 = tpu.vector_load %arg19[%swap3A, %swap3A_214] {strides = array<i32>} : memref<40x128xf32, #tpu.memory_space<vmem>>, vector<16xf32>,
      tpu.vector_store %arg19[%swap3A, %swap3A_214], %broadcast_in_dim3A_79 {strides = array<i32>} : memref<40x128xf32, #tpu.memory_space<vmem>>, vector<16xf32>,
      %swap3A_216 = arith.index_cast %scan3A_213 : i32 to index
      %swap3A_217 = arith.constant 16 : index
      %swap3A_218 = tpu.vector_load %arg19[%swap3A_216, %swap3A_217] {strides = array<i32>} : memref<40x128xf32, #tpu.memory_space<vmem>>, vector<16xf32>,
      tpu.vector_store %arg19[%swap3A_216, %swap3A_217], %broadcast_in_dim3A_79 {strides = array<i32>} : memref<40x128xf32, #tpu.memory_space<vmem>>, vector<16xf32>,
      %swap3A_219 = arith.index_cast %scan3A_213 : i32 to index
      %swap3A_220 = arith.constant 32 : index
      %swap3A_221 = tpu.vector_load %arg19[%swap3A_219, %swap3A_220] {strides = array<i32>} : memref<40x128xf32, #tpu.memory_space<vmem>>, vector<16xf32>,
      tpu.vector_store %arg19[%swap3A_219, %swap3A_220], %broadcast_in_dim3A_79 {strides = array<i32>} : memref<40x128xf32, #tpu.memory_space<vmem>>, vector<16xf32>,
      %swap3A_222 = arith.index_cast %scan3A_213 : i32 to index
      %swap3A_223 = arith.constant 48 : index
      %swap3A_224 = tpu.vector_load %arg19[%swap3A_222, %swap3A_223] {strides = array<i32>} : memref<40x128xf32, #tpu.memory_space<vmem>>, vector<16xf32>,
      tpu.vector_store %arg19[%swap3A_222, %swap3A_223], %broadcast_in_dim3A_79 {strides = array<i32>} : memref<40x128xf32, #tpu.memory_space<vmem>>, vector<16xf32>,
      %swap3A_225 = arith.index_cast %scan3A_213 : i32 to index
      %swap3A_226 = arith.constant 64 : index
      %swap3A_227 = tpu.vector_load %arg19[%swap3A_225, %swap3A_226] {strides = array<i32>} : memref<40x128xf32, #tpu.memory_space<vmem>>, vector<16xf32>,
      tpu.vector_store %arg19[%swap3A_225, %swap3A_226], %broadcast_in_dim3A_79 {strides = array<i32>} : memref<40x128xf32, #tpu.memory_space<vmem>>, vector<16xf32>,
      %swap3A_228 = arith.index_cast %scan3A_213 : i32 to index
      %swap3A_229 = arith.constant 80 : index
      %swap3A_230 = tpu.vector_load %arg19[%swap3A_228, %swap3A_229] {strides = array<i32>} : memref<40x128xf32, #tpu.memory_space<vmem>>, vector<16xf32>,
      tpu.vector_store %arg19[%swap3A_228, %swap3A_229], %broadcast_in_dim3A_79 {strides = array<i32>} : memref<40x128xf32, #tpu.memory_space<vmem>>, vector<16xf32>,
      %swap3A_231 = arith.index_cast %scan3A_213 : i32 to index
      %swap3A_232 = arith.constant 96 : index
      %swap3A_233 = tpu.vector_load %arg19[%swap3A_231, %swap3A_232] {strides = array<i32>} : memref<40x128xf32, #tpu.memory_space<vmem>>, vector<16xf32>,
      tpu.vector_store %arg19[%swap3A_231, %swap3A_232], %broadcast_in_dim3A_79 {strides = array<i32>} : memref<40x128xf32, #tpu.memory_space<vmem>>, vector<16xf32>,
      %swap3A_234 = arith.index_cast %scan3A_213 : i32 to index
      %swap3A_235 = arith.constant 112 : index
      %swap3A_236 = tpu.vector_load %arg19[%swap3A_234, %swap3A_235] {strides = array<i32>} : memref<40x128xf32, #tpu.memory_space<vmem>>, vector<16xf32>,
      tpu.vector_store %arg19[%swap3A_234, %swap3A_235], %broadcast_in_dim3A_79 {strides = array<i32>} : memref<40x128xf32, #tpu.memory_space<vmem>>, vector<16xf32>,
      %swap3A_237 = arith.index_cast %scan3A_213 : i32 to index
      %swap3A_238 = arith.constant 0 : index
      %swap3A_239 = tpu.vector_load %arg21[%swap3A_237, %swap3A_238] {strides = array<i32>} : memref<40x16xf32, #tpu.memory_space<vmem>>, vector<16xf32>,
      tpu.vector_store %arg21[%swap3A_237, %swap3A_238], %broadcast_in_dim3A_79 {strides = array<i32>} : memref<40x16xf32, #tpu.memory_space<vmem>>, vector<16xf32>,
    }
    %scan3A_84 = arith.constant 40 : i32
    %mul3A_85 = arith.constant 640 : i32
    %mul3A_86 = arith.muli %arg1, %mul3A_85 : i32
    %add3A_87 = arith.constant 0 : i32
    %add3A_88 = arith.addi %mul3A_86, %add3A_87 : i32
    "tpu.region"() ({
      %run_scoped3A_213 = tpu.sem_alloc : memref<!tpu.dma_semaphore, #tpu.memory_space<semaphore_mem>>
      %dma_start3A_214 = arith.constant 0 : i32
      %dma_start3A_215 = tpu.memref_slice %arg24[%add3A_88, %dma_start3A_214] : memref<10240x128xf32, #tpu.memory_space<vmem_shared>> -> memref<40x128xf32, #tpu.memory_space<vmem_shared>>
      %dma_start3A_216 = arith.constant 0 : i32
      %dma_start3A_217 = tpu.memref_slice %arg24[%add3A_88, %dma_start3A_216] : memref<10240x128xf32, #tpu.memory_space<vmem_shared>> -> memref<40x128xf32, #tpu.memory_space<vmem_shared>>
      tpu.enqueue_dma source(%arg19 : memref<40x128xf32, #tpu.memory_space<vmem>>) target(%dma_start3A_217 : memref<40x128xf32, #tpu.memory_space<vmem_shared>>) target_semaphore(%run_scoped3A_213 : memref<!tpu.dma_semaphore, #tpu.memory_space<semaphore_mem>>)
      %dma_wait3A_218 = arith.constant 0 : i32
      %dma_wait3A_219 = tpu.memref_slice %arg24[%add3A_88, %dma_wait3A_218] : memref<10240x128xf32, #tpu.memory_space<vmem_shared>> -> memref<40x128xf32, #tpu.memory_space<vmem_shared>>
      %dma_wait3A_220 = arith.constant 0 : i32
      %dma_wait3A_221 = tpu.memref_slice %arg24[%add3A_88, %dma_wait3A_220] : memref<10240x128xf32, #tpu.memory_space<vmem_shared>> -> memref<40x128xf32, #tpu.memory_space<vmem_shared>>
      tpu.wait_dma2 semaphore(%run_scoped3A_213 : memref<!tpu.dma_semaphore, #tpu.memory_space<semaphore_mem>>) src(%arg19 : memref<40x128xf32, #tpu.memory_space<vmem>>) dst(%dma_wait3A_221 : memref<40x128xf32, #tpu.memory_space<vmem_shared>>)
      tpu.yield
    }) : () -> ()
    %add3A_89 = arith.constant 0 : i32
    %add3A_90 = arith.addi %mul3A_86, %add3A_89 : i32
    "tpu.region"() ({
      %run_scoped3A_213 = tpu.sem_alloc : memref<!tpu.dma_semaphore, #tpu.memory_space<semaphore_mem>>
      %dma_start3A_214 = arith.constant 0 : i32
      %dma_start3A_215 = tpu.memref_slice %arg25[%add3A_90, %dma_start3A_214] : memref<10240x16xf32, #tpu.memory_space<vmem_shared>> -> memref<40x16xf32, #tpu.memory_space<vmem_shared>>
      %dma_start3A_216 = arith.constant 0 : i32
      %dma_start3A_217 = tpu.memref_slice %arg25[%add3A_90, %dma_start3A_216] : memref<10240x16xf32, #tpu.memory_space<vmem_shared>> -> memref<40x16xf32, #tpu.memory_space<vmem_shared>>
      tpu.enqueue_dma source(%arg21 : memref<40x16xf32, #tpu.memory_space<vmem>>) target(%dma_start3A_217 : memref<40x16xf32, #tpu.memory_space<vmem_shared>>) target_semaphore(%run_scoped3A_213 : memref<!tpu.dma_semaphore, #tpu.memory_space<semaphore_mem>>)
      %dma_wait3A_218 = arith.constant 0 : i32
      %dma_wait3A_219 = tpu.memref_slice %arg25[%add3A_90, %dma_wait3A_218] : memref<10240x16xf32, #tpu.memory_space<vmem_shared>> -> memref<40x16xf32, #tpu.memory_space<vmem_shared>>
      %dma_wait3A_220 = arith.constant 0 : i32
      %dma_wait3A_221 = tpu.memref_slice %arg25[%add3A_90, %dma_wait3A_220] : memref<10240x16xf32, #tpu.memory_space<vmem_shared>> -> memref<40x16xf32, #tpu.memory_space<vmem_shared>>
      tpu.wait_dma2 semaphore(%run_scoped3A_213 : memref<!tpu.dma_semaphore, #tpu.memory_space<semaphore_mem>>) src(%arg21 : memref<40x16xf32, #tpu.memory_space<vmem>>) dst(%dma_wait3A_221 : memref<40x16xf32, #tpu.memory_space<vmem_shared>>)
      tpu.yield
    }) : () -> ()
    %add3A_91 = arith.constant 40 : i32
    %add3A_92 = arith.addi %mul3A_86, %add3A_91 : i32
    "tpu.region"() ({
      %run_scoped3A_213 = tpu.sem_alloc : memref<!tpu.dma_semaphore, #tpu.memory_space<semaphore_mem>>
      %dma_start3A_214 = arith.constant 0 : i32
      %dma_start3A_215 = tpu.memref_slice %arg24[%add3A_92, %dma_start3A_214] : memref<10240x128xf32, #tpu.memory_space<vmem_shared>> -> memref<40x128xf32, #tpu.memory_space<vmem_shared>>
      %dma_start3A_216 = arith.constant 0 : i32
      %dma_start3A_217 = tpu.memref_slice %arg24[%add3A_92, %dma_start3A_216] : memref<10240x128xf32, #tpu.memory_space<vmem_shared>> -> memref<40x128xf32, #tpu.memory_space<vmem_shared>>
      tpu.enqueue_dma source(%arg19 : memref<40x128xf32, #tpu.memory_space<vmem>>) target(%dma_start3A_217 : memref<40x128xf32, #tpu.memory_space<vmem_shared>>) target_semaphore(%run_scoped3A_213 : memref<!tpu.dma_semaphore, #tpu.memory_space<semaphore_mem>>)
      %dma_wait3A_218 = arith.constant 0 : i32
      %dma_wait3A_219 = tpu.memref_slice %arg24[%add3A_92, %dma_wait3A_218] : memref<10240x128xf32, #tpu.memory_space<vmem_shared>> -> memref<40x128xf32, #tpu.memory_space<vmem_shared>>
      %dma_wait3A_220 = arith.constant 0 : i32
      %dma_wait3A_221 = tpu.memref_slice %arg24[%add3A_92, %dma_wait3A_220] : memref<10240x128xf32, #tpu.memory_space<vmem_shared>> -> memref<40x128xf32, #tpu.memory_space<vmem_shared>>
      tpu.wait_dma2 semaphore(%run_scoped3A_213 : memref<!tpu.dma_semaphore, #tpu.memory_space<semaphore_mem>>) src(%arg19 : memref<40x128xf32, #tpu.memory_space<vmem>>) dst(%dma_wait3A_221 : memref<40x128xf32, #tpu.memory_space<vmem_shared>>)
      tpu.yield
    }) : () -> ()
    %add3A_93 = arith.constant 40 : i32
    %add3A_94 = arith.addi %mul3A_86, %add3A_93 : i32
    "tpu.region"() ({
      %run_scoped3A_213 = tpu.sem_alloc : memref<!tpu.dma_semaphore, #tpu.memory_space<semaphore_mem>>
      %dma_start3A_214 = arith.constant 0 : i32
      %dma_start3A_215 = tpu.memref_slice %arg25[%add3A_94, %dma_start3A_214] : memref<10240x16xf32, #tpu.memory_space<vmem_shared>> -> memref<40x16xf32, #tpu.memory_space<vmem_shared>>
      %dma_start3A_216 = arith.constant 0 : i32
      %dma_start3A_217 = tpu.memref_slice %arg25[%add3A_94, %dma_start3A_216] : memref<10240x16xf32, #tpu.memory_space<vmem_shared>> -> memref<40x16xf32, #tpu.memory_space<vmem_shared>>
      tpu.enqueue_dma source(%arg21 : memref<40x16xf32, #tpu.memory_space<vmem>>) target(%dma_start3A_217 : memref<40x16xf32, #tpu.memory_space<vmem_shared>>) target_semaphore(%run_scoped3A_213 : memref<!tpu.dma_semaphore, #tpu.memory_space<semaphore_mem>>)
      %dma_wait3A_218 = arith.constant 0 : i32
      %dma_wait3A_219 = tpu.memref_slice %arg25[%add3A_94, %dma_wait3A_218] : memref<10240x16xf32, #tpu.memory_space<vmem_shared>> -> memref<40x16xf32, #tpu.memory_space<vmem_shared>>
      %dma_wait3A_220 = arith.constant 0 : i32
      %dma_wait3A_221 = tpu.memref_slice %arg25[%add3A_94, %dma_wait3A_220] : memref<10240x16xf32, #tpu.memory_space<vmem_shared>> -> memref<40x16xf32, #tpu.memory_space<vmem_shared>>
      tpu.wait_dma2 semaphore(%run_scoped3A_213 : memref<!tpu.dma_semaphore, #tpu.memory_space<semaphore_mem>>) src(%arg21 : memref<40x16xf32, #tpu.memory_space<vmem>>) dst(%dma_wait3A_221 : memref<40x16xf32, #tpu.memory_space<vmem_shared>>)
      tpu.yield
    }) : () -> ()
    %add3A_95 = arith.constant 80 : i32
    %add3A_96 = arith.addi %mul3A_86, %add3A_95 : i32
    "tpu.region"() ({
      %run_scoped3A_213 = tpu.sem_alloc : memref<!tpu.dma_semaphore, #tpu.memory_space<semaphore_mem>>
      %dma_start3A_214 = arith.constant 0 : i32
      %dma_start3A_215 = tpu.memref_slice %arg24[%add3A_96, %dma_start3A_214] : memref<10240x128xf32, #tpu.memory_space<vmem_shared>> -> memref<40x128xf32, #tpu.memory_space<vmem_shared>>
      %dma_start3A_216 = arith.constant 0 : i32
      %dma_start3A_217 = tpu.memref_slice %arg24[%add3A_96, %dma_start3A_216] : memref<10240x128xf32, #tpu.memory_space<vmem_shared>> -> memref<40x128xf32, #tpu.memory_space<vmem_shared>>
      tpu.enqueue_dma source(%arg19 : memref<40x128xf32, #tpu.memory_space<vmem>>) target(%dma_start3A_217 : memref<40x128xf32, #tpu.memory_space<vmem_shared>>) target_semaphore(%run_scoped3A_213 : memref<!tpu.dma_semaphore, #tpu.memory_space<semaphore_mem>>)
      %dma_wait3A_218 = arith.constant 0 : i32
      %dma_wait3A_219 = tpu.memref_slice %arg24[%add3A_96, %dma_wait3A_218] : memref<10240x128xf32, #tpu.memory_space<vmem_shared>> -> memref<40x128xf32, #tpu.memory_space<vmem_shared>>
      %dma_wait3A_220 = arith.constant 0 : i32
      %dma_wait3A_221 = tpu.memref_slice %arg24[%add3A_96, %dma_wait3A_220] : memref<10240x128xf32, #tpu.memory_space<vmem_shared>> -> memref<40x128xf32, #tpu.memory_space<vmem_shared>>
      tpu.wait_dma2 semaphore(%run_scoped3A_213 : memref<!tpu.dma_semaphore, #tpu.memory_space<semaphore_mem>>) src(%arg19 : memref<40x128xf32, #tpu.memory_space<vmem>>) dst(%dma_wait3A_221 : memref<40x128xf32, #tpu.memory_space<vmem_shared>>)
      tpu.yield
    }) : () -> ()
    %add3A_97 = arith.constant 80 : i32
    %add3A_98 = arith.addi %mul3A_86, %add3A_97 : i32
    "tpu.region"() ({
      %run_scoped3A_213 = tpu.sem_alloc : memref<!tpu.dma_semaphore, #tpu.memory_space<semaphore_mem>>
      %dma_start3A_214 = arith.constant 0 : i32
      %dma_start3A_215 = tpu.memref_slice %arg25[%add3A_98, %dma_start3A_214] : memref<10240x16xf32, #tpu.memory_space<vmem_shared>> -> memref<40x16xf32, #tpu.memory_space<vmem_shared>>
      %dma_start3A_216 = arith.constant 0 : i32
      %dma_start3A_217 = tpu.memref_slice %arg25[%add3A_98, %dma_start3A_216] : memref<10240x16xf32, #tpu.memory_space<vmem_shared>> -> memref<40x16xf32, #tpu.memory_space<vmem_shared>>
      tpu.enqueue_dma source(%arg21 : memref<40x16xf32, #tpu.memory_space<vmem>>) target(%dma_start3A_217 : memref<40x16xf32, #tpu.memory_space<vmem_shared>>) target_semaphore(%run_scoped3A_213 : memref<!tpu.dma_semaphore, #tpu.memory_space<semaphore_mem>>)
      %dma_wait3A_218 = arith.constant 0 : i32
      %dma_wait3A_219 = tpu.memref_slice %arg25[%add3A_98, %dma_wait3A_218] : memref<10240x16xf32, #tpu.memory_space<vmem_shared>> -> memref<40x16xf32, #tpu.memory_space<vmem_shared>>
      %dma_wait3A_220 = arith.constant 0 : i32
      %dma_wait3A_221 = tpu.memref_slice %arg25[%add3A_98, %dma_wait3A_220] : memref<10240x16xf32, #tpu.memory_space<vmem_shared>> -> memref<40x16xf32, #tpu.memory_space<vmem_shared>>
      tpu.wait_dma2 semaphore(%run_scoped3A_213 : memref<!tpu.dma_semaphore, #tpu.memory_space<semaphore_mem>>) src(%arg21 : memref<40x16xf32, #tpu.memory_space<vmem>>) dst(%dma_wait3A_221 : memref<40x16xf32, #tpu.memory_space<vmem_shared>>)
      tpu.yield
    }) : () -> ()
    %add3A_99 = arith.constant 120 : i32
    %add3A_100 = arith.addi %mul3A_86, %add3A_99 : i32
    "tpu.region"() ({
      %run_scoped3A_213 = tpu.sem_alloc : memref<!tpu.dma_semaphore, #tpu.memory_space<semaphore_mem>>
      %dma_start3A_214 = arith.constant 0 : i32
      %dma_start3A_215 = tpu.memref_slice %arg24[%add3A_100, %dma_start3A_214] : memref<10240x128xf32, #tpu.memory_space<vmem_shared>> -> memref<40x128xf32, #tpu.memory_space<vmem_shared>>
      %dma_start3A_216 = arith.constant 0 : i32
      %dma_start3A_217 = tpu.memref_slice %arg24[%add3A_100, %dma_start3A_216] : memref<10240x128xf32, #tpu.memory_space<vmem_shared>> -> memref<40x128xf32, #tpu.memory_space<vmem_shared>>
      tpu.enqueue_dma source(%arg19 : memref<40x128xf32, #tpu.memory_space<vmem>>) target(%dma_start3A_217 : memref<40x128xf32, #tpu.memory_space<vmem_shared>>) target_semaphore(%run_scoped3A_213 : memref<!tpu.dma_semaphore, #tpu.memory_space<semaphore_mem>>)
      %dma_wait3A_218 = arith.constant 0 : i32
      %dma_wait3A_219 = tpu.memref_slice %arg24[%add3A_100, %dma_wait3A_218] : memref<10240x128xf32, #tpu.memory_space<vmem_shared>> -> memref<40x128xf32, #tpu.memory_space<vmem_shared>>
      %dma_wait3A_220 = arith.constant 0 : i32
      %dma_wait3A_221 = tpu.memref_slice %arg24[%add3A_100, %dma_wait3A_220] : memref<10240x128xf32, #tpu.memory_space<vmem_shared>> -> memref<40x128xf32, #tpu.memory_space<vmem_shared>>
      tpu.wait_dma2 semaphore(%run_scoped3A_213 : memref<!tpu.dma_semaphore, #tpu.memory_space<semaphore_mem>>) src(%arg19 : memref<40x128xf32, #tpu.memory_space<vmem>>) dst(%dma_wait3A_221 : memref<40x128xf32, #tpu.memory_space<vmem_shared>>)
      tpu.yield
    }) : () -> ()
    %add3A_101 = arith.constant 120 : i32
    %add3A_102 = arith.addi %mul3A_86, %add3A_101 : i32
    "tpu.region"() ({
      %run_scoped3A_213 = tpu.sem_alloc : memref<!tpu.dma_semaphore, #tpu.memory_space<semaphore_mem>>
      %dma_start3A_214 = arith.constant 0 : i32
      %dma_start3A_215 = tpu.memref_slice %arg25[%add3A_102, %dma_start3A_214] : memref<10240x16xf32, #tpu.memory_space<vmem_shared>> -> memref<40x16xf32, #tpu.memory_space<vmem_shared>>
      %dma_start3A_216 = arith.constant 0 : i32
      %dma_start3A_217 = tpu.memref_slice %arg25[%add3A_102, %dma_start3A_216] : memref<10240x16xf32, #tpu.memory_space<vmem_shared>> -> memref<40x16xf32, #tpu.memory_space<vmem_shared>>
      tpu.enqueue_dma source(%arg21 : memref<40x16xf32, #tpu.memory_space<vmem>>) target(%dma_start3A_217 : memref<40x16xf32, #tpu.memory_space<vmem_shared>>) target_semaphore(%run_scoped3A_213 : memref<!tpu.dma_semaphore, #tpu.memory_space<semaphore_mem>>)
      %dma_wait3A_218 = arith.constant 0 : i32
      %dma_wait3A_219 = tpu.memref_slice %arg25[%add3A_102, %dma_wait3A_218] : memref<10240x16xf32, #tpu.memory_space<vmem_shared>> -> memref<40x16xf32, #tpu.memory_space<vmem_shared>>
      %dma_wait3A_220 = arith.constant 0 : i32
      %dma_wait3A_221 = tpu.memref_slice %arg25[%add3A_102, %dma_wait3A_220] : memref<10240x16xf32, #tpu.memory_space<vmem_shared>> -> memref<40x16xf32, #tpu.memory_space<vmem_shared>>
      tpu.wait_dma2 semaphore(%run_scoped3A_213 : memref<!tpu.dma_semaphore, #tpu.memory_space<semaphore_mem>>) src(%arg21 : memref<40x16xf32, #tpu.memory_space<vmem>>) dst(%dma_wait3A_221 : memref<40x16xf32, #tpu.memory_space<vmem_shared>>)
      tpu.yield
    }) : () -> ()
    %add3A_103 = arith.constant 160 : i32
    %add3A_104 = arith.addi %mul3A_86, %add3A_103 : i32
    "tpu.region"() ({
      %run_scoped3A_213 = tpu.sem_alloc : memref<!tpu.dma_semaphore, #tpu.memory_space<semaphore_mem>>
      %dma_start3A_214 = arith.constant 0 : i32
      %dma_start3A_215 = tpu.memref_slice %arg24[%add3A_104, %dma_start3A_214] : memref<10240x128xf32, #tpu.memory_space<vmem_shared>> -> memref<40x128xf32, #tpu.memory_space<vmem_shared>>
      %dma_start3A_216 = arith.constant 0 : i32
      %dma_start3A_217 = tpu.memref_slice %arg24[%add3A_104, %dma_start3A_216] : memref<10240x128xf32, #tpu.memory_space<vmem_shared>> -> memref<40x128xf32, #tpu.memory_space<vmem_shared>>
      tpu.enqueue_dma source(%arg19 : memref<40x128xf32, #tpu.memory_space<vmem>>) target(%dma_start3A_217 : memref<40x128xf32, #tpu.memory_space<vmem_shared>>) target_semaphore(%run_scoped3A_213 : memref<!tpu.dma_semaphore, #tpu.memory_space<semaphore_mem>>)
      %dma_wait3A_218 = arith.constant 0 : i32
      %dma_wait3A_219 = tpu.memref_slice %arg24[%add3A_104, %dma_wait3A_218] : memref<10240x128xf32, #tpu.memory_space<vmem_shared>> -> memref<40x128xf32, #tpu.memory_space<vmem_shared>>
      %dma_wait3A_220 = arith.constant 0 : i32
      %dma_wait3A_221 = tpu.memref_slice %arg24[%add3A_104, %dma_wait3A_220] : memref<10240x128xf32, #tpu.memory_space<vmem_shared>> -> memref<40x128xf32, #tpu.memory_space<vmem_shared>>
      tpu.wait_dma2 semaphore(%run_scoped3A_213 : memref<!tpu.dma_semaphore, #tpu.memory_space<semaphore_mem>>) src(%arg19 : memref<40x128xf32, #tpu.memory_space<vmem>>) dst(%dma_wait3A_221 : memref<40x128xf32, #tpu.memory_space<vmem_shared>>)
      tpu.yield
    }) : () -> ()
    %add3A_105 = arith.constant 160 : i32
    %add3A_106 = arith.addi %mul3A_86, %add3A_105 : i32
    "tpu.region"() ({
      %run_scoped3A_213 = tpu.sem_alloc : memref<!tpu.dma_semaphore, #tpu.memory_space<semaphore_mem>>
      %dma_start3A_214 = arith.constant 0 : i32
      %dma_start3A_215 = tpu.memref_slice %arg25[%add3A_106, %dma_start3A_214] : memref<10240x16xf32, #tpu.memory_space<vmem_shared>> -> memref<40x16xf32, #tpu.memory_space<vmem_shared>>
      %dma_start3A_216 = arith.constant 0 : i32
      %dma_start3A_217 = tpu.memref_slice %arg25[%add3A_106, %dma_start3A_216] : memref<10240x16xf32, #tpu.memory_space<vmem_shared>> -> memref<40x16xf32, #tpu.memory_space<vmem_shared>>
      tpu.enqueue_dma source(%arg21 : memref<40x16xf32, #tpu.memory_space<vmem>>) target(%dma_start3A_217 : memref<40x16xf32, #tpu.memory_space<vmem_shared>>) target_semaphore(%run_scoped3A_213 : memref<!tpu.dma_semaphore, #tpu.memory_space<semaphore_mem>>)
      %dma_wait3A_218 = arith.constant 0 : i32
      %dma_wait3A_219 = tpu.memref_slice %arg25[%add3A_106, %dma_wait3A_218] : memref<10240x16xf32, #tpu.memory_space<vmem_shared>> -> memref<40x16xf32, #tpu.memory_space<vmem_shared>>
      %dma_wait3A_220 = arith.constant 0 : i32
      %dma_wait3A_221 = tpu.memref_slice %arg25[%add3A_106, %dma_wait3A_220] : memref<10240x16xf32, #tpu.memory_space<vmem_shared>> -> memref<40x16xf32, #tpu.memory_space<vmem_shared>>
      tpu.wait_dma2 semaphore(%run_scoped3A_213 : memref<!tpu.dma_semaphore, #tpu.memory_space<semaphore_mem>>) src(%arg21 : memref<40x16xf32, #tpu.memory_space<vmem>>) dst(%dma_wait3A_221 : memref<40x16xf32, #tpu.memory_space<vmem_shared>>)
      tpu.yield
    }) : () -> ()
    %add3A_107 = arith.constant 200 : i32
    %add3A_108 = arith.addi %mul3A_86, %add3A_107 : i32
    "tpu.region"() ({
      %run_scoped3A_213 = tpu.sem_alloc : memref<!tpu.dma_semaphore, #tpu.memory_space<semaphore_mem>>
      %dma_start3A_214 = arith.constant 0 : i32
      %dma_start3A_215 = tpu.memref_slice %arg24[%add3A_108, %dma_start3A_214] : memref<10240x128xf32, #tpu.memory_space<vmem_shared>> -> memref<40x128xf32, #tpu.memory_space<vmem_shared>>
      %dma_start3A_216 = arith.constant 0 : i32
      %dma_start3A_217 = tpu.memref_slice %arg24[%add3A_108, %dma_start3A_216] : memref<10240x128xf32, #tpu.memory_space<vmem_shared>> -> memref<40x128xf32, #tpu.memory_space<vmem_shared>>
      tpu.enqueue_dma source(%arg19 : memref<40x128xf32, #tpu.memory_space<vmem>>) target(%dma_start3A_217 : memref<40x128xf32, #tpu.memory_space<vmem_shared>>) target_semaphore(%run_scoped3A_213 : memref<!tpu.dma_semaphore, #tpu.memory_space<semaphore_mem>>)
      %dma_wait3A_218 = arith.constant 0 : i32
      %dma_wait3A_219 = tpu.memref_slice %arg24[%add3A_108, %dma_wait3A_218] : memref<10240x128xf32, #tpu.memory_space<vmem_shared>> -> memref<40x128xf32, #tpu.memory_space<vmem_shared>>
      %dma_wait3A_220 = arith.constant 0 : i32
      %dma_wait3A_221 = tpu.memref_slice %arg24[%add3A_108, %dma_wait3A_220] : memref<10240x128xf32, #tpu.memory_space<vmem_shared>> -> memref<40x128xf32, #tpu.memory_space<vmem_shared>>
      tpu.wait_dma2 semaphore(%run_scoped3A_213 : memref<!tpu.dma_semaphore, #tpu.memory_space<semaphore_mem>>) src(%arg19 : memref<40x128xf32, #tpu.memory_space<vmem>>) dst(%dma_wait3A_221 : memref<40x128xf32, #tpu.memory_space<vmem_shared>>)
      tpu.yield
    }) : () -> ()
    %add3A_109 = arith.constant 200 : i32
    %add3A_110 = arith.addi %mul3A_86, %add3A_109 : i32
    "tpu.region"() ({
      %run_scoped3A_213 = tpu.sem_alloc : memref<!tpu.dma_semaphore, #tpu.memory_space<semaphore_mem>>
      %dma_start3A_214 = arith.constant 0 : i32
      %dma_start3A_215 = tpu.memref_slice %arg25[%add3A_110, %dma_start3A_214] : memref<10240x16xf32, #tpu.memory_space<vmem_shared>> -> memref<40x16xf32, #tpu.memory_space<vmem_shared>>
      %dma_start3A_216 = arith.constant 0 : i32
      %dma_start3A_217 = tpu.memref_slice %arg25[%add3A_110, %dma_start3A_216] : memref<10240x16xf32, #tpu.memory_space<vmem_shared>> -> memref<40x16xf32, #tpu.memory_space<vmem_shared>>
      tpu.enqueue_dma source(%arg21 : memref<40x16xf32, #tpu.memory_space<vmem>>) target(%dma_start3A_217 : memref<40x16xf32, #tpu.memory_space<vmem_shared>>) target_semaphore(%run_scoped3A_213 : memref<!tpu.dma_semaphore, #tpu.memory_space<semaphore_mem>>)
      %dma_wait3A_218 = arith.constant 0 : i32
      %dma_wait3A_219 = tpu.memref_slice %arg25[%add3A_110, %dma_wait3A_218] : memref<10240x16xf32, #tpu.memory_space<vmem_shared>> -> memref<40x16xf32, #tpu.memory_space<vmem_shared>>
      %dma_wait3A_220 = arith.constant 0 : i32
      %dma_wait3A_221 = tpu.memref_slice %arg25[%add3A_110, %dma_wait3A_220] : memref<10240x16xf32, #tpu.memory_space<vmem_shared>> -> memref<40x16xf32, #tpu.memory_space<vmem_shared>>
      tpu.wait_dma2 semaphore(%run_scoped3A_213 : memref<!tpu.dma_semaphore, #tpu.memory_space<semaphore_mem>>) src(%arg21 : memref<40x16xf32, #tpu.memory_space<vmem>>) dst(%dma_wait3A_221 : memref<40x16xf32, #tpu.memory_space<vmem_shared>>)
      tpu.yield
    }) : () -> ()
    %add3A_111 = arith.constant 240 : i32
    %add3A_112 = arith.addi %mul3A_86, %add3A_111 : i32
    "tpu.region"() ({
      %run_scoped3A_213 = tpu.sem_alloc : memref<!tpu.dma_semaphore, #tpu.memory_space<semaphore_mem>>
      %dma_start3A_214 = arith.constant 0 : i32
      %dma_start3A_215 = tpu.memref_slice %arg24[%add3A_112, %dma_start3A_214] : memref<10240x128xf32, #tpu.memory_space<vmem_shared>> -> memref<40x128xf32, #tpu.memory_space<vmem_shared>>
      %dma_start3A_216 = arith.constant 0 : i32
      %dma_start3A_217 = tpu.memref_slice %arg24[%add3A_112, %dma_start3A_216] : memref<10240x128xf32, #tpu.memory_space<vmem_shared>> -> memref<40x128xf32, #tpu.memory_space<vmem_shared>>
      tpu.enqueue_dma source(%arg19 : memref<40x128xf32, #tpu.memory_space<vmem>>) target(%dma_start3A_217 : memref<40x128xf32, #tpu.memory_space<vmem_shared>>) target_semaphore(%run_scoped3A_213 : memref<!tpu.dma_semaphore, #tpu.memory_space<semaphore_mem>>)
      %dma_wait3A_218 = arith.constant 0 : i32
      %dma_wait3A_219 = tpu.memref_slice %arg24[%add3A_112, %dma_wait3A_218] : memref<10240x128xf32, #tpu.memory_space<vmem_shared>> -> memref<40x128xf32, #tpu.memory_space<vmem_shared>>
      %dma_wait3A_220 = arith.constant 0 : i32
      %dma_wait3A_221 = tpu.memref_slice %arg24[%add3A_112, %dma_wait3A_220] : memref<10240x128xf32, #tpu.memory_space<vmem_shared>> -> memref<40x128xf32, #tpu.memory_space<vmem_shared>>
      tpu.wait_dma2 semaphore(%run_scoped3A_213 : memref<!tpu.dma_semaphore, #tpu.memory_space<semaphore_mem>>) src(%arg19 : memref<40x128xf32, #tpu.memory_space<vmem>>) dst(%dma_wait3A_221 : memref<40x128xf32, #tpu.memory_space<vmem_shared>>)
      tpu.yield
    }) : () -> ()
    %add3A_113 = arith.constant 240 : i32
    %add3A_114 = arith.addi %mul3A_86, %add3A_113 : i32
    "tpu.region"() ({
      %run_scoped3A_213 = tpu.sem_alloc : memref<!tpu.dma_semaphore, #tpu.memory_space<semaphore_mem>>
      %dma_start3A_214 = arith.constant 0 : i32
      %dma_start3A_215 = tpu.memref_slice %arg25[%add3A_114, %dma_start3A_214] : memref<10240x16xf32, #tpu.memory_space<vmem_shared>> -> memref<40x16xf32, #tpu.memory_space<vmem_shared>>
      %dma_start3A_216 = arith.constant 0 : i32
      %dma_start3A_217 = tpu.memref_slice %arg25[%add3A_114, %dma_start3A_216] : memref<10240x16xf32, #tpu.memory_space<vmem_shared>> -> memref<40x16xf32, #tpu.memory_space<vmem_shared>>
      tpu.enqueue_dma source(%arg21 : memref<40x16xf32, #tpu.memory_space<vmem>>) target(%dma_start3A_217 : memref<40x16xf32, #tpu.memory_space<vmem_shared>>) target_semaphore(%run_scoped3A_213 : memref<!tpu.dma_semaphore, #tpu.memory_space<semaphore_mem>>)
      %dma_wait3A_218 = arith.constant 0 : i32
      %dma_wait3A_219 = tpu.memref_slice %arg25[%add3A_114, %dma_wait3A_218] : memref<10240x16xf32, #tpu.memory_space<vmem_shared>> -> memref<40x16xf32, #tpu.memory_space<vmem_shared>>
      %dma_wait3A_220 = arith.constant 0 : i32
      %dma_wait3A_221 = tpu.memref_slice %arg25[%add3A_114, %dma_wait3A_220] : memref<10240x16xf32, #tpu.memory_space<vmem_shared>> -> memref<40x16xf32, #tpu.memory_space<vmem_shared>>
      tpu.wait_dma2 semaphore(%run_scoped3A_213 : memref<!tpu.dma_semaphore, #tpu.memory_space<semaphore_mem>>) src(%arg21 : memref<40x16xf32, #tpu.memory_space<vmem>>) dst(%dma_wait3A_221 : memref<40x16xf32, #tpu.memory_space<vmem_shared>>)
      tpu.yield
    }) : () -> ()
    %add3A_115 = arith.constant 280 : i32
    %add3A_116 = arith.addi %mul3A_86, %add3A_115 : i32
    "tpu.region"() ({
      %run_scoped3A_213 = tpu.sem_alloc : memref<!tpu.dma_semaphore, #tpu.memory_space<semaphore_mem>>
      %dma_start3A_214 = arith.constant 0 : i32
      %dma_start3A_215 = tpu.memref_slice %arg24[%add3A_116, %dma_start3A_214] : memref<10240x128xf32, #tpu.memory_space<vmem_shared>> -> memref<40x128xf32, #tpu.memory_space<vmem_shared>>
      %dma_start3A_216 = arith.constant 0 : i32
      %dma_start3A_217 = tpu.memref_slice %arg24[%add3A_116, %dma_start3A_216] : memref<10240x128xf32, #tpu.memory_space<vmem_shared>> -> memref<40x128xf32, #tpu.memory_space<vmem_shared>>
      tpu.enqueue_dma source(%arg19 : memref<40x128xf32, #tpu.memory_space<vmem>>) target(%dma_start3A_217 : memref<40x128xf32, #tpu.memory_space<vmem_shared>>) target_semaphore(%run_scoped3A_213 : memref<!tpu.dma_semaphore, #tpu.memory_space<semaphore_mem>>)
      %dma_wait3A_218 = arith.constant 0 : i32
      %dma_wait3A_219 = tpu.memref_slice %arg24[%add3A_116, %dma_wait3A_218] : memref<10240x128xf32, #tpu.memory_space<vmem_shared>> -> memref<40x128xf32, #tpu.memory_space<vmem_shared>>
      %dma_wait3A_220 = arith.constant 0 : i32
      %dma_wait3A_221 = tpu.memref_slice %arg24[%add3A_116, %dma_wait3A_220] : memref<10240x128xf32, #tpu.memory_space<vmem_shared>> -> memref<40x128xf32, #tpu.memory_space<vmem_shared>>
      tpu.wait_dma2 semaphore(%run_scoped3A_213 : memref<!tpu.dma_semaphore, #tpu.memory_space<semaphore_mem>>) src(%arg19 : memref<40x128xf32, #tpu.memory_space<vmem>>) dst(%dma_wait3A_221 : memref<40x128xf32, #tpu.memory_space<vmem_shared>>)
      tpu.yield
    }) : () -> ()
    %add3A_117 = arith.constant 280 : i32
    %add3A_118 = arith.addi %mul3A_86, %add3A_117 : i32
    "tpu.region"() ({
      %run_scoped3A_213 = tpu.sem_alloc : memref<!tpu.dma_semaphore, #tpu.memory_space<semaphore_mem>>
      %dma_start3A_214 = arith.constant 0 : i32
      %dma_start3A_215 = tpu.memref_slice %arg25[%add3A_118, %dma_start3A_214] : memref<10240x16xf32, #tpu.memory_space<vmem_shared>> -> memref<40x16xf32, #tpu.memory_space<vmem_shared>>
      %dma_start3A_216 = arith.constant 0 : i32
      %dma_start3A_217 = tpu.memref_slice %arg25[%add3A_118, %dma_start3A_216] : memref<10240x16xf32, #tpu.memory_space<vmem_shared>> -> memref<40x16xf32, #tpu.memory_space<vmem_shared>>
      tpu.enqueue_dma source(%arg21 : memref<40x16xf32, #tpu.memory_space<vmem>>) target(%dma_start3A_217 : memref<40x16xf32, #tpu.memory_space<vmem_shared>>) target_semaphore(%run_scoped3A_213 : memref<!tpu.dma_semaphore, #tpu.memory_space<semaphore_mem>>)
      %dma_wait3A_218 = arith.constant 0 : i32
      %dma_wait3A_219 = tpu.memref_slice %arg25[%add3A_118, %dma_wait3A_218] : memref<10240x16xf32, #tpu.memory_space<vmem_shared>> -> memref<40x16xf32, #tpu.memory_space<vmem_shared>>
      %dma_wait3A_220 = arith.constant 0 : i32
      %dma_wait3A_221 = tpu.memref_slice %arg25[%add3A_118, %dma_wait3A_220] : memref<10240x16xf32, #tpu.memory_space<vmem_shared>> -> memref<40x16xf32, #tpu.memory_space<vmem_shared>>
      tpu.wait_dma2 semaphore(%run_scoped3A_213 : memref<!tpu.dma_semaphore, #tpu.memory_space<semaphore_mem>>) src(%arg21 : memref<40x16xf32, #tpu.memory_space<vmem>>) dst(%dma_wait3A_221 : memref<40x16xf32, #tpu.memory_space<vmem_shared>>)
      tpu.yield
    }) : () -> ()
    %add3A_119 = arith.constant 320 : i32
    %add3A_120 = arith.addi %mul3A_86, %add3A_119 : i32
    "tpu.region"() ({
      %run_scoped3A_213 = tpu.sem_alloc : memref<!tpu.dma_semaphore, #tpu.memory_space<semaphore_mem>>
      %dma_start3A_214 = arith.constant 0 : i32
      %dma_start3A_215 = tpu.memref_slice %arg24[%add3A_120, %dma_start3A_214] : memref<10240x128xf32, #tpu.memory_space<vmem_shared>> -> memref<40x128xf32, #tpu.memory_space<vmem_shared>>
      %dma_start3A_216 = arith.constant 0 : i32
      %dma_start3A_217 = tpu.memref_slice %arg24[%add3A_120, %dma_start3A_216] : memref<10240x128xf32, #tpu.memory_space<vmem_shared>> -> memref<40x128xf32, #tpu.memory_space<vmem_shared>>
      tpu.enqueue_dma source(%arg19 : memref<40x128xf32, #tpu.memory_space<vmem>>) target(%dma_start3A_217 : memref<40x128xf32, #tpu.memory_space<vmem_shared>>) target_semaphore(%run_scoped3A_213 : memref<!tpu.dma_semaphore, #tpu.memory_space<semaphore_mem>>)
      %dma_wait3A_218 = arith.constant 0 : i32
      %dma_wait3A_219 = tpu.memref_slice %arg24[%add3A_120, %dma_wait3A_218] : memref<10240x128xf32, #tpu.memory_space<vmem_shared>> -> memref<40x128xf32, #tpu.memory_space<vmem_shared>>
      %dma_wait3A_220 = arith.constant 0 : i32
      %dma_wait3A_221 = tpu.memref_slice %arg24[%add3A_120, %dma_wait3A_220] : memref<10240x128xf32, #tpu.memory_space<vmem_shared>> -> memref<40x128xf32, #tpu.memory_space<vmem_shared>>
      tpu.wait_dma2 semaphore(%run_scoped3A_213 : memref<!tpu.dma_semaphore, #tpu.memory_space<semaphore_mem>>) src(%arg19 : memref<40x128xf32, #tpu.memory_space<vmem>>) dst(%dma_wait3A_221 : memref<40x128xf32, #tpu.memory_space<vmem_shared>>)
      tpu.yield
    }) : () -> ()
    %add3A_121 = arith.constant 320 : i32
    %add3A_122 = arith.addi %mul3A_86, %add3A_121 : i32
    "tpu.region"() ({
      %run_scoped3A_213 = tpu.sem_alloc : memref<!tpu.dma_semaphore, #tpu.memory_space<semaphore_mem>>
      %dma_start3A_214 = arith.constant 0 : i32
      %dma_start3A_215 = tpu.memref_slice %arg25[%add3A_122, %dma_start3A_214] : memref<10240x16xf32, #tpu.memory_space<vmem_shared>> -> memref<40x16xf32, #tpu.memory_space<vmem_shared>>
      %dma_start3A_216 = arith.constant 0 : i32
      %dma_start3A_217 = tpu.memref_slice %arg25[%add3A_122, %dma_start3A_216] : memref<10240x16xf32, #tpu.memory_space<vmem_shared>> -> memref<40x16xf32, #tpu.memory_space<vmem_shared>>
      tpu.enqueue_dma source(%arg21 : memref<40x16xf32, #tpu.memory_space<vmem>>) target(%dma_start3A_217 : memref<40x16xf32, #tpu.memory_space<vmem_shared>>) target_semaphore(%run_scoped3A_213 : memref<!tpu.dma_semaphore, #tpu.memory_space<semaphore_mem>>)
      %dma_wait3A_218 = arith.constant 0 : i32
      %dma_wait3A_219 = tpu.memref_slice %arg25[%add3A_122, %dma_wait3A_218] : memref<10240x16xf32, #tpu.memory_space<vmem_shared>> -> memref<40x16xf32, #tpu.memory_space<vmem_shared>>
      %dma_wait3A_220 = arith.constant 0 : i32
      %dma_wait3A_221 = tpu.memref_slice %arg25[%add3A_122, %dma_wait3A_220] : memref<10240x16xf32, #tpu.memory_space<vmem_shared>> -> memref<40x16xf32, #tpu.memory_space<vmem_shared>>
      tpu.wait_dma2 semaphore(%run_scoped3A_213 : memref<!tpu.dma_semaphore, #tpu.memory_space<semaphore_mem>>) src(%arg21 : memref<40x16xf32, #tpu.memory_space<vmem>>) dst(%dma_wait3A_221 : memref<40x16xf32, #tpu.memory_space<vmem_shared>>)
      tpu.yield
    }) : () -> ()
    %add3A_123 = arith.constant 360 : i32
    %add3A_124 = arith.addi %mul3A_86, %add3A_123 : i32
    "tpu.region"() ({
      %run_scoped3A_213 = tpu.sem_alloc : memref<!tpu.dma_semaphore, #tpu.memory_space<semaphore_mem>>
      %dma_start3A_214 = arith.constant 0 : i32
      %dma_start3A_215 = tpu.memref_slice %arg24[%add3A_124, %dma_start3A_214] : memref<10240x128xf32, #tpu.memory_space<vmem_shared>> -> memref<40x128xf32, #tpu.memory_space<vmem_shared>>
      %dma_start3A_216 = arith.constant 0 : i32
      %dma_start3A_217 = tpu.memref_slice %arg24[%add3A_124, %dma_start3A_216] : memref<10240x128xf32, #tpu.memory_space<vmem_shared>> -> memref<40x128xf32, #tpu.memory_space<vmem_shared>>
      tpu.enqueue_dma source(%arg19 : memref<40x128xf32, #tpu.memory_space<vmem>>) target(%dma_start3A_217 : memref<40x128xf32, #tpu.memory_space<vmem_shared>>) target_semaphore(%run_scoped3A_213 : memref<!tpu.dma_semaphore, #tpu.memory_space<semaphore_mem>>)
      %dma_wait3A_218 = arith.constant 0 : i32
      %dma_wait3A_219 = tpu.memref_slice %arg24[%add3A_124, %dma_wait3A_218] : memref<10240x128xf32, #tpu.memory_space<vmem_shared>> -> memref<40x128xf32, #tpu.memory_space<vmem_shared>>
      %dma_wait3A_220 = arith.constant 0 : i32
      %dma_wait3A_221 = tpu.memref_slice %arg24[%add3A_124, %dma_wait3A_220] : memref<10240x128xf32, #tpu.memory_space<vmem_shared>> -> memref<40x128xf32, #tpu.memory_space<vmem_shared>>
      tpu.wait_dma2 semaphore(%run_scoped3A_213 : memref<!tpu.dma_semaphore, #tpu.memory_space<semaphore_mem>>) src(%arg19 : memref<40x128xf32, #tpu.memory_space<vmem>>) dst(%dma_wait3A_221 : memref<40x128xf32, #tpu.memory_space<vmem_shared>>)
      tpu.yield
    }) : () -> ()
    %add3A_125 = arith.constant 360 : i32
    %add3A_126 = arith.addi %mul3A_86, %add3A_125 : i32
    "tpu.region"() ({
      %run_scoped3A_213 = tpu.sem_alloc : memref<!tpu.dma_semaphore, #tpu.memory_space<semaphore_mem>>
      %dma_start3A_214 = arith.constant 0 : i32
      %dma_start3A_215 = tpu.memref_slice %arg25[%add3A_126, %dma_start3A_214] : memref<10240x16xf32, #tpu.memory_space<vmem_shared>> -> memref<40x16xf32, #tpu.memory_space<vmem_shared>>
      %dma_start3A_216 = arith.constant 0 : i32
      %dma_start3A_217 = tpu.memref_slice %arg25[%add3A_126, %dma_start3A_216] : memref<10240x16xf32, #tpu.memory_space<vmem_shared>> -> memref<40x16xf32, #tpu.memory_space<vmem_shared>>
      tpu.enqueue_dma source(%arg21 : memref<40x16xf32, #tpu.memory_space<vmem>>) target(%dma_start3A_217 : memref<40x16xf32, #tpu.memory_space<vmem_shared>>) target_semaphore(%run_scoped3A_213 : memref<!tpu.dma_semaphore, #tpu.memory_space<semaphore_mem>>)
      %dma_wait3A_218 = arith.constant 0 : i32
      %dma_wait3A_219 = tpu.memref_slice %arg25[%add3A_126, %dma_wait3A_218] : memref<10240x16xf32, #tpu.memory_space<vmem_shared>> -> memref<40x16xf32, #tpu.memory_space<vmem_shared>>
      %dma_wait3A_220 = arith.constant 0 : i32
      %dma_wait3A_221 = tpu.memref_slice %arg25[%add3A_126, %dma_wait3A_220] : memref<10240x16xf32, #tpu.memory_space<vmem_shared>> -> memref<40x16xf32, #tpu.memory_space<vmem_shared>>
      tpu.wait_dma2 semaphore(%run_scoped3A_213 : memref<!tpu.dma_semaphore, #tpu.memory_space<semaphore_mem>>) src(%arg21 : memref<40x16xf32, #tpu.memory_space<vmem>>) dst(%dma_wait3A_221 : memref<40x16xf32, #tpu.memory_space<vmem_shared>>)
      tpu.yield
    }) : () -> ()
    %add3A_127 = arith.constant 400 : i32
    %add3A_128 = arith.addi %mul3A_86, %add3A_127 : i32
    "tpu.region"() ({
      %run_scoped3A_213 = tpu.sem_alloc : memref<!tpu.dma_semaphore, #tpu.memory_space<semaphore_mem>>
      %dma_start3A_214 = arith.constant 0 : i32
      %dma_start3A_215 = tpu.memref_slice %arg24[%add3A_128, %dma_start3A_214] : memref<10240x128xf32, #tpu.memory_space<vmem_shared>> -> memref<40x128xf32, #tpu.memory_space<vmem_shared>>
      %dma_start3A_216 = arith.constant 0 : i32
      %dma_start3A_217 = tpu.memref_slice %arg24[%add3A_128, %dma_start3A_216] : memref<10240x128xf32, #tpu.memory_space<vmem_shared>> -> memref<40x128xf32, #tpu.memory_space<vmem_shared>>
      tpu.enqueue_dma source(%arg19 : memref<40x128xf32, #tpu.memory_space<vmem>>) target(%dma_start3A_217 : memref<40x128xf32, #tpu.memory_space<vmem_shared>>) target_semaphore(%run_scoped3A_213 : memref<!tpu.dma_semaphore, #tpu.memory_space<semaphore_mem>>)
      %dma_wait3A_218 = arith.constant 0 : i32
      %dma_wait3A_219 = tpu.memref_slice %arg24[%add3A_128, %dma_wait3A_218] : memref<10240x128xf32, #tpu.memory_space<vmem_shared>> -> memref<40x128xf32, #tpu.memory_space<vmem_shared>>
      %dma_wait3A_220 = arith.constant 0 : i32
      %dma_wait3A_221 = tpu.memref_slice %arg24[%add3A_128, %dma_wait3A_220] : memref<10240x128xf32, #tpu.memory_space<vmem_shared>> -> memref<40x128xf32, #tpu.memory_space<vmem_shared>>
      tpu.wait_dma2 semaphore(%run_scoped3A_213 : memref<!tpu.dma_semaphore, #tpu.memory_space<semaphore_mem>>) src(%arg19 : memref<40x128xf32, #tpu.memory_space<vmem>>) dst(%dma_wait3A_221 : memref<40x128xf32, #tpu.memory_space<vmem_shared>>)
      tpu.yield
    }) : () -> ()
    %add3A_129 = arith.constant 400 : i32
    %add3A_130 = arith.addi %mul3A_86, %add3A_129 : i32
    "tpu.region"() ({
      %run_scoped3A_213 = tpu.sem_alloc : memref<!tpu.dma_semaphore, #tpu.memory_space<semaphore_mem>>
      %dma_start3A_214 = arith.constant 0 : i32
      %dma_start3A_215 = tpu.memref_slice %arg25[%add3A_130, %dma_start3A_214] : memref<10240x16xf32, #tpu.memory_space<vmem_shared>> -> memref<40x16xf32, #tpu.memory_space<vmem_shared>>
      %dma_start3A_216 = arith.constant 0 : i32
      %dma_start3A_217 = tpu.memref_slice %arg25[%add3A_130, %dma_start3A_216] : memref<10240x16xf32, #tpu.memory_space<vmem_shared>> -> memref<40x16xf32, #tpu.memory_space<vmem_shared>>
      tpu.enqueue_dma source(%arg21 : memref<40x16xf32, #tpu.memory_space<vmem>>) target(%dma_start3A_217 : memref<40x16xf32, #tpu.memory_space<vmem_shared>>) target_semaphore(%run_scoped3A_213 : memref<!tpu.dma_semaphore, #tpu.memory_space<semaphore_mem>>)
      %dma_wait3A_218 = arith.constant 0 : i32
      %dma_wait3A_219 = tpu.memref_slice %arg25[%add3A_130, %dma_wait3A_218] : memref<10240x16xf32, #tpu.memory_space<vmem_shared>> -> memref<40x16xf32, #tpu.memory_space<vmem_shared>>
      %dma_wait3A_220 = arith.constant 0 : i32
      %dma_wait3A_221 = tpu.memref_slice %arg25[%add3A_130, %dma_wait3A_220] : memref<10240x16xf32, #tpu.memory_space<vmem_shared>> -> memref<40x16xf32, #tpu.memory_space<vmem_shared>>
      tpu.wait_dma2 semaphore(%run_scoped3A_213 : memref<!tpu.dma_semaphore, #tpu.memory_space<semaphore_mem>>) src(%arg21 : memref<40x16xf32, #tpu.memory_space<vmem>>) dst(%dma_wait3A_221 : memref<40x16xf32, #tpu.memory_space<vmem_shared>>)
      tpu.yield
    }) : () -> ()
    %add3A_131 = arith.constant 440 : i32
    %add3A_132 = arith.addi %mul3A_86, %add3A_131 : i32
    "tpu.region"() ({
      %run_scoped3A_213 = tpu.sem_alloc : memref<!tpu.dma_semaphore, #tpu.memory_space<semaphore_mem>>
      %dma_start3A_214 = arith.constant 0 : i32
      %dma_start3A_215 = tpu.memref_slice %arg24[%add3A_132, %dma_start3A_214] : memref<10240x128xf32, #tpu.memory_space<vmem_shared>> -> memref<40x128xf32, #tpu.memory_space<vmem_shared>>
      %dma_start3A_216 = arith.constant 0 : i32
      %dma_start3A_217 = tpu.memref_slice %arg24[%add3A_132, %dma_start3A_216] : memref<10240x128xf32, #tpu.memory_space<vmem_shared>> -> memref<40x128xf32, #tpu.memory_space<vmem_shared>>
      tpu.enqueue_dma source(%arg19 : memref<40x128xf32, #tpu.memory_space<vmem>>) target(%dma_start3A_217 : memref<40x128xf32, #tpu.memory_space<vmem_shared>>) target_semaphore(%run_scoped3A_213 : memref<!tpu.dma_semaphore, #tpu.memory_space<semaphore_mem>>)
      %dma_wait3A_218 = arith.constant 0 : i32
      %dma_wait3A_219 = tpu.memref_slice %arg24[%add3A_132, %dma_wait3A_218] : memref<10240x128xf32, #tpu.memory_space<vmem_shared>> -> memref<40x128xf32, #tpu.memory_space<vmem_shared>>
      %dma_wait3A_220 = arith.constant 0 : i32
      %dma_wait3A_221 = tpu.memref_slice %arg24[%add3A_132, %dma_wait3A_220] : memref<10240x128xf32, #tpu.memory_space<vmem_shared>> -> memref<40x128xf32, #tpu.memory_space<vmem_shared>>
      tpu.wait_dma2 semaphore(%run_scoped3A_213 : memref<!tpu.dma_semaphore, #tpu.memory_space<semaphore_mem>>) src(%arg19 : memref<40x128xf32, #tpu.memory_space<vmem>>) dst(%dma_wait3A_221 : memref<40x128xf32, #tpu.memory_space<vmem_shared>>)
      tpu.yield
    }) : () -> ()
    %add3A_133 = arith.constant 440 : i32
    %add3A_134 = arith.addi %mul3A_86, %add3A_133 : i32
    "tpu.region"() ({
      %run_scoped3A_213 = tpu.sem_alloc : memref<!tpu.dma_semaphore, #tpu.memory_space<semaphore_mem>>
      %dma_start3A_214 = arith.constant 0 : i32
      %dma_start3A_215 = tpu.memref_slice %arg25[%add3A_134, %dma_start3A_214] : memref<10240x16xf32, #tpu.memory_space<vmem_shared>> -> memref<40x16xf32, #tpu.memory_space<vmem_shared>>
      %dma_start3A_216 = arith.constant 0 : i32
      %dma_start3A_217 = tpu.memref_slice %arg25[%add3A_134, %dma_start3A_216] : memref<10240x16xf32, #tpu.memory_space<vmem_shared>> -> memref<40x16xf32, #tpu.memory_space<vmem_shared>>
      tpu.enqueue_dma source(%arg21 : memref<40x16xf32, #tpu.memory_space<vmem>>) target(%dma_start3A_217 : memref<40x16xf32, #tpu.memory_space<vmem_shared>>) target_semaphore(%run_scoped3A_213 : memref<!tpu.dma_semaphore, #tpu.memory_space<semaphore_mem>>)
      %dma_wait3A_218 = arith.constant 0 : i32
      %dma_wait3A_219 = tpu.memref_slice %arg25[%add3A_134, %dma_wait3A_218] : memref<10240x16xf32, #tpu.memory_space<vmem_shared>> -> memref<40x16xf32, #tpu.memory_space<vmem_shared>>
      %dma_wait3A_220 = arith.constant 0 : i32
      %dma_wait3A_221 = tpu.memref_slice %arg25[%add3A_134, %dma_wait3A_220] : memref<10240x16xf32, #tpu.memory_space<vmem_shared>> -> memref<40x16xf32, #tpu.memory_space<vmem_shared>>
      tpu.wait_dma2 semaphore(%run_scoped3A_213 : memref<!tpu.dma_semaphore, #tpu.memory_space<semaphore_mem>>) src(%arg21 : memref<40x16xf32, #tpu.memory_space<vmem>>) dst(%dma_wait3A_221 : memref<40x16xf32, #tpu.memory_space<vmem_shared>>)
      tpu.yield
    }) : () -> ()
    %add3A_135 = arith.constant 480 : i32
    %add3A_136 = arith.addi %mul3A_86, %add3A_135 : i32
    "tpu.region"() ({
      %run_scoped3A_213 = tpu.sem_alloc : memref<!tpu.dma_semaphore, #tpu.memory_space<semaphore_mem>>
      %dma_start3A_214 = arith.constant 0 : i32
      %dma_start3A_215 = tpu.memref_slice %arg24[%add3A_136, %dma_start3A_214] : memref<10240x128xf32, #tpu.memory_space<vmem_shared>> -> memref<40x128xf32, #tpu.memory_space<vmem_shared>>
      %dma_start3A_216 = arith.constant 0 : i32
      %dma_start3A_217 = tpu.memref_slice %arg24[%add3A_136, %dma_start3A_216] : memref<10240x128xf32, #tpu.memory_space<vmem_shared>> -> memref<40x128xf32, #tpu.memory_space<vmem_shared>>
      tpu.enqueue_dma source(%arg19 : memref<40x128xf32, #tpu.memory_space<vmem>>) target(%dma_start3A_217 : memref<40x128xf32, #tpu.memory_space<vmem_shared>>) target_semaphore(%run_scoped3A_213 : memref<!tpu.dma_semaphore, #tpu.memory_space<semaphore_mem>>)
      %dma_wait3A_218 = arith.constant 0 : i32
      %dma_wait3A_219 = tpu.memref_slice %arg24[%add3A_136, %dma_wait3A_218] : memref<10240x128xf32, #tpu.memory_space<vmem_shared>> -> memref<40x128xf32, #tpu.memory_space<vmem_shared>>
      %dma_wait3A_220 = arith.constant 0 : i32
      %dma_wait3A_221 = tpu.memref_slice %arg24[%add3A_136, %dma_wait3A_220] : memref<10240x128xf32, #tpu.memory_space<vmem_shared>> -> memref<40x128xf32, #tpu.memory_space<vmem_shared>>
      tpu.wait_dma2 semaphore(%run_scoped3A_213 : memref<!tpu.dma_semaphore, #tpu.memory_space<semaphore_mem>>) src(%arg19 : memref<40x128xf32, #tpu.memory_space<vmem>>) dst(%dma_wait3A_221 : memref<40x128xf32, #tpu.memory_space<vmem_shared>>)
      tpu.yield
    }) : () -> ()
    %add3A_137 = arith.constant 480 : i32
    %add3A_138 = arith.addi %mul3A_86, %add3A_137 : i32
    "tpu.region"() ({
      %run_scoped3A_213 = tpu.sem_alloc : memref<!tpu.dma_semaphore, #tpu.memory_space<semaphore_mem>>
      %dma_start3A_214 = arith.constant 0 : i32
      %dma_start3A_215 = tpu.memref_slice %arg25[%add3A_138, %dma_start3A_214] : memref<10240x16xf32, #tpu.memory_space<vmem_shared>> -> memref<40x16xf32, #tpu.memory_space<vmem_shared>>
      %dma_start3A_216 = arith.constant 0 : i32
      %dma_start3A_217 = tpu.memref_slice %arg25[%add3A_138, %dma_start3A_216] : memref<10240x16xf32, #tpu.memory_space<vmem_shared>> -> memref<40x16xf32, #tpu.memory_space<vmem_shared>>
      tpu.enqueue_dma source(%arg21 : memref<40x16xf32, #tpu.memory_space<vmem>>) target(%dma_start3A_217 : memref<40x16xf32, #tpu.memory_space<vmem_shared>>) target_semaphore(%run_scoped3A_213 : memref<!tpu.dma_semaphore, #tpu.memory_space<semaphore_mem>>)
      %dma_wait3A_218 = arith.constant 0 : i32
      %dma_wait3A_219 = tpu.memref_slice %arg25[%add3A_138, %dma_wait3A_218] : memref<10240x16xf32, #tpu.memory_space<vmem_shared>> -> memref<40x16xf32, #tpu.memory_space<vmem_shared>>
      %dma_wait3A_220 = arith.constant 0 : i32
      %dma_wait3A_221 = tpu.memref_slice %arg25[%add3A_138, %dma_wait3A_220] : memref<10240x16xf32, #tpu.memory_space<vmem_shared>> -> memref<40x16xf32, #tpu.memory_space<vmem_shared>>
      tpu.wait_dma2 semaphore(%run_scoped3A_213 : memref<!tpu.dma_semaphore, #tpu.memory_space<semaphore_mem>>) src(%arg21 : memref<40x16xf32, #tpu.memory_space<vmem>>) dst(%dma_wait3A_221 : memref<40x16xf32, #tpu.memory_space<vmem_shared>>)
      tpu.yield
    }) : () -> ()
    %add3A_139 = arith.constant 520 : i32
    %add3A_140 = arith.addi %mul3A_86, %add3A_139 : i32
    "tpu.region"() ({
      %run_scoped3A_213 = tpu.sem_alloc : memref<!tpu.dma_semaphore, #tpu.memory_space<semaphore_mem>>
      %dma_start3A_214 = arith.constant 0 : i32
      %dma_start3A_215 = tpu.memref_slice %arg24[%add3A_140, %dma_start3A_214] : memref<10240x128xf32, #tpu.memory_space<vmem_shared>> -> memref<40x128xf32, #tpu.memory_space<vmem_shared>>
      %dma_start3A_216 = arith.constant 0 : i32
      %dma_start3A_217 = tpu.memref_slice %arg24[%add3A_140, %dma_start3A_216] : memref<10240x128xf32, #tpu.memory_space<vmem_shared>> -> memref<40x128xf32, #tpu.memory_space<vmem_shared>>
      tpu.enqueue_dma source(%arg19 : memref<40x128xf32, #tpu.memory_space<vmem>>) target(%dma_start3A_217 : memref<40x128xf32, #tpu.memory_space<vmem_shared>>) target_semaphore(%run_scoped3A_213 : memref<!tpu.dma_semaphore, #tpu.memory_space<semaphore_mem>>)
      %dma_wait3A_218 = arith.constant 0 : i32
      %dma_wait3A_219 = tpu.memref_slice %arg24[%add3A_140, %dma_wait3A_218] : memref<10240x128xf32, #tpu.memory_space<vmem_shared>> -> memref<40x128xf32, #tpu.memory_space<vmem_shared>>
      %dma_wait3A_220 = arith.constant 0 : i32
      %dma_wait3A_221 = tpu.memref_slice %arg24[%add3A_140, %dma_wait3A_220] : memref<10240x128xf32, #tpu.memory_space<vmem_shared>> -> memref<40x128xf32, #tpu.memory_space<vmem_shared>>
      tpu.wait_dma2 semaphore(%run_scoped3A_213 : memref<!tpu.dma_semaphore, #tpu.memory_space<semaphore_mem>>) src(%arg19 : memref<40x128xf32, #tpu.memory_space<vmem>>) dst(%dma_wait3A_221 : memref<40x128xf32, #tpu.memory_space<vmem_shared>>)
      tpu.yield
    }) : () -> ()
    %add3A_141 = arith.constant 520 : i32
    %add3A_142 = arith.addi %mul3A_86, %add3A_141 : i32
    "tpu.region"() ({
      %run_scoped3A_213 = tpu.sem_alloc : memref<!tpu.dma_semaphore, #tpu.memory_space<semaphore_mem>>
      %dma_start3A_214 = arith.constant 0 : i32
      %dma_start3A_215 = tpu.memref_slice %arg25[%add3A_142, %dma_start3A_214] : memref<10240x16xf32, #tpu.memory_space<vmem_shared>> -> memref<40x16xf32, #tpu.memory_space<vmem_shared>>
      %dma_start3A_216 = arith.constant 0 : i32
      %dma_start3A_217 = tpu.memref_slice %arg25[%add3A_142, %dma_start3A_216] : memref<10240x16xf32, #tpu.memory_space<vmem_shared>> -> memref<40x16xf32, #tpu.memory_space<vmem_shared>>
      tpu.enqueue_dma source(%arg21 : memref<40x16xf32, #tpu.memory_space<vmem>>) target(%dma_start3A_217 : memref<40x16xf32, #tpu.memory_space<vmem_shared>>) target_semaphore(%run_scoped3A_213 : memref<!tpu.dma_semaphore, #tpu.memory_space<semaphore_mem>>)
      %dma_wait3A_218 = arith.constant 0 : i32
      %dma_wait3A_219 = tpu.memref_slice %arg25[%add3A_142, %dma_wait3A_218] : memref<10240x16xf32, #tpu.memory_space<vmem_shared>> -> memref<40x16xf32, #tpu.memory_space<vmem_shared>>
      %dma_wait3A_220 = arith.constant 0 : i32
      %dma_wait3A_221 = tpu.memref_slice %arg25[%add3A_142, %dma_wait3A_220] : memref<10240x16xf32, #tpu.memory_space<vmem_shared>> -> memref<40x16xf32, #tpu.memory_space<vmem_shared>>
      tpu.wait_dma2 semaphore(%run_scoped3A_213 : memref<!tpu.dma_semaphore, #tpu.memory_space<semaphore_mem>>) src(%arg21 : memref<40x16xf32, #tpu.memory_space<vmem>>) dst(%dma_wait3A_221 : memref<40x16xf32, #tpu.memory_space<vmem_shared>>)
      tpu.yield
    }) : () -> ()
    %add3A_143 = arith.constant 560 : i32
    %add3A_144 = arith.addi %mul3A_86, %add3A_143 : i32
    "tpu.region"() ({
      %run_scoped3A_213 = tpu.sem_alloc : memref<!tpu.dma_semaphore, #tpu.memory_space<semaphore_mem>>
      %dma_start3A_214 = arith.constant 0 : i32
      %dma_start3A_215 = tpu.memref_slice %arg24[%add3A_144, %dma_start3A_214] : memref<10240x128xf32, #tpu.memory_space<vmem_shared>> -> memref<40x128xf32, #tpu.memory_space<vmem_shared>>
      %dma_start3A_216 = arith.constant 0 : i32
      %dma_start3A_217 = tpu.memref_slice %arg24[%add3A_144, %dma_start3A_216] : memref<10240x128xf32, #tpu.memory_space<vmem_shared>> -> memref<40x128xf32, #tpu.memory_space<vmem_shared>>
      tpu.enqueue_dma source(%arg19 : memref<40x128xf32, #tpu.memory_space<vmem>>) target(%dma_start3A_217 : memref<40x128xf32, #tpu.memory_space<vmem_shared>>) target_semaphore(%run_scoped3A_213 : memref<!tpu.dma_semaphore, #tpu.memory_space<semaphore_mem>>)
      %dma_wait3A_218 = arith.constant 0 : i32
      %dma_wait3A_219 = tpu.memref_slice %arg24[%add3A_144, %dma_wait3A_218] : memref<10240x128xf32, #tpu.memory_space<vmem_shared>> -> memref<40x128xf32, #tpu.memory_space<vmem_shared>>
      %dma_wait3A_220 = arith.constant 0 : i32
      %dma_wait3A_221 = tpu.memref_slice %arg24[%add3A_144, %dma_wait3A_220] : memref<10240x128xf32, #tpu.memory_space<vmem_shared>> -> memref<40x128xf32, #tpu.memory_space<vmem_shared>>
      tpu.wait_dma2 semaphore(%run_scoped3A_213 : memref<!tpu.dma_semaphore, #tpu.memory_space<semaphore_mem>>) src(%arg19 : memref<40x128xf32, #tpu.memory_space<vmem>>) dst(%dma_wait3A_221 : memref<40x128xf32, #tpu.memory_space<vmem_shared>>)
      tpu.yield
    }) : () -> ()
    %add3A_145 = arith.constant 560 : i32
    %add3A_146 = arith.addi %mul3A_86, %add3A_145 : i32
    "tpu.region"() ({
      %run_scoped3A_213 = tpu.sem_alloc : memref<!tpu.dma_semaphore, #tpu.memory_space<semaphore_mem>>
      %dma_start3A_214 = arith.constant 0 : i32
      %dma_start3A_215 = tpu.memref_slice %arg25[%add3A_146, %dma_start3A_214] : memref<10240x16xf32, #tpu.memory_space<vmem_shared>> -> memref<40x16xf32, #tpu.memory_space<vmem_shared>>
      %dma_start3A_216 = arith.constant 0 : i32
      %dma_start3A_217 = tpu.memref_slice %arg25[%add3A_146, %dma_start3A_216] : memref<10240x16xf32, #tpu.memory_space<vmem_shared>> -> memref<40x16xf32, #tpu.memory_space<vmem_shared>>
      tpu.enqueue_dma source(%arg21 : memref<40x16xf32, #tpu.memory_space<vmem>>) target(%dma_start3A_217 : memref<40x16xf32, #tpu.memory_space<vmem_shared>>) target_semaphore(%run_scoped3A_213 : memref<!tpu.dma_semaphore, #tpu.memory_space<semaphore_mem>>)
      %dma_wait3A_218 = arith.constant 0 : i32
      %dma_wait3A_219 = tpu.memref_slice %arg25[%add3A_146, %dma_wait3A_218] : memref<10240x16xf32, #tpu.memory_space<vmem_shared>> -> memref<40x16xf32, #tpu.memory_space<vmem_shared>>
      %dma_wait3A_220 = arith.constant 0 : i32
      %dma_wait3A_221 = tpu.memref_slice %arg25[%add3A_146, %dma_wait3A_220] : memref<10240x16xf32, #tpu.memory_space<vmem_shared>> -> memref<40x16xf32, #tpu.memory_space<vmem_shared>>
      tpu.wait_dma2 semaphore(%run_scoped3A_213 : memref<!tpu.dma_semaphore, #tpu.memory_space<semaphore_mem>>) src(%arg21 : memref<40x16xf32, #tpu.memory_space<vmem>>) dst(%dma_wait3A_221 : memref<40x16xf32, #tpu.memory_space<vmem_shared>>)
      tpu.yield
    }) : () -> ()
    %add3A_147 = arith.constant 600 : i32
    %add3A_148 = arith.addi %mul3A_86, %add3A_147 : i32
    "tpu.region"() ({
      %run_scoped3A_213 = tpu.sem_alloc : memref<!tpu.dma_semaphore, #tpu.memory_space<semaphore_mem>>
      %dma_start3A_214 = arith.constant 0 : i32
      %dma_start3A_215 = tpu.memref_slice %arg24[%add3A_148, %dma_start3A_214] : memref<10240x128xf32, #tpu.memory_space<vmem_shared>> -> memref<40x128xf32, #tpu.memory_space<vmem_shared>>
      %dma_start3A_216 = arith.constant 0 : i32
      %dma_start3A_217 = tpu.memref_slice %arg24[%add3A_148, %dma_start3A_216] : memref<10240x128xf32, #tpu.memory_space<vmem_shared>> -> memref<40x128xf32, #tpu.memory_space<vmem_shared>>
      tpu.enqueue_dma source(%arg19 : memref<40x128xf32, #tpu.memory_space<vmem>>) target(%dma_start3A_217 : memref<40x128xf32, #tpu.memory_space<vmem_shared>>) target_semaphore(%run_scoped3A_213 : memref<!tpu.dma_semaphore, #tpu.memory_space<semaphore_mem>>)
      %dma_wait3A_218 = arith.constant 0 : i32
      %dma_wait3A_219 = tpu.memref_slice %arg24[%add3A_148, %dma_wait3A_218] : memref<10240x128xf32, #tpu.memory_space<vmem_shared>> -> memref<40x128xf32, #tpu.memory_space<vmem_shared>>
      %dma_wait3A_220 = arith.constant 0 : i32
      %dma_wait3A_221 = tpu.memref_slice %arg24[%add3A_148, %dma_wait3A_220] : memref<10240x128xf32, #tpu.memory_space<vmem_shared>> -> memref<40x128xf32, #tpu.memory_space<vmem_shared>>
      tpu.wait_dma2 semaphore(%run_scoped3A_213 : memref<!tpu.dma_semaphore, #tpu.memory_space<semaphore_mem>>) src(%arg19 : memref<40x128xf32, #tpu.memory_space<vmem>>) dst(%dma_wait3A_221 : memref<40x128xf32, #tpu.memory_space<vmem_shared>>)
      tpu.yield
    }) : () -> ()
    %add3A_149 = arith.constant 600 : i32
    %add3A_150 = arith.addi %mul3A_86, %add3A_149 : i32
    "tpu.region"() ({
      %run_scoped3A_213 = tpu.sem_alloc : memref<!tpu.dma_semaphore, #tpu.memory_space<semaphore_mem>>
      %dma_start3A_214 = arith.constant 0 : i32
      %dma_start3A_215 = tpu.memref_slice %arg25[%add3A_150, %dma_start3A_214] : memref<10240x16xf32, #tpu.memory_space<vmem_shared>> -> memref<40x16xf32, #tpu.memory_space<vmem_shared>>
      %dma_start3A_216 = arith.constant 0 : i32
      %dma_start3A_217 = tpu.memref_slice %arg25[%add3A_150, %dma_start3A_216] : memref<10240x16xf32, #tpu.memory_space<vmem_shared>> -> memref<40x16xf32, #tpu.memory_space<vmem_shared>>
      tpu.enqueue_dma source(%arg21 : memref<40x16xf32, #tpu.memory_space<vmem>>) target(%dma_start3A_217 : memref<40x16xf32, #tpu.memory_space<vmem_shared>>) target_semaphore(%run_scoped3A_213 : memref<!tpu.dma_semaphore, #tpu.memory_space<semaphore_mem>>)
      %dma_wait3A_218 = arith.constant 0 : i32
      %dma_wait3A_219 = tpu.memref_slice %arg25[%add3A_150, %dma_wait3A_218] : memref<10240x16xf32, #tpu.memory_space<vmem_shared>> -> memref<40x16xf32, #tpu.memory_space<vmem_shared>>
      %dma_wait3A_220 = arith.constant 0 : i32
      %dma_wait3A_221 = tpu.memref_slice %arg25[%add3A_150, %dma_wait3A_220] : memref<10240x16xf32, #tpu.memory_space<vmem_shared>> -> memref<40x16xf32, #tpu.memory_space<vmem_shared>>
      tpu.wait_dma2 semaphore(%run_scoped3A_213 : memref<!tpu.dma_semaphore, #tpu.memory_space<semaphore_mem>>) src(%arg21 : memref<40x16xf32, #tpu.memory_space<vmem>>) dst(%dma_wait3A_221 : memref<40x16xf32, #tpu.memory_space<vmem_shared>>)
      tpu.yield
    }) : () -> ()
    %barrier3A = arith.constant 0 : index
    tpu.barrier barrier_id(%barrier3A)
    %dma_start3A_151 = arith.constant 0 : i32
    %dma_start3A_152 = arith.constant 0 : i32
    %dma_start3A_153 = arith.constant 0 : i32
    %dma_start3A_154 = tpu.memref_slice %arg9[%dma_start3A_151, %dma_start3A_152, %dma_start3A_153] : memref<2x10x40xi32, #tpu.memory_space<vmem>> -> memref<1x1x40xi32, #tpu.memory_space<vmem>>
    %dma_start3A_155 = tpu.memref_squeeze %dma_start3A_154 : memref<1x1x40xi32, #tpu.memory_space<vmem>> -> memref<40xi32, #tpu.memory_space<vmem>>
    %dma_start3A_156 = arith.constant 0 : i32
    %dma_start3A_157 = arith.constant 0 : i32
    %dma_start3A_158 = tpu.memref_slice %arg2[%dma_start3A_156, %dma_start3A_157] : memref<10000x128xbf16, #tpu.memory_space<hbm>> -> memref<10000x128xbf16, #tpu.memory_space<hbm>>
    tpu.enqueue_indirect_dma source(%dma_start3A_158 : memref<10000x128xbf16, #tpu.memory_space<hbm>>) target(%arg11 : memref<40x128xbf16, #tpu.memory_space<vmem>>) offsets(%dma_start3A_155 : memref<40xi32, #tpu.memory_space<vmem>>) semaphore(%arg26 : memref<!tpu.dma_semaphore, #tpu.memory_space<semaphore_mem>>)
    %dma_start3A_159 = arith.constant 0 : i32
    %dma_start3A_160 = arith.constant 0 : i32
    %dma_start3A_161 = arith.constant 0 : i32
    %dma_start3A_162 = tpu.memref_slice %arg10[%dma_start3A_159, %dma_start3A_160, %dma_start3A_161] : memref<2x10x40xi32, #tpu.memory_space<vmem>> -> memref<1x1x40xi32, #tpu.memory_space<vmem>>
    %dma_start3A_163 = tpu.memref_squeeze %dma_start3A_162 : memref<1x1x40xi32, #tpu.memory_space<vmem>> -> memref<40xi32, #tpu.memory_space<vmem>>
    %dma_start3A_164 = arith.constant 0 : i32
    %dma_start3A_165 = arith.constant 0 : i32
    %dma_start3A_166 = tpu.memref_slice %arg3[%dma_start3A_164, %dma_start3A_165] : memref<10000x128xbf16, #tpu.memory_space<hbm>> -> memref<10000x128xbf16, #tpu.memory_space<hbm>>
    tpu.enqueue_indirect_dma source(%dma_start3A_166 : memref<10000x128xbf16, #tpu.memory_space<hbm>>) target(%arg13 : memref<40x128xbf16, #tpu.memory_space<vmem>>) offsets(%dma_start3A_163 : memref<40xi32, #tpu.memory_space<vmem>>) semaphore(%arg26 : memref<!tpu.dma_semaphore, #tpu.memory_space<semaphore_mem>>)
    %dma_start3A_167 = arith.constant 0 : i32
    %dma_start3A_168 = arith.constant 0 : i32
    %dma_start3A_169 = arith.constant 0 : i32
    %dma_start3A_170 = tpu.memref_slice %arg9[%dma_start3A_167, %dma_start3A_168, %dma_start3A_169] : memref<2x10x40xi32, #tpu.memory_space<vmem>> -> memref<1x1x40xi32, #tpu.memory_space<vmem>>
    %dma_start3A_171 = tpu.memref_squeeze %dma_start3A_170 : memref<1x1x40xi32, #tpu.memory_space<vmem>> -> memref<40xi32, #tpu.memory_space<vmem>>
    %dma_start3A_172 = arith.constant 0 : i32
    %dma_start3A_173 = arith.constant 0 : i32
    %dma_start3A_174 = tpu.memref_slice %arg4[%dma_start3A_172, %dma_start3A_173] : memref<10000x16xf32, #tpu.memory_space<hbm>> -> memref<10000x16xf32, #tpu.memory_space<hbm>>
    tpu.enqueue_indirect_dma source(%dma_start3A_174 : memref<10000x16xf32, #tpu.memory_space<hbm>>) target(%arg15 : memref<40x16xf32, #tpu.memory_space<vmem>>) offsets(%dma_start3A_171 : memref<40xi32, #tpu.memory_space<vmem>>) semaphore(%arg26 : memref<!tpu.dma_semaphore, #tpu.memory_space<semaphore_mem>>)
    %dma_start3A_175 = arith.constant 0 : i32
    %dma_start3A_176 = arith.constant 0 : i32
    %dma_start3A_177 = arith.constant 0 : i32
    %dma_start3A_178 = tpu.memref_slice %arg10[%dma_start3A_175, %dma_start3A_176, %dma_start3A_177] : memref<2x10x40xi32, #tpu.memory_space<vmem>> -> memref<1x1x40xi32, #tpu.memory_space<vmem>>
    %dma_start3A_179 = tpu.memref_squeeze %dma_start3A_178 : memref<1x1x40xi32, #tpu.memory_space<vmem>> -> memref<40xi32, #tpu.memory_space<vmem>>
    %dma_start3A_180 = arith.constant 0 : i32
    %dma_start3A_181 = arith.constant 0 : i32
    %dma_start3A_182 = tpu.memref_slice %arg4[%dma_start3A_180, %dma_start3A_181] : memref<10000x16xf32, #tpu.memory_space<hbm>> -> memref<10000x16xf32, #tpu.memory_space<hbm>>
    tpu.enqueue_indirect_dma source(%dma_start3A_182 : memref<10000x16xf32, #tpu.memory_space<hbm>>) target(%arg17 : memref<40x16xf32, #tpu.memory_space<vmem>>) offsets(%dma_start3A_179 : memref<40xi32, #tpu.memory_space<vmem>>) semaphore(%arg26 : memref<!tpu.dma_semaphore, #tpu.memory_space<semaphore_mem>>)
    %scan3A_183 = arith.constant 0 : i32
    %scan3A_184 = arith.constant 0 : i32
    %scan3A_185 = arith.constant 125 : i32
    %scan3A_186 = arith.addi %scan3A_184, %scan3A_185 : i32
    %scan3A_187 = arith.constant 1 : i32
    scf.for %scan3A_213 = %scan3A_184 to %scan3A_186 step %scan3A_187  : i32 {
      %mul3A_214 = arith.constant 2 : i32
      %mul3A_215 = arith.muli %mul3A_214, %scan3A_213 : i32
      %add3A_216 = arith.constant 0 : i32
      %add3A_217 = arith.addi %mul3A_215, %add3A_216 : i32
      %jit3A_218 = arith.constant 10 : i32
      %eq3A_219 = arith.constant 0 : i32
      %eq3A_220 = arith.cmpi eq, %jit3A_218, %eq3A_219 : i32
      %jit3A_221 = arith.constant 1 : i32
      %select_n3A_222 = arith.select %eq3A_220, %jit3A_221, %jit3A_218 : i32
      %rem3A = arith.remsi %add3A_217, %select_n3A_222 : i32
      %ne3A = arith.constant 0 : i32
      %ne3A_223 = arith.cmpi ne, %rem3A, %ne3A : i32
      %lt3A = arith.constant 0 : i32
      %lt3A_224 = arith.cmpi slt, %rem3A, %lt3A : i32
      %lt3A_225 = arith.constant 0 : i32
      %lt3A_226 = arith.cmpi slt, %select_n3A_222, %lt3A_225 : i32
      %ne3A_227 = arith.xori %lt3A_224, %lt3A_226 : i1
      %and3A = arith.andi %ne3A_227, %ne3A_223 : i1
      %add3A_228 = arith.addi %rem3A, %select_n3A_222 : i32
      %select_n3A_229 = arith.select %and3A, %add3A_228, %rem3A : i32
      %eq3A_230 = arith.constant 8 : i32
      %eq3A_231 = arith.cmpi eq, %select_n3A_229, %eq3A_230 : i32
      %lt3A_232 = arith.constant 240 : i32
      %lt3A_233 = arith.cmpi slt, %add3A_217, %lt3A_232 : i32
      %and3A_234 = arith.andi %eq3A_231, %lt3A_233 : i1
      %convert_element_type3A = arith.extui %and3A_234 : i1 to i32
      %cond3A = arith.constant 0 : i32
      %cond3A_235 = arith.cmpi ne, %convert_element_type3A, %cond3A : i32
      scf.if %cond3A_235 {
        %dma_wait3A_639 = arith.constant 0 : i32
        %dma_wait3A_640 = arith.constant 0 : i32
        %dma_wait3A_641 = arith.constant 0 : i32
        %dma_wait3A_642 = arith.constant 0 : i32
        %dma_wait3A_643 = arith.constant 0 : i32
        %dma_wait3A_644 = tpu.memref_slice %arg9[%dma_wait3A_641, %dma_wait3A_642, %dma_wait3A_643] : memref<2x10x40xi32, #tpu.memory_space<vmem>> -> memref<1x10x40xi32, #tpu.memory_space<vmem>>
        %dma_wait3A_645 = tpu.memref_squeeze %dma_wait3A_644 : memref<1x10x40xi32, #tpu.memory_space<vmem>> -> memref<10x40xi32, #tpu.memory_space<vmem>>
        %dma_wait3A_646 = arith.constant 0 : i32
        %dma_wait3A_647 = arith.constant 0 : i32
        %dma_wait3A_648 = tpu.memref_slice %arg5[%dma_wait3A_639, %add3A, %dma_wait3A_640, %dma_wait3A_646, %dma_wait3A_647] : memref<2x32x25x10x40xi32, #tpu.memory_space<hbm>> -> memref<1x1x1x10x40xi32, #tpu.memory_space<hbm>>
        %dma_wait3A_649 = tpu.memref_squeeze %dma_wait3A_648 : memref<1x1x1x10x40xi32, #tpu.memory_space<hbm>> -> memref<10x40xi32, #tpu.memory_space<hbm>>
        %dma_wait3A_650 = arith.constant 0 : i32
        %dma_wait3A_651 = arith.constant 0 : i32
        %dma_wait3A_652 = tpu.memref_slice %arg9[%dma_wait3A_641, %dma_wait3A_650, %dma_wait3A_651] : memref<2x10x40xi32, #tpu.memory_space<vmem>> -> memref<1x10x40xi32, #tpu.memory_space<vmem>>
        %dma_wait3A_653 = tpu.memref_squeeze %dma_wait3A_652 : memref<1x10x40xi32, #tpu.memory_space<vmem>> -> memref<10x40xi32, #tpu.memory_space<vmem>>
        %dma_wait3A_654 = arith.constant 0 : i32
        %dma_wait3A_655 = arith.constant 0 : i32
        %dma_wait3A_656 = tpu.memref_slice %arg5[%dma_wait3A_639, %add3A, %dma_wait3A_640, %dma_wait3A_654, %dma_wait3A_655] : memref<2x32x25x10x40xi32, #tpu.memory_space<hbm>> -> memref<1x1x1x10x40xi32, #tpu.memory_space<hbm>>
        %dma_wait3A_657 = tpu.memref_squeeze %dma_wait3A_656 : memref<1x1x1x10x40xi32, #tpu.memory_space<hbm>> -> memref<10x40xi32, #tpu.memory_space<hbm>>
        tpu.wait_dma2 semaphore(%arg30 : memref<!tpu.dma_semaphore, #tpu.memory_space<semaphore_mem>>) src(%dma_wait3A_657 : memref<10x40xi32, #tpu.memory_space<hbm>>) dst(%dma_wait3A_653 : memref<10x40xi32, #tpu.memory_space<vmem>>)
        %dma_wait3A_658 = arith.constant 1 : i32
        %dma_wait3A_659 = arith.constant 0 : i32
        %dma_wait3A_660 = arith.constant 0 : i32
        %dma_wait3A_661 = arith.constant 0 : i32
        %dma_wait3A_662 = arith.constant 0 : i32
        %dma_wait3A_663 = tpu.memref_slice %arg10[%dma_wait3A_660, %dma_wait3A_661, %dma_wait3A_662] : memref<2x10x40xi32, #tpu.memory_space<vmem>> -> memref<1x10x40xi32, #tpu.memory_space<vmem>>
        %dma_wait3A_664 = tpu.memref_squeeze %dma_wait3A_663 : memref<1x10x40xi32, #tpu.memory_space<vmem>> -> memref<10x40xi32, #tpu.memory_space<vmem>>
        %dma_wait3A_665 = arith.constant 0 : i32
        %dma_wait3A_666 = arith.constant 0 : i32
        %dma_wait3A_667 = tpu.memref_slice %arg5[%dma_wait3A_658, %add3A, %dma_wait3A_659, %dma_wait3A_665, %dma_wait3A_666] : memref<2x32x25x10x40xi32, #tpu.memory_space<hbm>> -> memref<1x1x1x10x40xi32, #tpu.memory_space<hbm>>
        %dma_wait3A_668 = tpu.memref_squeeze %dma_wait3A_667 : memref<1x1x1x10x40xi32, #tpu.memory_space<hbm>> -> memref<10x40xi32, #tpu.memory_space<hbm>>
        %dma_wait3A_669 = arith.constant 0 : i32
        %dma_wait3A_670 = arith.constant 0 : i32
        %dma_wait3A_671 = tpu.memref_slice %arg10[%dma_wait3A_660, %dma_wait3A_669, %dma_wait3A_670] : memref<2x10x40xi32, #tpu.memory_space<vmem>> -> memref<1x10x40xi32, #tpu.memory_space<vmem>>
        %dma_wait3A_672 = tpu.memref_squeeze %dma_wait3A_671 : memref<1x10x40xi32, #tpu.memory_space<vmem>> -> memref<10x40xi32, #tpu.memory_space<vmem>>
        %dma_wait3A_673 = arith.constant 0 : i32
        %dma_wait3A_674 = arith.constant 0 : i32
        %dma_wait3A_675 = tpu.memref_slice %arg5[%dma_wait3A_658, %add3A, %dma_wait3A_659, %dma_wait3A_673, %dma_wait3A_674] : memref<2x32x25x10x40xi32, #tpu.memory_space<hbm>> -> memref<1x1x1x10x40xi32, #tpu.memory_space<hbm>>
        %dma_wait3A_676 = tpu.memref_squeeze %dma_wait3A_675 : memref<1x1x1x10x40xi32, #tpu.memory_space<hbm>> -> memref<10x40xi32, #tpu.memory_space<hbm>>
        tpu.wait_dma2 semaphore(%arg30 : memref<!tpu.dma_semaphore, #tpu.memory_space<semaphore_mem>>) src(%dma_wait3A_676 : memref<10x40xi32, #tpu.memory_space<hbm>>) dst(%dma_wait3A_672 : memref<10x40xi32, #tpu.memory_space<vmem>>)
      } else {
      }
      %add3A_236 = arith.constant 1 : i32
      %add3A_237 = arith.addi %add3A_217, %add3A_236 : i32
      %lt3A_238 = arith.constant 250 : i32
      %lt3A_239 = arith.cmpi slt, %add3A_237, %lt3A_238 : i32
      %convert_element_type3A_240 = arith.extui %lt3A_239 : i1 to i32
      %cond3A_241 = arith.constant 0 : i32
      %cond3A_242 = arith.cmpi ne, %convert_element_type3A_240, %cond3A_241 : i32
      scf.if %cond3A_242 {
        %add3A_639 = arith.constant 1 : i32
        %add3A_640 = arith.addi %add3A_217, %add3A_639 : i32
        %jit3A_641 = arith.constant 10 : i32
        %div3A_642 = arith.divsi %add3A_640, %jit3A_641 : i32
        %sign3A_643 = arith.constant 0 : i32
        %sign3A_644 = arith.cmpi sgt, %add3A_640, %sign3A_643 : i32
        %sign3A_645 = arith.extui %sign3A_644 : i1 to i32
        %sign3A_646 = arith.constant 0 : i32
        %sign3A_647 = arith.cmpi slt, %add3A_640, %sign3A_646 : i32
        %sign3A_648 = arith.extui %sign3A_647 : i1 to i32
        %sign3A_649 = arith.subi %sign3A_645, %sign3A_648 : i32
        %sign3A_650 = arith.constant 0 : i32
        %sign3A_651 = arith.cmpi sgt, %jit3A_641, %sign3A_650 : i32
        %sign3A_652 = arith.extui %sign3A_651 : i1 to i32
        %sign3A_653 = arith.constant 0 : i32
        %sign3A_654 = arith.cmpi slt, %jit3A_641, %sign3A_653 : i32
        %sign3A_655 = arith.extui %sign3A_654 : i1 to i32
        %sign3A_656 = arith.subi %sign3A_652, %sign3A_655 : i32
        %ne3A_657 = arith.cmpi ne, %sign3A_649, %sign3A_656 : i32
        %rem3A_658 = arith.remsi %add3A_640, %jit3A_641 : i32
        %ne3A_659 = arith.constant 0 : i32
        %ne3A_660 = arith.cmpi ne, %rem3A_658, %ne3A_659 : i32
        %and3A_661 = arith.andi %ne3A_657, %ne3A_660 : i1
        %sub3A_662 = arith.constant 1 : i32
        %sub3A_663 = arith.subi %div3A_642, %sub3A_662 : i32
        %select_n3A_664 = arith.select %and3A_661, %sub3A_663, %div3A_642 : i32
        %jit3A_665 = arith.constant 2 : i32
        %eq3A_666 = arith.constant 0 : i32
        %eq3A_667 = arith.cmpi eq, %jit3A_665, %eq3A_666 : i32
        %jit3A_668 = arith.constant 1 : i32
        %select_n3A_669 = arith.select %eq3A_667, %jit3A_668, %jit3A_665 : i32
        %rem3A_670 = arith.remsi %select_n3A_664, %select_n3A_669 : i32
        %ne3A_671 = arith.constant 0 : i32
        %ne3A_672 = arith.cmpi ne, %rem3A_670, %ne3A_671 : i32
        %lt3A_673 = arith.constant 0 : i32
        %lt3A_674 = arith.cmpi slt, %rem3A_670, %lt3A_673 : i32
        %lt3A_675 = arith.constant 0 : i32
        %lt3A_676 = arith.cmpi slt, %select_n3A_669, %lt3A_675 : i32
        %ne3A_677 = arith.xori %lt3A_674, %lt3A_676 : i1
        %and3A_678 = arith.andi %ne3A_677, %ne3A_672 : i1
        %add3A_679 = arith.addi %rem3A_670, %select_n3A_669 : i32
        %select_n3A_680 = arith.select %and3A_678, %add3A_679, %rem3A_670 : i32
        %jit3A_681 = arith.constant 10 : i32
        %eq3A_682 = arith.constant 0 : i32
        %eq3A_683 = arith.cmpi eq, %jit3A_681, %eq3A_682 : i32
        %jit3A_684 = arith.constant 1 : i32
        %select_n3A_685 = arith.select %eq3A_683, %jit3A_684, %jit3A_681 : i32
        %rem3A_686 = arith.remsi %add3A_640, %select_n3A_685 : i32
        %ne3A_687 = arith.constant 0 : i32
        %ne3A_688 = arith.cmpi ne, %rem3A_686, %ne3A_687 : i32
        %lt3A_689 = arith.constant 0 : i32
        %lt3A_690 = arith.cmpi slt, %rem3A_686, %lt3A_689 : i32
        %lt3A_691 = arith.constant 0 : i32
        %lt3A_692 = arith.cmpi slt, %select_n3A_685, %lt3A_691 : i32
        %ne3A_693 = arith.xori %lt3A_690, %lt3A_692 : i1
        %and3A_694 = arith.andi %ne3A_693, %ne3A_688 : i1
        %add3A_695 = arith.addi %rem3A_686, %select_n3A_685 : i32
        %select_n3A_696 = arith.select %and3A_694, %add3A_695, %rem3A_686 : i32
        %dma_start3A_697 = arith.constant 0 : i32
        %dma_start3A_698 = tpu.memref_slice %arg9[%select_n3A_680, %select_n3A_696, %dma_start3A_697] : memref<2x10x40xi32, #tpu.memory_space<vmem>> -> memref<1x1x40xi32, #tpu.memory_space<vmem>>
        %dma_start3A_699 = tpu.memref_squeeze %dma_start3A_698 : memref<1x1x40xi32, #tpu.memory_space<vmem>> -> memref<40xi32, #tpu.memory_space<vmem>>
        %dma_start3A_700 = arith.constant 0 : i32
        %dma_start3A_701 = arith.constant 0 : i32
        %dma_start3A_702 = tpu.memref_slice %arg2[%dma_start3A_700, %dma_start3A_701] : memref<10000x128xbf16, #tpu.memory_space<hbm>> -> memref<10000x128xbf16, #tpu.memory_space<hbm>>
        tpu.enqueue_indirect_dma source(%dma_start3A_702 : memref<10000x128xbf16, #tpu.memory_space<hbm>>) target(%arg12 : memref<40x128xbf16, #tpu.memory_space<vmem>>) offsets(%dma_start3A_699 : memref<40xi32, #tpu.memory_space<vmem>>) semaphore(%arg27 : memref<!tpu.dma_semaphore, #tpu.memory_space<semaphore_mem>>)
        %jit3A_703 = arith.constant 10 : i32
        %div3A_704 = arith.divsi %add3A_640, %jit3A_703 : i32
        %sign3A_705 = arith.constant 0 : i32
        %sign3A_706 = arith.cmpi sgt, %add3A_640, %sign3A_705 : i32
        %sign3A_707 = arith.extui %sign3A_706 : i1 to i32
        %sign3A_708 = arith.constant 0 : i32
        %sign3A_709 = arith.cmpi slt, %add3A_640, %sign3A_708 : i32
        %sign3A_710 = arith.extui %sign3A_709 : i1 to i32
        %sign3A_711 = arith.subi %sign3A_707, %sign3A_710 : i32
        %sign3A_712 = arith.constant 0 : i32
        %sign3A_713 = arith.cmpi sgt, %jit3A_703, %sign3A_712 : i32
        %sign3A_714 = arith.extui %sign3A_713 : i1 to i32
        %sign3A_715 = arith.constant 0 : i32
        %sign3A_716 = arith.cmpi slt, %jit3A_703, %sign3A_715 : i32
        %sign3A_717 = arith.extui %sign3A_716 : i1 to i32
        %sign3A_718 = arith.subi %sign3A_714, %sign3A_717 : i32
        %ne3A_719 = arith.cmpi ne, %sign3A_711, %sign3A_718 : i32
        %rem3A_720 = arith.remsi %add3A_640, %jit3A_703 : i32
        %ne3A_721 = arith.constant 0 : i32
        %ne3A_722 = arith.cmpi ne, %rem3A_720, %ne3A_721 : i32
        %and3A_723 = arith.andi %ne3A_719, %ne3A_722 : i1
        %sub3A_724 = arith.constant 1 : i32
        %sub3A_725 = arith.subi %div3A_704, %sub3A_724 : i32
        %select_n3A_726 = arith.select %and3A_723, %sub3A_725, %div3A_704 : i32
        %jit3A_727 = arith.constant 2 : i32
        %eq3A_728 = arith.constant 0 : i32
        %eq3A_729 = arith.cmpi eq, %jit3A_727, %eq3A_728 : i32
        %jit3A_730 = arith.constant 1 : i32
        %select_n3A_731 = arith.select %eq3A_729, %jit3A_730, %jit3A_727 : i32
        %rem3A_732 = arith.remsi %select_n3A_726, %select_n3A_731 : i32
        %ne3A_733 = arith.constant 0 : i32
        %ne3A_734 = arith.cmpi ne, %rem3A_732, %ne3A_733 : i32
        %lt3A_735 = arith.constant 0 : i32
        %lt3A_736 = arith.cmpi slt, %rem3A_732, %lt3A_735 : i32
        %lt3A_737 = arith.constant 0 : i32
        %lt3A_738 = arith.cmpi slt, %select_n3A_731, %lt3A_737 : i32
        %ne3A_739 = arith.xori %lt3A_736, %lt3A_738 : i1
        %and3A_740 = arith.andi %ne3A_739, %ne3A_734 : i1
        %add3A_741 = arith.addi %rem3A_732, %select_n3A_731 : i32
        %select_n3A_742 = arith.select %and3A_740, %add3A_741, %rem3A_732 : i32
        %jit3A_743 = arith.constant 10 : i32
        %eq3A_744 = arith.constant 0 : i32
        %eq3A_745 = arith.cmpi eq, %jit3A_743, %eq3A_744 : i32
        %jit3A_746 = arith.constant 1 : i32
        %select_n3A_747 = arith.select %eq3A_745, %jit3A_746, %jit3A_743 : i32
        %rem3A_748 = arith.remsi %add3A_640, %select_n3A_747 : i32
        %ne3A_749 = arith.constant 0 : i32
        %ne3A_750 = arith.cmpi ne, %rem3A_748, %ne3A_749 : i32
        %lt3A_751 = arith.constant 0 : i32
        %lt3A_752 = arith.cmpi slt, %rem3A_748, %lt3A_751 : i32
        %lt3A_753 = arith.constant 0 : i32
        %lt3A_754 = arith.cmpi slt, %select_n3A_747, %lt3A_753 : i32
        %ne3A_755 = arith.xori %lt3A_752, %lt3A_754 : i1
        %and3A_756 = arith.andi %ne3A_755, %ne3A_750 : i1
        %add3A_757 = arith.addi %rem3A_748, %select_n3A_747 : i32
        %select_n3A_758 = arith.select %and3A_756, %add3A_757, %rem3A_748 : i32
        %dma_start3A_759 = arith.constant 0 : i32
        %dma_start3A_760 = tpu.memref_slice %arg10[%select_n3A_742, %select_n3A_758, %dma_start3A_759] : memref<2x10x40xi32, #tpu.memory_space<vmem>> -> memref<1x1x40xi32, #tpu.memory_space<vmem>>
        %dma_start3A_761 = tpu.memref_squeeze %dma_start3A_760 : memref<1x1x40xi32, #tpu.memory_space<vmem>> -> memref<40xi32, #tpu.memory_space<vmem>>
        %dma_start3A_762 = arith.constant 0 : i32
        %dma_start3A_763 = arith.constant 0 : i32
        %dma_start3A_764 = tpu.memref_slice %arg3[%dma_start3A_762, %dma_start3A_763] : memref<10000x128xbf16, #tpu.memory_space<hbm>> -> memref<10000x128xbf16, #tpu.memory_space<hbm>>
        tpu.enqueue_indirect_dma source(%dma_start3A_764 : memref<10000x128xbf16, #tpu.memory_space<hbm>>) target(%arg14 : memref<40x128xbf16, #tpu.memory_space<vmem>>) offsets(%dma_start3A_761 : memref<40xi32, #tpu.memory_space<vmem>>) semaphore(%arg27 : memref<!tpu.dma_semaphore, #tpu.memory_space<semaphore_mem>>)
        %jit3A_765 = arith.constant 10 : i32
        %div3A_766 = arith.divsi %add3A_640, %jit3A_765 : i32
        %sign3A_767 = arith.constant 0 : i32
        %sign3A_768 = arith.cmpi sgt, %add3A_640, %sign3A_767 : i32
        %sign3A_769 = arith.extui %sign3A_768 : i1 to i32
        %sign3A_770 = arith.constant 0 : i32
        %sign3A_771 = arith.cmpi slt, %add3A_640, %sign3A_770 : i32
        %sign3A_772 = arith.extui %sign3A_771 : i1 to i32
        %sign3A_773 = arith.subi %sign3A_769, %sign3A_772 : i32
        %sign3A_774 = arith.constant 0 : i32
        %sign3A_775 = arith.cmpi sgt, %jit3A_765, %sign3A_774 : i32
        %sign3A_776 = arith.extui %sign3A_775 : i1 to i32
        %sign3A_777 = arith.constant 0 : i32
        %sign3A_778 = arith.cmpi slt, %jit3A_765, %sign3A_777 : i32
        %sign3A_779 = arith.extui %sign3A_778 : i1 to i32
        %sign3A_780 = arith.subi %sign3A_776, %sign3A_779 : i32
        %ne3A_781 = arith.cmpi ne, %sign3A_773, %sign3A_780 : i32
        %rem3A_782 = arith.remsi %add3A_640, %jit3A_765 : i32
        %ne3A_783 = arith.constant 0 : i32
        %ne3A_784 = arith.cmpi ne, %rem3A_782, %ne3A_783 : i32
        %and3A_785 = arith.andi %ne3A_781, %ne3A_784 : i1
        %sub3A_786 = arith.constant 1 : i32
        %sub3A_787 = arith.subi %div3A_766, %sub3A_786 : i32
        %select_n3A_788 = arith.select %and3A_785, %sub3A_787, %div3A_766 : i32
        %jit3A_789 = arith.constant 2 : i32
        %eq3A_790 = arith.constant 0 : i32
        %eq3A_791 = arith.cmpi eq, %jit3A_789, %eq3A_790 : i32
        %jit3A_792 = arith.constant 1 : i32
        %select_n3A_793 = arith.select %eq3A_791, %jit3A_792, %jit3A_789 : i32
        %rem3A_794 = arith.remsi %select_n3A_788, %select_n3A_793 : i32
        %ne3A_795 = arith.constant 0 : i32
        %ne3A_796 = arith.cmpi ne, %rem3A_794, %ne3A_795 : i32
        %lt3A_797 = arith.constant 0 : i32
        %lt3A_798 = arith.cmpi slt, %rem3A_794, %lt3A_797 : i32
        %lt3A_799 = arith.constant 0 : i32
        %lt3A_800 = arith.cmpi slt, %select_n3A_793, %lt3A_799 : i32
        %ne3A_801 = arith.xori %lt3A_798, %lt3A_800 : i1
        %and3A_802 = arith.andi %ne3A_801, %ne3A_796 : i1
        %add3A_803 = arith.addi %rem3A_794, %select_n3A_793 : i32
        %select_n3A_804 = arith.select %and3A_802, %add3A_803, %rem3A_794 : i32
        %jit3A_805 = arith.constant 10 : i32
        %eq3A_806 = arith.constant 0 : i32
        %eq3A_807 = arith.cmpi eq, %jit3A_805, %eq3A_806 : i32
        %jit3A_808 = arith.constant 1 : i32
        %select_n3A_809 = arith.select %eq3A_807, %jit3A_808, %jit3A_805 : i32
        %rem3A_810 = arith.remsi %add3A_640, %select_n3A_809 : i32
        %ne3A_811 = arith.constant 0 : i32
        %ne3A_812 = arith.cmpi ne, %rem3A_810, %ne3A_811 : i32
        %lt3A_813 = arith.constant 0 : i32
        %lt3A_814 = arith.cmpi slt, %rem3A_810, %lt3A_813 : i32
        %lt3A_815 = arith.constant 0 : i32
        %lt3A_816 = arith.cmpi slt, %select_n3A_809, %lt3A_815 : i32
        %ne3A_817 = arith.xori %lt3A_814, %lt3A_816 : i1
        %and3A_818 = arith.andi %ne3A_817, %ne3A_812 : i1
        %add3A_819 = arith.addi %rem3A_810, %select_n3A_809 : i32
        %select_n3A_820 = arith.select %and3A_818, %add3A_819, %rem3A_810 : i32
        %dma_start3A_821 = arith.constant 0 : i32
        %dma_start3A_822 = tpu.memref_slice %arg9[%select_n3A_804, %select_n3A_820, %dma_start3A_821] : memref<2x10x40xi32, #tpu.memory_space<vmem>> -> memref<1x1x40xi32, #tpu.memory_space<vmem>>
        %dma_start3A_823 = tpu.memref_squeeze %dma_start3A_822 : memref<1x1x40xi32, #tpu.memory_space<vmem>> -> memref<40xi32, #tpu.memory_space<vmem>>
        %dma_start3A_824 = arith.constant 0 : i32
        %dma_start3A_825 = arith.constant 0 : i32
        %dma_start3A_826 = tpu.memref_slice %arg4[%dma_start3A_824, %dma_start3A_825] : memref<10000x16xf32, #tpu.memory_space<hbm>> -> memref<10000x16xf32, #tpu.memory_space<hbm>>
        tpu.enqueue_indirect_dma source(%dma_start3A_826 : memref<10000x16xf32, #tpu.memory_space<hbm>>) target(%arg16 : memref<40x16xf32, #tpu.memory_space<vmem>>) offsets(%dma_start3A_823 : memref<40xi32, #tpu.memory_space<vmem>>) semaphore(%arg27 : memref<!tpu.dma_semaphore, #tpu.memory_space<semaphore_mem>>)
        %jit3A_827 = arith.constant 10 : i32
        %div3A_828 = arith.divsi %add3A_640, %jit3A_827 : i32
        %sign3A_829 = arith.constant 0 : i32
        %sign3A_830 = arith.cmpi sgt, %add3A_640, %sign3A_829 : i32
        %sign3A_831 = arith.extui %sign3A_830 : i1 to i32
        %sign3A_832 = arith.constant 0 : i32
        %sign3A_833 = arith.cmpi slt, %add3A_640, %sign3A_832 : i32
        %sign3A_834 = arith.extui %sign3A_833 : i1 to i32
        %sign3A_835 = arith.subi %sign3A_831, %sign3A_834 : i32
        %sign3A_836 = arith.constant 0 : i32
        %sign3A_837 = arith.cmpi sgt, %jit3A_827, %sign3A_836 : i32
        %sign3A_838 = arith.extui %sign3A_837 : i1 to i32
        %sign3A_839 = arith.constant 0 : i32
        %sign3A_840 = arith.cmpi slt, %jit3A_827, %sign3A_839 : i32
        %sign3A_841 = arith.extui %sign3A_840 : i1 to i32
        %sign3A_842 = arith.subi %sign3A_838, %sign3A_841 : i32
        %ne3A_843 = arith.cmpi ne, %sign3A_835, %sign3A_842 : i32
        %rem3A_844 = arith.remsi %add3A_640, %jit3A_827 : i32
        %ne3A_845 = arith.constant 0 : i32
        %ne3A_846 = arith.cmpi ne, %rem3A_844, %ne3A_845 : i32
        %and3A_847 = arith.andi %ne3A_843, %ne3A_846 : i1
        %sub3A_848 = arith.constant 1 : i32
        %sub3A_849 = arith.subi %div3A_828, %sub3A_848 : i32
        %select_n3A_850 = arith.select %and3A_847, %sub3A_849, %div3A_828 : i32
        %jit3A_851 = arith.constant 2 : i32
        %eq3A_852 = arith.constant 0 : i32
        %eq3A_853 = arith.cmpi eq, %jit3A_851, %eq3A_852 : i32
        %jit3A_854 = arith.constant 1 : i32
        %select_n3A_855 = arith.select %eq3A_853, %jit3A_854, %jit3A_851 : i32
        %rem3A_856 = arith.remsi %select_n3A_850, %select_n3A_855 : i32
        %ne3A_857 = arith.constant 0 : i32
        %ne3A_858 = arith.cmpi ne, %rem3A_856, %ne3A_857 : i32
        %lt3A_859 = arith.constant 0 : i32
        %lt3A_860 = arith.cmpi slt, %rem3A_856, %lt3A_859 : i32
        %lt3A_861 = arith.constant 0 : i32
        %lt3A_862 = arith.cmpi slt, %select_n3A_855, %lt3A_861 : i32
        %ne3A_863 = arith.xori %lt3A_860, %lt3A_862 : i1
        %and3A_864 = arith.andi %ne3A_863, %ne3A_858 : i1
        %add3A_865 = arith.addi %rem3A_856, %select_n3A_855 : i32
        %select_n3A_866 = arith.select %and3A_864, %add3A_865, %rem3A_856 : i32
        %jit3A_867 = arith.constant 10 : i32
        %eq3A_868 = arith.constant 0 : i32
        %eq3A_869 = arith.cmpi eq, %jit3A_867, %eq3A_868 : i32
        %jit3A_870 = arith.constant 1 : i32
        %select_n3A_871 = arith.select %eq3A_869, %jit3A_870, %jit3A_867 : i32
        %rem3A_872 = arith.remsi %add3A_640, %select_n3A_871 : i32
        %ne3A_873 = arith.constant 0 : i32
        %ne3A_874 = arith.cmpi ne, %rem3A_872, %ne3A_873 : i32
        %lt3A_875 = arith.constant 0 : i32
        %lt3A_876 = arith.cmpi slt, %rem3A_872, %lt3A_875 : i32
        %lt3A_877 = arith.constant 0 : i32
        %lt3A_878 = arith.cmpi slt, %select_n3A_871, %lt3A_877 : i32
        %ne3A_879 = arith.xori %lt3A_876, %lt3A_878 : i1
        %and3A_880 = arith.andi %ne3A_879, %ne3A_874 : i1
        %add3A_881 = arith.addi %rem3A_872, %select_n3A_871 : i32
        %select_n3A_882 = arith.select %and3A_880, %add3A_881, %rem3A_872 : i32
        %dma_start3A_883 = arith.constant 0 : i32
        %dma_start3A_884 = tpu.memref_slice %arg10[%select_n3A_866, %select_n3A_882, %dma_start3A_883] : memref<2x10x40xi32, #tpu.memory_space<vmem>> -> memref<1x1x40xi32, #tpu.memory_space<vmem>>
        %dma_start3A_885 = tpu.memref_squeeze %dma_start3A_884 : memref<1x1x40xi32, #tpu.memory_space<vmem>> -> memref<40xi32, #tpu.memory_space<vmem>>
        %dma_start3A_886 = arith.constant 0 : i32
        %dma_start3A_887 = arith.constant 0 : i32
        %dma_start3A_888 = tpu.memref_slice %arg4[%dma_start3A_886, %dma_start3A_887] : memref<10000x16xf32, #tpu.memory_space<hbm>> -> memref<10000x16xf32, #tpu.memory_space<hbm>>
        tpu.enqueue_indirect_dma source(%dma_start3A_888 : memref<10000x16xf32, #tpu.memory_space<hbm>>) target(%arg18 : memref<40x16xf32, #tpu.memory_space<vmem>>) offsets(%dma_start3A_885 : memref<40xi32, #tpu.memory_space<vmem>>) semaphore(%arg27 : memref<!tpu.dma_semaphore, #tpu.memory_space<semaphore_mem>>)
      } else {
      }
      %jit3A_243 = arith.constant 10 : i32
      %eq3A_244 = arith.constant 0 : i32
      %eq3A_245 = arith.cmpi eq, %jit3A_243, %eq3A_244 : i32
      %jit3A_246 = arith.constant 1 : i32
      %select_n3A_247 = arith.select %eq3A_245, %jit3A_246, %jit3A_243 : i32
      %rem3A_248 = arith.remsi %add3A_217, %select_n3A_247 : i32
      %ne3A_249 = arith.constant 0 : i32
      %ne3A_250 = arith.cmpi ne, %rem3A_248, %ne3A_249 : i32
      %lt3A_251 = arith.constant 0 : i32
      %lt3A_252 = arith.cmpi slt, %rem3A_248, %lt3A_251 : i32
      %lt3A_253 = arith.constant 0 : i32
      %lt3A_254 = arith.cmpi slt, %select_n3A_247, %lt3A_253 : i32
      %ne3A_255 = arith.xori %lt3A_252, %lt3A_254 : i1
      %and3A_256 = arith.andi %ne3A_255, %ne3A_250 : i1
      %add3A_257 = arith.addi %rem3A_248, %select_n3A_247 : i32
      %select_n3A_258 = arith.select %and3A_256, %add3A_257, %rem3A_248 : i32
      %eq3A_259 = arith.constant 2 : i32
      %eq3A_260 = arith.cmpi eq, %select_n3A_258, %eq3A_259 : i32
      %ge3A = arith.constant 12 : i32
      %ge3A_261 = arith.cmpi sge, %add3A_217, %ge3A : i32
      %lt3A_262 = arith.constant 242 : i32
      %lt3A_263 = arith.cmpi slt, %add3A_217, %lt3A_262 : i32
      %and3A_264 = arith.andi %ge3A_261, %lt3A_263 : i1
      %and3A_265 = arith.andi %eq3A_260, %and3A_264 : i1
      %convert_element_type3A_266 = arith.extui %and3A_265 : i1 to i32
      %cond3A_267 = arith.constant 0 : i32
      %cond3A_268 = arith.cmpi ne, %convert_element_type3A_266, %cond3A_267 : i32
      scf.if %cond3A_268 {
        %jit3A_639 = arith.constant 10 : i32
        %div3A_640 = arith.divsi %add3A_217, %jit3A_639 : i32
        %sign3A_641 = arith.constant 0 : i32
        %sign3A_642 = arith.cmpi sgt, %add3A_217, %sign3A_641 : i32
        %sign3A_643 = arith.extui %sign3A_642 : i1 to i32
        %sign3A_644 = arith.constant 0 : i32
        %sign3A_645 = arith.cmpi slt, %add3A_217, %sign3A_644 : i32
        %sign3A_646 = arith.extui %sign3A_645 : i1 to i32
        %sign3A_647 = arith.subi %sign3A_643, %sign3A_646 : i32
        %sign3A_648 = arith.constant 0 : i32
        %sign3A_649 = arith.cmpi sgt, %jit3A_639, %sign3A_648 : i32
        %sign3A_650 = arith.extui %sign3A_649 : i1 to i32
        %sign3A_651 = arith.constant 0 : i32
        %sign3A_652 = arith.cmpi slt, %jit3A_639, %sign3A_651 : i32
        %sign3A_653 = arith.extui %sign3A_652 : i1 to i32
        %sign3A_654 = arith.subi %sign3A_650, %sign3A_653 : i32
        %ne3A_655 = arith.cmpi ne, %sign3A_647, %sign3A_654 : i32
        %rem3A_656 = arith.remsi %add3A_217, %jit3A_639 : i32
        %ne3A_657 = arith.constant 0 : i32
        %ne3A_658 = arith.cmpi ne, %rem3A_656, %ne3A_657 : i32
        %and3A_659 = arith.andi %ne3A_655, %ne3A_658 : i1
        %sub3A_660 = arith.constant 1 : i32
        %sub3A_661 = arith.subi %div3A_640, %sub3A_660 : i32
        %select_n3A_662 = arith.select %and3A_659, %sub3A_661, %div3A_640 : i32
        %add3A_663 = arith.constant 1 : i32
        %add3A_664 = arith.addi %select_n3A_662, %add3A_663 : i32
        %jit3A_665 = arith.constant 2 : i32
        %eq3A_666 = arith.constant 0 : i32
        %eq3A_667 = arith.cmpi eq, %jit3A_665, %eq3A_666 : i32
        %jit3A_668 = arith.constant 1 : i32
        %select_n3A_669 = arith.select %eq3A_667, %jit3A_668, %jit3A_665 : i32
        %rem3A_670 = arith.remsi %add3A_664, %select_n3A_669 : i32
        %ne3A_671 = arith.constant 0 : i32
        %ne3A_672 = arith.cmpi ne, %rem3A_670, %ne3A_671 : i32
        %lt3A_673 = arith.constant 0 : i32
        %lt3A_674 = arith.cmpi slt, %rem3A_670, %lt3A_673 : i32
        %lt3A_675 = arith.constant 0 : i32
        %lt3A_676 = arith.cmpi slt, %select_n3A_669, %lt3A_675 : i32
        %ne3A_677 = arith.xori %lt3A_674, %lt3A_676 : i1
        %and3A_678 = arith.andi %ne3A_677, %ne3A_672 : i1
        %add3A_679 = arith.addi %rem3A_670, %select_n3A_669 : i32
        %select_n3A_680 = arith.select %and3A_678, %add3A_679, %rem3A_670 : i32
        %dma_start3A_681 = arith.constant 0 : i32
        %dma_start3A_682 = arith.constant 0 : i32
        %dma_start3A_683 = arith.constant 0 : i32
        %dma_start3A_684 = tpu.memref_slice %arg9[%select_n3A_680, %dma_start3A_682, %dma_start3A_683] : memref<2x10x40xi32, #tpu.memory_space<vmem>> -> memref<1x10x40xi32, #tpu.memory_space<vmem>>
        %dma_start3A_685 = tpu.memref_squeeze %dma_start3A_684 : memref<1x10x40xi32, #tpu.memory_space<vmem>> -> memref<10x40xi32, #tpu.memory_space<vmem>>
        %dma_start3A_686 = arith.constant 0 : i32
        %dma_start3A_687 = arith.constant 0 : i32
        %dma_start3A_688 = tpu.memref_slice %arg5[%dma_start3A_681, %add3A, %add3A_664, %dma_start3A_686, %dma_start3A_687] : memref<2x32x25x10x40xi32, #tpu.memory_space<hbm>> -> memref<1x1x1x10x40xi32, #tpu.memory_space<hbm>>
        %dma_start3A_689 = tpu.memref_squeeze %dma_start3A_688 : memref<1x1x1x10x40xi32, #tpu.memory_space<hbm>> -> memref<10x40xi32, #tpu.memory_space<hbm>>
        %dma_start3A_690 = arith.constant 0 : i32
        %dma_start3A_691 = arith.constant 0 : i32
        %dma_start3A_692 = tpu.memref_slice %arg9[%select_n3A_680, %dma_start3A_690, %dma_start3A_691] : memref<2x10x40xi32, #tpu.memory_space<vmem>> -> memref<1x10x40xi32, #tpu.memory_space<vmem>>
        %dma_start3A_693 = tpu.memref_squeeze %dma_start3A_692 : memref<1x10x40xi32, #tpu.memory_space<vmem>> -> memref<10x40xi32, #tpu.memory_space<vmem>>
        %dma_start3A_694 = arith.constant 0 : i32
        %dma_start3A_695 = arith.constant 0 : i32
        %dma_start3A_696 = tpu.memref_slice %arg5[%dma_start3A_681, %add3A, %add3A_664, %dma_start3A_694, %dma_start3A_695] : memref<2x32x25x10x40xi32, #tpu.memory_space<hbm>> -> memref<1x1x1x10x40xi32, #tpu.memory_space<hbm>>
        %dma_start3A_697 = tpu.memref_squeeze %dma_start3A_696 : memref<1x1x1x10x40xi32, #tpu.memory_space<hbm>> -> memref<10x40xi32, #tpu.memory_space<hbm>>
        tpu.enqueue_dma source(%dma_start3A_697 : memref<10x40xi32, #tpu.memory_space<hbm>>) target(%dma_start3A_693 : memref<10x40xi32, #tpu.memory_space<vmem>>) target_semaphore(%arg30 : memref<!tpu.dma_semaphore, #tpu.memory_space<semaphore_mem>>)
        %jit3A_698 = arith.constant 2 : i32
        %eq3A_699 = arith.constant 0 : i32
        %eq3A_700 = arith.cmpi eq, %jit3A_698, %eq3A_699 : i32
        %jit3A_701 = arith.constant 1 : i32
        %select_n3A_702 = arith.select %eq3A_700, %jit3A_701, %jit3A_698 : i32
        %rem3A_703 = arith.remsi %add3A_664, %select_n3A_702 : i32
        %ne3A_704 = arith.constant 0 : i32
        %ne3A_705 = arith.cmpi ne, %rem3A_703, %ne3A_704 : i32
        %lt3A_706 = arith.constant 0 : i32
        %lt3A_707 = arith.cmpi slt, %rem3A_703, %lt3A_706 : i32
        %lt3A_708 = arith.constant 0 : i32
        %lt3A_709 = arith.cmpi slt, %select_n3A_702, %lt3A_708 : i32
        %ne3A_710 = arith.xori %lt3A_707, %lt3A_709 : i1
        %and3A_711 = arith.andi %ne3A_710, %ne3A_705 : i1
        %add3A_712 = arith.addi %rem3A_703, %select_n3A_702 : i32
        %select_n3A_713 = arith.select %and3A_711, %add3A_712, %rem3A_703 : i32
        %dma_start3A_714 = arith.constant 1 : i32
        %dma_start3A_715 = arith.constant 0 : i32
        %dma_start3A_716 = arith.constant 0 : i32
        %dma_start3A_717 = tpu.memref_slice %arg10[%select_n3A_713, %dma_start3A_715, %dma_start3A_716] : memref<2x10x40xi32, #tpu.memory_space<vmem>> -> memref<1x10x40xi32, #tpu.memory_space<vmem>>
        %dma_start3A_718 = tpu.memref_squeeze %dma_start3A_717 : memref<1x10x40xi32, #tpu.memory_space<vmem>> -> memref<10x40xi32, #tpu.memory_space<vmem>>
        %dma_start3A_719 = arith.constant 0 : i32
        %dma_start3A_720 = arith.constant 0 : i32
        %dma_start3A_721 = tpu.memref_slice %arg5[%dma_start3A_714, %add3A, %add3A_664, %dma_start3A_719, %dma_start3A_720] : memref<2x32x25x10x40xi32, #tpu.memory_space<hbm>> -> memref<1x1x1x10x40xi32, #tpu.memory_space<hbm>>
        %dma_start3A_722 = tpu.memref_squeeze %dma_start3A_721 : memref<1x1x1x10x40xi32, #tpu.memory_space<hbm>> -> memref<10x40xi32, #tpu.memory_space<hbm>>
        %dma_start3A_723 = arith.constant 0 : i32
        %dma_start3A_724 = arith.constant 0 : i32
        %dma_start3A_725 = tpu.memref_slice %arg10[%select_n3A_713, %dma_start3A_723, %dma_start3A_724] : memref<2x10x40xi32, #tpu.memory_space<vmem>> -> memref<1x10x40xi32, #tpu.memory_space<vmem>>
        %dma_start3A_726 = tpu.memref_squeeze %dma_start3A_725 : memref<1x10x40xi32, #tpu.memory_space<vmem>> -> memref<10x40xi32, #tpu.memory_space<vmem>>
        %dma_start3A_727 = arith.constant 0 : i32
        %dma_start3A_728 = arith.constant 0 : i32
        %dma_start3A_729 = tpu.memref_slice %arg5[%dma_start3A_714, %add3A, %add3A_664, %dma_start3A_727, %dma_start3A_728] : memref<2x32x25x10x40xi32, #tpu.memory_space<hbm>> -> memref<1x1x1x10x40xi32, #tpu.memory_space<hbm>>
        %dma_start3A_730 = tpu.memref_squeeze %dma_start3A_729 : memref<1x1x1x10x40xi32, #tpu.memory_space<hbm>> -> memref<10x40xi32, #tpu.memory_space<hbm>>
        tpu.enqueue_dma source(%dma_start3A_730 : memref<10x40xi32, #tpu.memory_space<hbm>>) target(%dma_start3A_726 : memref<10x40xi32, #tpu.memory_space<vmem>>) target_semaphore(%arg30 : memref<!tpu.dma_semaphore, #tpu.memory_space<semaphore_mem>>)
      } else {
      }
      %dma_wait3A_269 = arith.constant 0 : i32
      %dma_wait3A_270 = arith.constant 0 : i32
      %dma_wait3A_271 = tpu.memref_slice %arg2[%dma_wait3A_269, %dma_wait3A_270] : memref<10000x128xbf16, #tpu.memory_space<hbm>> -> memref<40x128xbf16, #tpu.memory_space<hbm>>
      %dma_wait3A_272 = arith.constant 0 : i32
      %dma_wait3A_273 = arith.constant 0 : i32
      %dma_wait3A_274 = tpu.memref_slice %arg2[%dma_wait3A_272, %dma_wait3A_273] : memref<10000x128xbf16, #tpu.memory_space<hbm>> -> memref<40x128xbf16, #tpu.memory_space<hbm>>
      tpu.wait_dma2 semaphore(%arg26 : memref<!tpu.dma_semaphore, #tpu.memory_space<semaphore_mem>>) src(%dma_wait3A_274 : memref<40x128xbf16, #tpu.memory_space<hbm>>) dst(%arg11 : memref<40x128xbf16, #tpu.memory_space<vmem>>)
      %dma_wait3A_275 = arith.constant 0 : i32
      %dma_wait3A_276 = arith.constant 0 : i32
      %dma_wait3A_277 = tpu.memref_slice %arg3[%dma_wait3A_275, %dma_wait3A_276] : memref<10000x128xbf16, #tpu.memory_space<hbm>> -> memref<40x128xbf16, #tpu.memory_space<hbm>>
      %dma_wait3A_278 = arith.constant 0 : i32
      %dma_wait3A_279 = arith.constant 0 : i32
      %dma_wait3A_280 = tpu.memref_slice %arg3[%dma_wait3A_278, %dma_wait3A_279] : memref<10000x128xbf16, #tpu.memory_space<hbm>> -> memref<40x128xbf16, #tpu.memory_space<hbm>>
      tpu.wait_dma2 semaphore(%arg26 : memref<!tpu.dma_semaphore, #tpu.memory_space<semaphore_mem>>) src(%dma_wait3A_280 : memref<40x128xbf16, #tpu.memory_space<hbm>>) dst(%arg13 : memref<40x128xbf16, #tpu.memory_space<vmem>>)
      %dma_wait3A_281 = arith.constant 0 : i32
      %dma_wait3A_282 = arith.constant 0 : i32
      %dma_wait3A_283 = tpu.memref_slice %arg4[%dma_wait3A_281, %dma_wait3A_282] : memref<10000x16xf32, #tpu.memory_space<hbm>> -> memref<40x16xf32, #tpu.memory_space<hbm>>
      %dma_wait3A_284 = arith.constant 0 : i32
      %dma_wait3A_285 = arith.constant 0 : i32
      %dma_wait3A_286 = tpu.memref_slice %arg4[%dma_wait3A_284, %dma_wait3A_285] : memref<10000x16xf32, #tpu.memory_space<hbm>> -> memref<40x16xf32, #tpu.memory_space<hbm>>
      tpu.wait_dma2 semaphore(%arg26 : memref<!tpu.dma_semaphore, #tpu.memory_space<semaphore_mem>>) src(%dma_wait3A_286 : memref<40x16xf32, #tpu.memory_space<hbm>>) dst(%arg15 : memref<40x16xf32, #tpu.memory_space<vmem>>)
      %dma_wait3A_287 = arith.constant 0 : i32
      %dma_wait3A_288 = arith.constant 0 : i32
      %dma_wait3A_289 = tpu.memref_slice %arg4[%dma_wait3A_287, %dma_wait3A_288] : memref<10000x16xf32, #tpu.memory_space<hbm>> -> memref<40x16xf32, #tpu.memory_space<hbm>>
      %dma_wait3A_290 = arith.constant 0 : i32
      %dma_wait3A_291 = arith.constant 0 : i32
      %dma_wait3A_292 = tpu.memref_slice %arg4[%dma_wait3A_290, %dma_wait3A_291] : memref<10000x16xf32, #tpu.memory_space<hbm>> -> memref<40x16xf32, #tpu.memory_space<hbm>>
      tpu.wait_dma2 semaphore(%arg26 : memref<!tpu.dma_semaphore, #tpu.memory_space<semaphore_mem>>) src(%dma_wait3A_292 : memref<40x16xf32, #tpu.memory_space<hbm>>) dst(%arg17 : memref<40x16xf32, #tpu.memory_space<vmem>>)
      %ge3A_293 = arith.constant 2 : i32
      %ge3A_294 = arith.cmpi sge, %add3A_217, %ge3A_293 : i32
      %convert_element_type3A_295 = arith.extui %ge3A_294 : i1 to i32
      %cond3A_296 = arith.constant 0 : i32
      %cond3A_297 = arith.cmpi ne, %convert_element_type3A_295, %cond3A_296 : i32
      scf.if %cond3A_297 {
        %dma_wait3A_639 = arith.constant 0 : i32
        %dma_wait3A_640 = arith.constant 0 : i32
        %dma_wait3A_641 = tpu.memref_slice %arg2[%dma_wait3A_639, %dma_wait3A_640] : memref<10000x128xbf16, #tpu.memory_space<hbm>> -> memref<40x128xbf16, #tpu.memory_space<hbm>>
        %dma_wait3A_642 = arith.constant 0 : i32
        %dma_wait3A_643 = arith.constant 0 : i32
        %dma_wait3A_644 = tpu.memref_slice %arg2[%dma_wait3A_642, %dma_wait3A_643] : memref<10000x128xbf16, #tpu.memory_space<hbm>> -> memref<40x128xbf16, #tpu.memory_space<hbm>>
        tpu.wait_dma2 semaphore(%arg28 : memref<!tpu.dma_semaphore, #tpu.memory_space<semaphore_mem>>) src(%dma_wait3A_644 : memref<40x128xbf16, #tpu.memory_space<hbm>>) dst(%arg19 : memref<40x128xf32, #tpu.memory_space<vmem>>)
        %dma_wait3A_645 = arith.constant 0 : i32
        %dma_wait3A_646 = arith.constant 0 : i32
        %dma_wait3A_647 = tpu.memref_slice %arg4[%dma_wait3A_645, %dma_wait3A_646] : memref<10000x16xf32, #tpu.memory_space<hbm>> -> memref<40x16xf32, #tpu.memory_space<hbm>>
        %dma_wait3A_648 = arith.constant 0 : i32
        %dma_wait3A_649 = arith.constant 0 : i32
        %dma_wait3A_650 = tpu.memref_slice %arg4[%dma_wait3A_648, %dma_wait3A_649] : memref<10000x16xf32, #tpu.memory_space<hbm>> -> memref<40x16xf32, #tpu.memory_space<hbm>>
        tpu.wait_dma2 semaphore(%arg28 : memref<!tpu.dma_semaphore, #tpu.memory_space<semaphore_mem>>) src(%dma_wait3A_650 : memref<40x16xf32, #tpu.memory_space<hbm>>) dst(%arg21 : memref<40x16xf32, #tpu.memory_space<vmem>>)
      } else {
      }
      %parallel_loop3A = arith.constant 0 : i32
      %parallel_loop3A_298 = arith.constant 40 : i32
      %parallel_loop3A_299 = arith.constant 1 : i32
      scf.for %parallel_loop3A_639 = %parallel_loop3A to %parallel_loop3A_298 step %parallel_loop3A_299  : i32 {
        %parallel_loop3A_640 = arith.index_cast %parallel_loop3A_639 : i32 to index
        %parallel_loop3A_641 = arith.constant 0 : index
        %parallel_loop3A_642 = tpu.vector_load %arg15[%parallel_loop3A_640, %parallel_loop3A_641] {strides = array<i32>} : memref<40x16xf32, #tpu.memory_space<vmem>>, vector<16xf32>,
        %parallel_loop3A_643 = arith.index_cast %parallel_loop3A_639 : i32 to index
        %parallel_loop3A_644 = arith.constant 0 : index
        %parallel_loop3A_645 = tpu.vector_load %arg17[%parallel_loop3A_643, %parallel_loop3A_644] {strides = array<i32>} : memref<40x16xf32, #tpu.memory_space<vmem>>, vector<16xf32>,
        %parallel_loop3A_646 = arith.subf %parallel_loop3A_642, %parallel_loop3A_645 : vector<16xf32>
        %parallel_loop3A_647 = arith.mulf %parallel_loop3A_646, %parallel_loop3A_646 : vector<16xf32>
        %parallel_loop3A_648 = arith.constant true
        %parallel_loop3A_649 = vector.broadcast %parallel_loop3A_648 : i1 to vector<16xi1>
        %parallel_loop3A_650 = tpu.scan <sum>, %parallel_loop3A_647 masked %parallel_loop3A_649 : vector<16xf32>, vector<16xi1> -> vector<16xf32>
        %parallel_loop3A_651 = vector.extract %parallel_loop3A_650[15] : f32 from vector<16xf32>
        %parallel_loop3A_652 = arith.index_cast %parallel_loop3A_639 : i32 to index
        %parallel_loop3A_653 = arith.constant 0 : index
        %parallel_loop3A_654 = tpu.vector_load %arg11[%parallel_loop3A_652, %parallel_loop3A_653] {strides = array<i32>} : memref<40x128xbf16, #tpu.memory_space<vmem>>, vector<32xbf16>,
        %parallel_loop3A_655 = arith.index_cast %parallel_loop3A_639 : i32 to index
        %parallel_loop3A_656 = arith.constant 0 : index
        %parallel_loop3A_657 = tpu.vector_load %arg13[%parallel_loop3A_655, %parallel_loop3A_656] {strides = array<i32>} : memref<40x128xbf16, #tpu.memory_space<vmem>>, vector<32xbf16>,
        %parallel_loop3A_658 = tpu.unpack_subelements %parallel_loop3A_654, 0 {pack_format = #tpu.pack_format<interleaved>} : vector<32xbf16> -> vector<16xf32>
        %parallel_loop3A_659 = tpu.unpack_subelements %parallel_loop3A_654, 1 {pack_format = #tpu.pack_format<interleaved>} : vector<32xbf16> -> vector<16xf32>
        %parallel_loop3A_660 = tpu.unpack_subelements %parallel_loop3A_657, 0 {pack_format = #tpu.pack_format<interleaved>} : vector<32xbf16> -> vector<16xf32>
        %parallel_loop3A_661 = tpu.unpack_subelements %parallel_loop3A_657, 1 {pack_format = #tpu.pack_format<interleaved>} : vector<32xbf16> -> vector<16xf32>
        %parallel_loop3A_662 = arith.addf %parallel_loop3A_658, %parallel_loop3A_660 : vector<16xf32>
        %parallel_loop3A_663 = vector.broadcast %parallel_loop3A_651 : f32 to vector<16xf32>
        %parallel_loop3A_664 = arith.mulf %parallel_loop3A_663, %get3A_43 : vector<16xf32>
        %parallel_loop3A_665 = arith.addf %parallel_loop3A_662, %parallel_loop3A_664 : vector<16xf32>
        %parallel_loop3A_666 = arith.constant 0.000000e+00 : f32
        %parallel_loop3A_667 = vector.broadcast %parallel_loop3A_666 : f32 to vector<16xf32>
        %parallel_loop3A_668 = arith.maximumf %parallel_loop3A_665, %parallel_loop3A_667 : vector<16xf32>
        %parallel_loop3A_669 = arith.index_cast %parallel_loop3A_639 : i32 to index
        %parallel_loop3A_670 = arith.constant 0 : index
        %parallel_loop3A_671 = tpu.vector_load %arg19[%parallel_loop3A_669, %parallel_loop3A_670] {strides = array<i32>} : memref<40x128xf32, #tpu.memory_space<vmem>>, vector<16xf32>,
        tpu.vector_store %arg19[%parallel_loop3A_669, %parallel_loop3A_670], %parallel_loop3A_668 {strides = array<i32>} : memref<40x128xf32, #tpu.memory_space<vmem>>, vector<16xf32>,
        %parallel_loop3A_672 = arith.mulf %parallel_loop3A_668, %get3A_59 : vector<16xf32>
        %parallel_loop3A_673 = arith.addf %broadcast_in_dim3A_79, %parallel_loop3A_672 : vector<16xf32>
        %parallel_loop3A_674 = arith.addf %parallel_loop3A_659, %parallel_loop3A_661 : vector<16xf32>
        %parallel_loop3A_675 = vector.broadcast %parallel_loop3A_651 : f32 to vector<16xf32>
        %parallel_loop3A_676 = arith.mulf %parallel_loop3A_675, %get3A_45 : vector<16xf32>
        %parallel_loop3A_677 = arith.addf %parallel_loop3A_674, %parallel_loop3A_676 : vector<16xf32>
        %parallel_loop3A_678 = arith.constant 0.000000e+00 : f32
        %parallel_loop3A_679 = vector.broadcast %parallel_loop3A_678 : f32 to vector<16xf32>
        %parallel_loop3A_680 = arith.maximumf %parallel_loop3A_677, %parallel_loop3A_679 : vector<16xf32>
        %parallel_loop3A_681 = arith.index_cast %parallel_loop3A_639 : i32 to index
        %parallel_loop3A_682 = arith.constant 16 : index
        %parallel_loop3A_683 = tpu.vector_load %arg19[%parallel_loop3A_681, %parallel_loop3A_682] {strides = array<i32>} : memref<40x128xf32, #tpu.memory_space<vmem>>, vector<16xf32>,
        tpu.vector_store %arg19[%parallel_loop3A_681, %parallel_loop3A_682], %parallel_loop3A_680 {strides = array<i32>} : memref<40x128xf32, #tpu.memory_space<vmem>>, vector<16xf32>,
        %parallel_loop3A_684 = arith.mulf %parallel_loop3A_680, %get3A_61 : vector<16xf32>
        %parallel_loop3A_685 = arith.addf %parallel_loop3A_673, %parallel_loop3A_684 : vector<16xf32>
        %parallel_loop3A_686 = arith.index_cast %parallel_loop3A_639 : i32 to index
        %parallel_loop3A_687 = arith.constant 32 : index
        %parallel_loop3A_688 = tpu.vector_load %arg11[%parallel_loop3A_686, %parallel_loop3A_687] {strides = array<i32>} : memref<40x128xbf16, #tpu.memory_space<vmem>>, vector<32xbf16>,
        %parallel_loop3A_689 = arith.index_cast %parallel_loop3A_639 : i32 to index
        %parallel_loop3A_690 = arith.constant 32 : index
        %parallel_loop3A_691 = tpu.vector_load %arg13[%parallel_loop3A_689, %parallel_loop3A_690] {strides = array<i32>} : memref<40x128xbf16, #tpu.memory_space<vmem>>, vector<32xbf16>,
        %parallel_loop3A_692 = tpu.unpack_subelements %parallel_loop3A_688, 0 {pack_format = #tpu.pack_format<interleaved>} : vector<32xbf16> -> vector<16xf32>
        %parallel_loop3A_693 = tpu.unpack_subelements %parallel_loop3A_688, 1 {pack_format = #tpu.pack_format<interleaved>} : vector<32xbf16> -> vector<16xf32>
        %parallel_loop3A_694 = tpu.unpack_subelements %parallel_loop3A_691, 0 {pack_format = #tpu.pack_format<interleaved>} : vector<32xbf16> -> vector<16xf32>
        %parallel_loop3A_695 = tpu.unpack_subelements %parallel_loop3A_691, 1 {pack_format = #tpu.pack_format<interleaved>} : vector<32xbf16> -> vector<16xf32>
        %parallel_loop3A_696 = arith.addf %parallel_loop3A_692, %parallel_loop3A_694 : vector<16xf32>
        %parallel_loop3A_697 = vector.broadcast %parallel_loop3A_651 : f32 to vector<16xf32>
        %parallel_loop3A_698 = arith.mulf %parallel_loop3A_697, %get3A_47 : vector<16xf32>
        %parallel_loop3A_699 = arith.addf %parallel_loop3A_696, %parallel_loop3A_698 : vector<16xf32>
        %parallel_loop3A_700 = arith.constant 0.000000e+00 : f32
        %parallel_loop3A_701 = vector.broadcast %parallel_loop3A_700 : f32 to vector<16xf32>
        %parallel_loop3A_702 = arith.maximumf %parallel_loop3A_699, %parallel_loop3A_701 : vector<16xf32>
        %parallel_loop3A_703 = arith.index_cast %parallel_loop3A_639 : i32 to index
        %parallel_loop3A_704 = arith.constant 32 : index
        %parallel_loop3A_705 = tpu.vector_load %arg19[%parallel_loop3A_703, %parallel_loop3A_704] {strides = array<i32>} : memref<40x128xf32, #tpu.memory_space<vmem>>, vector<16xf32>,
        tpu.vector_store %arg19[%parallel_loop3A_703, %parallel_loop3A_704], %parallel_loop3A_702 {strides = array<i32>} : memref<40x128xf32, #tpu.memory_space<vmem>>, vector<16xf32>,
        %parallel_loop3A_706 = arith.mulf %parallel_loop3A_702, %get3A_63 : vector<16xf32>
        %parallel_loop3A_707 = arith.addf %parallel_loop3A_685, %parallel_loop3A_706 : vector<16xf32>
        %parallel_loop3A_708 = arith.addf %parallel_loop3A_693, %parallel_loop3A_695 : vector<16xf32>
        %parallel_loop3A_709 = vector.broadcast %parallel_loop3A_651 : f32 to vector<16xf32>
        %parallel_loop3A_710 = arith.mulf %parallel_loop3A_709, %get3A_49 : vector<16xf32>
        %parallel_loop3A_711 = arith.addf %parallel_loop3A_708, %parallel_loop3A_710 : vector<16xf32>
        %parallel_loop3A_712 = arith.constant 0.000000e+00 : f32
        %parallel_loop3A_713 = vector.broadcast %parallel_loop3A_712 : f32 to vector<16xf32>
        %parallel_loop3A_714 = arith.maximumf %parallel_loop3A_711, %parallel_loop3A_713 : vector<16xf32>
        %parallel_loop3A_715 = arith.index_cast %parallel_loop3A_639 : i32 to index
        %parallel_loop3A_716 = arith.constant 48 : index
        %parallel_loop3A_717 = tpu.vector_load %arg19[%parallel_loop3A_715, %parallel_loop3A_716] {strides = array<i32>} : memref<40x128xf32, #tpu.memory_space<vmem>>, vector<16xf32>,
        tpu.vector_store %arg19[%parallel_loop3A_715, %parallel_loop3A_716], %parallel_loop3A_714 {strides = array<i32>} : memref<40x128xf32, #tpu.memory_space<vmem>>, vector<16xf32>,
        %parallel_loop3A_718 = arith.mulf %parallel_loop3A_714, %get3A_65 : vector<16xf32>
        %parallel_loop3A_719 = arith.addf %parallel_loop3A_707, %parallel_loop3A_718 : vector<16xf32>
        %parallel_loop3A_720 = arith.index_cast %parallel_loop3A_639 : i32 to index
        %parallel_loop3A_721 = arith.constant 64 : index
        %parallel_loop3A_722 = tpu.vector_load %arg11[%parallel_loop3A_720, %parallel_loop3A_721] {strides = array<i32>} : memref<40x128xbf16, #tpu.memory_space<vmem>>, vector<32xbf16>,
        %parallel_loop3A_723 = arith.index_cast %parallel_loop3A_639 : i32 to index
        %parallel_loop3A_724 = arith.constant 64 : index
        %parallel_loop3A_725 = tpu.vector_load %arg13[%parallel_loop3A_723, %parallel_loop3A_724] {strides = array<i32>} : memref<40x128xbf16, #tpu.memory_space<vmem>>, vector<32xbf16>,
        %parallel_loop3A_726 = tpu.unpack_subelements %parallel_loop3A_722, 0 {pack_format = #tpu.pack_format<interleaved>} : vector<32xbf16> -> vector<16xf32>
        %parallel_loop3A_727 = tpu.unpack_subelements %parallel_loop3A_722, 1 {pack_format = #tpu.pack_format<interleaved>} : vector<32xbf16> -> vector<16xf32>
        %parallel_loop3A_728 = tpu.unpack_subelements %parallel_loop3A_725, 0 {pack_format = #tpu.pack_format<interleaved>} : vector<32xbf16> -> vector<16xf32>
        %parallel_loop3A_729 = tpu.unpack_subelements %parallel_loop3A_725, 1 {pack_format = #tpu.pack_format<interleaved>} : vector<32xbf16> -> vector<16xf32>
        %parallel_loop3A_730 = arith.addf %parallel_loop3A_726, %parallel_loop3A_728 : vector<16xf32>
        %parallel_loop3A_731 = vector.broadcast %parallel_loop3A_651 : f32 to vector<16xf32>
        %parallel_loop3A_732 = arith.mulf %parallel_loop3A_731, %get3A_51 : vector<16xf32>
        %parallel_loop3A_733 = arith.addf %parallel_loop3A_730, %parallel_loop3A_732 : vector<16xf32>
        %parallel_loop3A_734 = arith.constant 0.000000e+00 : f32
        %parallel_loop3A_735 = vector.broadcast %parallel_loop3A_734 : f32 to vector<16xf32>
        %parallel_loop3A_736 = arith.maximumf %parallel_loop3A_733, %parallel_loop3A_735 : vector<16xf32>
        %parallel_loop3A_737 = arith.index_cast %parallel_loop3A_639 : i32 to index
        %parallel_loop3A_738 = arith.constant 64 : index
        %parallel_loop3A_739 = tpu.vector_load %arg19[%parallel_loop3A_737, %parallel_loop3A_738] {strides = array<i32>} : memref<40x128xf32, #tpu.memory_space<vmem>>, vector<16xf32>,
        tpu.vector_store %arg19[%parallel_loop3A_737, %parallel_loop3A_738], %parallel_loop3A_736 {strides = array<i32>} : memref<40x128xf32, #tpu.memory_space<vmem>>, vector<16xf32>,
        %parallel_loop3A_740 = arith.mulf %parallel_loop3A_736, %get3A_67 : vector<16xf32>
        %parallel_loop3A_741 = arith.addf %parallel_loop3A_719, %parallel_loop3A_740 : vector<16xf32>
        %parallel_loop3A_742 = arith.addf %parallel_loop3A_727, %parallel_loop3A_729 : vector<16xf32>
        %parallel_loop3A_743 = vector.broadcast %parallel_loop3A_651 : f32 to vector<16xf32>
        %parallel_loop3A_744 = arith.mulf %parallel_loop3A_743, %get3A_53 : vector<16xf32>
        %parallel_loop3A_745 = arith.addf %parallel_loop3A_742, %parallel_loop3A_744 : vector<16xf32>
        %parallel_loop3A_746 = arith.constant 0.000000e+00 : f32
        %parallel_loop3A_747 = vector.broadcast %parallel_loop3A_746 : f32 to vector<16xf32>
        %parallel_loop3A_748 = arith.maximumf %parallel_loop3A_745, %parallel_loop3A_747 : vector<16xf32>
        %parallel_loop3A_749 = arith.index_cast %parallel_loop3A_639 : i32 to index
        %parallel_loop3A_750 = arith.constant 80 : index
        %parallel_loop3A_751 = tpu.vector_load %arg19[%parallel_loop3A_749, %parallel_loop3A_750] {strides = array<i32>} : memref<40x128xf32, #tpu.memory_space<vmem>>, vector<16xf32>,
        tpu.vector_store %arg19[%parallel_loop3A_749, %parallel_loop3A_750], %parallel_loop3A_748 {strides = array<i32>} : memref<40x128xf32, #tpu.memory_space<vmem>>, vector<16xf32>,
        %parallel_loop3A_752 = arith.mulf %parallel_loop3A_748, %get3A_69 : vector<16xf32>
        %parallel_loop3A_753 = arith.addf %parallel_loop3A_741, %parallel_loop3A_752 : vector<16xf32>
        %parallel_loop3A_754 = arith.index_cast %parallel_loop3A_639 : i32 to index
        %parallel_loop3A_755 = arith.constant 96 : index
        %parallel_loop3A_756 = tpu.vector_load %arg11[%parallel_loop3A_754, %parallel_loop3A_755] {strides = array<i32>} : memref<40x128xbf16, #tpu.memory_space<vmem>>, vector<32xbf16>,
        %parallel_loop3A_757 = arith.index_cast %parallel_loop3A_639 : i32 to index
        %parallel_loop3A_758 = arith.constant 96 : index
        %parallel_loop3A_759 = tpu.vector_load %arg13[%parallel_loop3A_757, %parallel_loop3A_758] {strides = array<i32>} : memref<40x128xbf16, #tpu.memory_space<vmem>>, vector<32xbf16>,
        %parallel_loop3A_760 = tpu.unpack_subelements %parallel_loop3A_756, 0 {pack_format = #tpu.pack_format<interleaved>} : vector<32xbf16> -> vector<16xf32>
        %parallel_loop3A_761 = tpu.unpack_subelements %parallel_loop3A_756, 1 {pack_format = #tpu.pack_format<interleaved>} : vector<32xbf16> -> vector<16xf32>
        %parallel_loop3A_762 = tpu.unpack_subelements %parallel_loop3A_759, 0 {pack_format = #tpu.pack_format<interleaved>} : vector<32xbf16> -> vector<16xf32>
        %parallel_loop3A_763 = tpu.unpack_subelements %parallel_loop3A_759, 1 {pack_format = #tpu.pack_format<interleaved>} : vector<32xbf16> -> vector<16xf32>
        %parallel_loop3A_764 = arith.addf %parallel_loop3A_760, %parallel_loop3A_762 : vector<16xf32>
        %parallel_loop3A_765 = vector.broadcast %parallel_loop3A_651 : f32 to vector<16xf32>
        %parallel_loop3A_766 = arith.mulf %parallel_loop3A_765, %get3A_55 : vector<16xf32>
        %parallel_loop3A_767 = arith.addf %parallel_loop3A_764, %parallel_loop3A_766 : vector<16xf32>
        %parallel_loop3A_768 = arith.constant 0.000000e+00 : f32
        %parallel_loop3A_769 = vector.broadcast %parallel_loop3A_768 : f32 to vector<16xf32>
        %parallel_loop3A_770 = arith.maximumf %parallel_loop3A_767, %parallel_loop3A_769 : vector<16xf32>
        %parallel_loop3A_771 = arith.index_cast %parallel_loop3A_639 : i32 to index
        %parallel_loop3A_772 = arith.constant 96 : index
        %parallel_loop3A_773 = tpu.vector_load %arg19[%parallel_loop3A_771, %parallel_loop3A_772] {strides = array<i32>} : memref<40x128xf32, #tpu.memory_space<vmem>>, vector<16xf32>,
        tpu.vector_store %arg19[%parallel_loop3A_771, %parallel_loop3A_772], %parallel_loop3A_770 {strides = array<i32>} : memref<40x128xf32, #tpu.memory_space<vmem>>, vector<16xf32>,
        %parallel_loop3A_774 = arith.mulf %parallel_loop3A_770, %get3A_71 : vector<16xf32>
        %parallel_loop3A_775 = arith.addf %parallel_loop3A_753, %parallel_loop3A_774 : vector<16xf32>
        %parallel_loop3A_776 = arith.addf %parallel_loop3A_761, %parallel_loop3A_763 : vector<16xf32>
        %parallel_loop3A_777 = vector.broadcast %parallel_loop3A_651 : f32 to vector<16xf32>
        %parallel_loop3A_778 = arith.mulf %parallel_loop3A_777, %get3A_57 : vector<16xf32>
        %parallel_loop3A_779 = arith.addf %parallel_loop3A_776, %parallel_loop3A_778 : vector<16xf32>
        %parallel_loop3A_780 = arith.constant 0.000000e+00 : f32
        %parallel_loop3A_781 = vector.broadcast %parallel_loop3A_780 : f32 to vector<16xf32>
        %parallel_loop3A_782 = arith.maximumf %parallel_loop3A_779, %parallel_loop3A_781 : vector<16xf32>
        %parallel_loop3A_783 = arith.index_cast %parallel_loop3A_639 : i32 to index
        %parallel_loop3A_784 = arith.constant 112 : index
        %parallel_loop3A_785 = tpu.vector_load %arg19[%parallel_loop3A_783, %parallel_loop3A_784] {strides = array<i32>} : memref<40x128xf32, #tpu.memory_space<vmem>>, vector<16xf32>,
        tpu.vector_store %arg19[%parallel_loop3A_783, %parallel_loop3A_784], %parallel_loop3A_782 {strides = array<i32>} : memref<40x128xf32, #tpu.memory_space<vmem>>, vector<16xf32>,
        %parallel_loop3A_786 = arith.mulf %parallel_loop3A_782, %get3A_73 : vector<16xf32>
        %parallel_loop3A_787 = arith.addf %parallel_loop3A_775, %parallel_loop3A_786 : vector<16xf32>
        %parallel_loop3A_788 = arith.constant true
        %parallel_loop3A_789 = vector.broadcast %parallel_loop3A_788 : i1 to vector<16xi1>
        %parallel_loop3A_790 = tpu.scan <sum>, %parallel_loop3A_787 masked %parallel_loop3A_789 : vector<16xf32>, vector<16xi1> -> vector<16xf32>
        %parallel_loop3A_791 = vector.extract %parallel_loop3A_790[15] : f32 from vector<16xf32>
        %parallel_loop3A_792 = vector.broadcast %parallel_loop3A_791 : f32 to vector<16xf32>
        %parallel_loop3A_793 = arith.mulf %parallel_loop3A_646, %parallel_loop3A_792 : vector<16xf32>
        %parallel_loop3A_794 = arith.addf %parallel_loop3A_793, %select_n3A : vector<16xf32>
        %parallel_loop3A_795 = arith.index_cast %parallel_loop3A_639 : i32 to index
        %parallel_loop3A_796 = arith.constant 0 : index
        %parallel_loop3A_797 = tpu.vector_load %arg21[%parallel_loop3A_795, %parallel_loop3A_796] {strides = array<i32>} : memref<40x16xf32, #tpu.memory_space<vmem>>, vector<16xf32>,
        tpu.vector_store %arg21[%parallel_loop3A_795, %parallel_loop3A_796], %parallel_loop3A_794 {strides = array<i32>} : memref<40x16xf32, #tpu.memory_space<vmem>>, vector<16xf32>,
      } {sc.loop_unroll_factor = 2 : i64, sc.parallel_access}
      %jit3A_300 = arith.constant 10 : i32
      %div3A = arith.divsi %add3A_217, %jit3A_300 : i32
      %sign3A = arith.constant 0 : i32
      %sign3A_301 = arith.cmpi sgt, %add3A_217, %sign3A : i32
      %sign3A_302 = arith.extui %sign3A_301 : i1 to i32
      %sign3A_303 = arith.constant 0 : i32
      %sign3A_304 = arith.cmpi slt, %add3A_217, %sign3A_303 : i32
      %sign3A_305 = arith.extui %sign3A_304 : i1 to i32
      %sign3A_306 = arith.subi %sign3A_302, %sign3A_305 : i32
      %sign3A_307 = arith.constant 0 : i32
      %sign3A_308 = arith.cmpi sgt, %jit3A_300, %sign3A_307 : i32
      %sign3A_309 = arith.extui %sign3A_308 : i1 to i32
      %sign3A_310 = arith.constant 0 : i32
      %sign3A_311 = arith.cmpi slt, %jit3A_300, %sign3A_310 : i32
      %sign3A_312 = arith.extui %sign3A_311 : i1 to i32
      %sign3A_313 = arith.subi %sign3A_309, %sign3A_312 : i32
      %ne3A_314 = arith.cmpi ne, %sign3A_306, %sign3A_313 : i32
      %rem3A_315 = arith.remsi %add3A_217, %jit3A_300 : i32
      %ne3A_316 = arith.constant 0 : i32
      %ne3A_317 = arith.cmpi ne, %rem3A_315, %ne3A_316 : i32
      %and3A_318 = arith.andi %ne3A_314, %ne3A_317 : i1
      %sub3A = arith.constant 1 : i32
      %sub3A_319 = arith.subi %div3A, %sub3A : i32
      %select_n3A_320 = arith.select %and3A_318, %sub3A_319, %div3A : i32
      %jit3A_321 = arith.constant 2 : i32
      %eq3A_322 = arith.constant 0 : i32
      %eq3A_323 = arith.cmpi eq, %jit3A_321, %eq3A_322 : i32
      %jit3A_324 = arith.constant 1 : i32
      %select_n3A_325 = arith.select %eq3A_323, %jit3A_324, %jit3A_321 : i32
      %rem3A_326 = arith.remsi %select_n3A_320, %select_n3A_325 : i32
      %ne3A_327 = arith.constant 0 : i32
      %ne3A_328 = arith.cmpi ne, %rem3A_326, %ne3A_327 : i32
      %lt3A_329 = arith.constant 0 : i32
      %lt3A_330 = arith.cmpi slt, %rem3A_326, %lt3A_329 : i32
      %lt3A_331 = arith.constant 0 : i32
      %lt3A_332 = arith.cmpi slt, %select_n3A_325, %lt3A_331 : i32
      %ne3A_333 = arith.xori %lt3A_330, %lt3A_332 : i1
      %and3A_334 = arith.andi %ne3A_333, %ne3A_328 : i1
      %add3A_335 = arith.addi %rem3A_326, %select_n3A_325 : i32
      %select_n3A_336 = arith.select %and3A_334, %add3A_335, %rem3A_326 : i32
      %jit3A_337 = arith.constant 10 : i32
      %eq3A_338 = arith.constant 0 : i32
      %eq3A_339 = arith.cmpi eq, %jit3A_337, %eq3A_338 : i32
      %jit3A_340 = arith.constant 1 : i32
      %select_n3A_341 = arith.select %eq3A_339, %jit3A_340, %jit3A_337 : i32
      %rem3A_342 = arith.remsi %add3A_217, %select_n3A_341 : i32
      %ne3A_343 = arith.constant 0 : i32
      %ne3A_344 = arith.cmpi ne, %rem3A_342, %ne3A_343 : i32
      %lt3A_345 = arith.constant 0 : i32
      %lt3A_346 = arith.cmpi slt, %rem3A_342, %lt3A_345 : i32
      %lt3A_347 = arith.constant 0 : i32
      %lt3A_348 = arith.cmpi slt, %select_n3A_341, %lt3A_347 : i32
      %ne3A_349 = arith.xori %lt3A_346, %lt3A_348 : i1
      %and3A_350 = arith.andi %ne3A_349, %ne3A_344 : i1
      %add3A_351 = arith.addi %rem3A_342, %select_n3A_341 : i32
      %select_n3A_352 = arith.select %and3A_350, %add3A_351, %rem3A_342 : i32
      %dma_start3A_353 = arith.constant 0 : i32
      %dma_start3A_354 = tpu.memref_slice %arg10[%select_n3A_336, %select_n3A_352, %dma_start3A_353] : memref<2x10x40xi32, #tpu.memory_space<vmem>> -> memref<1x1x40xi32, #tpu.memory_space<vmem>>
      %dma_start3A_355 = tpu.memref_squeeze %dma_start3A_354 : memref<1x1x40xi32, #tpu.memory_space<vmem>> -> memref<40xi32, #tpu.memory_space<vmem>>
      %dma_start3A_356 = arith.constant 0 : i32
      %dma_start3A_357 = arith.constant 0 : i32
      %dma_start3A_358 = tpu.memref_slice %arg24[%dma_start3A_356, %dma_start3A_357] : memref<10240x128xf32, #tpu.memory_space<vmem_shared>> -> memref<10240x128xf32, #tpu.memory_space<vmem_shared>>
      tpu.enqueue_indirect_dma source(%arg19 : memref<40x128xf32, #tpu.memory_space<vmem>>) target(%dma_start3A_358 : memref<10240x128xf32, #tpu.memory_space<vmem_shared>>) offsets(%dma_start3A_355 : memref<40xi32, #tpu.memory_space<vmem>>) semaphore(%arg28 : memref<!tpu.dma_semaphore, #tpu.memory_space<semaphore_mem>>) {add = true}
      %jit3A_359 = arith.constant 10 : i32
      %div3A_360 = arith.divsi %add3A_217, %jit3A_359 : i32
      %sign3A_361 = arith.constant 0 : i32
      %sign3A_362 = arith.cmpi sgt, %add3A_217, %sign3A_361 : i32
      %sign3A_363 = arith.extui %sign3A_362 : i1 to i32
      %sign3A_364 = arith.constant 0 : i32
      %sign3A_365 = arith.cmpi slt, %add3A_217, %sign3A_364 : i32
      %sign3A_366 = arith.extui %sign3A_365 : i1 to i32
      %sign3A_367 = arith.subi %sign3A_363, %sign3A_366 : i32
      %sign3A_368 = arith.constant 0 : i32
      %sign3A_369 = arith.cmpi sgt, %jit3A_359, %sign3A_368 : i32
      %sign3A_370 = arith.extui %sign3A_369 : i1 to i32
      %sign3A_371 = arith.constant 0 : i32
      %sign3A_372 = arith.cmpi slt, %jit3A_359, %sign3A_371 : i32
      %sign3A_373 = arith.extui %sign3A_372 : i1 to i32
      %sign3A_374 = arith.subi %sign3A_370, %sign3A_373 : i32
      %ne3A_375 = arith.cmpi ne, %sign3A_367, %sign3A_374 : i32
      %rem3A_376 = arith.remsi %add3A_217, %jit3A_359 : i32
      %ne3A_377 = arith.constant 0 : i32
      %ne3A_378 = arith.cmpi ne, %rem3A_376, %ne3A_377 : i32
      %and3A_379 = arith.andi %ne3A_375, %ne3A_378 : i1
      %sub3A_380 = arith.constant 1 : i32
      %sub3A_381 = arith.subi %div3A_360, %sub3A_380 : i32
      %select_n3A_382 = arith.select %and3A_379, %sub3A_381, %div3A_360 : i32
      %jit3A_383 = arith.constant 2 : i32
      %eq3A_384 = arith.constant 0 : i32
      %eq3A_385 = arith.cmpi eq, %jit3A_383, %eq3A_384 : i32
      %jit3A_386 = arith.constant 1 : i32
      %select_n3A_387 = arith.select %eq3A_385, %jit3A_386, %jit3A_383 : i32
      %rem3A_388 = arith.remsi %select_n3A_382, %select_n3A_387 : i32
      %ne3A_389 = arith.constant 0 : i32
      %ne3A_390 = arith.cmpi ne, %rem3A_388, %ne3A_389 : i32
      %lt3A_391 = arith.constant 0 : i32
      %lt3A_392 = arith.cmpi slt, %rem3A_388, %lt3A_391 : i32
      %lt3A_393 = arith.constant 0 : i32
      %lt3A_394 = arith.cmpi slt, %select_n3A_387, %lt3A_393 : i32
      %ne3A_395 = arith.xori %lt3A_392, %lt3A_394 : i1
      %and3A_396 = arith.andi %ne3A_395, %ne3A_390 : i1
      %add3A_397 = arith.addi %rem3A_388, %select_n3A_387 : i32
      %select_n3A_398 = arith.select %and3A_396, %add3A_397, %rem3A_388 : i32
      %jit3A_399 = arith.constant 10 : i32
      %eq3A_400 = arith.constant 0 : i32
      %eq3A_401 = arith.cmpi eq, %jit3A_399, %eq3A_400 : i32
      %jit3A_402 = arith.constant 1 : i32
      %select_n3A_403 = arith.select %eq3A_401, %jit3A_402, %jit3A_399 : i32
      %rem3A_404 = arith.remsi %add3A_217, %select_n3A_403 : i32
      %ne3A_405 = arith.constant 0 : i32
      %ne3A_406 = arith.cmpi ne, %rem3A_404, %ne3A_405 : i32
      %lt3A_407 = arith.constant 0 : i32
      %lt3A_408 = arith.cmpi slt, %rem3A_404, %lt3A_407 : i32
      %lt3A_409 = arith.constant 0 : i32
      %lt3A_410 = arith.cmpi slt, %select_n3A_403, %lt3A_409 : i32
      %ne3A_411 = arith.xori %lt3A_408, %lt3A_410 : i1
      %and3A_412 = arith.andi %ne3A_411, %ne3A_406 : i1
      %add3A_413 = arith.addi %rem3A_404, %select_n3A_403 : i32
      %select_n3A_414 = arith.select %and3A_412, %add3A_413, %rem3A_404 : i32
      %dma_start3A_415 = arith.constant 0 : i32
      %dma_start3A_416 = tpu.memref_slice %arg10[%select_n3A_398, %select_n3A_414, %dma_start3A_415] : memref<2x10x40xi32, #tpu.memory_space<vmem>> -> memref<1x1x40xi32, #tpu.memory_space<vmem>>
      %dma_start3A_417 = tpu.memref_squeeze %dma_start3A_416 : memref<1x1x40xi32, #tpu.memory_space<vmem>> -> memref<40xi32, #tpu.memory_space<vmem>>
      %dma_start3A_418 = arith.constant 0 : i32
      %dma_start3A_419 = arith.constant 0 : i32
      %dma_start3A_420 = tpu.memref_slice %arg25[%dma_start3A_418, %dma_start3A_419] : memref<10240x16xf32, #tpu.memory_space<vmem_shared>> -> memref<10240x16xf32, #tpu.memory_space<vmem_shared>>
      tpu.enqueue_indirect_dma source(%arg21 : memref<40x16xf32, #tpu.memory_space<vmem>>) target(%dma_start3A_420 : memref<10240x16xf32, #tpu.memory_space<vmem_shared>>) offsets(%dma_start3A_417 : memref<40xi32, #tpu.memory_space<vmem>>) semaphore(%arg28 : memref<!tpu.dma_semaphore, #tpu.memory_space<semaphore_mem>>) {add = true}
      %mul3A_421 = arith.constant 2 : i32
      %mul3A_422 = arith.muli %mul3A_421, %scan3A_213 : i32
      %add3A_423 = arith.constant 1 : i32
      %add3A_424 = arith.addi %mul3A_422, %add3A_423 : i32
      %jit3A_425 = arith.constant 10 : i32
      %eq3A_426 = arith.constant 0 : i32
      %eq3A_427 = arith.cmpi eq, %jit3A_425, %eq3A_426 : i32
      %jit3A_428 = arith.constant 1 : i32
      %select_n3A_429 = arith.select %eq3A_427, %jit3A_428, %jit3A_425 : i32
      %rem3A_430 = arith.remsi %add3A_424, %select_n3A_429 : i32
      %ne3A_431 = arith.constant 0 : i32
      %ne3A_432 = arith.cmpi ne, %rem3A_430, %ne3A_431 : i32
      %lt3A_433 = arith.constant 0 : i32
      %lt3A_434 = arith.cmpi slt, %rem3A_430, %lt3A_433 : i32
      %lt3A_435 = arith.constant 0 : i32
      %lt3A_436 = arith.cmpi slt, %select_n3A_429, %lt3A_435 : i32
      %ne3A_437 = arith.xori %lt3A_434, %lt3A_436 : i1
      %and3A_438 = arith.andi %ne3A_437, %ne3A_432 : i1
      %add3A_439 = arith.addi %rem3A_430, %select_n3A_429 : i32
      %select_n3A_440 = arith.select %and3A_438, %add3A_439, %rem3A_430 : i32
      %eq3A_441 = arith.constant 8 : i32
      %eq3A_442 = arith.cmpi eq, %select_n3A_440, %eq3A_441 : i32
      %lt3A_443 = arith.constant 240 : i32
      %lt3A_444 = arith.cmpi slt, %add3A_424, %lt3A_443 : i32
      %and3A_445 = arith.andi %eq3A_442, %lt3A_444 : i1
      %convert_element_type3A_446 = arith.extui %and3A_445 : i1 to i32
      %cond3A_447 = arith.constant 0 : i32
      %cond3A_448 = arith.cmpi ne, %convert_element_type3A_446, %cond3A_447 : i32
      scf.if %cond3A_448 {
        %dma_wait3A_639 = arith.constant 0 : i32
        %dma_wait3A_640 = arith.constant 0 : i32
        %dma_wait3A_641 = arith.constant 0 : i32
        %dma_wait3A_642 = arith.constant 0 : i32
        %dma_wait3A_643 = arith.constant 0 : i32
        %dma_wait3A_644 = tpu.memref_slice %arg9[%dma_wait3A_641, %dma_wait3A_642, %dma_wait3A_643] : memref<2x10x40xi32, #tpu.memory_space<vmem>> -> memref<1x10x40xi32, #tpu.memory_space<vmem>>
        %dma_wait3A_645 = tpu.memref_squeeze %dma_wait3A_644 : memref<1x10x40xi32, #tpu.memory_space<vmem>> -> memref<10x40xi32, #tpu.memory_space<vmem>>
        %dma_wait3A_646 = arith.constant 0 : i32
        %dma_wait3A_647 = arith.constant 0 : i32
        %dma_wait3A_648 = tpu.memref_slice %arg5[%dma_wait3A_639, %add3A, %dma_wait3A_640, %dma_wait3A_646, %dma_wait3A_647] : memref<2x32x25x10x40xi32, #tpu.memory_space<hbm>> -> memref<1x1x1x10x40xi32, #tpu.memory_space<hbm>>
        %dma_wait3A_649 = tpu.memref_squeeze %dma_wait3A_648 : memref<1x1x1x10x40xi32, #tpu.memory_space<hbm>> -> memref<10x40xi32, #tpu.memory_space<hbm>>
        %dma_wait3A_650 = arith.constant 0 : i32
        %dma_wait3A_651 = arith.constant 0 : i32
        %dma_wait3A_652 = tpu.memref_slice %arg9[%dma_wait3A_641, %dma_wait3A_650, %dma_wait3A_651] : memref<2x10x40xi32, #tpu.memory_space<vmem>> -> memref<1x10x40xi32, #tpu.memory_space<vmem>>
        %dma_wait3A_653 = tpu.memref_squeeze %dma_wait3A_652 : memref<1x10x40xi32, #tpu.memory_space<vmem>> -> memref<10x40xi32, #tpu.memory_space<vmem>>
        %dma_wait3A_654 = arith.constant 0 : i32
        %dma_wait3A_655 = arith.constant 0 : i32
        %dma_wait3A_656 = tpu.memref_slice %arg5[%dma_wait3A_639, %add3A, %dma_wait3A_640, %dma_wait3A_654, %dma_wait3A_655] : memref<2x32x25x10x40xi32, #tpu.memory_space<hbm>> -> memref<1x1x1x10x40xi32, #tpu.memory_space<hbm>>
        %dma_wait3A_657 = tpu.memref_squeeze %dma_wait3A_656 : memref<1x1x1x10x40xi32, #tpu.memory_space<hbm>> -> memref<10x40xi32, #tpu.memory_space<hbm>>
        tpu.wait_dma2 semaphore(%arg30 : memref<!tpu.dma_semaphore, #tpu.memory_space<semaphore_mem>>) src(%dma_wait3A_657 : memref<10x40xi32, #tpu.memory_space<hbm>>) dst(%dma_wait3A_653 : memref<10x40xi32, #tpu.memory_space<vmem>>)
        %dma_wait3A_658 = arith.constant 1 : i32
        %dma_wait3A_659 = arith.constant 0 : i32
        %dma_wait3A_660 = arith.constant 0 : i32
        %dma_wait3A_661 = arith.constant 0 : i32
        %dma_wait3A_662 = arith.constant 0 : i32
        %dma_wait3A_663 = tpu.memref_slice %arg10[%dma_wait3A_660, %dma_wait3A_661, %dma_wait3A_662] : memref<2x10x40xi32, #tpu.memory_space<vmem>> -> memref<1x10x40xi32, #tpu.memory_space<vmem>>
        %dma_wait3A_664 = tpu.memref_squeeze %dma_wait3A_663 : memref<1x10x40xi32, #tpu.memory_space<vmem>> -> memref<10x40xi32, #tpu.memory_space<vmem>>
        %dma_wait3A_665 = arith.constant 0 : i32
        %dma_wait3A_666 = arith.constant 0 : i32
        %dma_wait3A_667 = tpu.memref_slice %arg5[%dma_wait3A_658, %add3A, %dma_wait3A_659, %dma_wait3A_665, %dma_wait3A_666] : memref<2x32x25x10x40xi32, #tpu.memory_space<hbm>> -> memref<1x1x1x10x40xi32, #tpu.memory_space<hbm>>
        %dma_wait3A_668 = tpu.memref_squeeze %dma_wait3A_667 : memref<1x1x1x10x40xi32, #tpu.memory_space<hbm>> -> memref<10x40xi32, #tpu.memory_space<hbm>>
        %dma_wait3A_669 = arith.constant 0 : i32
        %dma_wait3A_670 = arith.constant 0 : i32
        %dma_wait3A_671 = tpu.memref_slice %arg10[%dma_wait3A_660, %dma_wait3A_669, %dma_wait3A_670] : memref<2x10x40xi32, #tpu.memory_space<vmem>> -> memref<1x10x40xi32, #tpu.memory_space<vmem>>
        %dma_wait3A_672 = tpu.memref_squeeze %dma_wait3A_671 : memref<1x10x40xi32, #tpu.memory_space<vmem>> -> memref<10x40xi32, #tpu.memory_space<vmem>>
        %dma_wait3A_673 = arith.constant 0 : i32
        %dma_wait3A_674 = arith.constant 0 : i32
        %dma_wait3A_675 = tpu.memref_slice %arg5[%dma_wait3A_658, %add3A, %dma_wait3A_659, %dma_wait3A_673, %dma_wait3A_674] : memref<2x32x25x10x40xi32, #tpu.memory_space<hbm>> -> memref<1x1x1x10x40xi32, #tpu.memory_space<hbm>>
        %dma_wait3A_676 = tpu.memref_squeeze %dma_wait3A_675 : memref<1x1x1x10x40xi32, #tpu.memory_space<hbm>> -> memref<10x40xi32, #tpu.memory_space<hbm>>
        tpu.wait_dma2 semaphore(%arg30 : memref<!tpu.dma_semaphore, #tpu.memory_space<semaphore_mem>>) src(%dma_wait3A_676 : memref<10x40xi32, #tpu.memory_space<hbm>>) dst(%dma_wait3A_672 : memref<10x40xi32, #tpu.memory_space<vmem>>)
      } else {
      }
      %add3A_449 = arith.constant 1 : i32
      %add3A_450 = arith.addi %add3A_424, %add3A_449 : i32
      %lt3A_451 = arith.constant 250 : i32
      %lt3A_452 = arith.cmpi slt, %add3A_450, %lt3A_451 : i32
      %convert_element_type3A_453 = arith.extui %lt3A_452 : i1 to i32
      %cond3A_454 = arith.constant 0 : i32
      %cond3A_455 = arith.cmpi ne, %convert_element_type3A_453, %cond3A_454 : i32
      scf.if %cond3A_455 {
        %add3A_639 = arith.constant 1 : i32
        %add3A_640 = arith.addi %add3A_424, %add3A_639 : i32
        %jit3A_641 = arith.constant 10 : i32
        %div3A_642 = arith.divsi %add3A_640, %jit3A_641 : i32
        %sign3A_643 = arith.constant 0 : i32
        %sign3A_644 = arith.cmpi sgt, %add3A_640, %sign3A_643 : i32
        %sign3A_645 = arith.extui %sign3A_644 : i1 to i32
        %sign3A_646 = arith.constant 0 : i32
        %sign3A_647 = arith.cmpi slt, %add3A_640, %sign3A_646 : i32
        %sign3A_648 = arith.extui %sign3A_647 : i1 to i32
        %sign3A_649 = arith.subi %sign3A_645, %sign3A_648 : i32
        %sign3A_650 = arith.constant 0 : i32
        %sign3A_651 = arith.cmpi sgt, %jit3A_641, %sign3A_650 : i32
        %sign3A_652 = arith.extui %sign3A_651 : i1 to i32
        %sign3A_653 = arith.constant 0 : i32
        %sign3A_654 = arith.cmpi slt, %jit3A_641, %sign3A_653 : i32
        %sign3A_655 = arith.extui %sign3A_654 : i1 to i32
        %sign3A_656 = arith.subi %sign3A_652, %sign3A_655 : i32
        %ne3A_657 = arith.cmpi ne, %sign3A_649, %sign3A_656 : i32
        %rem3A_658 = arith.remsi %add3A_640, %jit3A_641 : i32
        %ne3A_659 = arith.constant 0 : i32
        %ne3A_660 = arith.cmpi ne, %rem3A_658, %ne3A_659 : i32
        %and3A_661 = arith.andi %ne3A_657, %ne3A_660 : i1
        %sub3A_662 = arith.constant 1 : i32
        %sub3A_663 = arith.subi %div3A_642, %sub3A_662 : i32
        %select_n3A_664 = arith.select %and3A_661, %sub3A_663, %div3A_642 : i32
        %jit3A_665 = arith.constant 2 : i32
        %eq3A_666 = arith.constant 0 : i32
        %eq3A_667 = arith.cmpi eq, %jit3A_665, %eq3A_666 : i32
        %jit3A_668 = arith.constant 1 : i32
        %select_n3A_669 = arith.select %eq3A_667, %jit3A_668, %jit3A_665 : i32
        %rem3A_670 = arith.remsi %select_n3A_664, %select_n3A_669 : i32
        %ne3A_671 = arith.constant 0 : i32
        %ne3A_672 = arith.cmpi ne, %rem3A_670, %ne3A_671 : i32
        %lt3A_673 = arith.constant 0 : i32
        %lt3A_674 = arith.cmpi slt, %rem3A_670, %lt3A_673 : i32
        %lt3A_675 = arith.constant 0 : i32
        %lt3A_676 = arith.cmpi slt, %select_n3A_669, %lt3A_675 : i32
        %ne3A_677 = arith.xori %lt3A_674, %lt3A_676 : i1
        %and3A_678 = arith.andi %ne3A_677, %ne3A_672 : i1
        %add3A_679 = arith.addi %rem3A_670, %select_n3A_669 : i32
        %select_n3A_680 = arith.select %and3A_678, %add3A_679, %rem3A_670 : i32
        %jit3A_681 = arith.constant 10 : i32
        %eq3A_682 = arith.constant 0 : i32
        %eq3A_683 = arith.cmpi eq, %jit3A_681, %eq3A_682 : i32
        %jit3A_684 = arith.constant 1 : i32
        %select_n3A_685 = arith.select %eq3A_683, %jit3A_684, %jit3A_681 : i32
        %rem3A_686 = arith.remsi %add3A_640, %select_n3A_685 : i32
        %ne3A_687 = arith.constant 0 : i32
        %ne3A_688 = arith.cmpi ne, %rem3A_686, %ne3A_687 : i32
        %lt3A_689 = arith.constant 0 : i32
        %lt3A_690 = arith.cmpi slt, %rem3A_686, %lt3A_689 : i32
        %lt3A_691 = arith.constant 0 : i32
        %lt3A_692 = arith.cmpi slt, %select_n3A_685, %lt3A_691 : i32
        %ne3A_693 = arith.xori %lt3A_690, %lt3A_692 : i1
        %and3A_694 = arith.andi %ne3A_693, %ne3A_688 : i1
        %add3A_695 = arith.addi %rem3A_686, %select_n3A_685 : i32
        %select_n3A_696 = arith.select %and3A_694, %add3A_695, %rem3A_686 : i32
        %dma_start3A_697 = arith.constant 0 : i32
        %dma_start3A_698 = tpu.memref_slice %arg9[%select_n3A_680, %select_n3A_696, %dma_start3A_697] : memref<2x10x40xi32, #tpu.memory_space<vmem>> -> memref<1x1x40xi32, #tpu.memory_space<vmem>>
        %dma_start3A_699 = tpu.memref_squeeze %dma_start3A_698 : memref<1x1x40xi32, #tpu.memory_space<vmem>> -> memref<40xi32, #tpu.memory_space<vmem>>
        %dma_start3A_700 = arith.constant 0 : i32
        %dma_start3A_701 = arith.constant 0 : i32
        %dma_start3A_702 = tpu.memref_slice %arg2[%dma_start3A_700, %dma_start3A_701] : memref<10000x128xbf16, #tpu.memory_space<hbm>> -> memref<10000x128xbf16, #tpu.memory_space<hbm>>
        tpu.enqueue_indirect_dma source(%dma_start3A_702 : memref<10000x128xbf16, #tpu.memory_space<hbm>>) target(%arg11 : memref<40x128xbf16, #tpu.memory_space<vmem>>) offsets(%dma_start3A_699 : memref<40xi32, #tpu.memory_space<vmem>>) semaphore(%arg26 : memref<!tpu.dma_semaphore, #tpu.memory_space<semaphore_mem>>)
        %jit3A_703 = arith.constant 10 : i32
        %div3A_704 = arith.divsi %add3A_640, %jit3A_703 : i32
        %sign3A_705 = arith.constant 0 : i32
        %sign3A_706 = arith.cmpi sgt, %add3A_640, %sign3A_705 : i32
        %sign3A_707 = arith.extui %sign3A_706 : i1 to i32
        %sign3A_708 = arith.constant 0 : i32
        %sign3A_709 = arith.cmpi slt, %add3A_640, %sign3A_708 : i32
        %sign3A_710 = arith.extui %sign3A_709 : i1 to i32
        %sign3A_711 = arith.subi %sign3A_707, %sign3A_710 : i32
        %sign3A_712 = arith.constant 0 : i32
        %sign3A_713 = arith.cmpi sgt, %jit3A_703, %sign3A_712 : i32
        %sign3A_714 = arith.extui %sign3A_713 : i1 to i32
        %sign3A_715 = arith.constant 0 : i32
        %sign3A_716 = arith.cmpi slt, %jit3A_703, %sign3A_715 : i32
        %sign3A_717 = arith.extui %sign3A_716 : i1 to i32
        %sign3A_718 = arith.subi %sign3A_714, %sign3A_717 : i32
        %ne3A_719 = arith.cmpi ne, %sign3A_711, %sign3A_718 : i32
        %rem3A_720 = arith.remsi %add3A_640, %jit3A_703 : i32
        %ne3A_721 = arith.constant 0 : i32
        %ne3A_722 = arith.cmpi ne, %rem3A_720, %ne3A_721 : i32
        %and3A_723 = arith.andi %ne3A_719, %ne3A_722 : i1
        %sub3A_724 = arith.constant 1 : i32
        %sub3A_725 = arith.subi %div3A_704, %sub3A_724 : i32
        %select_n3A_726 = arith.select %and3A_723, %sub3A_725, %div3A_704 : i32
        %jit3A_727 = arith.constant 2 : i32
        %eq3A_728 = arith.constant 0 : i32
        %eq3A_729 = arith.cmpi eq, %jit3A_727, %eq3A_728 : i32
        %jit3A_730 = arith.constant 1 : i32
        %select_n3A_731 = arith.select %eq3A_729, %jit3A_730, %jit3A_727 : i32
        %rem3A_732 = arith.remsi %select_n3A_726, %select_n3A_731 : i32
        %ne3A_733 = arith.constant 0 : i32
        %ne3A_734 = arith.cmpi ne, %rem3A_732, %ne3A_733 : i32
        %lt3A_735 = arith.constant 0 : i32
        %lt3A_736 = arith.cmpi slt, %rem3A_732, %lt3A_735 : i32
        %lt3A_737 = arith.constant 0 : i32
        %lt3A_738 = arith.cmpi slt, %select_n3A_731, %lt3A_737 : i32
        %ne3A_739 = arith.xori %lt3A_736, %lt3A_738 : i1
        %and3A_740 = arith.andi %ne3A_739, %ne3A_734 : i1
        %add3A_741 = arith.addi %rem3A_732, %select_n3A_731 : i32
        %select_n3A_742 = arith.select %and3A_740, %add3A_741, %rem3A_732 : i32
        %jit3A_743 = arith.constant 10 : i32
        %eq3A_744 = arith.constant 0 : i32
        %eq3A_745 = arith.cmpi eq, %jit3A_743, %eq3A_744 : i32
        %jit3A_746 = arith.constant 1 : i32
        %select_n3A_747 = arith.select %eq3A_745, %jit3A_746, %jit3A_743 : i32
        %rem3A_748 = arith.remsi %add3A_640, %select_n3A_747 : i32
        %ne3A_749 = arith.constant 0 : i32
        %ne3A_750 = arith.cmpi ne, %rem3A_748, %ne3A_749 : i32
        %lt3A_751 = arith.constant 0 : i32
        %lt3A_752 = arith.cmpi slt, %rem3A_748, %lt3A_751 : i32
        %lt3A_753 = arith.constant 0 : i32
        %lt3A_754 = arith.cmpi slt, %select_n3A_747, %lt3A_753 : i32
        %ne3A_755 = arith.xori %lt3A_752, %lt3A_754 : i1
        %and3A_756 = arith.andi %ne3A_755, %ne3A_750 : i1
        %add3A_757 = arith.addi %rem3A_748, %select_n3A_747 : i32
        %select_n3A_758 = arith.select %and3A_756, %add3A_757, %rem3A_748 : i32
        %dma_start3A_759 = arith.constant 0 : i32
        %dma_start3A_760 = tpu.memref_slice %arg10[%select_n3A_742, %select_n3A_758, %dma_start3A_759] : memref<2x10x40xi32, #tpu.memory_space<vmem>> -> memref<1x1x40xi32, #tpu.memory_space<vmem>>
        %dma_start3A_761 = tpu.memref_squeeze %dma_start3A_760 : memref<1x1x40xi32, #tpu.memory_space<vmem>> -> memref<40xi32, #tpu.memory_space<vmem>>
        %dma_start3A_762 = arith.constant 0 : i32
        %dma_start3A_763 = arith.constant 0 : i32
        %dma_start3A_764 = tpu.memref_slice %arg3[%dma_start3A_762, %dma_start3A_763] : memref<10000x128xbf16, #tpu.memory_space<hbm>> -> memref<10000x128xbf16, #tpu.memory_space<hbm>>
        tpu.enqueue_indirect_dma source(%dma_start3A_764 : memref<10000x128xbf16, #tpu.memory_space<hbm>>) target(%arg13 : memref<40x128xbf16, #tpu.memory_space<vmem>>) offsets(%dma_start3A_761 : memref<40xi32, #tpu.memory_space<vmem>>) semaphore(%arg26 : memref<!tpu.dma_semaphore, #tpu.memory_space<semaphore_mem>>)
        %jit3A_765 = arith.constant 10 : i32
        %div3A_766 = arith.divsi %add3A_640, %jit3A_765 : i32
        %sign3A_767 = arith.constant 0 : i32
        %sign3A_768 = arith.cmpi sgt, %add3A_640, %sign3A_767 : i32
        %sign3A_769 = arith.extui %sign3A_768 : i1 to i32
        %sign3A_770 = arith.constant 0 : i32
        %sign3A_771 = arith.cmpi slt, %add3A_640, %sign3A_770 : i32
        %sign3A_772 = arith.extui %sign3A_771 : i1 to i32
        %sign3A_773 = arith.subi %sign3A_769, %sign3A_772 : i32
        %sign3A_774 = arith.constant 0 : i32
        %sign3A_775 = arith.cmpi sgt, %jit3A_765, %sign3A_774 : i32
        %sign3A_776 = arith.extui %sign3A_775 : i1 to i32
        %sign3A_777 = arith.constant 0 : i32
        %sign3A_778 = arith.cmpi slt, %jit3A_765, %sign3A_777 : i32
        %sign3A_779 = arith.extui %sign3A_778 : i1 to i32
        %sign3A_780 = arith.subi %sign3A_776, %sign3A_779 : i32
        %ne3A_781 = arith.cmpi ne, %sign3A_773, %sign3A_780 : i32
        %rem3A_782 = arith.remsi %add3A_640, %jit3A_765 : i32
        %ne3A_783 = arith.constant 0 : i32
        %ne3A_784 = arith.cmpi ne, %rem3A_782, %ne3A_783 : i32
        %and3A_785 = arith.andi %ne3A_781, %ne3A_784 : i1
        %sub3A_786 = arith.constant 1 : i32
        %sub3A_787 = arith.subi %div3A_766, %sub3A_786 : i32
        %select_n3A_788 = arith.select %and3A_785, %sub3A_787, %div3A_766 : i32
        %jit3A_789 = arith.constant 2 : i32
        %eq3A_790 = arith.constant 0 : i32
        %eq3A_791 = arith.cmpi eq, %jit3A_789, %eq3A_790 : i32
        %jit3A_792 = arith.constant 1 : i32
        %select_n3A_793 = arith.select %eq3A_791, %jit3A_792, %jit3A_789 : i32
        %rem3A_794 = arith.remsi %select_n3A_788, %select_n3A_793 : i32
        %ne3A_795 = arith.constant 0 : i32
        %ne3A_796 = arith.cmpi ne, %rem3A_794, %ne3A_795 : i32
        %lt3A_797 = arith.constant 0 : i32
        %lt3A_798 = arith.cmpi slt, %rem3A_794, %lt3A_797 : i32
        %lt3A_799 = arith.constant 0 : i32
        %lt3A_800 = arith.cmpi slt, %select_n3A_793, %lt3A_799 : i32
        %ne3A_801 = arith.xori %lt3A_798, %lt3A_800 : i1
        %and3A_802 = arith.andi %ne3A_801, %ne3A_796 : i1
        %add3A_803 = arith.addi %rem3A_794, %select_n3A_793 : i32
        %select_n3A_804 = arith.select %and3A_802, %add3A_803, %rem3A_794 : i32
        %jit3A_805 = arith.constant 10 : i32
        %eq3A_806 = arith.constant 0 : i32
        %eq3A_807 = arith.cmpi eq, %jit3A_805, %eq3A_806 : i32
        %jit3A_808 = arith.constant 1 : i32
        %select_n3A_809 = arith.select %eq3A_807, %jit3A_808, %jit3A_805 : i32
        %rem3A_810 = arith.remsi %add3A_640, %select_n3A_809 : i32
        %ne3A_811 = arith.constant 0 : i32
        %ne3A_812 = arith.cmpi ne, %rem3A_810, %ne3A_811 : i32
        %lt3A_813 = arith.constant 0 : i32
        %lt3A_814 = arith.cmpi slt, %rem3A_810, %lt3A_813 : i32
        %lt3A_815 = arith.constant 0 : i32
        %lt3A_816 = arith.cmpi slt, %select_n3A_809, %lt3A_815 : i32
        %ne3A_817 = arith.xori %lt3A_814, %lt3A_816 : i1
        %and3A_818 = arith.andi %ne3A_817, %ne3A_812 : i1
        %add3A_819 = arith.addi %rem3A_810, %select_n3A_809 : i32
        %select_n3A_820 = arith.select %and3A_818, %add3A_819, %rem3A_810 : i32
        %dma_start3A_821 = arith.constant 0 : i32
        %dma_start3A_822 = tpu.memref_slice %arg9[%select_n3A_804, %select_n3A_820, %dma_start3A_821] : memref<2x10x40xi32, #tpu.memory_space<vmem>> -> memref<1x1x40xi32, #tpu.memory_space<vmem>>
        %dma_start3A_823 = tpu.memref_squeeze %dma_start3A_822 : memref<1x1x40xi32, #tpu.memory_space<vmem>> -> memref<40xi32, #tpu.memory_space<vmem>>
        %dma_start3A_824 = arith.constant 0 : i32
        %dma_start3A_825 = arith.constant 0 : i32
        %dma_start3A_826 = tpu.memref_slice %arg4[%dma_start3A_824, %dma_start3A_825] : memref<10000x16xf32, #tpu.memory_space<hbm>> -> memref<10000x16xf32, #tpu.memory_space<hbm>>
        tpu.enqueue_indirect_dma source(%dma_start3A_826 : memref<10000x16xf32, #tpu.memory_space<hbm>>) target(%arg15 : memref<40x16xf32, #tpu.memory_space<vmem>>) offsets(%dma_start3A_823 : memref<40xi32, #tpu.memory_space<vmem>>) semaphore(%arg26 : memref<!tpu.dma_semaphore, #tpu.memory_space<semaphore_mem>>)
        %jit3A_827 = arith.constant 10 : i32
        %div3A_828 = arith.divsi %add3A_640, %jit3A_827 : i32
        %sign3A_829 = arith.constant 0 : i32
        %sign3A_830 = arith.cmpi sgt, %add3A_640, %sign3A_829 : i32
        %sign3A_831 = arith.extui %sign3A_830 : i1 to i32
        %sign3A_832 = arith.constant 0 : i32
        %sign3A_833 = arith.cmpi slt, %add3A_640, %sign3A_832 : i32
        %sign3A_834 = arith.extui %sign3A_833 : i1 to i32
        %sign3A_835 = arith.subi %sign3A_831, %sign3A_834 : i32
        %sign3A_836 = arith.constant 0 : i32
        %sign3A_837 = arith.cmpi sgt, %jit3A_827, %sign3A_836 : i32
        %sign3A_838 = arith.extui %sign3A_837 : i1 to i32
        %sign3A_839 = arith.constant 0 : i32
        %sign3A_840 = arith.cmpi slt, %jit3A_827, %sign3A_839 : i32
        %sign3A_841 = arith.extui %sign3A_840 : i1 to i32
        %sign3A_842 = arith.subi %sign3A_838, %sign3A_841 : i32
        %ne3A_843 = arith.cmpi ne, %sign3A_835, %sign3A_842 : i32
        %rem3A_844 = arith.remsi %add3A_640, %jit3A_827 : i32
        %ne3A_845 = arith.constant 0 : i32
        %ne3A_846 = arith.cmpi ne, %rem3A_844, %ne3A_845 : i32
        %and3A_847 = arith.andi %ne3A_843, %ne3A_846 : i1
        %sub3A_848 = arith.constant 1 : i32
        %sub3A_849 = arith.subi %div3A_828, %sub3A_848 : i32
        %select_n3A_850 = arith.select %and3A_847, %sub3A_849, %div3A_828 : i32
        %jit3A_851 = arith.constant 2 : i32
        %eq3A_852 = arith.constant 0 : i32
        %eq3A_853 = arith.cmpi eq, %jit3A_851, %eq3A_852 : i32
        %jit3A_854 = arith.constant 1 : i32
        %select_n3A_855 = arith.select %eq3A_853, %jit3A_854, %jit3A_851 : i32
        %rem3A_856 = arith.remsi %select_n3A_850, %select_n3A_855 : i32
        %ne3A_857 = arith.constant 0 : i32
        %ne3A_858 = arith.cmpi ne, %rem3A_856, %ne3A_857 : i32
        %lt3A_859 = arith.constant 0 : i32
        %lt3A_860 = arith.cmpi slt, %rem3A_856, %lt3A_859 : i32
        %lt3A_861 = arith.constant 0 : i32
        %lt3A_862 = arith.cmpi slt, %select_n3A_855, %lt3A_861 : i32
        %ne3A_863 = arith.xori %lt3A_860, %lt3A_862 : i1
        %and3A_864 = arith.andi %ne3A_863, %ne3A_858 : i1
        %add3A_865 = arith.addi %rem3A_856, %select_n3A_855 : i32
        %select_n3A_866 = arith.select %and3A_864, %add3A_865, %rem3A_856 : i32
        %jit3A_867 = arith.constant 10 : i32
        %eq3A_868 = arith.constant 0 : i32
        %eq3A_869 = arith.cmpi eq, %jit3A_867, %eq3A_868 : i32
        %jit3A_870 = arith.constant 1 : i32
        %select_n3A_871 = arith.select %eq3A_869, %jit3A_870, %jit3A_867 : i32
        %rem3A_872 = arith.remsi %add3A_640, %select_n3A_871 : i32
        %ne3A_873 = arith.constant 0 : i32
        %ne3A_874 = arith.cmpi ne, %rem3A_872, %ne3A_873 : i32
        %lt3A_875 = arith.constant 0 : i32
        %lt3A_876 = arith.cmpi slt, %rem3A_872, %lt3A_875 : i32
        %lt3A_877 = arith.constant 0 : i32
        %lt3A_878 = arith.cmpi slt, %select_n3A_871, %lt3A_877 : i32
        %ne3A_879 = arith.xori %lt3A_876, %lt3A_878 : i1
        %and3A_880 = arith.andi %ne3A_879, %ne3A_874 : i1
        %add3A_881 = arith.addi %rem3A_872, %select_n3A_871 : i32
        %select_n3A_882 = arith.select %and3A_880, %add3A_881, %rem3A_872 : i32
        %dma_start3A_883 = arith.constant 0 : i32
        %dma_start3A_884 = tpu.memref_slice %arg10[%select_n3A_866, %select_n3A_882, %dma_start3A_883] : memref<2x10x40xi32, #tpu.memory_space<vmem>> -> memref<1x1x40xi32, #tpu.memory_space<vmem>>
        %dma_start3A_885 = tpu.memref_squeeze %dma_start3A_884 : memref<1x1x40xi32, #tpu.memory_space<vmem>> -> memref<40xi32, #tpu.memory_space<vmem>>
        %dma_start3A_886 = arith.constant 0 : i32
        %dma_start3A_887 = arith.constant 0 : i32
        %dma_start3A_888 = tpu.memref_slice %arg4[%dma_start3A_886, %dma_start3A_887] : memref<10000x16xf32, #tpu.memory_space<hbm>> -> memref<10000x16xf32, #tpu.memory_space<hbm>>
        tpu.enqueue_indirect_dma source(%dma_start3A_888 : memref<10000x16xf32, #tpu.memory_space<hbm>>) target(%arg17 : memref<40x16xf32, #tpu.memory_space<vmem>>) offsets(%dma_start3A_885 : memref<40xi32, #tpu.memory_space<vmem>>) semaphore(%arg26 : memref<!tpu.dma_semaphore, #tpu.memory_space<semaphore_mem>>)
      } else {
      }
      %jit3A_456 = arith.constant 10 : i32
      %eq3A_457 = arith.constant 0 : i32
      %eq3A_458 = arith.cmpi eq, %jit3A_456, %eq3A_457 : i32
      %jit3A_459 = arith.constant 1 : i32
      %select_n3A_460 = arith.select %eq3A_458, %jit3A_459, %jit3A_456 : i32
      %rem3A_461 = arith.remsi %add3A_424, %select_n3A_460 : i32
      %ne3A_462 = arith.constant 0 : i32
      %ne3A_463 = arith.cmpi ne, %rem3A_461, %ne3A_462 : i32
      %lt3A_464 = arith.constant 0 : i32
      %lt3A_465 = arith.cmpi slt, %rem3A_461, %lt3A_464 : i32
      %lt3A_466 = arith.constant 0 : i32
      %lt3A_467 = arith.cmpi slt, %select_n3A_460, %lt3A_466 : i32
      %ne3A_468 = arith.xori %lt3A_465, %lt3A_467 : i1
      %and3A_469 = arith.andi %ne3A_468, %ne3A_463 : i1
      %add3A_470 = arith.addi %rem3A_461, %select_n3A_460 : i32
      %select_n3A_471 = arith.select %and3A_469, %add3A_470, %rem3A_461 : i32
      %eq3A_472 = arith.constant 2 : i32
      %eq3A_473 = arith.cmpi eq, %select_n3A_471, %eq3A_472 : i32
      %ge3A_474 = arith.constant 12 : i32
      %ge3A_475 = arith.cmpi sge, %add3A_424, %ge3A_474 : i32
      %lt3A_476 = arith.constant 242 : i32
      %lt3A_477 = arith.cmpi slt, %add3A_424, %lt3A_476 : i32
      %and3A_478 = arith.andi %ge3A_475, %lt3A_477 : i1
      %and3A_479 = arith.andi %eq3A_473, %and3A_478 : i1
      %convert_element_type3A_480 = arith.extui %and3A_479 : i1 to i32
      %cond3A_481 = arith.constant 0 : i32
      %cond3A_482 = arith.cmpi ne, %convert_element_type3A_480, %cond3A_481 : i32
      scf.if %cond3A_482 {
        %jit3A_639 = arith.constant 10 : i32
        %div3A_640 = arith.divsi %add3A_424, %jit3A_639 : i32
        %sign3A_641 = arith.constant 0 : i32
        %sign3A_642 = arith.cmpi sgt, %add3A_424, %sign3A_641 : i32
        %sign3A_643 = arith.extui %sign3A_642 : i1 to i32
        %sign3A_644 = arith.constant 0 : i32
        %sign3A_645 = arith.cmpi slt, %add3A_424, %sign3A_644 : i32
        %sign3A_646 = arith.extui %sign3A_645 : i1 to i32
        %sign3A_647 = arith.subi %sign3A_643, %sign3A_646 : i32
        %sign3A_648 = arith.constant 0 : i32
        %sign3A_649 = arith.cmpi sgt, %jit3A_639, %sign3A_648 : i32
        %sign3A_650 = arith.extui %sign3A_649 : i1 to i32
        %sign3A_651 = arith.constant 0 : i32
        %sign3A_652 = arith.cmpi slt, %jit3A_639, %sign3A_651 : i32
        %sign3A_653 = arith.extui %sign3A_652 : i1 to i32
        %sign3A_654 = arith.subi %sign3A_650, %sign3A_653 : i32
        %ne3A_655 = arith.cmpi ne, %sign3A_647, %sign3A_654 : i32
        %rem3A_656 = arith.remsi %add3A_424, %jit3A_639 : i32
        %ne3A_657 = arith.constant 0 : i32
        %ne3A_658 = arith.cmpi ne, %rem3A_656, %ne3A_657 : i32
        %and3A_659 = arith.andi %ne3A_655, %ne3A_658 : i1
        %sub3A_660 = arith.constant 1 : i32
        %sub3A_661 = arith.subi %div3A_640, %sub3A_660 : i32
        %select_n3A_662 = arith.select %and3A_659, %sub3A_661, %div3A_640 : i32
        %add3A_663 = arith.constant 1 : i32
        %add3A_664 = arith.addi %select_n3A_662, %add3A_663 : i32
        %jit3A_665 = arith.constant 2 : i32
        %eq3A_666 = arith.constant 0 : i32
        %eq3A_667 = arith.cmpi eq, %jit3A_665, %eq3A_666 : i32
        %jit3A_668 = arith.constant 1 : i32
        %select_n3A_669 = arith.select %eq3A_667, %jit3A_668, %jit3A_665 : i32
        %rem3A_670 = arith.remsi %add3A_664, %select_n3A_669 : i32
        %ne3A_671 = arith.constant 0 : i32
        %ne3A_672 = arith.cmpi ne, %rem3A_670, %ne3A_671 : i32
        %lt3A_673 = arith.constant 0 : i32
        %lt3A_674 = arith.cmpi slt, %rem3A_670, %lt3A_673 : i32
        %lt3A_675 = arith.constant 0 : i32
        %lt3A_676 = arith.cmpi slt, %select_n3A_669, %lt3A_675 : i32
        %ne3A_677 = arith.xori %lt3A_674, %lt3A_676 : i1
        %and3A_678 = arith.andi %ne3A_677, %ne3A_672 : i1
        %add3A_679 = arith.addi %rem3A_670, %select_n3A_669 : i32
        %select_n3A_680 = arith.select %and3A_678, %add3A_679, %rem3A_670 : i32
        %dma_start3A_681 = arith.constant 0 : i32
        %dma_start3A_682 = arith.constant 0 : i32
        %dma_start3A_683 = arith.constant 0 : i32
        %dma_start3A_684 = tpu.memref_slice %arg9[%select_n3A_680, %dma_start3A_682, %dma_start3A_683] : memref<2x10x40xi32, #tpu.memory_space<vmem>> -> memref<1x10x40xi32, #tpu.memory_space<vmem>>
        %dma_start3A_685 = tpu.memref_squeeze %dma_start3A_684 : memref<1x10x40xi32, #tpu.memory_space<vmem>> -> memref<10x40xi32, #tpu.memory_space<vmem>>
        %dma_start3A_686 = arith.constant 0 : i32
        %dma_start3A_687 = arith.constant 0 : i32
        %dma_start3A_688 = tpu.memref_slice %arg5[%dma_start3A_681, %add3A, %add3A_664, %dma_start3A_686, %dma_start3A_687] : memref<2x32x25x10x40xi32, #tpu.memory_space<hbm>> -> memref<1x1x1x10x40xi32, #tpu.memory_space<hbm>>
        %dma_start3A_689 = tpu.memref_squeeze %dma_start3A_688 : memref<1x1x1x10x40xi32, #tpu.memory_space<hbm>> -> memref<10x40xi32, #tpu.memory_space<hbm>>
        %dma_start3A_690 = arith.constant 0 : i32
        %dma_start3A_691 = arith.constant 0 : i32
        %dma_start3A_692 = tpu.memref_slice %arg9[%select_n3A_680, %dma_start3A_690, %dma_start3A_691] : memref<2x10x40xi32, #tpu.memory_space<vmem>> -> memref<1x10x40xi32, #tpu.memory_space<vmem>>
        %dma_start3A_693 = tpu.memref_squeeze %dma_start3A_692 : memref<1x10x40xi32, #tpu.memory_space<vmem>> -> memref<10x40xi32, #tpu.memory_space<vmem>>
        %dma_start3A_694 = arith.constant 0 : i32
        %dma_start3A_695 = arith.constant 0 : i32
        %dma_start3A_696 = tpu.memref_slice %arg5[%dma_start3A_681, %add3A, %add3A_664, %dma_start3A_694, %dma_start3A_695] : memref<2x32x25x10x40xi32, #tpu.memory_space<hbm>> -> memref<1x1x1x10x40xi32, #tpu.memory_space<hbm>>
        %dma_start3A_697 = tpu.memref_squeeze %dma_start3A_696 : memref<1x1x1x10x40xi32, #tpu.memory_space<hbm>> -> memref<10x40xi32, #tpu.memory_space<hbm>>
        tpu.enqueue_dma source(%dma_start3A_697 : memref<10x40xi32, #tpu.memory_space<hbm>>) target(%dma_start3A_693 : memref<10x40xi32, #tpu.memory_space<vmem>>) target_semaphore(%arg30 : memref<!tpu.dma_semaphore, #tpu.memory_space<semaphore_mem>>)
        %jit3A_698 = arith.constant 2 : i32
        %eq3A_699 = arith.constant 0 : i32
        %eq3A_700 = arith.cmpi eq, %jit3A_698, %eq3A_699 : i32
        %jit3A_701 = arith.constant 1 : i32
        %select_n3A_702 = arith.select %eq3A_700, %jit3A_701, %jit3A_698 : i32
        %rem3A_703 = arith.remsi %add3A_664, %select_n3A_702 : i32
        %ne3A_704 = arith.constant 0 : i32
        %ne3A_705 = arith.cmpi ne, %rem3A_703, %ne3A_704 : i32
        %lt3A_706 = arith.constant 0 : i32
        %lt3A_707 = arith.cmpi slt, %rem3A_703, %lt3A_706 : i32
        %lt3A_708 = arith.constant 0 : i32
        %lt3A_709 = arith.cmpi slt, %select_n3A_702, %lt3A_708 : i32
        %ne3A_710 = arith.xori %lt3A_707, %lt3A_709 : i1
        %and3A_711 = arith.andi %ne3A_710, %ne3A_705 : i1
        %add3A_712 = arith.addi %rem3A_703, %select_n3A_702 : i32
        %select_n3A_713 = arith.select %and3A_711, %add3A_712, %rem3A_703 : i32
        %dma_start3A_714 = arith.constant 1 : i32
        %dma_start3A_715 = arith.constant 0 : i32
        %dma_start3A_716 = arith.constant 0 : i32
        %dma_start3A_717 = tpu.memref_slice %arg10[%select_n3A_713, %dma_start3A_715, %dma_start3A_716] : memref<2x10x40xi32, #tpu.memory_space<vmem>> -> memref<1x10x40xi32, #tpu.memory_space<vmem>>
        %dma_start3A_718 = tpu.memref_squeeze %dma_start3A_717 : memref<1x10x40xi32, #tpu.memory_space<vmem>> -> memref<10x40xi32, #tpu.memory_space<vmem>>
        %dma_start3A_719 = arith.constant 0 : i32
        %dma_start3A_720 = arith.constant 0 : i32
        %dma_start3A_721 = tpu.memref_slice %arg5[%dma_start3A_714, %add3A, %add3A_664, %dma_start3A_719, %dma_start3A_720] : memref<2x32x25x10x40xi32, #tpu.memory_space<hbm>> -> memref<1x1x1x10x40xi32, #tpu.memory_space<hbm>>
        %dma_start3A_722 = tpu.memref_squeeze %dma_start3A_721 : memref<1x1x1x10x40xi32, #tpu.memory_space<hbm>> -> memref<10x40xi32, #tpu.memory_space<hbm>>
        %dma_start3A_723 = arith.constant 0 : i32
        %dma_start3A_724 = arith.constant 0 : i32
        %dma_start3A_725 = tpu.memref_slice %arg10[%select_n3A_713, %dma_start3A_723, %dma_start3A_724] : memref<2x10x40xi32, #tpu.memory_space<vmem>> -> memref<1x10x40xi32, #tpu.memory_space<vmem>>
        %dma_start3A_726 = tpu.memref_squeeze %dma_start3A_725 : memref<1x10x40xi32, #tpu.memory_space<vmem>> -> memref<10x40xi32, #tpu.memory_space<vmem>>
        %dma_start3A_727 = arith.constant 0 : i32
        %dma_start3A_728 = arith.constant 0 : i32
        %dma_start3A_729 = tpu.memref_slice %arg5[%dma_start3A_714, %add3A, %add3A_664, %dma_start3A_727, %dma_start3A_728] : memref<2x32x25x10x40xi32, #tpu.memory_space<hbm>> -> memref<1x1x1x10x40xi32, #tpu.memory_space<hbm>>
        %dma_start3A_730 = tpu.memref_squeeze %dma_start3A_729 : memref<1x1x1x10x40xi32, #tpu.memory_space<hbm>> -> memref<10x40xi32, #tpu.memory_space<hbm>>
        tpu.enqueue_dma source(%dma_start3A_730 : memref<10x40xi32, #tpu.memory_space<hbm>>) target(%dma_start3A_726 : memref<10x40xi32, #tpu.memory_space<vmem>>) target_semaphore(%arg30 : memref<!tpu.dma_semaphore, #tpu.memory_space<semaphore_mem>>)
      } else {
      }
      %dma_wait3A_483 = arith.constant 0 : i32
      %dma_wait3A_484 = arith.constant 0 : i32
      %dma_wait3A_485 = tpu.memref_slice %arg2[%dma_wait3A_483, %dma_wait3A_484] : memref<10000x128xbf16, #tpu.memory_space<hbm>> -> memref<40x128xbf16, #tpu.memory_space<hbm>>
      %dma_wait3A_486 = arith.constant 0 : i32
      %dma_wait3A_487 = arith.constant 0 : i32
      %dma_wait3A_488 = tpu.memref_slice %arg2[%dma_wait3A_486, %dma_wait3A_487] : memref<10000x128xbf16, #tpu.memory_space<hbm>> -> memref<40x128xbf16, #tpu.memory_space<hbm>>
      tpu.wait_dma2 semaphore(%arg27 : memref<!tpu.dma_semaphore, #tpu.memory_space<semaphore_mem>>) src(%dma_wait3A_488 : memref<40x128xbf16, #tpu.memory_space<hbm>>) dst(%arg12 : memref<40x128xbf16, #tpu.memory_space<vmem>>)
      %dma_wait3A_489 = arith.constant 0 : i32
      %dma_wait3A_490 = arith.constant 0 : i32
      %dma_wait3A_491 = tpu.memref_slice %arg3[%dma_wait3A_489, %dma_wait3A_490] : memref<10000x128xbf16, #tpu.memory_space<hbm>> -> memref<40x128xbf16, #tpu.memory_space<hbm>>
      %dma_wait3A_492 = arith.constant 0 : i32
      %dma_wait3A_493 = arith.constant 0 : i32
      %dma_wait3A_494 = tpu.memref_slice %arg3[%dma_wait3A_492, %dma_wait3A_493] : memref<10000x128xbf16, #tpu.memory_space<hbm>> -> memref<40x128xbf16, #tpu.memory_space<hbm>>
      tpu.wait_dma2 semaphore(%arg27 : memref<!tpu.dma_semaphore, #tpu.memory_space<semaphore_mem>>) src(%dma_wait3A_494 : memref<40x128xbf16, #tpu.memory_space<hbm>>) dst(%arg14 : memref<40x128xbf16, #tpu.memory_space<vmem>>)
      %dma_wait3A_495 = arith.constant 0 : i32
      %dma_wait3A_496 = arith.constant 0 : i32
      %dma_wait3A_497 = tpu.memref_slice %arg4[%dma_wait3A_495, %dma_wait3A_496] : memref<10000x16xf32, #tpu.memory_space<hbm>> -> memref<40x16xf32, #tpu.memory_space<hbm>>
      %dma_wait3A_498 = arith.constant 0 : i32
      %dma_wait3A_499 = arith.constant 0 : i32
      %dma_wait3A_500 = tpu.memref_slice %arg4[%dma_wait3A_498, %dma_wait3A_499] : memref<10000x16xf32, #tpu.memory_space<hbm>> -> memref<40x16xf32, #tpu.memory_space<hbm>>
      tpu.wait_dma2 semaphore(%arg27 : memref<!tpu.dma_semaphore, #tpu.memory_space<semaphore_mem>>) src(%dma_wait3A_500 : memref<40x16xf32, #tpu.memory_space<hbm>>) dst(%arg16 : memref<40x16xf32, #tpu.memory_space<vmem>>)
      %dma_wait3A_501 = arith.constant 0 : i32
      %dma_wait3A_502 = arith.constant 0 : i32
      %dma_wait3A_503 = tpu.memref_slice %arg4[%dma_wait3A_501, %dma_wait3A_502] : memref<10000x16xf32, #tpu.memory_space<hbm>> -> memref<40x16xf32, #tpu.memory_space<hbm>>
      %dma_wait3A_504 = arith.constant 0 : i32
      %dma_wait3A_505 = arith.constant 0 : i32
      %dma_wait3A_506 = tpu.memref_slice %arg4[%dma_wait3A_504, %dma_wait3A_505] : memref<10000x16xf32, #tpu.memory_space<hbm>> -> memref<40x16xf32, #tpu.memory_space<hbm>>
      tpu.wait_dma2 semaphore(%arg27 : memref<!tpu.dma_semaphore, #tpu.memory_space<semaphore_mem>>) src(%dma_wait3A_506 : memref<40x16xf32, #tpu.memory_space<hbm>>) dst(%arg18 : memref<40x16xf32, #tpu.memory_space<vmem>>)
      %ge3A_507 = arith.constant 2 : i32
      %ge3A_508 = arith.cmpi sge, %add3A_424, %ge3A_507 : i32
      %convert_element_type3A_509 = arith.extui %ge3A_508 : i1 to i32
      %cond3A_510 = arith.constant 0 : i32
      %cond3A_511 = arith.cmpi ne, %convert_element_type3A_509, %cond3A_510 : i32
      scf.if %cond3A_511 {
        %dma_wait3A_639 = arith.constant 0 : i32
        %dma_wait3A_640 = arith.constant 0 : i32
        %dma_wait3A_641 = tpu.memref_slice %arg2[%dma_wait3A_639, %dma_wait3A_640] : memref<10000x128xbf16, #tpu.memory_space<hbm>> -> memref<40x128xbf16, #tpu.memory_space<hbm>>
        %dma_wait3A_642 = arith.constant 0 : i32
        %dma_wait3A_643 = arith.constant 0 : i32
        %dma_wait3A_644 = tpu.memref_slice %arg2[%dma_wait3A_642, %dma_wait3A_643] : memref<10000x128xbf16, #tpu.memory_space<hbm>> -> memref<40x128xbf16, #tpu.memory_space<hbm>>
        tpu.wait_dma2 semaphore(%arg29 : memref<!tpu.dma_semaphore, #tpu.memory_space<semaphore_mem>>) src(%dma_wait3A_644 : memref<40x128xbf16, #tpu.memory_space<hbm>>) dst(%arg20 : memref<40x128xf32, #tpu.memory_space<vmem>>)
        %dma_wait3A_645 = arith.constant 0 : i32
        %dma_wait3A_646 = arith.constant 0 : i32
        %dma_wait3A_647 = tpu.memref_slice %arg4[%dma_wait3A_645, %dma_wait3A_646] : memref<10000x16xf32, #tpu.memory_space<hbm>> -> memref<40x16xf32, #tpu.memory_space<hbm>>
        %dma_wait3A_648 = arith.constant 0 : i32
        %dma_wait3A_649 = arith.constant 0 : i32
        %dma_wait3A_650 = tpu.memref_slice %arg4[%dma_wait3A_648, %dma_wait3A_649] : memref<10000x16xf32, #tpu.memory_space<hbm>> -> memref<40x16xf32, #tpu.memory_space<hbm>>
        tpu.wait_dma2 semaphore(%arg29 : memref<!tpu.dma_semaphore, #tpu.memory_space<semaphore_mem>>) src(%dma_wait3A_650 : memref<40x16xf32, #tpu.memory_space<hbm>>) dst(%arg22 : memref<40x16xf32, #tpu.memory_space<vmem>>)
      } else {
      }
      %parallel_loop3A_512 = arith.constant 0 : i32
      %parallel_loop3A_513 = arith.constant 40 : i32
      %parallel_loop3A_514 = arith.constant 1 : i32
      scf.for %parallel_loop3A_639 = %parallel_loop3A_512 to %parallel_loop3A_513 step %parallel_loop3A_514  : i32 {
        %parallel_loop3A_640 = arith.index_cast %parallel_loop3A_639 : i32 to index
        %parallel_loop3A_641 = arith.constant 0 : index
        %parallel_loop3A_642 = tpu.vector_load %arg16[%parallel_loop3A_640, %parallel_loop3A_641] {strides = array<i32>} : memref<40x16xf32, #tpu.memory_space<vmem>>, vector<16xf32>,
        %parallel_loop3A_643 = arith.index_cast %parallel_loop3A_639 : i32 to index
        %parallel_loop3A_644 = arith.constant 0 : index
        %parallel_loop3A_645 = tpu.vector_load %arg18[%parallel_loop3A_643, %parallel_loop3A_644] {strides = array<i32>} : memref<40x16xf32, #tpu.memory_space<vmem>>, vector<16xf32>,
        %parallel_loop3A_646 = arith.subf %parallel_loop3A_642, %parallel_loop3A_645 : vector<16xf32>
        %parallel_loop3A_647 = arith.mulf %parallel_loop3A_646, %parallel_loop3A_646 : vector<16xf32>
        %parallel_loop3A_648 = arith.constant true
        %parallel_loop3A_649 = vector.broadcast %parallel_loop3A_648 : i1 to vector<16xi1>
        %parallel_loop3A_650 = tpu.scan <sum>, %parallel_loop3A_647 masked %parallel_loop3A_649 : vector<16xf32>, vector<16xi1> -> vector<16xf32>
        %parallel_loop3A_651 = vector.extract %parallel_loop3A_650[15] : f32 from vector<16xf32>
        %parallel_loop3A_652 = arith.index_cast %parallel_loop3A_639 : i32 to index
        %parallel_loop3A_653 = arith.constant 0 : index
        %parallel_loop3A_654 = tpu.vector_load %arg12[%parallel_loop3A_652, %parallel_loop3A_653] {strides = array<i32>} : memref<40x128xbf16, #tpu.memory_space<vmem>>, vector<32xbf16>,
        %parallel_loop3A_655 = arith.index_cast %parallel_loop3A_639 : i32 to index
        %parallel_loop3A_656 = arith.constant 0 : index
        %parallel_loop3A_657 = tpu.vector_load %arg14[%parallel_loop3A_655, %parallel_loop3A_656] {strides = array<i32>} : memref<40x128xbf16, #tpu.memory_space<vmem>>, vector<32xbf16>,
        %parallel_loop3A_658 = tpu.unpack_subelements %parallel_loop3A_654, 0 {pack_format = #tpu.pack_format<interleaved>} : vector<32xbf16> -> vector<16xf32>
        %parallel_loop3A_659 = tpu.unpack_subelements %parallel_loop3A_654, 1 {pack_format = #tpu.pack_format<interleaved>} : vector<32xbf16> -> vector<16xf32>
        %parallel_loop3A_660 = tpu.unpack_subelements %parallel_loop3A_657, 0 {pack_format = #tpu.pack_format<interleaved>} : vector<32xbf16> -> vector<16xf32>
        %parallel_loop3A_661 = tpu.unpack_subelements %parallel_loop3A_657, 1 {pack_format = #tpu.pack_format<interleaved>} : vector<32xbf16> -> vector<16xf32>
        %parallel_loop3A_662 = arith.addf %parallel_loop3A_658, %parallel_loop3A_660 : vector<16xf32>
        %parallel_loop3A_663 = vector.broadcast %parallel_loop3A_651 : f32 to vector<16xf32>
        %parallel_loop3A_664 = arith.mulf %parallel_loop3A_663, %get3A_43 : vector<16xf32>
        %parallel_loop3A_665 = arith.addf %parallel_loop3A_662, %parallel_loop3A_664 : vector<16xf32>
        %parallel_loop3A_666 = arith.constant 0.000000e+00 : f32
        %parallel_loop3A_667 = vector.broadcast %parallel_loop3A_666 : f32 to vector<16xf32>
        %parallel_loop3A_668 = arith.maximumf %parallel_loop3A_665, %parallel_loop3A_667 : vector<16xf32>
        %parallel_loop3A_669 = arith.index_cast %parallel_loop3A_639 : i32 to index
        %parallel_loop3A_670 = arith.constant 0 : index
        %parallel_loop3A_671 = tpu.vector_load %arg20[%parallel_loop3A_669, %parallel_loop3A_670] {strides = array<i32>} : memref<40x128xf32, #tpu.memory_space<vmem>>, vector<16xf32>,
        tpu.vector_store %arg20[%parallel_loop3A_669, %parallel_loop3A_670], %parallel_loop3A_668 {strides = array<i32>} : memref<40x128xf32, #tpu.memory_space<vmem>>, vector<16xf32>,
        %parallel_loop3A_672 = arith.mulf %parallel_loop3A_668, %get3A_59 : vector<16xf32>
        %parallel_loop3A_673 = arith.addf %broadcast_in_dim3A_79, %parallel_loop3A_672 : vector<16xf32>
        %parallel_loop3A_674 = arith.addf %parallel_loop3A_659, %parallel_loop3A_661 : vector<16xf32>
        %parallel_loop3A_675 = vector.broadcast %parallel_loop3A_651 : f32 to vector<16xf32>
        %parallel_loop3A_676 = arith.mulf %parallel_loop3A_675, %get3A_45 : vector<16xf32>
        %parallel_loop3A_677 = arith.addf %parallel_loop3A_674, %parallel_loop3A_676 : vector<16xf32>
        %parallel_loop3A_678 = arith.constant 0.000000e+00 : f32
        %parallel_loop3A_679 = vector.broadcast %parallel_loop3A_678 : f32 to vector<16xf32>
        %parallel_loop3A_680 = arith.maximumf %parallel_loop3A_677, %parallel_loop3A_679 : vector<16xf32>
        %parallel_loop3A_681 = arith.index_cast %parallel_loop3A_639 : i32 to index
        %parallel_loop3A_682 = arith.constant 16 : index
        %parallel_loop3A_683 = tpu.vector_load %arg20[%parallel_loop3A_681, %parallel_loop3A_682] {strides = array<i32>} : memref<40x128xf32, #tpu.memory_space<vmem>>, vector<16xf32>,
        tpu.vector_store %arg20[%parallel_loop3A_681, %parallel_loop3A_682], %parallel_loop3A_680 {strides = array<i32>} : memref<40x128xf32, #tpu.memory_space<vmem>>, vector<16xf32>,
        %parallel_loop3A_684 = arith.mulf %parallel_loop3A_680, %get3A_61 : vector<16xf32>
        %parallel_loop3A_685 = arith.addf %parallel_loop3A_673, %parallel_loop3A_684 : vector<16xf32>
        %parallel_loop3A_686 = arith.index_cast %parallel_loop3A_639 : i32 to index
        %parallel_loop3A_687 = arith.constant 32 : index
        %parallel_loop3A_688 = tpu.vector_load %arg12[%parallel_loop3A_686, %parallel_loop3A_687] {strides = array<i32>} : memref<40x128xbf16, #tpu.memory_space<vmem>>, vector<32xbf16>,
        %parallel_loop3A_689 = arith.index_cast %parallel_loop3A_639 : i32 to index
        %parallel_loop3A_690 = arith.constant 32 : index
        %parallel_loop3A_691 = tpu.vector_load %arg14[%parallel_loop3A_689, %parallel_loop3A_690] {strides = array<i32>} : memref<40x128xbf16, #tpu.memory_space<vmem>>, vector<32xbf16>,
        %parallel_loop3A_692 = tpu.unpack_subelements %parallel_loop3A_688, 0 {pack_format = #tpu.pack_format<interleaved>} : vector<32xbf16> -> vector<16xf32>
        %parallel_loop3A_693 = tpu.unpack_subelements %parallel_loop3A_688, 1 {pack_format = #tpu.pack_format<interleaved>} : vector<32xbf16> -> vector<16xf32>
        %parallel_loop3A_694 = tpu.unpack_subelements %parallel_loop3A_691, 0 {pack_format = #tpu.pack_format<interleaved>} : vector<32xbf16> -> vector<16xf32>
        %parallel_loop3A_695 = tpu.unpack_subelements %parallel_loop3A_691, 1 {pack_format = #tpu.pack_format<interleaved>} : vector<32xbf16> -> vector<16xf32>
        %parallel_loop3A_696 = arith.addf %parallel_loop3A_692, %parallel_loop3A_694 : vector<16xf32>
        %parallel_loop3A_697 = vector.broadcast %parallel_loop3A_651 : f32 to vector<16xf32>
        %parallel_loop3A_698 = arith.mulf %parallel_loop3A_697, %get3A_47 : vector<16xf32>
        %parallel_loop3A_699 = arith.addf %parallel_loop3A_696, %parallel_loop3A_698 : vector<16xf32>
        %parallel_loop3A_700 = arith.constant 0.000000e+00 : f32
        %parallel_loop3A_701 = vector.broadcast %parallel_loop3A_700 : f32 to vector<16xf32>
        %parallel_loop3A_702 = arith.maximumf %parallel_loop3A_699, %parallel_loop3A_701 : vector<16xf32>
        %parallel_loop3A_703 = arith.index_cast %parallel_loop3A_639 : i32 to index
        %parallel_loop3A_704 = arith.constant 32 : index
        %parallel_loop3A_705 = tpu.vector_load %arg20[%parallel_loop3A_703, %parallel_loop3A_704] {strides = array<i32>} : memref<40x128xf32, #tpu.memory_space<vmem>>, vector<16xf32>,
        tpu.vector_store %arg20[%parallel_loop3A_703, %parallel_loop3A_704], %parallel_loop3A_702 {strides = array<i32>} : memref<40x128xf32, #tpu.memory_space<vmem>>, vector<16xf32>,
        %parallel_loop3A_706 = arith.mulf %parallel_loop3A_702, %get3A_63 : vector<16xf32>
        %parallel_loop3A_707 = arith.addf %parallel_loop3A_685, %parallel_loop3A_706 : vector<16xf32>
        %parallel_loop3A_708 = arith.addf %parallel_loop3A_693, %parallel_loop3A_695 : vector<16xf32>
        %parallel_loop3A_709 = vector.broadcast %parallel_loop3A_651 : f32 to vector<16xf32>
        %parallel_loop3A_710 = arith.mulf %parallel_loop3A_709, %get3A_49 : vector<16xf32>
        %parallel_loop3A_711 = arith.addf %parallel_loop3A_708, %parallel_loop3A_710 : vector<16xf32>
        %parallel_loop3A_712 = arith.constant 0.000000e+00 : f32
        %parallel_loop3A_713 = vector.broadcast %parallel_loop3A_712 : f32 to vector<16xf32>
        %parallel_loop3A_714 = arith.maximumf %parallel_loop3A_711, %parallel_loop3A_713 : vector<16xf32>
        %parallel_loop3A_715 = arith.index_cast %parallel_loop3A_639 : i32 to index
        %parallel_loop3A_716 = arith.constant 48 : index
        %parallel_loop3A_717 = tpu.vector_load %arg20[%parallel_loop3A_715, %parallel_loop3A_716] {strides = array<i32>} : memref<40x128xf32, #tpu.memory_space<vmem>>, vector<16xf32>,
        tpu.vector_store %arg20[%parallel_loop3A_715, %parallel_loop3A_716], %parallel_loop3A_714 {strides = array<i32>} : memref<40x128xf32, #tpu.memory_space<vmem>>, vector<16xf32>,
        %parallel_loop3A_718 = arith.mulf %parallel_loop3A_714, %get3A_65 : vector<16xf32>
        %parallel_loop3A_719 = arith.addf %parallel_loop3A_707, %parallel_loop3A_718 : vector<16xf32>
        %parallel_loop3A_720 = arith.index_cast %parallel_loop3A_639 : i32 to index
        %parallel_loop3A_721 = arith.constant 64 : index
        %parallel_loop3A_722 = tpu.vector_load %arg12[%parallel_loop3A_720, %parallel_loop3A_721] {strides = array<i32>} : memref<40x128xbf16, #tpu.memory_space<vmem>>, vector<32xbf16>,
        %parallel_loop3A_723 = arith.index_cast %parallel_loop3A_639 : i32 to index
        %parallel_loop3A_724 = arith.constant 64 : index
        %parallel_loop3A_725 = tpu.vector_load %arg14[%parallel_loop3A_723, %parallel_loop3A_724] {strides = array<i32>} : memref<40x128xbf16, #tpu.memory_space<vmem>>, vector<32xbf16>,
        %parallel_loop3A_726 = tpu.unpack_subelements %parallel_loop3A_722, 0 {pack_format = #tpu.pack_format<interleaved>} : vector<32xbf16> -> vector<16xf32>
        %parallel_loop3A_727 = tpu.unpack_subelements %parallel_loop3A_722, 1 {pack_format = #tpu.pack_format<interleaved>} : vector<32xbf16> -> vector<16xf32>
        %parallel_loop3A_728 = tpu.unpack_subelements %parallel_loop3A_725, 0 {pack_format = #tpu.pack_format<interleaved>} : vector<32xbf16> -> vector<16xf32>
        %parallel_loop3A_729 = tpu.unpack_subelements %parallel_loop3A_725, 1 {pack_format = #tpu.pack_format<interleaved>} : vector<32xbf16> -> vector<16xf32>
        %parallel_loop3A_730 = arith.addf %parallel_loop3A_726, %parallel_loop3A_728 : vector<16xf32>
        %parallel_loop3A_731 = vector.broadcast %parallel_loop3A_651 : f32 to vector<16xf32>
        %parallel_loop3A_732 = arith.mulf %parallel_loop3A_731, %get3A_51 : vector<16xf32>
        %parallel_loop3A_733 = arith.addf %parallel_loop3A_730, %parallel_loop3A_732 : vector<16xf32>
        %parallel_loop3A_734 = arith.constant 0.000000e+00 : f32
        %parallel_loop3A_735 = vector.broadcast %parallel_loop3A_734 : f32 to vector<16xf32>
        %parallel_loop3A_736 = arith.maximumf %parallel_loop3A_733, %parallel_loop3A_735 : vector<16xf32>
        %parallel_loop3A_737 = arith.index_cast %parallel_loop3A_639 : i32 to index
        %parallel_loop3A_738 = arith.constant 64 : index
        %parallel_loop3A_739 = tpu.vector_load %arg20[%parallel_loop3A_737, %parallel_loop3A_738] {strides = array<i32>} : memref<40x128xf32, #tpu.memory_space<vmem>>, vector<16xf32>,
        tpu.vector_store %arg20[%parallel_loop3A_737, %parallel_loop3A_738], %parallel_loop3A_736 {strides = array<i32>} : memref<40x128xf32, #tpu.memory_space<vmem>>, vector<16xf32>,
        %parallel_loop3A_740 = arith.mulf %parallel_loop3A_736, %get3A_67 : vector<16xf32>
        %parallel_loop3A_741 = arith.addf %parallel_loop3A_719, %parallel_loop3A_740 : vector<16xf32>
        %parallel_loop3A_742 = arith.addf %parallel_loop3A_727, %parallel_loop3A_729 : vector<16xf32>
        %parallel_loop3A_743 = vector.broadcast %parallel_loop3A_651 : f32 to vector<16xf32>
        %parallel_loop3A_744 = arith.mulf %parallel_loop3A_743, %get3A_53 : vector<16xf32>
        %parallel_loop3A_745 = arith.addf %parallel_loop3A_742, %parallel_loop3A_744 : vector<16xf32>
        %parallel_loop3A_746 = arith.constant 0.000000e+00 : f32
        %parallel_loop3A_747 = vector.broadcast %parallel_loop3A_746 : f32 to vector<16xf32>
        %parallel_loop3A_748 = arith.maximumf %parallel_loop3A_745, %parallel_loop3A_747 : vector<16xf32>
        %parallel_loop3A_749 = arith.index_cast %parallel_loop3A_639 : i32 to index
        %parallel_loop3A_750 = arith.constant 80 : index
        %parallel_loop3A_751 = tpu.vector_load %arg20[%parallel_loop3A_749, %parallel_loop3A_750] {strides = array<i32>} : memref<40x128xf32, #tpu.memory_space<vmem>>, vector<16xf32>,
        tpu.vector_store %arg20[%parallel_loop3A_749, %parallel_loop3A_750], %parallel_loop3A_748 {strides = array<i32>} : memref<40x128xf32, #tpu.memory_space<vmem>>, vector<16xf32>,
        %parallel_loop3A_752 = arith.mulf %parallel_loop3A_748, %get3A_69 : vector<16xf32>
        %parallel_loop3A_753 = arith.addf %parallel_loop3A_741, %parallel_loop3A_752 : vector<16xf32>
        %parallel_loop3A_754 = arith.index_cast %parallel_loop3A_639 : i32 to index
        %parallel_loop3A_755 = arith.constant 96 : index
        %parallel_loop3A_756 = tpu.vector_load %arg12[%parallel_loop3A_754, %parallel_loop3A_755] {strides = array<i32>} : memref<40x128xbf16, #tpu.memory_space<vmem>>, vector<32xbf16>,
        %parallel_loop3A_757 = arith.index_cast %parallel_loop3A_639 : i32 to index
        %parallel_loop3A_758 = arith.constant 96 : index
        %parallel_loop3A_759 = tpu.vector_load %arg14[%parallel_loop3A_757, %parallel_loop3A_758] {strides = array<i32>} : memref<40x128xbf16, #tpu.memory_space<vmem>>, vector<32xbf16>,
        %parallel_loop3A_760 = tpu.unpack_subelements %parallel_loop3A_756, 0 {pack_format = #tpu.pack_format<interleaved>} : vector<32xbf16> -> vector<16xf32>
        %parallel_loop3A_761 = tpu.unpack_subelements %parallel_loop3A_756, 1 {pack_format = #tpu.pack_format<interleaved>} : vector<32xbf16> -> vector<16xf32>
        %parallel_loop3A_762 = tpu.unpack_subelements %parallel_loop3A_759, 0 {pack_format = #tpu.pack_format<interleaved>} : vector<32xbf16> -> vector<16xf32>
        %parallel_loop3A_763 = tpu.unpack_subelements %parallel_loop3A_759, 1 {pack_format = #tpu.pack_format<interleaved>} : vector<32xbf16> -> vector<16xf32>
        %parallel_loop3A_764 = arith.addf %parallel_loop3A_760, %parallel_loop3A_762 : vector<16xf32>
        %parallel_loop3A_765 = vector.broadcast %parallel_loop3A_651 : f32 to vector<16xf32>
        %parallel_loop3A_766 = arith.mulf %parallel_loop3A_765, %get3A_55 : vector<16xf32>
        %parallel_loop3A_767 = arith.addf %parallel_loop3A_764, %parallel_loop3A_766 : vector<16xf32>
        %parallel_loop3A_768 = arith.constant 0.000000e+00 : f32
        %parallel_loop3A_769 = vector.broadcast %parallel_loop3A_768 : f32 to vector<16xf32>
        %parallel_loop3A_770 = arith.maximumf %parallel_loop3A_767, %parallel_loop3A_769 : vector<16xf32>
        %parallel_loop3A_771 = arith.index_cast %parallel_loop3A_639 : i32 to index
        %parallel_loop3A_772 = arith.constant 96 : index
        %parallel_loop3A_773 = tpu.vector_load %arg20[%parallel_loop3A_771, %parallel_loop3A_772] {strides = array<i32>} : memref<40x128xf32, #tpu.memory_space<vmem>>, vector<16xf32>,
        tpu.vector_store %arg20[%parallel_loop3A_771, %parallel_loop3A_772], %parallel_loop3A_770 {strides = array<i32>} : memref<40x128xf32, #tpu.memory_space<vmem>>, vector<16xf32>,
        %parallel_loop3A_774 = arith.mulf %parallel_loop3A_770, %get3A_71 : vector<16xf32>
        %parallel_loop3A_775 = arith.addf %parallel_loop3A_753, %parallel_loop3A_774 : vector<16xf32>
        %parallel_loop3A_776 = arith.addf %parallel_loop3A_761, %parallel_loop3A_763 : vector<16xf32>
        %parallel_loop3A_777 = vector.broadcast %parallel_loop3A_651 : f32 to vector<16xf32>
        %parallel_loop3A_778 = arith.mulf %parallel_loop3A_777, %get3A_57 : vector<16xf32>
        %parallel_loop3A_779 = arith.addf %parallel_loop3A_776, %parallel_loop3A_778 : vector<16xf32>
        %parallel_loop3A_780 = arith.constant 0.000000e+00 : f32
        %parallel_loop3A_781 = vector.broadcast %parallel_loop3A_780 : f32 to vector<16xf32>
        %parallel_loop3A_782 = arith.maximumf %parallel_loop3A_779, %parallel_loop3A_781 : vector<16xf32>
        %parallel_loop3A_783 = arith.index_cast %parallel_loop3A_639 : i32 to index
        %parallel_loop3A_784 = arith.constant 112 : index
        %parallel_loop3A_785 = tpu.vector_load %arg20[%parallel_loop3A_783, %parallel_loop3A_784] {strides = array<i32>} : memref<40x128xf32, #tpu.memory_space<vmem>>, vector<16xf32>,
        tpu.vector_store %arg20[%parallel_loop3A_783, %parallel_loop3A_784], %parallel_loop3A_782 {strides = array<i32>} : memref<40x128xf32, #tpu.memory_space<vmem>>, vector<16xf32>,
        %parallel_loop3A_786 = arith.mulf %parallel_loop3A_782, %get3A_73 : vector<16xf32>
        %parallel_loop3A_787 = arith.addf %parallel_loop3A_775, %parallel_loop3A_786 : vector<16xf32>
        %parallel_loop3A_788 = arith.constant true
        %parallel_loop3A_789 = vector.broadcast %parallel_loop3A_788 : i1 to vector<16xi1>
        %parallel_loop3A_790 = tpu.scan <sum>, %parallel_loop3A_787 masked %parallel_loop3A_789 : vector<16xf32>, vector<16xi1> -> vector<16xf32>
        %parallel_loop3A_791 = vector.extract %parallel_loop3A_790[15] : f32 from vector<16xf32>
        %parallel_loop3A_792 = vector.broadcast %parallel_loop3A_791 : f32 to vector<16xf32>
        %parallel_loop3A_793 = arith.mulf %parallel_loop3A_646, %parallel_loop3A_792 : vector<16xf32>
        %parallel_loop3A_794 = arith.addf %parallel_loop3A_793, %select_n3A : vector<16xf32>
        %parallel_loop3A_795 = arith.index_cast %parallel_loop3A_639 : i32 to index
        %parallel_loop3A_796 = arith.constant 0 : index
        %parallel_loop3A_797 = tpu.vector_load %arg22[%parallel_loop3A_795, %parallel_loop3A_796] {strides = array<i32>} : memref<40x16xf32, #tpu.memory_space<vmem>>, vector<16xf32>,
        tpu.vector_store %arg22[%parallel_loop3A_795, %parallel_loop3A_796], %parallel_loop3A_794 {strides = array<i32>} : memref<40x16xf32, #tpu.memory_space<vmem>>, vector<16xf32>,
      } {sc.loop_unroll_factor = 2 : i64, sc.parallel_access}
      %jit3A_515 = arith.constant 10 : i32
      %div3A_516 = arith.divsi %add3A_424, %jit3A_515 : i32
      %sign3A_517 = arith.constant 0 : i32
      %sign3A_518 = arith.cmpi sgt, %add3A_424, %sign3A_517 : i32
      %sign3A_519 = arith.extui %sign3A_518 : i1 to i32
      %sign3A_520 = arith.constant 0 : i32
      %sign3A_521 = arith.cmpi slt, %add3A_424, %sign3A_520 : i32
      %sign3A_522 = arith.extui %sign3A_521 : i1 to i32
      %sign3A_523 = arith.subi %sign3A_519, %sign3A_522 : i32
      %sign3A_524 = arith.constant 0 : i32
      %sign3A_525 = arith.cmpi sgt, %jit3A_515, %sign3A_524 : i32
      %sign3A_526 = arith.extui %sign3A_525 : i1 to i32
      %sign3A_527 = arith.constant 0 : i32
      %sign3A_528 = arith.cmpi slt, %jit3A_515, %sign3A_527 : i32
      %sign3A_529 = arith.extui %sign3A_528 : i1 to i32
      %sign3A_530 = arith.subi %sign3A_526, %sign3A_529 : i32
      %ne3A_531 = arith.cmpi ne, %sign3A_523, %sign3A_530 : i32
      %rem3A_532 = arith.remsi %add3A_424, %jit3A_515 : i32
      %ne3A_533 = arith.constant 0 : i32
      %ne3A_534 = arith.cmpi ne, %rem3A_532, %ne3A_533 : i32
      %and3A_535 = arith.andi %ne3A_531, %ne3A_534 : i1
      %sub3A_536 = arith.constant 1 : i32
      %sub3A_537 = arith.subi %div3A_516, %sub3A_536 : i32
      %select_n3A_538 = arith.select %and3A_535, %sub3A_537, %div3A_516 : i32
      %jit3A_539 = arith.constant 2 : i32
      %eq3A_540 = arith.constant 0 : i32
      %eq3A_541 = arith.cmpi eq, %jit3A_539, %eq3A_540 : i32
      %jit3A_542 = arith.constant 1 : i32
      %select_n3A_543 = arith.select %eq3A_541, %jit3A_542, %jit3A_539 : i32
      %rem3A_544 = arith.remsi %select_n3A_538, %select_n3A_543 : i32
      %ne3A_545 = arith.constant 0 : i32
      %ne3A_546 = arith.cmpi ne, %rem3A_544, %ne3A_545 : i32
      %lt3A_547 = arith.constant 0 : i32
      %lt3A_548 = arith.cmpi slt, %rem3A_544, %lt3A_547 : i32
      %lt3A_549 = arith.constant 0 : i32
      %lt3A_550 = arith.cmpi slt, %select_n3A_543, %lt3A_549 : i32
      %ne3A_551 = arith.xori %lt3A_548, %lt3A_550 : i1
      %and3A_552 = arith.andi %ne3A_551, %ne3A_546 : i1
      %add3A_553 = arith.addi %rem3A_544, %select_n3A_543 : i32
      %select_n3A_554 = arith.select %and3A_552, %add3A_553, %rem3A_544 : i32
      %jit3A_555 = arith.constant 10 : i32
      %eq3A_556 = arith.constant 0 : i32
      %eq3A_557 = arith.cmpi eq, %jit3A_555, %eq3A_556 : i32
      %jit3A_558 = arith.constant 1 : i32
      %select_n3A_559 = arith.select %eq3A_557, %jit3A_558, %jit3A_555 : i32
      %rem3A_560 = arith.remsi %add3A_424, %select_n3A_559 : i32
      %ne3A_561 = arith.constant 0 : i32
      %ne3A_562 = arith.cmpi ne, %rem3A_560, %ne3A_561 : i32
      %lt3A_563 = arith.constant 0 : i32
      %lt3A_564 = arith.cmpi slt, %rem3A_560, %lt3A_563 : i32
      %lt3A_565 = arith.constant 0 : i32
      %lt3A_566 = arith.cmpi slt, %select_n3A_559, %lt3A_565 : i32
      %ne3A_567 = arith.xori %lt3A_564, %lt3A_566 : i1
      %and3A_568 = arith.andi %ne3A_567, %ne3A_562 : i1
      %add3A_569 = arith.addi %rem3A_560, %select_n3A_559 : i32
      %select_n3A_570 = arith.select %and3A_568, %add3A_569, %rem3A_560 : i32
      %dma_start3A_571 = arith.constant 0 : i32
      %dma_start3A_572 = tpu.memref_slice %arg10[%select_n3A_554, %select_n3A_570, %dma_start3A_571] : memref<2x10x40xi32, #tpu.memory_space<vmem>> -> memref<1x1x40xi32, #tpu.memory_space<vmem>>
      %dma_start3A_573 = tpu.memref_squeeze %dma_start3A_572 : memref<1x1x40xi32, #tpu.memory_space<vmem>> -> memref<40xi32, #tpu.memory_space<vmem>>
      %dma_start3A_574 = arith.constant 0 : i32
      %dma_start3A_575 = arith.constant 0 : i32
      %dma_start3A_576 = tpu.memref_slice %arg24[%dma_start3A_574, %dma_start3A_575] : memref<10240x128xf32, #tpu.memory_space<vmem_shared>> -> memref<10240x128xf32, #tpu.memory_space<vmem_shared>>
      tpu.enqueue_indirect_dma source(%arg20 : memref<40x128xf32, #tpu.memory_space<vmem>>) target(%dma_start3A_576 : memref<10240x128xf32, #tpu.memory_space<vmem_shared>>) offsets(%dma_start3A_573 : memref<40xi32, #tpu.memory_space<vmem>>) semaphore(%arg29 : memref<!tpu.dma_semaphore, #tpu.memory_space<semaphore_mem>>) {add = true}
      %jit3A_577 = arith.constant 10 : i32
      %div3A_578 = arith.divsi %add3A_424, %jit3A_577 : i32
      %sign3A_579 = arith.constant 0 : i32
      %sign3A_580 = arith.cmpi sgt, %add3A_424, %sign3A_579 : i32
      %sign3A_581 = arith.extui %sign3A_580 : i1 to i32
      %sign3A_582 = arith.constant 0 : i32
      %sign3A_583 = arith.cmpi slt, %add3A_424, %sign3A_582 : i32
      %sign3A_584 = arith.extui %sign3A_583 : i1 to i32
      %sign3A_585 = arith.subi %sign3A_581, %sign3A_584 : i32
      %sign3A_586 = arith.constant 0 : i32
      %sign3A_587 = arith.cmpi sgt, %jit3A_577, %sign3A_586 : i32
      %sign3A_588 = arith.extui %sign3A_587 : i1 to i32
      %sign3A_589 = arith.constant 0 : i32
      %sign3A_590 = arith.cmpi slt, %jit3A_577, %sign3A_589 : i32
      %sign3A_591 = arith.extui %sign3A_590 : i1 to i32
      %sign3A_592 = arith.subi %sign3A_588, %sign3A_591 : i32
      %ne3A_593 = arith.cmpi ne, %sign3A_585, %sign3A_592 : i32
      %rem3A_594 = arith.remsi %add3A_424, %jit3A_577 : i32
      %ne3A_595 = arith.constant 0 : i32
      %ne3A_596 = arith.cmpi ne, %rem3A_594, %ne3A_595 : i32
      %and3A_597 = arith.andi %ne3A_593, %ne3A_596 : i1
      %sub3A_598 = arith.constant 1 : i32
      %sub3A_599 = arith.subi %div3A_578, %sub3A_598 : i32
      %select_n3A_600 = arith.select %and3A_597, %sub3A_599, %div3A_578 : i32
      %jit3A_601 = arith.constant 2 : i32
      %eq3A_602 = arith.constant 0 : i32
      %eq3A_603 = arith.cmpi eq, %jit3A_601, %eq3A_602 : i32
      %jit3A_604 = arith.constant 1 : i32
      %select_n3A_605 = arith.select %eq3A_603, %jit3A_604, %jit3A_601 : i32
      %rem3A_606 = arith.remsi %select_n3A_600, %select_n3A_605 : i32
      %ne3A_607 = arith.constant 0 : i32
      %ne3A_608 = arith.cmpi ne, %rem3A_606, %ne3A_607 : i32
      %lt3A_609 = arith.constant 0 : i32
      %lt3A_610 = arith.cmpi slt, %rem3A_606, %lt3A_609 : i32
      %lt3A_611 = arith.constant 0 : i32
      %lt3A_612 = arith.cmpi slt, %select_n3A_605, %lt3A_611 : i32
      %ne3A_613 = arith.xori %lt3A_610, %lt3A_612 : i1
      %and3A_614 = arith.andi %ne3A_613, %ne3A_608 : i1
      %add3A_615 = arith.addi %rem3A_606, %select_n3A_605 : i32
      %select_n3A_616 = arith.select %and3A_614, %add3A_615, %rem3A_606 : i32
      %jit3A_617 = arith.constant 10 : i32
      %eq3A_618 = arith.constant 0 : i32
      %eq3A_619 = arith.cmpi eq, %jit3A_617, %eq3A_618 : i32
      %jit3A_620 = arith.constant 1 : i32
      %select_n3A_621 = arith.select %eq3A_619, %jit3A_620, %jit3A_617 : i32
      %rem3A_622 = arith.remsi %add3A_424, %select_n3A_621 : i32
      %ne3A_623 = arith.constant 0 : i32
      %ne3A_624 = arith.cmpi ne, %rem3A_622, %ne3A_623 : i32
      %lt3A_625 = arith.constant 0 : i32
      %lt3A_626 = arith.cmpi slt, %rem3A_622, %lt3A_625 : i32
      %lt3A_627 = arith.constant 0 : i32
      %lt3A_628 = arith.cmpi slt, %select_n3A_621, %lt3A_627 : i32
      %ne3A_629 = arith.xori %lt3A_626, %lt3A_628 : i1
      %and3A_630 = arith.andi %ne3A_629, %ne3A_624 : i1
      %add3A_631 = arith.addi %rem3A_622, %select_n3A_621 : i32
      %select_n3A_632 = arith.select %and3A_630, %add3A_631, %rem3A_622 : i32
      %dma_start3A_633 = arith.constant 0 : i32
      %dma_start3A_634 = tpu.memref_slice %arg10[%select_n3A_616, %select_n3A_632, %dma_start3A_633] : memref<2x10x40xi32, #tpu.memory_space<vmem>> -> memref<1x1x40xi32, #tpu.memory_space<vmem>>
      %dma_start3A_635 = tpu.memref_squeeze %dma_start3A_634 : memref<1x1x40xi32, #tpu.memory_space<vmem>> -> memref<40xi32, #tpu.memory_space<vmem>>
      %dma_start3A_636 = arith.constant 0 : i32
      %dma_start3A_637 = arith.constant 0 : i32
      %dma_start3A_638 = tpu.memref_slice %arg25[%dma_start3A_636, %dma_start3A_637] : memref<10240x16xf32, #tpu.memory_space<vmem_shared>> -> memref<10240x16xf32, #tpu.memory_space<vmem_shared>>
      tpu.enqueue_indirect_dma source(%arg22 : memref<40x16xf32, #tpu.memory_space<vmem>>) target(%dma_start3A_638 : memref<10240x16xf32, #tpu.memory_space<vmem_shared>>) offsets(%dma_start3A_635 : memref<40xi32, #tpu.memory_space<vmem>>) semaphore(%arg29 : memref<!tpu.dma_semaphore, #tpu.memory_space<semaphore_mem>>) {add = true}
    }
    %scan3A_188 = arith.constant 125 : i32
    %dma_wait3A = arith.constant 0 : i32
    %dma_wait3A_189 = arith.constant 0 : i32
    %dma_wait3A_190 = tpu.memref_slice %arg2[%dma_wait3A, %dma_wait3A_189] : memref<10000x128xbf16, #tpu.memory_space<hbm>> -> memref<40x128xbf16, #tpu.memory_space<hbm>>
    %dma_wait3A_191 = arith.constant 0 : i32
    %dma_wait3A_192 = arith.constant 0 : i32
    %dma_wait3A_193 = tpu.memref_slice %arg2[%dma_wait3A_191, %dma_wait3A_192] : memref<10000x128xbf16, #tpu.memory_space<hbm>> -> memref<40x128xbf16, #tpu.memory_space<hbm>>
    tpu.wait_dma2 semaphore(%arg28 : memref<!tpu.dma_semaphore, #tpu.memory_space<semaphore_mem>>) src(%dma_wait3A_193 : memref<40x128xbf16, #tpu.memory_space<hbm>>) dst(%arg19 : memref<40x128xf32, #tpu.memory_space<vmem>>)
    %dma_wait3A_194 = arith.constant 0 : i32
    %dma_wait3A_195 = arith.constant 0 : i32
    %dma_wait3A_196 = tpu.memref_slice %arg4[%dma_wait3A_194, %dma_wait3A_195] : memref<10000x16xf32, #tpu.memory_space<hbm>> -> memref<40x16xf32, #tpu.memory_space<hbm>>
    %dma_wait3A_197 = arith.constant 0 : i32
    %dma_wait3A_198 = arith.constant 0 : i32
    %dma_wait3A_199 = tpu.memref_slice %arg4[%dma_wait3A_197, %dma_wait3A_198] : memref<10000x16xf32, #tpu.memory_space<hbm>> -> memref<40x16xf32, #tpu.memory_space<hbm>>
    tpu.wait_dma2 semaphore(%arg28 : memref<!tpu.dma_semaphore, #tpu.memory_space<semaphore_mem>>) src(%dma_wait3A_199 : memref<40x16xf32, #tpu.memory_space<hbm>>) dst(%arg21 : memref<40x16xf32, #tpu.memory_space<vmem>>)
    %dma_wait3A_200 = arith.constant 0 : i32
    %dma_wait3A_201 = arith.constant 0 : i32
    %dma_wait3A_202 = tpu.memref_slice %arg2[%dma_wait3A_200, %dma_wait3A_201] : memref<10000x128xbf16, #tpu.memory_space<hbm>> -> memref<40x128xbf16, #tpu.memory_space<hbm>>
    %dma_wait3A_203 = arith.constant 0 : i32
    %dma_wait3A_204 = arith.constant 0 : i32
    %dma_wait3A_205 = tpu.memref_slice %arg2[%dma_wait3A_203, %dma_wait3A_204] : memref<10000x128xbf16, #tpu.memory_space<hbm>> -> memref<40x128xbf16, #tpu.memory_space<hbm>>
    tpu.wait_dma2 semaphore(%arg29 : memref<!tpu.dma_semaphore, #tpu.memory_space<semaphore_mem>>) src(%dma_wait3A_205 : memref<40x128xbf16, #tpu.memory_space<hbm>>) dst(%arg20 : memref<40x128xf32, #tpu.memory_space<vmem>>)
    %dma_wait3A_206 = arith.constant 0 : i32
    %dma_wait3A_207 = arith.constant 0 : i32
    %dma_wait3A_208 = tpu.memref_slice %arg4[%dma_wait3A_206, %dma_wait3A_207] : memref<10000x16xf32, #tpu.memory_space<hbm>> -> memref<40x16xf32, #tpu.memory_space<hbm>>
    %dma_wait3A_209 = arith.constant 0 : i32
    %dma_wait3A_210 = arith.constant 0 : i32
    %dma_wait3A_211 = tpu.memref_slice %arg4[%dma_wait3A_209, %dma_wait3A_210] : memref<10000x16xf32, #tpu.memory_space<hbm>> -> memref<40x16xf32, #tpu.memory_space<hbm>>
    tpu.wait_dma2 semaphore(%arg29 : memref<!tpu.dma_semaphore, #tpu.memory_space<semaphore_mem>>) src(%dma_wait3A_211 : memref<40x16xf32, #tpu.memory_space<hbm>>) dst(%arg22 : memref<40x16xf32, #tpu.memory_space<vmem>>)
    %barrier3A_212 = arith.constant 0 : index
    tpu.barrier barrier_id(%barrier3A_212)
    "tpu.region"() ({
      %run_scoped3A_213 = tpu.sem_alloc : memref<!tpu.dma_semaphore, #tpu.memory_space<semaphore_mem>>
      %dma_start3A_214 = arith.constant 0 : i32
      %dma_start3A_215 = tpu.memref_slice %arg7[%arg0, %mul3A_86, %dma_start3A_214] : memref<2x10240x128xf32, #tpu.memory_space<hbm>> -> memref<1x640x128xf32, #tpu.memory_space<hbm>>
      %dma_start3A_216 = tpu.memref_squeeze %dma_start3A_215 : memref<1x640x128xf32, #tpu.memory_space<hbm>> -> memref<640x128xf32, #tpu.memory_space<hbm>>
      %dma_start3A_217 = arith.constant 0 : i32
      %dma_start3A_218 = tpu.memref_slice %arg24[%mul3A_86, %dma_start3A_217] : memref<10240x128xf32, #tpu.memory_space<vmem_shared>> -> memref<640x128xf32, #tpu.memory_space<vmem_shared>>
      tpu.enqueue_dma source(%dma_start3A_218 : memref<640x128xf32, #tpu.memory_space<vmem_shared>>) target(%dma_start3A_216 : memref<640x128xf32, #tpu.memory_space<hbm>>) target_semaphore(%run_scoped3A_213 : memref<!tpu.dma_semaphore, #tpu.memory_space<semaphore_mem>>)
      %dma_wait3A_219 = arith.constant 0 : i32
      %dma_wait3A_220 = tpu.memref_slice %arg7[%arg0, %mul3A_86, %dma_wait3A_219] : memref<2x10240x128xf32, #tpu.memory_space<hbm>> -> memref<1x640x128xf32, #tpu.memory_space<hbm>>
      %dma_wait3A_221 = tpu.memref_squeeze %dma_wait3A_220 : memref<1x640x128xf32, #tpu.memory_space<hbm>> -> memref<640x128xf32, #tpu.memory_space<hbm>>
      %dma_wait3A_222 = arith.constant 0 : i32
      %dma_wait3A_223 = tpu.memref_slice %arg24[%mul3A_86, %dma_wait3A_222] : memref<10240x128xf32, #tpu.memory_space<vmem_shared>> -> memref<640x128xf32, #tpu.memory_space<vmem_shared>>
      tpu.wait_dma2 semaphore(%run_scoped3A_213 : memref<!tpu.dma_semaphore, #tpu.memory_space<semaphore_mem>>) src(%dma_wait3A_223 : memref<640x128xf32, #tpu.memory_space<vmem_shared>>) dst(%dma_wait3A_221 : memref<640x128xf32, #tpu.memory_space<hbm>>)
      tpu.yield
    }) : () -> ()
    "tpu.region"() ({
      %run_scoped3A_213 = tpu.sem_alloc : memref<!tpu.dma_semaphore, #tpu.memory_space<semaphore_mem>>
      %dma_start3A_214 = arith.constant 0 : i32
      %dma_start3A_215 = tpu.memref_slice %arg8[%arg0, %mul3A_86, %dma_start3A_214] : memref<2x10240x16xf32, #tpu.memory_space<hbm>> -> memref<1x640x16xf32, #tpu.memory_space<hbm>>
      %dma_start3A_216 = tpu.memref_squeeze %dma_start3A_215 : memref<1x640x16xf32, #tpu.memory_space<hbm>> -> memref<640x16xf32, #tpu.memory_space<hbm>>
      %dma_start3A_217 = arith.constant 0 : i32
      %dma_start3A_218 = tpu.memref_slice %arg25[%mul3A_86, %dma_start3A_217] : memref<10240x16xf32, #tpu.memory_space<vmem_shared>> -> memref<640x16xf32, #tpu.memory_space<vmem_shared>>
      tpu.enqueue_dma source(%dma_start3A_218 : memref<640x16xf32, #tpu.memory_space<vmem_shared>>) target(%dma_start3A_216 : memref<640x16xf32, #tpu.memory_space<hbm>>) target_semaphore(%run_scoped3A_213 : memref<!tpu.dma_semaphore, #tpu.memory_space<semaphore_mem>>)
      %dma_wait3A_219 = arith.constant 0 : i32
      %dma_wait3A_220 = tpu.memref_slice %arg8[%arg0, %mul3A_86, %dma_wait3A_219] : memref<2x10240x16xf32, #tpu.memory_space<hbm>> -> memref<1x640x16xf32, #tpu.memory_space<hbm>>
      %dma_wait3A_221 = tpu.memref_squeeze %dma_wait3A_220 : memref<1x640x16xf32, #tpu.memory_space<hbm>> -> memref<640x16xf32, #tpu.memory_space<hbm>>
      %dma_wait3A_222 = arith.constant 0 : i32
      %dma_wait3A_223 = tpu.memref_slice %arg25[%mul3A_86, %dma_wait3A_222] : memref<10240x16xf32, #tpu.memory_space<vmem_shared>> -> memref<640x16xf32, #tpu.memory_space<vmem_shared>>
      tpu.wait_dma2 semaphore(%run_scoped3A_213 : memref<!tpu.dma_semaphore, #tpu.memory_space<semaphore_mem>>) src(%dma_wait3A_223 : memref<640x16xf32, #tpu.memory_space<vmem_shared>>) dst(%dma_wait3A_221 : memref<640x16xf32, #tpu.memory_space<hbm>>)
      tpu.yield
    }) : () -> ()
    return
  }
}

module attributes {stable_mosaic.version = 14 : i64} {
  func.func @_pre_body(%arg0: i32, %arg1: memref<2000x128xf32, #tpu.memory_space<vmem>>, %arg2: memref<128x128xf32, #tpu.memory_space<vmem>>, %arg3: memref<128x128xf32, #tpu.memory_space<vmem>>, %arg4: memref<128x128xf32, #tpu.memory_space<vmem>>, %arg5: memref<2000x128xf32, #tpu.memory_space<vmem>>, %arg6: memref<2000x128xbf16, #tpu.memory_space<vmem>>, %arg7: memref<2000x128xbf16, #tpu.memory_space<vmem>>) attributes {dimension_semantics = [#tpu.dimension_semantics<arbitrary>], iteration_bounds = array<i64: 5>, scalar_prefetch = 0 : i64, scratch_operands = 0 : i64, tpu.core_type = #tpu.core_type<tc>, window_params = [{transform_indices = @transform_0, window_bounds = array<i64: 2000, 128>}, {pipeline_mode = #tpu.pipeline_mode<synchronous>, transform_indices = @transform_1, window_bounds = array<i64: 128, 128>}, {pipeline_mode = #tpu.pipeline_mode<synchronous>, transform_indices = @transform_2, window_bounds = array<i64: 128, 128>}, {pipeline_mode = #tpu.pipeline_mode<synchronous>, transform_indices = @transform_3, window_bounds = array<i64: 128, 128>}, {transform_indices = @transform_4, window_bounds = array<i64: 2000, 128>}, {transform_indices = @transform_5, window_bounds = array<i64: 2000, 128>}, {transform_indices = @transform_6, window_bounds = array<i64: 2000, 128>}]} {
    %get3A = arith.constant 0 : index
    %get3A_0 = arith.constant 0 : index
    %get3A_1 = vector.load %arg1[%get3A, %get3A_0] : memref<2000x128xf32, #tpu.memory_space<vmem>>, vector<2000x128xf32>
    %get3A_2 = arith.constant 0 : index
    %get3A_3 = arith.constant 0 : index
    %get3A_4 = vector.load %arg2[%get3A_2, %get3A_3] : memref<128x128xf32, #tpu.memory_space<vmem>>, vector<128x128xf32>
    %dot_general3A = arith.constant dense<0.000000e+00> : vector<2000x128xf32>
    %dot_general3A_5 = tpu.matmul %get3A_1, %get3A_4, %dot_general3A {dimension_numbers = #tpu.dot_dimension_numbers<[1], [0], [0], [1], [0, 0, 1, 1], [], []>, transpose_lhs_hint = false} : vector<2000x128xf32>, vector<128x128xf32>, vector<2000x128xf32> -> vector<2000x128xf32>
    %swap3A = arith.constant 0 : index
    %swap3A_6 = arith.constant 0 : index
    %swap3A_7 = vector.load %arg5[%swap3A, %swap3A_6] : memref<2000x128xf32, #tpu.memory_space<vmem>>, vector<2000x128xf32>
    tpu.vector_store %arg5[%swap3A, %swap3A_6], %dot_general3A_5 {strides = array<i32>} : memref<2000x128xf32, #tpu.memory_space<vmem>>, vector<2000x128xf32>,
    %get3A_8 = arith.constant 0 : index
    %get3A_9 = arith.constant 0 : index
    %get3A_10 = vector.load %arg3[%get3A_8, %get3A_9] : memref<128x128xf32, #tpu.memory_space<vmem>>, vector<128x128xf32>
    %dot_general3A_11 = arith.constant dense<0.000000e+00> : vector<2000x128xf32>
    %dot_general3A_12 = tpu.matmul %dot_general3A_5, %get3A_10, %dot_general3A_11 {dimension_numbers = #tpu.dot_dimension_numbers<[1], [0], [0], [1], [0, 0, 1, 1], [], []>, transpose_lhs_hint = false} : vector<2000x128xf32>, vector<128x128xf32>, vector<2000x128xf32> -> vector<2000x128xf32>
    %convert_element_type3A = arith.truncf %dot_general3A_12 : vector<2000x128xf32> to vector<2000x128xbf16>
    %swap3A_13 = arith.constant 0 : index
    %swap3A_14 = arith.constant 0 : index
    %swap3A_15 = vector.load %arg6[%swap3A_13, %swap3A_14] : memref<2000x128xbf16, #tpu.memory_space<vmem>>, vector<2000x128xbf16>
    tpu.vector_store %arg6[%swap3A_13, %swap3A_14], %convert_element_type3A {strides = array<i32>} : memref<2000x128xbf16, #tpu.memory_space<vmem>>, vector<2000x128xbf16>,
    %get3A_16 = arith.constant 0 : index
    %get3A_17 = arith.constant 0 : index
    %get3A_18 = vector.load %arg4[%get3A_16, %get3A_17] : memref<128x128xf32, #tpu.memory_space<vmem>>, vector<128x128xf32>
    %dot_general3A_19 = arith.constant dense<0.000000e+00> : vector<2000x128xf32>
    %dot_general3A_20 = tpu.matmul %dot_general3A_5, %get3A_18, %dot_general3A_19 {dimension_numbers = #tpu.dot_dimension_numbers<[1], [0], [0], [1], [0, 0, 1, 1], [], []>, transpose_lhs_hint = false} : vector<2000x128xf32>, vector<128x128xf32>, vector<2000x128xf32> -> vector<2000x128xf32>
    %convert_element_type3A_21 = arith.truncf %dot_general3A_20 : vector<2000x128xf32> to vector<2000x128xbf16>
    %swap3A_22 = arith.constant 0 : index
    %swap3A_23 = arith.constant 0 : index
    %swap3A_24 = vector.load %arg7[%swap3A_22, %swap3A_23] : memref<2000x128xbf16, #tpu.memory_space<vmem>>, vector<2000x128xbf16>
    tpu.vector_store %arg7[%swap3A_22, %swap3A_23], %convert_element_type3A_21 {strides = array<i32>} : memref<2000x128xbf16, #tpu.memory_space<vmem>>, vector<2000x128xbf16>,
    return
  }
  func.func @transform_0(%arg0: i32) -> (i32, i32) {
    %c0_i32 = arith.constant 0 : i32
    %c0_i32_0 = arith.constant 0 : i32
    return %arg0, %c0_i32 : i32, i32
  }
  func.func @transform_1(%arg0: i32) -> (i32, i32) {
    %c0_i32 = arith.constant 0 : i32
    %c0_i32_0 = arith.constant 0 : i32
    %c0_i32_1 = arith.constant 0 : i32
    return %c0_i32, %c0_i32_0 : i32, i32
  }
  func.func @transform_2(%arg0: i32) -> (i32, i32) {
    %c0_i32 = arith.constant 0 : i32
    %c0_i32_0 = arith.constant 0 : i32
    %c0_i32_1 = arith.constant 0 : i32
    return %c0_i32, %c0_i32_0 : i32, i32
  }
  func.func @transform_3(%arg0: i32) -> (i32, i32) {
    %c0_i32 = arith.constant 0 : i32
    %c0_i32_0 = arith.constant 0 : i32
    %c0_i32_1 = arith.constant 0 : i32
    return %c0_i32, %c0_i32_0 : i32, i32
  }
  func.func @transform_4(%arg0: i32) -> (i32, i32) {
    %c0_i32 = arith.constant 0 : i32
    %c0_i32_0 = arith.constant 0 : i32
    return %arg0, %c0_i32 : i32, i32
  }
  func.func @transform_5(%arg0: i32) -> (i32, i32) {
    %c0_i32 = arith.constant 0 : i32
    %c0_i32_0 = arith.constant 0 : i32
    return %arg0, %c0_i32 : i32, i32
  }
  func.func @transform_6(%arg0: i32) -> (i32, i32) {
    %c0_i32 = arith.constant 0 : i32
    %c0_i32_0 = arith.constant 0 : i32
    return %arg0, %c0_i32 : i32, i32
  }
}

module attributes {stable_mosaic.version = 14 : i64} {
  func.func @_post_body(%arg0: i32, %arg1: memref<2000x128xf32, #tpu.memory_space<vmem>>, %arg2: memref<2x2000x128xf32, #tpu.memory_space<vmem>>, %arg3: memref<2x2000x16xf32, #tpu.memory_space<vmem>>, %arg4: memref<2000x16xf32, #tpu.memory_space<vmem>>, %arg5: memref<128x128xf32, #tpu.memory_space<vmem>>, %arg6: memref<128x128xf32, #tpu.memory_space<vmem>>, %arg7: memref<128x128xf32, #tpu.memory_space<vmem>>, %arg8: memref<1x128xf32, #tpu.memory_space<vmem>>, %arg9: memref<1x128xf32, #tpu.memory_space<vmem>>, %arg10: memref<1x1xf32, #tpu.memory_space<vmem>>, %arg11: memref<2000x4xf32, #tpu.memory_space<vmem>>) attributes {dimension_semantics = [#tpu.dimension_semantics<arbitrary>], iteration_bounds = array<i64: 5>, scalar_prefetch = 0 : i64, scratch_operands = 0 : i64, tpu.core_type = #tpu.core_type<tc>, window_params = [{transform_indices = @transform_0, window_bounds = array<i64: 2000, 128>}, {transform_indices = @transform_1, window_bounds = array<i64: 2, 2000, 128>}, {transform_indices = @transform_2, window_bounds = array<i64: 2, 2000, 16>}, {transform_indices = @transform_3, window_bounds = array<i64: 2000, 16>}, {pipeline_mode = #tpu.pipeline_mode<synchronous>, transform_indices = @transform_4, window_bounds = array<i64: 128, 128>}, {pipeline_mode = #tpu.pipeline_mode<synchronous>, transform_indices = @transform_5, window_bounds = array<i64: 128, 128>}, {pipeline_mode = #tpu.pipeline_mode<synchronous>, transform_indices = @transform_6, window_bounds = array<i64: 128, 128>}, {pipeline_mode = #tpu.pipeline_mode<synchronous>, transform_indices = @transform_7, window_bounds = array<i64: 1, 128>}, {pipeline_mode = #tpu.pipeline_mode<synchronous>, transform_indices = @transform_8, window_bounds = array<i64: 1, 128>}, {pipeline_mode = #tpu.pipeline_mode<synchronous>, transform_indices = @transform_9, window_bounds = array<i64: 1, 1>}, {transform_indices = @transform_10, window_bounds = array<i64: 2000, 4>}]} {
    %get3A = arith.constant 0 : index
    %get3A_0 = arith.constant 0 : index
    %get3A_1 = arith.constant 0 : index
    %get3A_2 = vector.load %arg2[%get3A, %get3A_0, %get3A_1] : memref<2x2000x128xf32, #tpu.memory_space<vmem>>, vector<1x2000x128xf32>
    %get3A_3 = vector.shape_cast %get3A_2 : vector<1x2000x128xf32> to vector<2000x128xf32>
    %get3A_4 = arith.constant 1 : index
    %get3A_5 = arith.constant 0 : index
    %get3A_6 = arith.constant 0 : index
    %get3A_7 = vector.load %arg2[%get3A_4, %get3A_5, %get3A_6] : memref<2x2000x128xf32, #tpu.memory_space<vmem>>, vector<1x2000x128xf32>
    %get3A_8 = vector.shape_cast %get3A_7 : vector<1x2000x128xf32> to vector<2000x128xf32>
    %add3A = arith.addf %get3A_3, %get3A_8 : vector<2000x128xf32>
    %get3A_9 = arith.constant 0 : index
    %get3A_10 = arith.constant 0 : index
    %get3A_11 = vector.load %arg1[%get3A_9, %get3A_10] : memref<2000x128xf32, #tpu.memory_space<vmem>>, vector<2000x128xf32>
    %get3A_12 = arith.constant 0 : index
    %get3A_13 = arith.constant 0 : index
    %get3A_14 = vector.load %arg5[%get3A_12, %get3A_13] : memref<128x128xf32, #tpu.memory_space<vmem>>, vector<128x128xf32>
    %dot_general3A = arith.constant dense<0.000000e+00> : vector<2000x128xf32>
    %dot_general3A_15 = tpu.matmul %get3A_11, %get3A_14, %dot_general3A {dimension_numbers = #tpu.dot_dimension_numbers<[1], [0], [0], [1], [0, 0, 1, 1], [], []>, transpose_lhs_hint = false} : vector<2000x128xf32>, vector<128x128xf32>, vector<2000x128xf32> -> vector<2000x128xf32>
    %get3A_16 = arith.constant 0 : index
    %get3A_17 = arith.constant 0 : index
    %get3A_18 = vector.load %arg6[%get3A_16, %get3A_17] : memref<128x128xf32, #tpu.memory_space<vmem>>, vector<128x128xf32>
    %dot_general3A_19 = arith.constant dense<0.000000e+00> : vector<2000x128xf32>
    %dot_general3A_20 = tpu.matmul %add3A, %get3A_18, %dot_general3A_19 {dimension_numbers = #tpu.dot_dimension_numbers<[1], [0], [0], [1], [0, 0, 1, 1], [], []>, transpose_lhs_hint = false} : vector<2000x128xf32>, vector<128x128xf32>, vector<2000x128xf32> -> vector<2000x128xf32>
    %add3A_21 = arith.addf %dot_general3A_15, %dot_general3A_20 : vector<2000x128xf32>
    %max3A = arith.constant 0.000000e+00 : f32
    %max3A_22 = vector.broadcast %max3A : f32 to vector<2000x128xf32>
    %max3A_23 = arith.maximumf %add3A_21, %max3A_22 : vector<2000x128xf32>
    %get3A_24 = arith.constant 0 : index
    %get3A_25 = arith.constant 0 : index
    %get3A_26 = vector.load %arg7[%get3A_24, %get3A_25] : memref<128x128xf32, #tpu.memory_space<vmem>>, vector<128x128xf32>
    %dot_general3A_27 = arith.constant dense<0.000000e+00> : vector<2000x128xf32>
    %dot_general3A_28 = tpu.matmul %max3A_23, %get3A_26, %dot_general3A_27 {dimension_numbers = #tpu.dot_dimension_numbers<[1], [0], [0], [1], [0, 0, 1, 1], [], []>, transpose_lhs_hint = false} : vector<2000x128xf32>, vector<128x128xf32>, vector<2000x128xf32> -> vector<2000x128xf32>
    %get3A_29 = arith.constant 0 : index
    %get3A_30 = arith.constant 0 : index
    %get3A_31 = vector.load %arg8[%get3A_29, %get3A_30] : memref<1x128xf32, #tpu.memory_space<vmem>>, vector<1x128xf32>
    %add3A_32 = vector.broadcast %get3A_31 : vector<1x128xf32> to vector<2000x128xf32>
    %add3A_33 = arith.addf %dot_general3A_28, %add3A_32 : vector<2000x128xf32>
    %max3A_34 = arith.constant 0.000000e+00 : f32
    %max3A_35 = vector.broadcast %max3A_34 : f32 to vector<2000x128xf32>
    %max3A_36 = arith.maximumf %add3A_33, %max3A_35 : vector<2000x128xf32>
    %get3A_37 = arith.constant 0 : index
    %get3A_38 = arith.constant 0 : index
    %get3A_39 = vector.load %arg9[%get3A_37, %get3A_38] : memref<1x128xf32, #tpu.memory_space<vmem>>, vector<1x128xf32>
    %mul3A = vector.broadcast %get3A_39 : vector<1x128xf32> to vector<2000x128xf32>
    %mul3A_40 = arith.mulf %max3A_36, %mul3A : vector<2000x128xf32>
    %reduce_sum3A = arith.constant dense<0.000000e+00> : vector<2000xf32>
    %reduce_sum3A_41 = vector.multi_reduction <add>, %mul3A_40, %reduce_sum3A [1] : vector<2000x128xf32> to vector<2000xf32>
    %broadcast_in_dim3A = vector.shape_cast %reduce_sum3A_41 : vector<2000xf32> to vector<2000x1xf32>
    %get3A_42 = arith.constant 0 : index
    %get3A_43 = arith.constant 0 : index
    %get3A_44 = vector.load %arg10[%get3A_42, %get3A_43] : memref<1x1xf32, #tpu.memory_space<vmem>>, vector<1x1xf32>
    %add3A_45 = vector.broadcast %get3A_44 : vector<1x1xf32> to vector<2000x1xf32>
    %add3A_46 = arith.addf %broadcast_in_dim3A, %add3A_45 : vector<2000x1xf32>
    %logistic3A = arith.negf %add3A_46 : vector<2000x1xf32>
    %logistic3A_47 = math.exp %logistic3A : vector<2000x1xf32>
    %logistic3A_48 = arith.constant 1.000000e+00 : f32
    %logistic3A_49 = vector.broadcast %logistic3A_48 : f32 to vector<2000x1xf32>
    %logistic3A_50 = arith.addf %logistic3A_49, %logistic3A_47 : vector<2000x1xf32>
    %logistic3A_51 = arith.divf %logistic3A_49, %logistic3A_50 : vector<2000x1xf32>
    %get3A_52 = arith.constant 0 : index
    %get3A_53 = arith.constant 0 : index
    %get3A_54 = arith.constant 0 : index
    %get3A_55 = vector.load %arg3[%get3A_52, %get3A_53, %get3A_54] : memref<2x2000x16xf32, #tpu.memory_space<vmem>>, vector<1x2000x16xf32>
    %get3A_56 = vector.shape_cast %get3A_55 : vector<1x2000x16xf32> to vector<2000x16xf32>
    %get3A_57 = arith.constant 1 : index
    %get3A_58 = arith.constant 0 : index
    %get3A_59 = arith.constant 0 : index
    %get3A_60 = vector.load %arg3[%get3A_57, %get3A_58, %get3A_59] : memref<2x2000x16xf32, #tpu.memory_space<vmem>>, vector<1x2000x16xf32>
    %get3A_61 = vector.shape_cast %get3A_60 : vector<1x2000x16xf32> to vector<2000x16xf32>
    %add3A_62 = arith.addf %get3A_56, %get3A_61 : vector<2000x16xf32>
    %iota3A = tpu.iota {dimensions = array<i32: 1>} : vector<2000x16xi32>
    %eq3A = arith.constant 3 : i32
    %eq3A_63 = vector.broadcast %eq3A : i32 to vector<2000x16xi32>
    %eq3A_64 = arith.cmpi eq, %iota3A, %eq3A_63 : vector<2000x16xi32>
    %jit3A = arith.constant 0.000000e+00 : f32
    %broadcast_in_dim3A_65 = vector.broadcast %jit3A : f32 to vector<2000x16xf32>
    %select_n3A = arith.select %eq3A_64, %add3A_62, %broadcast_in_dim3A_65 : vector<2000x16xi1>, vector<2000x16xf32>
    %reduce_sum3A_66 = arith.constant dense<0.000000e+00> : vector<2000xf32>
    %reduce_sum3A_67 = vector.multi_reduction <add>, %select_n3A, %reduce_sum3A_66 [1] : vector<2000x16xf32> to vector<2000xf32>
    %broadcast_in_dim3A_68 = vector.shape_cast %reduce_sum3A_67 : vector<2000xf32> to vector<2000x1xf32>
    %max3A_69 = arith.constant 1.000000e+00 : f32
    %max3A_70 = vector.broadcast %max3A_69 : f32 to vector<2000x1xf32>
    %max3A_71 = arith.maximumf %broadcast_in_dim3A_68, %max3A_70 : vector<2000x1xf32>
    %get3A_72 = arith.constant 0 : index
    %get3A_73 = arith.constant 0 : index
    %get3A_74 = vector.load %arg4[%get3A_72, %get3A_73] : memref<2000x16xf32, #tpu.memory_space<vmem>>, vector<2000x16xf32>
    %div3A = vector.broadcast %max3A_71 : vector<2000x1xf32> to vector<2000x16xf32>
    %div3A_75 = arith.divf %add3A_62, %div3A : vector<2000x16xf32>
    %add3A_76 = arith.addf %get3A_74, %div3A_75 : vector<2000x16xf32>
    %slice3A = vector.extract_strided_slice %add3A_76 {offsets = [0, 0], sizes = [2000, 3], strides = [1, 1]} : vector<2000x16xf32> to vector<2000x3xf32>
    %concatenate3A = tpu.concatenate %logistic3A_51, %slice3A in 1 : vector<2000x1xf32>, vector<2000x3xf32> -> vector<2000x4xf32>
    %swap3A = arith.constant 0 : index
    %swap3A_77 = arith.constant 0 : index
    %swap3A_78 = vector.load %arg11[%swap3A, %swap3A_77] : memref<2000x4xf32, #tpu.memory_space<vmem>>, vector<2000x4xf32>
    tpu.vector_store %arg11[%swap3A, %swap3A_77], %concatenate3A {strides = array<i32>} : memref<2000x4xf32, #tpu.memory_space<vmem>>, vector<2000x4xf32>,
    return
  }
  func.func @transform_0(%arg0: i32) -> (i32, i32) {
    %c0_i32 = arith.constant 0 : i32
    %c0_i32_0 = arith.constant 0 : i32
    return %arg0, %c0_i32 : i32, i32
  }
  func.func @transform_1(%arg0: i32) -> (i32, i32, i32) {
    %c0_i32 = arith.constant 0 : i32
    %c0_i32_0 = arith.constant 0 : i32
    %c0_i32_1 = arith.constant 0 : i32
    return %c0_i32, %arg0, %c0_i32_0 : i32, i32, i32
  }
  func.func @transform_2(%arg0: i32) -> (i32, i32, i32) {
    %c0_i32 = arith.constant 0 : i32
    %c0_i32_0 = arith.constant 0 : i32
    %c0_i32_1 = arith.constant 0 : i32
    return %c0_i32, %arg0, %c0_i32_0 : i32, i32, i32
  }
  func.func @transform_3(%arg0: i32) -> (i32, i32) {
    %c0_i32 = arith.constant 0 : i32
    %c0_i32_0 = arith.constant 0 : i32
    return %arg0, %c0_i32 : i32, i32
  }
  func.func @transform_4(%arg0: i32) -> (i32, i32) {
    %c0_i32 = arith.constant 0 : i32
    %c0_i32_0 = arith.constant 0 : i32
    %c0_i32_1 = arith.constant 0 : i32
    return %c0_i32, %c0_i32_0 : i32, i32
  }
  func.func @transform_5(%arg0: i32) -> (i32, i32) {
    %c0_i32 = arith.constant 0 : i32
    %c0_i32_0 = arith.constant 0 : i32
    %c0_i32_1 = arith.constant 0 : i32
    return %c0_i32, %c0_i32_0 : i32, i32
  }
  func.func @transform_6(%arg0: i32) -> (i32, i32) {
    %c0_i32 = arith.constant 0 : i32
    %c0_i32_0 = arith.constant 0 : i32
    %c0_i32_1 = arith.constant 0 : i32
    return %c0_i32, %c0_i32_0 : i32, i32
  }
  func.func @transform_7(%arg0: i32) -> (i32, i32) {
    %c0_i32 = arith.constant 0 : i32
    %c0_i32_0 = arith.constant 0 : i32
    %c0_i32_1 = arith.constant 0 : i32
    return %c0_i32, %c0_i32_0 : i32, i32
  }
  func.func @transform_8(%arg0: i32) -> (i32, i32) {
    %c0_i32 = arith.constant 0 : i32
    %c0_i32_0 = arith.constant 0 : i32
    %c0_i32_1 = arith.constant 0 : i32
    return %c0_i32, %c0_i32_0 : i32, i32
  }
  func.func @transform_9(%arg0: i32) -> (i32, i32) {
    %c0_i32 = arith.constant 0 : i32
    %c0_i32_0 = arith.constant 0 : i32
    %c0_i32_1 = arith.constant 0 : i32
    return %c0_i32, %c0_i32_0 : i32, i32
  }
  func.func @transform_10(%arg0: i32) -> (i32, i32) {
    %c0_i32 = arith.constant 0 : i32
    %c0_i32_0 = arith.constant 0 : i32
    return %arg0, %c0_i32 : i32, i32
  }
}

</mosaic_0001>

<sc_bundles>
// kernel: kernel.5.cloned.1.call-start
scs
__scs_entry_jumppad:
0x0: {  	(pc) =	sbr.rel $0x88, $3  }
0x1: {  	(tag) =	ssettag $0x0;
	lr =	simm.s32 $0x1  }
0x2: {  	[smem:$0x3F96] =	sst lr;
	_ =	strace $0xD0000000  }
0x3: {  	_ = 	snop  }
0x4: {  	_ = 	snop  }
0x5: {  	_ = 	snop  }
0x6: {  	_ = 	snop  }
0x7: {  	_ = 	snop  }
__scs_overlays_trampoline_lowered:
0x8: {  	[smem:$0x3FA5] =	sst s0  }
0x9: {  	[smem:$0x3FA6] =	sst s1  }
0xa: {  	[smem:$0x3FA7] =	sst s2  }
0xb: {  	[smem:$0x3FA8] =	sst s3  }
0xc: {  	[smem:$0x3FA9] =	sst s4  }
0xd: {  	[smem:$0x3FAA] =	sst s5  }
0xe: {  	[smem:$0x3FAB] =	sst s6  }
0xf: {  	[smem:$0x3FAC] =	sst s7  }
0x10: {  	[smem:$0x3FAD] =	sst s8  }
0x11: {  	[smem:$0x3FAE] =	sst s9;
	s0 =	simm.s32 @!p0 $0x0  }
0x12: {  	s1 =	sld [smem:$0x3F94];
	s0 =	simm.s32 @p0 $0x1  }
0x13: {  	[smem:$0x3FAF] =	sst s0;
	s0 =	simm.s32 @!p1 $0x0  }
0x14: {  	s2 =	sld [smem:$0x3F93];
	s0 =	simm.s32 @p1 $0x1  }
0x15: {  	[smem:$0x3FB0] =	sst s0;
	s0 =	simm.s32 @!p2 $0x0  }
0x16: {  	s3 =	sld [smem:$0x3FDB];
	s0 =	simm.s32 @p2 $0x1  }
0x17: {  	s4 =	simm.s32 $0x1BF5;
	[smem:$0x3FB2] =	sst s0  }
0x18: {  	s0 =	sld [smem:$0x3F95];
	_ =	swait.ge [sflag:s4], $0x0  }
0x19: {  	s7 =	sld [smem:$0x3F96]  }
0x1a: {  	s8 =	sadd.s32 $0xFFFFE003, lr  }
0x1b: {  	s9 =	sadd.s32 $0xFFFFFEF7, lr;
	s5 =	simm.s32 $0xFFFFFFFF;
	p2 =	slt.u32 s8, $0xFFFFF086  }
0x1c: {  	p1 =	slt.u32 s9, $0xF7A;
	s5 =	simm.s32 @!p2 $0x0  }
0x1d: {  	s5 =	simm.s32 @p1 $0x1;
	p0 =	seq.s32 s7, s2  }
0x1e: {  	s7 =	smul.u32 @!p0 $0xF7A, s2;
	p2 =	seq.s32 @!p0 s5, $0x0  }
0x1f: {  	s9 =	smul.u32 $0xF7A, s1;
	s8 =	simm.s32 @!p0 $0x1BF5;
	p2 =	por !p2, p0  }
0x20: {  	[sflag:s8] =	ssyncset.s32 @!p0 $0xFFFFF086;
	s6 =	sadd.s32 @!p0 s3, s7;
	s7 =	simm.s32 @!p0 $0x108  }
0x21: {  	s3 =	sadd.s32 s3, s9;
	s6 =	sadd.s32 @!p0 $0x88, s6;
	s7 =	simm.s32 @p2 $0x1082  }
0x22: {  	[simem:s7], [sflag:s8] =	dma.local @!p0 [hbm:s6], $0xF7A  }
0x23: {  	s9 =	sor.u32 $0xD0000000, s2;
	s6 =	simm.s32 $0x108;
	_ =	swait.ge @!p0 [sflag:s8], $0x0  }
0x24: {  	s3 =	sadd.s32 $0x88, s3;
	s6 =	simm.s32 @!p1 $0x1082;
	[sflag:s4] =	ssyncset.s32 $0xFFFFF086  }
0x25: {  	[simem:s6], [sflag:s4] =	dma.local [hbm:s3], $0xF7A  }
0x26: {  	[smem:$0x3F96] =	sst s1;
	(tag) =	ssettag s2;
	_ =	strace s9  }
0x27: {  	s1 =	sld [smem:$0x3FA6]  }
0x28: {  	s2 =	sld [smem:$0x3FA7]  }
0x29: {  	s4 =	sld [smem:$0x3FA9]  }
0x2a: {  	p0 =	seq.s32 s5, $0x0;
	s5 =	sld [smem:$0x3FAA]  }
0x2b: {  	s6 =	sld [smem:$0x3FAB]  }
0x2c: {  	s7 =	sld [smem:$0x3FAC]  }
0x2d: {  	s3 =	simm.s32 $0x108;
	s8 =	sld [smem:$0x3FAD]  }
0x2e: {  	s3 =	simm.s32 @!p0 $0x1082;
	s9 =	sld [smem:$0x3FAE]  }
0x2f: {  	lr =	sadd.s32 s0, s3;
	s0 =	sld [smem:$0x3FA5]  }
0x30: {  	s3 =	sld [smem:$0x3FA8]  }
0x31: {  	[smem:$0x3FB1] =	sst s10  }
0x32: {  	s10 =	sld [smem:$0x3FAF];
	_ =	sdelay $0x3  }
0x33: {  	p0 =	seq.s32 s10, $0x1;
	s10 =	sld [smem:$0x3FB1];
	_ =	sdelay $0x3  }
0x34: {  	[smem:$0x3FB1] =	sst s10  }
0x35: {  	s10 =	sld [smem:$0x3FB0];
	_ =	sdelay $0x3  }
0x36: {  	p1 =	seq.s32 s10, $0x1;
	s10 =	sld [smem:$0x3FB1];
	_ =	sdelay $0x3  }
0x37: {  	[smem:$0x3FB1] =	sst s10  }
0x38: {  	s10 =	sld [smem:$0x3FB2]  }
0x39: {  	_ = 	snop;
	(pc) =	sbr.ind lr, $3  }
0x3a: {  	_ = 	snop  }
0x3b: {  	_ = 	snop  }
0x3c: {  	p2 =	seq.s32 s10, $0x1;
	s10 =	sld [smem:$0x3FB1]  }
0x3d: {  	_ =	shalt  }
0x3e: {  	_ =	shalt  }
0x3f: {  	_ =	shalt  }
0x40: {  	_ =	shalt  }
0x41: {  	_ =	shalt  }
0x42: {  	_ =	shalt  }
0x43: {  	_ =	shalt  }
0x44: {  	_ =	shalt  }
0x45: {  	_ =	shalt  }
0x46: {  	_ =	shalt  }
0x47: {  	_ =	shalt  }
0x48: {  	_ =	shalt  }
0x49: {  	_ =	shalt  }
0x4a: {  	_ =	shalt  }
0x4b: {  	_ =	shalt  }
0x4c: {  	_ =	shalt  }
0x4d: {  	_ =	shalt  }
0x4e: {  	_ =	shalt  }
0x4f: {  	_ =	shalt  }
0x50: {  	_ =	shalt  }
0x51: {  	_ =	shalt  }
0x52: {  	_ =	shalt  }
0x53: {  	_ =	shalt  }
0x54: {  	_ =	shalt  }
0x55: {  	_ =	shalt  }
0x56: {  	_ =	shalt  }
0x57: {  	_ =	shalt  }
0x58: {  	_ =	shalt  }
0x59: {  	_ =	shalt  }
0x5a: {  	_ =	shalt  }
0x5b: {  	_ =	shalt  }
0x5c: {  	_ =	shalt  }
0x5d: {  	_ =	shalt  }
0x5e: {  	_ =	shalt  }
0x5f: {  	_ =	shalt  }
0x60: {  	_ =	shalt  }
0x61: {  	_ =	shalt  }
0x62: {  	_ =	shalt  }
0x63: {  	_ =	shalt  }
0x64: {  	_ =	shalt  }
0x65: {  	_ =	shalt  }
0x66: {  	_ =	shalt  }
0x67: {  	_ =	shalt  }
0x68: {  	_ =	shalt  }
0x69: {  	_ =	shalt  }
0x6a: {  	_ =	shalt  }
0x6b: {  	_ =	shalt  }
0x6c: {  	_ =	shalt  }
0x6d: {  	_ =	shalt  }
0x6e: {  	_ =	shalt  }
0x6f: {  	_ =	shalt  }
0x70: {  	_ =	shalt  }
0x71: {  	_ =	shalt  }
0x72: {  	_ =	shalt  }
0x73: {  	_ =	shalt  }
0x74: {  	_ =	shalt  }
0x75: {  	_ =	shalt  }
0x76: {  	_ =	shalt  }
0x77: {  	_ =	shalt  }
0x78: {  	_ =	shalt  }
0x79: {  	_ =	shalt  }
0x7a: {  	_ =	shalt  }
0x7b: {  	_ =	shalt  }
0x7c: {  	_ =	shalt  }
0x7d: {  	_ =	shalt  }
0x7e: {  	_ =	shalt  }
0x7f: {  	_ =	shalt  }
0x80: {  	_ =	shalt  }
0x81: {  	_ =	shalt  }
0x82: {  	_ =	shalt  }
0x83: {  	_ =	shalt  }
0x84: {  	_ =	shalt  }
0x85: {  	_ =	shalt  }
0x86: {  	_ =	shalt  }
0x87: {  	_ =	shalt  }
.Lfunc_end0:
.L_simem_size_0:
called_computation_lowered:
.L_overlay_start_0:
0x88: {  	s2 =	sld [smem:$0x3FD9]  }
0x89: {  	s3 =	sld [smem:$0x3FFE];
	_ =	sdelay $0x1  }
0x8a: {  	s1 =	srdreg.scid  }
0x8b: {  	s0 =	sand.u32 $0x1, s1  }
0x8c: {  	s17 =	sshll.u32 s0, $0xA;
	s2 =	sadd.s32 s3, s2  }
0x8d: {  	s2 =	sadd.s32 s2, s17  }
0x8e: {  	[smem:$0x3FBD] =	sst s2  }
0x8f: {  	_ = 	snop  }
0x90: {  	s2 =	sld [smem:$0x3FD0];
	(tm) =	ssettm $0x1  }
0x91: {  	s18 =	sld [smem:$0x3FFB];
	_ =	sdelay $0x3  }
0x92: {  	_ =	strace s18  }
0x93: {  	s3 =	sld [smem:$0x3FFC];
	_ =	sdelay $0x3  }
0x94: {  	_ =	strace s3  }
0x95: {  	s3 =	sld [smem:$0x3FFD];
	_ =	sdelay $0x3  }
0x96: {  	_ =	strace s3  }
0x97: {  	_ =	strace $0x8FFFFFFF  }
0x98: {  	s19 =	sld [smem:$0x3FDB];
	_ =	sdelay $0x1  }
0x99: {  	s4 =	simm.s32 $_scs_section_size  }
0x9a: {  	s5 =	simm.s32 $_size__tile_overlayer_lowered;
	s6 =	simm.s32 $_tile_overlayer_lowered  }
0x9b: {  	s22 =	simm.s32 $0x1BFF;
	s21 =	sshll.u32 s6, $0x1;
	s3 =	sadd.s32 s4, s19  }
0x9c: {  	s7 =	simm.s32 $0x0;
	s20 =	sshll.u32 s5, $0x1;
	s5 =	sadd.s32 s21, s3  }
0x9d: {  	[timem:s7], [sflag:s22] =	dma.local [hbm:s5], s20  }
0x9e: {  	_ =	swait.ge [sflag:s22], s20  }
0x9f: {  	s4 =	ssub.s32 $0x0, s20;
	[sflag:s22] =	ssyncset.done $0x0  }
0xa0: {  	[sflag:s22] =	ssyncadd.s32 s4;
	_ =	sdelay $0x1  }
0xa1: {  	s23 =	simm.s32 $0x1B8B  }
0xa2: {  	_ =	swait.ge [sflag:s23], $0x1  }
0xa3: {  	[sflag:s23] =	ssyncset.done $0x0  }
0xa4: {  	s25 =	simm.s32 $0x1B8E;
	s24 =	sld [smem:$0x3FFE];
	[sflag:s23] =	ssyncadd.s32 $0xFFFFFFFF  }
0xa5: {  	s26 =	simm.s32 $execute0_lowered;
	[smem:$0x3FD2] =	sst s25  }
0xa6: {  	s5 =	sshll.u32 s26, $0x1;
	_ =	strace $0x80000046;
	[dreg:$0x1] =	wrdreg $0xFFFFFFFF  }
0xa7: {  	s28 =	simm.s32 $_size_execute0_lowered;
	s3 =	sadd.s32 s3, s5;
	[dreg:$0x0] =	wrdreg $0x0  }
0xa8: {  	s5 =	sshll.u32 s28, $0x1;
	[dreg:$0x2] =	wrdreg s3  }
0xa9: {  	[dreg:$0x3] =	wrdreg s5  }
0xaa: {  	[dreg:$0x4] =	wrdreg $0xC0  }
0xab: {  	_ =	task [dreg:s7], $0x5FFFF  }
0xac: {  	[dreg:$0x1] =	wrdreg $0xFFFFFFFF  }
0xad: {  	[dreg:$0x0] =	wrdreg $0x60  }
0xae: {  	[dreg:$0x2] =	wrdreg s24  }
0xaf: {  	[dreg:$0x3] =	wrdreg s2  }
0xb0: {  	[dreg:$0x4] =	wrdreg $0x66400  }
0xb1: {  	[dreg:$0x5] =	wrdreg $0x1A6400  }
0xb2: {  	[dreg:$0x6] =	wrdreg $0x9  }
0xb3: {  	_ =	task.clear_ibuf [dreg:s7], $0x7FFFF;
	_ =	strace $0x90000046  }
0xb4: {  	s29 =	simm.s32 $0x9;
	_ =	strace $0x80000048  }
0xb5: {  	_ =	swait.ge [sflag:s29], $0x1  }
0xb6: {  	[sflag:s29] =	ssyncadd.s32 $0xFFFFFFFF  }
0xb7: {  	_ =	strace $0x90000048  }
0xb8: {  	_ =	sfence  }
0xb9: {  	s30 =	sld [smem:$0x0];
	_ =	sdelay $0x2  }
0xba: {  	s31 =	sshll.u32 s1, $0xD;
	s1 =	sshrl.u32 s1, $0x2  }
0xbb: {  	s3 =	sand.u32 $0x4000, s31;
	s1 =	sadd.s32 s1, s30  }
0xbc: {  	s0 =	sor.u32 s3, s0;
	s1 =	sshll.u32 s1, $0x11  }
0xbd: {  	s0 =	sor.u32 s1, s0  }
0xbe: {  	s0 =	sadd.s32 $0x8F2B, s0  }
0xbf: {  	[sflag:s0] =	ssyncadd.remote.s32 $0x1  }
0xc0: {  	_ =	sfence.sel $0xFFFF  }
0xc1: {  	[dreg:$0x0] =	wrdreg $0xFFFFFFFF;
	(pc) =	sbr.abs _section_cstart, $3  }
0xc2: {  	[dreg:$0x1] =	wrdreg $0xFFFFFFFF  }
0xc3: {  	_ =	task.clear_ibuf [dreg:s7], $0x2FFFF;
	_ =	strace $0x9FFFFFFF  }
0xc4: {  	(tm) =	ssettm $0x7FFFFFFF  }
0xc5: {  	_ =	shalt  }
tec
execute0_lowered:
.L_overlay_start_1:
0x0: {  	(tag) =	ssettag $0x1  }
0x1: {  	s1 =	rddreg [dreg:$0x0]  }
0x2: {  	s2 =	rddreg [dreg:$0x2]  }
0x3: {  	s4 =	rddreg [dreg:$0x3];
	s3 =	simm.s32 $0x0;
	s0 =	srdreg.scid  }
0x4: {  	s14 =	stileid.u32;
	s31 =	simm.s32 $0x6;
	[smem:$0x7FF] =	sst s3  }
0x5: {  	s25 =	sand.u32 $0x1, s0;
	s11 =	smul.u32 $0x14000, s14;
	s6 =	sadd.s32 $0x1B000, s1  }
0x6: {  	s7 =	sadd.s32 $0x2EA00, s1;
	s8 =	sadd.s32 $0x16000, s1;
	s12 =	smul.u32 $0x2800, s14  }
0x7: {  	s9 =	sadd.s32 $0x2600, s1;
	_ =	strace $0x80000047;
	s0 =	smul.u32 $0x140000, s25  }
0x8: {  	s5 =	smul.u32 $0x28000, s25;
	s10 =	sshll.u32 s25, $0x4;
	s3 =	ssub.s32 $0x2, s25  }
0x9: {  	s10 =	sor.u32 s14, s10;
	s26 =	sshrl.u32 s3, $0x1;
	s15 =	sadd.s32 s11, s2  }
0xa: {  	s16 =	sadd.s32 s12, s4;
	s0 =	sadd.s32 s11, s0;
	s5 =	sadd.s32 s12, s5  }
0xb: {  	s10 =	smul.u32 $0x2710, s10;
	s3 =	ssub.s32 s3, s26;
	[dreg:$0x6] =	wrdreg s15  }
0xc: {  	s0 =	sshrl.u32 s0, $0x3;
	s13 =	sshrl.u32 s5, $0x3;
	s5 =	smul.u32 $0x280, s14  }
0xd: {  	[dreg:$0x7] =	wrdreg s16;
	s0 =	sadd.s32 s0, s1;
	s28 =	sshrl.u32 s10, $0x3  }
0xe: {  	s1 =	sadd.s32 s13, s1;
	s14 =	sadd.s32 s9, s28;
	s29 =	sor.u32 $0x28, s5  }
0xf: {  	s13 =	sor.u32 $0x50, s5;
	s19 =	sor.u32 $0x78, s5;
	s21 =	sadd.s32 $0xA0, s5  }
0x10: {  	s24 =	sadd.s32 $0xC8, s5;
	s28 =	sadd.s32 $0xF0, s5;
	s0 =	sadd.s32 $0x4C400, s0  }
0x11: {  	s30 =	sshll.u32 s29, $0x7;
	s12 =	sshll.u32 s29, $0x4;
	s17 =	sshll.u32 s13, $0x7  }
0x12: {  	s20 =	sshll.u32 s19, $0x7;
	s22 =	sshll.u32 s21, $0x7;
	[smem:$0x7F8] =	sst s0  }
0x13: {  	s23 =	sshll.u32 s21, $0x4;
	[dreg:$0x5] =	wrdreg s14;
	s11 =	sadd.s32 s30, s2  }
0x14: {  	s25 =	sshll.u32 s24, $0x7;
	[dreg:$0x8] =	wrdreg s11;
	s11 =	sadd.s32 s12, s4  }
0x15: {  	s12 =	sshll.u32 s13, $0x4;
	[dreg:$0x9] =	wrdreg s11;
	s11 =	sadd.s32 s17, s2  }
0x16: {  	s29 =	sshll.u32 s28, $0x7;
	s18 =	sadd.s32 s12, s4;
	[dreg:$0xa] =	wrdreg s11  }
0x17: {  	s30 =	sadd.s32 $0x118, s5;
	s12 =	sadd.s32 s20, s2;
	[dreg:$0xb] =	wrdreg s18  }
0x18: {  	s17 =	sshll.u32 s30, $0x7;
	s11 =	sshll.u32 s19, $0x4;
	[dreg:$0xc] =	wrdreg s12  }
0x19: {  	s12 =	sshll.u32 s24, $0x4;
	s18 =	sshll.u32 s30, $0x4;
	s11 =	sadd.s32 s11, s4  }
0x1a: {  	s19 =	sadd.s32 $0x140, s5;
	s26 =	sadd.s32 s12, s4;
	[dreg:$0xd] =	wrdreg s11  }
0x1b: {  	s24 =	sadd.s32 $0x190, s5;
	s12 =	sadd.s32 s29, s2;
	[dreg:$0x11] =	wrdreg s26  }
0x1c: {  	s20 =	sshll.u32 s19, $0x7;
	s11 =	sadd.s32 s22, s2;
	[dreg:$0x12] =	wrdreg s12  }
0x1d: {  	s12 =	sshll.u32 s19, $0x4;
	s22 =	sadd.s32 $0x168, s5;
	s26 =	sshll.u32 s24, $0x4  }
0x1e: {  	[dreg:$0xe] =	wrdreg s11;
	s11 =	sadd.s32 s23, s4;
	s21 =	sadd.s32 s12, s4  }
0x1f: {  	s23 =	sshll.u32 s22, $0x7;
	[dreg:$0xf] =	wrdreg s11;
	s11 =	sadd.s32 s25, s2  }
0x20: {  	[dreg:$0x17] =	wrdreg s21;
	s12 =	sadd.s32 s23, s2;
	s25 =	sshll.u32 s24, $0x7  }
0x21: {  	[dreg:$0x10] =	wrdreg s11;
	s11 =	sshll.u32 s28, $0x4;
	s28 =	sadd.s32 $0x1B8, s5  }
0x22: {  	[dreg:$0x18] =	wrdreg s12;
	s11 =	sadd.s32 s11, s4;
	s29 =	sshll.u32 s28, $0x7  }
0x23: {  	s12 =	sshll.u32 s28, $0x4;
	s28 =	sadd.s32 $0x9C40, s14;
	[dreg:$0x13] =	wrdreg s11  }
0x24: {  	s11 =	sadd.s32 s17, s2;
	s30 =	sadd.s32 s12, s4;
	[smem:$0x7FB] =	sst s28  }
0x25: {  	s12 =	sadd.s32 $0x1E0, s5;
	s17 =	sadd.s32 $0x208, s5;
	[dreg:$0x14] =	wrdreg s11  }
0x26: {  	s11 =	sadd.s32 s18, s4;
	[dreg:$0x1d] =	wrdreg s30;
	s30 =	sadd.s32 $0x9C72, s14  }
0x27: {  	[dreg:$0x15] =	wrdreg s11;
	s11 =	sadd.s32 s20, s2;
	s20 =	sadd.s32 $0x230, s5  }
0x28: {  	s5 =	sadd.s32 $0x258, s5;
	[dreg:$0x16] =	wrdreg s11;
	s11 =	sshll.u32 s22, $0x4  }
0x29: {  	[smem:$0x7FD] =	sst s30;
	s23 =	sshll.u32 s5, $0x7;
	s11 =	sadd.s32 s11, s4  }
0x2a: {  	s5 =	sshll.u32 s5, $0x4;
	s24 =	sadd.s32 s23, s2;
	[dreg:$0x19] =	wrdreg s11  }
0x2b: {  	s13 =	sshll.u32 s12, $0x7;
	s5 =	sadd.s32 s5, s4;
	[smem:$0x7F6] =	sst s24  }
0x2c: {  	s18 =	sshll.u32 s17, $0x7;
	s11 =	sadd.s32 s25, s2;
	[smem:$0x7F7] =	sst s5  }
0x2d: {  	s19 =	sshll.u32 s17, $0x4;
	s25 =	sadd.s32 $0x42400, s1;
	[dreg:$0x1a] =	wrdreg s11  }
0x2e: {  	s21 =	sshll.u32 s20, $0x7;
	s11 =	sadd.s32 s26, s4;
	[smem:$0x7F9] =	sst s25  }
0x2f: {  	s22 =	sshll.u32 s20, $0x4;
	s26 =	smax.u32 s3, $0x1;
	[dreg:$0x1b] =	wrdreg s11  }
0x30: {  	s20 =	simm.s32 $0x2;
	s11 =	sadd.s32 s29, s2;
	[smem:$0x7FA] =	sst s26  }
0x31: {  	s1 =	simm.s32 $0x3840;
	s29 =	sadd.s32 $0x32, s14;
	[dreg:$0x1c] =	wrdreg s11  }
0x32: {  	s11 =	sshll.u32 s12, $0x4;
	s12 =	sadd.s32 s13, s2;
	[smem:$0x7FC] =	sst s29  }
0x33: {  	s5 =	simm.s32 $0x0;
	[dreg:$0x1e] =	wrdreg s12;
	s11 =	sadd.s32 s11, s4  }
0x34: {  	s3 =	simm.s32 $0x6040;
	[dreg:$0x1f] =	wrdreg s11;
	s11 =	sadd.s32 s18, s2  }
0x35: {  	s14 =	simm.s32 $0x28;
	[smem:$0x7F2] =	sst s11;
	s11 =	sadd.s32 s19, s4  }
0x36: {  	s12 =	simm.s32 $0x320;
	[smem:$0x7F3] =	sst s11;
	s11 =	sadd.s32 s21, s2  }
0x37: {  	v0 =	vimm.f32 $0.0e+00;
	vm0 =	vcmask $0xF0C;
	s19 =	simm.s32 $0x1;
	[smem:$0x7F4] =	sst s11;
	s11 =	sadd.s32 s22, s4  }
0x38: {  	v1 =	vsel vm0, $0x3F800000, v0;
	s21 =	simm.s32 $0x4C40;
	s22 =	simm.s32 $0x62C0;
	[smem:$0x7F5] =	sst s11  }
.LBB2_1:
0x39: {  	[smem:$0x7F1] =	sst s5  }
0x3a: {  	s23 =	simm.s32 $0x0;
	s0 =	rddreg [dreg:$0x5]  }
0x3b: {  	[tilespmem:s23], [sflag:$0x6] =	stream.linear.gather [hbm4b:s0+s23], $0x190, $0x38;
	[tilespmem:$0x1CE40] =	vst v63  }
0x3c: {  	_ =	swait.ge [sflag:s31], $0x190  }
0x3d: {  	s24 =	sld [smem:$0x7FB]  }
0x3e: {  	[sflag:s31] =	ssyncset.done $0x0  }
0x3f: {  	[sflag:s31] =	ssyncadd.s32 $0xFFFFFE70  }
0x40: {  	[tilespmem:s12], [sflag:$0x6] =	stream.linear.gather [hbm4b:s24+s23], $0x190, $0x38;
	[tilespmem:$0x1CE40] =	vst v63  }
0x41: {  	_ =	swait.ge [sflag:s31], $0x190  }
0x42: {  	s25 =	sld [smem:$0x7FC]  }
0x43: {  	[sflag:s31] =	ssyncset.done $0x0  }
0x44: {  	s11 =	simm.s32 $0x190;
	s26 =	sld [smem:$0x7FD];
	[sflag:s31] =	ssyncadd.s32 $0xFFFFFE70  }
0x45: {  	[tilespmem:s11], [sflag:$0x5] =	stream.linear.gather [hbm4b:s25+s23], $0x190, $0x38;
	[tilespmem:$0x1CE40] =	vst v63  }
0x46: {  	s28 =	simm.s32 $0x4B0  }
0x47: {  	[tilespmem:s28], [sflag:$0x5] =	stream.linear.gather [hbm4b:s26+s23], $0x190, $0x38;
	[tilespmem:$0x1CE40] =	vst v63  }
0x48: {  	s30 =	simm.s32 $0x6540;
	s29 =	rddreg [dreg:$0x1]  }
0x49: {  	[tilespmem:s30], [sflag:$0x6] =	stream.linear.gather [hbm4b:s29+s23], $0x100, $0x38;
	[tilespmem:$0x1CE40] =	vst v63  }
0x4a: {  	_ =	swait.ge [sflag:s31], $0x100  }
0x4b: {  	[sflag:s31] =	ssyncset.done $0x0  }
0x4c: {  	[sflag:s31] =	ssyncadd.s32 $0xFFFFFF00  }
0x4d: {  	v2 =	vld [tilespmem:$0x6540]  }
0x4e: {  	v3 =	vld [tilespmem:$0x6550]  }
0x4f: {  	v4 =	vld [tilespmem:$0x6560]  }
0x50: {  	v5 =	vld [tilespmem:$0x6570]  }
0x51: {  	v6 =	vld [tilespmem:$0x6580]  }
0x52: {  	v7 =	vld [tilespmem:$0x6590]  }
0x53: {  	v8 =	vld [tilespmem:$0x65A0]  }
0x54: {  	v9 =	vld [tilespmem:$0x65B0]  }
0x55: {  	v10 =	vld [tilespmem:$0x65C0]  }
0x56: {  	v11 =	vld [tilespmem:$0x65D0]  }
0x57: {  	v12 =	vld [tilespmem:$0x65E0]  }
0x58: {  	v13 =	vld [tilespmem:$0x65F0]  }
0x59: {  	v14 =	vld [tilespmem:$0x6600]  }
0x5a: {  	v15 =	vld [tilespmem:$0x6610]  }
0x5b: {  	s0 =	simm.s32 $0x3880;
	v16 =	vld [tilespmem:$0x6620]  }
0x5c: {  	v17 =	vld [tilespmem:$0x6630];
	[tilespmem:s0+$0xFFFFFFD0] =	vst v0  }
0x5d: {  	[tilespmem:s0+$0xFFFFFFE0] =	vst v0  }
0x5e: {  	[tilespmem:s0+$0xFFFFFFF0] =	vst v0  }
0x5f: {  	[tilespmem:s0+$0x0] =	vst v0  }
0x60: {  	[tilespmem:s0+$0x10] =	vst v0  }
0x61: {  	[tilespmem:s0+$0x20] =	vst v0  }
0x62: {  	[tilespmem:s0+$0x30] =	vst v0  }
0x63: {  	s5 =	simm.s32 $0x40;
	s11 =	simm.s32 $0x0;
	[tilespmem:s0+$0xFFFFFFC0] =	vst v0  }
.LBB2_2:
0x64: {  	p0 =	sne.s32 s5, $0x9C0;
	[tilespmem:s11+$0x6040] =	vst v0;
	s0 =	sadd.s32 $0x80, s0  }
0x65: {  	[tilespmem:s0+$0xFFFFFFD0] =	vst v0  }
0x66: {  	[tilespmem:s0+$0xFFFFFFE0] =	vst v0  }
0x67: {  	[tilespmem:s0+$0xFFFFFFF0] =	vst v0  }
.Ltmp0:
0x68: {  	[tilespmem:s0+$0x0] =	vst v0;
	(pc) =	sbr.rel @p0 .LBB2_2-.Ltmp0, $4  }
0x69: {  	[tilespmem:s0+$0x10] =	vst v0  }
0x6a: {  	[tilespmem:s0+$0x20] =	vst v0  }
0x6b: {  	[tilespmem:s0+$0x30] =	vst v0  }
0x6c: {  	s11 =	sshra.s32 s5, $0x2;
	s5 =	sadd.s32 $0x40, s5;
	[tilespmem:s0+$0xFFFFFFC0] =	vst v0  }
0x6d: {  	[tilespmem:s11+$0x6040] =	vst v0  }
0x6e: {  	[spmem:s15] =	stream.linear.scatter [tilespmem:s1], [sflag:$0x6], $0x1400, $0x38;
	[tilespmem:$0x1CE40] =	vst v63  }
0x6f: {  	_ =	swait.ge [sflag:s31], $0x1400  }
0x70: {  	[sflag:s31] =	ssyncset.done $0x0  }
0x71: {  	[sflag:s31] =	ssyncadd.s32 $0xFFFFEC00  }
0x72: {  	[spmem:s16] =	stream.linear.scatter [tilespmem:s3], [sflag:$0x6], $0x280, $0x38;
	[tilespmem:$0x1CE40] =	vst v63  }
0x73: {  	_ =	swait.ge [sflag:s31], $0x280  }
0x74: {  	[sflag:s31] =	ssyncset.done $0x0  }
0x75: {  	s0 =	rddreg [dreg:$0x8];
	[sflag:s31] =	ssyncadd.s32 $0xFFFFFD80  }
0x76: {  	[spmem:s0] =	stream.linear.scatter [tilespmem:s1], [sflag:$0x6], $0x1400, $0x38;
	[tilespmem:$0x1CE40] =	vst v63  }
0x77: {  	_ =	swait.ge [sflag:s31], $0x1400  }
0x78: {  	[sflag:s31] =	ssyncset.done $0x0  }
0x79: {  	s24 =	rddreg [dreg:$0x9];
	[sflag:s31] =	ssyncadd.s32 $0xFFFFEC00  }
0x7a: {  	[spmem:s24] =	stream.linear.scatter [tilespmem:s3], [sflag:$0x6], $0x280, $0x38;
	[tilespmem:$0x1CE40] =	vst v63  }
0x7b: {  	_ =	swait.ge [sflag:s31], $0x280  }
0x7c: {  	[sflag:s31] =	ssyncset.done $0x0  }
0x7d: {  	s25 =	rddreg [dreg:$0xa];
	[sflag:s31] =	ssyncadd.s32 $0xFFFFFD80  }
0x7e: {  	[spmem:s25] =	stream.linear.scatter [tilespmem:s1], [sflag:$0x6], $0x1400, $0x38;
	[tilespmem:$0x1CE40] =	vst v63  }
0x7f: {  	_ =	swait.ge [sflag:s31], $0x1400  }
0x80: {  	[sflag:s31] =	ssyncset.done $0x0  }
0x81: {  	s26 =	rddreg [dreg:$0xb];
	[sflag:s31] =	ssyncadd.s32 $0xFFFFEC00  }
0x82: {  	[spmem:s26] =	stream.linear.scatter [tilespmem:s3], [sflag:$0x6], $0x280, $0x38;
	[tilespmem:$0x1CE40] =	vst v63  }
0x83: {  	_ =	swait.ge [sflag:s31], $0x280  }
0x84: {  	[sflag:s31] =	ssyncset.done $0x0  }
0x85: {  	s28 =	rddreg [dreg:$0xc];
	[sflag:s31] =	ssyncadd.s32 $0xFFFFFD80  }
0x86: {  	[spmem:s28] =	stream.linear.scatter [tilespmem:s1], [sflag:$0x6], $0x1400, $0x38;
	[tilespmem:$0x1CE40] =	vst v63  }
0x87: {  	_ =	swait.ge [sflag:s31], $0x1400  }
0x88: {  	[sflag:s31] =	ssyncset.done $0x0  }
0x89: {  	s29 =	rddreg [dreg:$0xd];
	[sflag:s31] =	ssyncadd.s32 $0xFFFFEC00  }
0x8a: {  	[spmem:s29] =	stream.linear.scatter [tilespmem:s3], [sflag:$0x6], $0x280, $0x38;
	[tilespmem:$0x1CE40] =	vst v63  }
0x8b: {  	_ =	swait.ge [sflag:s31], $0x280  }
0x8c: {  	[sflag:s31] =	ssyncset.done $0x0  }
0x8d: {  	s30 =	rddreg [dreg:$0xe];
	[sflag:s31] =	ssyncadd.s32 $0xFFFFFD80  }
0x8e: {  	[spmem:s30] =	stream.linear.scatter [tilespmem:s1], [sflag:$0x6], $0x1400, $0x38;
	[tilespmem:$0x1CE40] =	vst v63  }
0x8f: {  	_ =	swait.ge [sflag:s31], $0x1400  }
0x90: {  	[sflag:s31] =	ssyncset.done $0x0  }
0x91: {  	s5 =	rddreg [dreg:$0xf];
	[sflag:s31] =	ssyncadd.s32 $0xFFFFEC00  }
0x92: {  	[spmem:s5] =	stream.linear.scatter [tilespmem:s3], [sflag:$0x6], $0x280, $0x38;
	[tilespmem:$0x1CE40] =	vst v63  }
0x93: {  	_ =	swait.ge [sflag:s31], $0x280  }
0x94: {  	[sflag:s31] =	ssyncset.done $0x0  }
0x95: {  	s11 =	rddreg [dreg:$0x10];
	[sflag:s31] =	ssyncadd.s32 $0xFFFFFD80  }
0x96: {  	[spmem:s11] =	stream.linear.scatter [tilespmem:s1], [sflag:$0x6], $0x1400, $0x38;
	[tilespmem:$0x1CE40] =	vst v63  }
0x97: {  	_ =	swait.ge [sflag:s31], $0x1400  }
0x98: {  	[sflag:s31] =	ssyncset.done $0x0  }
0x99: {  	s13 =	rddreg [dreg:$0x11];
	[sflag:s31] =	ssyncadd.s32 $0xFFFFEC00  }
0x9a: {  	[spmem:s13] =	stream.linear.scatter [tilespmem:s3], [sflag:$0x6], $0x280, $0x38;
	[tilespmem:$0x1CE40] =	vst v63  }
0x9b: {  	_ =	swait.ge [sflag:s31], $0x280  }
0x9c: {  	[sflag:s31] =	ssyncset.done $0x0  }
0x9d: {  	s15 =	rddreg [dreg:$0x12];
	[sflag:s31] =	ssyncadd.s32 $0xFFFFFD80  }
0x9e: {  	[spmem:s15] =	stream.linear.scatter [tilespmem:s1], [sflag:$0x6], $0x1400, $0x38;
	[tilespmem:$0x1CE40] =	vst v63  }
0x9f: {  	_ =	swait.ge [sflag:s31], $0x1400  }
0xa0: {  	[sflag:s31] =	ssyncset.done $0x0  }
0xa1: {  	s16 =	rddreg [dreg:$0x13];
	[sflag:s31] =	ssyncadd.s32 $0xFFFFEC00  }
0xa2: {  	[spmem:s16] =	stream.linear.scatter [tilespmem:s3], [sflag:$0x6], $0x280, $0x38;
	[tilespmem:$0x1CE40] =	vst v63  }
0xa3: {  	_ =	swait.ge [sflag:s31], $0x280  }
0xa4: {  	[sflag:s31] =	ssyncset.done $0x0  }
0xa5: {  	s17 =	rddreg [dreg:$0x14];
	[sflag:s31] =	ssyncadd.s32 $0xFFFFFD80  }
0xa6: {  	[spmem:s17] =	stream.linear.scatter [tilespmem:s1], [sflag:$0x6], $0x1400, $0x38;
	[tilespmem:$0x1CE40] =	vst v63  }
0xa7: {  	_ =	swait.ge [sflag:s31], $0x1400  }
0xa8: {  	[sflag:s31] =	ssyncset.done $0x0  }
0xa9: {  	s18 =	rddreg [dreg:$0x15];
	[sflag:s31] =	ssyncadd.s32 $0xFFFFEC00  }
0xaa: {  	[spmem:s18] =	stream.linear.scatter [tilespmem:s3], [sflag:$0x6], $0x280, $0x38;
	[tilespmem:$0x1CE40] =	vst v63  }
0xab: {  	_ =	swait.ge [sflag:s31], $0x280  }
0xac: {  	[sflag:s31] =	ssyncset.done $0x0  }
0xad: {  	s23 =	rddreg [dreg:$0x16];
	[sflag:s31] =	ssyncadd.s32 $0xFFFFFD80  }
0xae: {  	[spmem:s23] =	stream.linear.scatter [tilespmem:s1], [sflag:$0x6], $0x1400, $0x38;
	[tilespmem:$0x1CE40] =	vst v63  }
0xaf: {  	_ =	swait.ge [sflag:s31], $0x1400  }
0xb0: {  	[sflag:s31] =	ssyncset.done $0x0  }
0xb1: {  	s24 =	rddreg [dreg:$0x17];
	[sflag:s31] =	ssyncadd.s32 $0xFFFFEC00  }
0xb2: {  	[spmem:s24] =	stream.linear.scatter [tilespmem:s3], [sflag:$0x6], $0x280, $0x38;
	[tilespmem:$0x1CE40] =	vst v63  }
0xb3: {  	_ =	swait.ge [sflag:s31], $0x280  }
0xb4: {  	[sflag:s31] =	ssyncset.done $0x0  }
0xb5: {  	s25 =	rddreg [dreg:$0x18];
	[sflag:s31] =	ssyncadd.s32 $0xFFFFFD80  }
0xb6: {  	[spmem:s25] =	stream.linear.scatter [tilespmem:s1], [sflag:$0x6], $0x1400, $0x38;
	[tilespmem:$0x1CE40] =	vst v63  }
0xb7: {  	_ =	swait.ge [sflag:s31], $0x1400  }
0xb8: {  	[sflag:s31] =	ssyncset.done $0x0  }
0xb9: {  	s26 =	rddreg [dreg:$0x19];
	[sflag:s31] =	ssyncadd.s32 $0xFFFFEC00  }
0xba: {  	[spmem:s26] =	stream.linear.scatter [tilespmem:s3], [sflag:$0x6], $0x280, $0x38;
	[tilespmem:$0x1CE40] =	vst v63  }
0xbb: {  	_ =	swait.ge [sflag:s31], $0x280  }
0xbc: {  	[sflag:s31] =	ssyncset.done $0x0  }
0xbd: {  	s28 =	rddreg [dreg:$0x1a];
	[sflag:s31] =	ssyncadd.s32 $0xFFFFFD80  }
0xbe: {  	[spmem:s28] =	stream.linear.scatter [tilespmem:s1], [sflag:$0x6], $0x1400, $0x38;
	[tilespmem:$0x1CE40] =	vst v63  }
0xbf: {  	_ =	swait.ge [sflag:s31], $0x1400  }
0xc0: {  	[sflag:s31] =	ssyncset.done $0x0  }
0xc1: {  	s29 =	rddreg [dreg:$0x1b];
	[sflag:s31] =	ssyncadd.s32 $0xFFFFEC00  }
0xc2: {  	[spmem:s29] =	stream.linear.scatter [tilespmem:s3], [sflag:$0x6], $0x280, $0x38;
	[tilespmem:$0x1CE40] =	vst v63  }
0xc3: {  	_ =	swait.ge [sflag:s31], $0x280  }
0xc4: {  	[sflag:s31] =	ssyncset.done $0x0  }
0xc5: {  	s30 =	rddreg [dreg:$0x1c];
	[sflag:s31] =	ssyncadd.s32 $0xFFFFFD80  }
0xc6: {  	[spmem:s30] =	stream.linear.scatter [tilespmem:s1], [sflag:$0x6], $0x1400, $0x38;
	[tilespmem:$0x1CE40] =	vst v63  }
0xc7: {  	_ =	swait.ge [sflag:s31], $0x1400  }
0xc8: {  	[sflag:s31] =	ssyncset.done $0x0  }
0xc9: {  	s5 =	rddreg [dreg:$0x1d];
	[sflag:s31] =	ssyncadd.s32 $0xFFFFEC00  }
0xca: {  	[spmem:s5] =	stream.linear.scatter [tilespmem:s3], [sflag:$0x6], $0x280, $0x38;
	[tilespmem:$0x1CE40] =	vst v63  }
0xcb: {  	_ =	swait.ge [sflag:s31], $0x280  }
0xcc: {  	[sflag:s31] =	ssyncset.done $0x0  }
0xcd: {  	s11 =	rddreg [dreg:$0x1e];
	[sflag:s31] =	ssyncadd.s32 $0xFFFFFD80  }
0xce: {  	[spmem:s11] =	stream.linear.scatter [tilespmem:s1], [sflag:$0x6], $0x1400, $0x38;
	[tilespmem:$0x1CE40] =	vst v63  }
0xcf: {  	_ =	swait.ge [sflag:s31], $0x1400  }
0xd0: {  	[sflag:s31] =	ssyncset.done $0x0  }
0xd1: {  	s13 =	rddreg [dreg:$0x1f];
	[sflag:s31] =	ssyncadd.s32 $0xFFFFEC00  }
0xd2: {  	[spmem:s13] =	stream.linear.scatter [tilespmem:s3], [sflag:$0x6], $0x280, $0x38;
	[tilespmem:$0x1CE40] =	vst v63  }
0xd3: {  	_ =	swait.ge [sflag:s31], $0x280  }
0xd4: {  	s15 =	sld [smem:$0x7F2]  }
0xd5: {  	[sflag:s31] =	ssyncset.done $0x0  }
0xd6: {  	[sflag:s31] =	ssyncadd.s32 $0xFFFFFD80  }
0xd7: {  	[spmem:s15] =	stream.linear.scatter [tilespmem:s1], [sflag:$0x6], $0x1400, $0x38;
	[tilespmem:$0x1CE40] =	vst v63  }
0xd8: {  	_ =	swait.ge [sflag:s31], $0x1400  }
0xd9: {  	s16 =	sld [smem:$0x7F3]  }
0xda: {  	[sflag:s31] =	ssyncset.done $0x0  }
0xdb: {  	[sflag:s31] =	ssyncadd.s32 $0xFFFFEC00  }
0xdc: {  	[spmem:s16] =	stream.linear.scatter [tilespmem:s3], [sflag:$0x6], $0x280, $0x38;
	[tilespmem:$0x1CE40] =	vst v63  }
0xdd: {  	_ =	swait.ge [sflag:s31], $0x280  }
0xde: {  	s17 =	sld [smem:$0x7F4]  }
0xdf: {  	[sflag:s31] =	ssyncset.done $0x0  }
0xe0: {  	[sflag:s31] =	ssyncadd.s32 $0xFFFFFD80  }
0xe1: {  	[spmem:s17] =	stream.linear.scatter [tilespmem:s1], [sflag:$0x6], $0x1400, $0x38;
	[tilespmem:$0x1CE40] =	vst v63  }
0xe2: {  	_ =	swait.ge [sflag:s31], $0x1400  }
0xe3: {  	s18 =	sld [smem:$0x7F5]  }
0xe4: {  	[sflag:s31] =	ssyncset.done $0x0  }
0xe5: {  	[sflag:s31] =	ssyncadd.s32 $0xFFFFEC00  }
0xe6: {  	[spmem:s18] =	stream.linear.scatter [tilespmem:s3], [sflag:$0x6], $0x280, $0x38;
	[tilespmem:$0x1CE40] =	vst v63  }
0xe7: {  	_ =	swait.ge [sflag:s31], $0x280  }
0xe8: {  	s23 =	sld [smem:$0x7F6]  }
0xe9: {  	[sflag:s31] =	ssyncset.done $0x0  }
0xea: {  	[sflag:s31] =	ssyncadd.s32 $0xFFFFFD80  }
0xeb: {  	[spmem:s23] =	stream.linear.scatter [tilespmem:s1], [sflag:$0x6], $0x1400, $0x38;
	[tilespmem:$0x1CE40] =	vst v63  }
0xec: {  	_ =	swait.ge [sflag:s31], $0x1400  }
0xed: {  	s24 =	sld [smem:$0x7F7]  }
0xee: {  	[sflag:s31] =	ssyncset.done $0x0  }
0xef: {  	[sflag:s31] =	ssyncadd.s32 $0xFFFFEC00  }
0xf0: {  	[spmem:s24] =	stream.linear.scatter [tilespmem:s3], [sflag:$0x6], $0x280, $0x38;
	[tilespmem:$0x1CE40] =	vst v63  }
0xf1: {  	_ =	swait.ge [sflag:s31], $0x280  }
0xf2: {  	[sflag:s31] =	ssyncset.done $0x0  }
0xf3: {  	[sflag:s31] =	ssyncadd.s32 $0xFFFFFD80  }
0xf4: {  	s25 =	simm.s32 $0x640;
	s26 =	simm.s32 $0x0;
	[bflag:$0x0] =	sbarrier.arrive $0xFFFF  }
0xf5: {  	[tilespmem:s25], [sflag:$0x1] =	stream.indirect.gather [hbm4b:s6+s14], $0x40, s26, s14, $0xb8;
	[tilespmem:$0x1CE40] =	vst v63  }
0xf6: {  	s28 =	simm.s32 $0x1A40  }
0xf7: {  	[tilespmem:s28], [sflag:$0x1] =	stream.indirect.gather [hbm4b:s7+s14], $0x40, s12, s14, $0xb8;
	[tilespmem:$0x1CE40] =	vst v63  }
0xf8: {  	s29 =	simm.s32 $0x2E40  }
0xf9: {  	[tilespmem:s29], [sflag:$0x1] =	stream.indirect.gather [hbm4b:s8+s14], $0x10, s26, s14, $0xb8;
	[tilespmem:$0x1CE40] =	vst v63  }
0xfa: {  	s30 =	simm.s32 $0x3340  }
0xfb: {  	[tilespmem:s30], [sflag:$0x1] =	stream.indirect.gather [hbm4b:s8+s14], $0x10, s12, s14, $0xb8;
	[tilespmem:$0x1CE40] =	vst v63  }
.LBB2_4:
0xfc: {  	s0 =	smul.u32 $0x19A, s26;
	_ =	sdelay $0x1  }
0xfd: {  	s0 =	sshrl.u32 s0, $0xB  }
0xfe: {  	s0 =	sand.u32 $0x1F, s0  }
0xff: {  	s29 =	sshll.u32 s26, $0x1;
	s0 =	smul.u32 $0xA, s0  }
0x100: {  	s16 =	sor.u32 $0x1, s29  }
0x101: {  	p0 =	sgt.u32 s26, $0x77;
	s12 =	sand.u32 $0xFF, s16;
	s5 =	ssub.s32 s29, s0  }
0x102: {  	s17 =	smul.u32 $0xCD, s12;
	s11 =	sand.u32 @!p0 $0xFF, s5  }
0x103: {  	p1 =	sne.s32 @!p0 s11, $0x8  }
0x104: {  	s13 =	smul.u32 $0xCD, s26;
	s11 =	sshrl.u32 s17, $0xB;
	p0 =	por p1, p0  }
0x105: {  	s11 =	smul.u32 $0xA, s11;
	s12 =	simm.s32 @!p0 $0x5  }
0x106: {  	s30 =	simm.s32 $0x190;
	_ =	swait.ge @!p0 [sflag:s12], $0x190  }
0x107: {  	s13 =	sshrl.u32 s13, $0xA;
	s0 =	ssub.s32 s16, s11;
	[sflag:s12] =	ssyncset.done @!p0 $0x0  }
0x108: {  	s18 =	sand.u32 $0x1, s13;
	s28 =	sand.u32 $0xFF, s0;
	[sflag:s12] =	ssyncadd.s32 @!p0 $0xFFFFFE70  }
0x109: {  	p1 =	seq.s32 s18, $0x1;
	s23 =	smul.u32 $0x28, s28;
	_ =	swait.ge @!p0 [sflag:s12], $0x190  }
0x10a: {  	s30 =	simm.s32 @!p1 $0x0;
	[sflag:s12] =	ssyncset.done @!p0 $0x0  }
0x10b: {  	s24 =	simm.s32 $0x1040;
	s0 =	sadd.s32 s30, s23;
	[sflag:s12] =	ssyncadd.s32 @!p0 $0xFFFFFE70  }
0x10c: {  	[tilespmem:s24], [sflag:$0x2] =	stream.indirect.gather [hbm4b:s6+s14], $0x40, s0, s14, $0xb8;
	[tilespmem:$0x1CE40] =	vst v63  }
0x10d: {  	s15 =	simm.s32 $0x2440;
	s18 =	sadd.s32 $0xFFFFFFF4, s29;
	s25 =	sadd.s32 $0x320, s0  }
0x10e: {  	[tilespmem:s15], [sflag:$0x2] =	stream.indirect.gather [hbm4b:s7+s14], $0x40, s25, s14, $0xb8;
	[tilespmem:$0x1CE40] =	vst v63  }
0x10f: {  	p1 =	sgt.u32 s18, $0xE5;
	s16 =	simm.s32 $0x30C0  }
0x110: {  	[tilespmem:s16], [sflag:$0x2] =	stream.indirect.gather [hbm4b:s8+s14], $0x10, s0, s14, $0xb8;
	[tilespmem:$0x1CE40] =	vst v63  }
0x111: {  	s0 =	sand.u32 @!p1 $0xFF, s5  }
0x112: {  	s17 =	simm.s32 $0x35C0;
	p2 =	sne.s32 @!p1 s0, $0x2  }
0x113: {  	[tilespmem:s17], [sflag:$0x2] =	stream.indirect.gather [hbm4b:s8+s14], $0x10, s25, s14, $0xb8;
	[tilespmem:$0x1CE40] =	vst v63  }
0x114: {  	s0 =	sand.u32 $0x3F, s13;
	p0 =	por p2, p1  }
0x115: {  	s0 =	sadd.s32 @!p0 $0x1, s0  }
0x116: {  	s11 =	smul.u32 @!p0 $0x190, s0;
	s0 =	sand.u32 @!p0 $0x1, s0  }
0x117: {  	p3 =	seq.s32 @!p0 s0, $0x1  }
0x118: {  	s0 =	sadd.s32 @!p0 s10, s11;
	p2 =	por @!p1 !p3, p2  }
0x119: {  	s11 =	simm.s32 @!p0 $0x190;
	p1 =	por !p2, p1;
	s0 =	sshrl.u32 @!p0 s0, $0x3  }
0x11a: {  	s12 =	simm.s32 @!p0 $0x0;
	s11 =	simm.s32 @!p1 $0x0;
	s0 =	sadd.s32 @!p0 s9, s0  }
0x11b: {  	[tilespmem:s11], [sflag:$0x5] =	stream.linear.gather @!p0 [hbm4b:s0+s12], $0x190, $0x38;
	[tilespmem:$0x1CE40] =	vst v63  }
0x11c: {  	s11 =	sadd.s32 @!p0 $0x320, s11;
	s0 =	sadd.s32 @!p0 $0x9C40, s0  }
0x11d: {  	[tilespmem:s11], [sflag:$0x5] =	stream.linear.gather @!p0 [hbm4b:s0+s12], $0x190, $0x38;
	[tilespmem:$0x1CE40] =	vst v63  }
0x11e: {  	_ =	swait.ge [sflag:s19], $0xA00  }
0x11f: {  	[sflag:s19] =	ssyncset.done $0x0  }
0x120: {  	[sflag:s19] =	ssyncadd.s32 $0xFFFFF600  }
0x121: {  	_ =	swait.ge [sflag:s19], $0xA00  }
0x122: {  	[sflag:s19] =	ssyncset.done $0x0  }
0x123: {  	[sflag:s19] =	ssyncadd.s32 $0xFFFFF600  }
0x124: {  	_ =	swait.ge [sflag:s19], $0x280  }
0x125: {  	[sflag:s19] =	ssyncset.done $0x0  }
0x126: {  	[sflag:s19] =	ssyncadd.s32 $0xFFFFFD80  }
0x127: {  	_ =	swait.ge [sflag:s19], $0x280  }
0x128: {  	p0 =	seq.s32 s26, $0x0;
	[sflag:s19] =	ssyncset.done $0x0  }
0x129: {  	s0 =	simm.s32 @!p0 $0x3;
	[sflag:s19] =	ssyncadd.s32 $0xFFFFFD80  }
0x12a: {  	_ =	swait.ge @!p0 [sflag:s0], $0x1400  }
0x12b: {  	[sflag:s0] =	ssyncset.done @!p0 $0x0  }
0x12c: {  	[sflag:s0] =	ssyncadd.s32 @!p0 $0xFFFFEC00  }
0x12d: {  	_ =	swait.ge @!p0 [sflag:s0], $0x280  }
0x12e: {  	[sflag:s0] =	ssyncset.done @!p0 $0x0  }
0x12f: {  	s23 =	simm.s32 $0x2E50;
	[sflag:s0] =	ssyncadd.s32 @!p0 $0xFFFFFD80  }
0x130: {  	v18 =	vld [tilespmem:s23+$0x0]  }
0x131: {  	s24 =	simm.s32 $0x3350;
	v20 =	vld [tilespmem:s23+$0xFFFFFFF0]  }
0x132: {  	v19 =	vld [tilespmem:s24+$0x0]  }
0x133: {  	v21 =	vld [tilespmem:s24+$0xFFFFFFF0];
	_ =	sdelay $0x3  }
0x134: {  	v19 =	vsub.f32 v18, v19  }
0x135: {  	v18 =	vsub.f32 v20, v21  }
0x136: {  	v20 =	vmul.f32 v19, v19  }
0x137: {  	v21 =	vmul.f32 v18, v18  }
0x138: {  	(xrf2) =	vadd.scan.msk.f32 $0xffff, v20  }
0x139: {  	(xrf2) =	vadd.scan.msk.f32 $0xffff, v21;
	_ =	sdelay $0x2  }
0x13a: {  	s15 =	simm.s32 $0x1A80  }
0x13b: {  	s25 =	simm.s32 $0x680;
	v22 =	vld [tilespmem:s15+$0xFFFFFFC0]  }
0x13c: {  	v23 =	vld [tilespmem:s25+$0x0]  }
0x13d: {  	v20 =	vld [tilespmem:s15+$0x0]  }
0x13e: {  	v21 =	vld [tilespmem:s25+$0xFFFFFFC0];
	_ =	sdelay $0x1  }
0x13f: {  	v25, _, _ =	vpop (xrf2)  }
0x140: {  	v28 =	vunpack.i.u.bf16.f32 v22;
	v29 =	vunpack.i.u.bf16.f32 v23;
	v24, _, _ =	vpop (xrf2)  }
0x141: {  	v22 =	vunpack.i.l.bf16.f32 v22;
	v23 =	vunpack.i.l.bf16.f32 v23;
	v24 =	vbroadcast v24, $0xF  }
0x142: {  	v26 =	vunpack.i.l.bf16.f32 v20;
	v27 =	vunpack.i.u.bf16.f32 v21;
	v21 =	vunpack.i.l.bf16.f32 v21  }
0x143: {  	v27 =	vadd.f32 v28, v27;
	v25 =	vbroadcast v25, $0xF;
	v28 =	vmul.f32 v24, v3  }
0x144: {  	v20 =	vunpack.i.u.bf16.f32 v20;
	v21 =	vadd.f32 v22, v21;
	v30 =	vmul.f32 v24, v2  }
0x145: {  	v22 =	vadd.f32 v26, v23;
	v23 =	vmul.f32 v25, v2;
	v26 =	vadd.f32 v28, v27  }
0x146: {  	v20 =	vadd.f32 v20, v29;
	v27 =	vmul.f32 v25, v3;
	v21 =	vadd.f32 v21, v30  }
0x147: {  	s11 =	simm.s32 $0x38C0;
	v22 =	vadd.f32 v22, v23;
	v26 =	vmax.f32 v26, $0.0e+00  }
0x148: {  	s12 =	simm.s32 $0x700;
	v21 =	vmax.f32 v21, $0.0e+00;
	v20 =	vadd.f32 v27, v20;
	[tilespmem:s11+$0xFFFFFF90] =	vst v26  }
0x149: {  	v37 =	vld [tilespmem:s12+$0x0];
	v22 =	vmax.f32 v22, $0.0e+00;
	[tilespmem:s11+$0xFFFFFF80] =	vst v21  }
0x14a: {  	v47 =	vmul.f32 v25, v5;
	[tilespmem:s11+$0x0] =	vst v22;
	v23 =	vld [tilespmem:s25+$0xFFFFFFD0];
	v20 =	vmax.f32 v20, $0.0e+00  }
0x14b: {  	v40 =	vmul.f32 v25, v4;
	v22 =	vmul.f32 v22, v10;
	v27 =	vld [tilespmem:s15+$0xFFFFFFD0];
	[tilespmem:s11+$0x10] =	vst v20  }
0x14c: {  	v61 =	vmul.f32 v25, v7;
	v46 =	vmul.f32 v25, v6;
	v28 =	vld [tilespmem:s25+$0x10]  }
0x14d: {  	s16 =	simm.s32 $0x2E70;
	v21 =	vmul.f32 v21, v10;
	v22 =	vadd.f32 $0.0e+00, v22;
	v20 =	vmul.f32 v20, v11;
	v30 =	vld [tilespmem:s15+$0x10]  }
0x14e: {  	v31 =	vld [tilespmem:s16+$0x0];
	v42 =	vunpack.i.u.bf16.f32 v37;
	v33 =	vmul.f32 v24, v5;
	v29 =	vmul.f32 v24, v8  }
0x14f: {  	s0 =	simm.s32 $0x1B00;
	v38 =	vld [tilespmem:s16+$0xFFFFFFF0];
	v39 =	vadd.f32 $0.0e+00, v21;
	v22 =	vadd.f32 v22, v20;
	v32 =	vunpack.i.u.bf16.f32 v23  }
0x150: {  	s17 =	simm.s32 $0x3370;
	v20 =	vld [tilespmem:s0+$0x0];
	v23 =	vunpack.i.l.bf16.f32 v23;
	v35 =	vunpack.i.u.bf16.f32 v27;
	v27 =	vunpack.i.l.bf16.f32 v27  }
0x151: {  	v48 =	vld [tilespmem:s17+$0x0];
	v36 =	vmul.f32 v24, v4;
	v32 =	vadd.f32 v35, v32;
	v23 =	vadd.f32 v27, v23  }
0x152: {  	v21 =	vld [tilespmem:s17+$0xFFFFFFF0];
	v27 =	vunpack.i.l.bf16.f32 v28;
	v28 =	vunpack.i.u.bf16.f32 v28;
	v49 =	vunpack.i.u.bf16.f32 v30  }
0x153: {  	v30 =	vunpack.i.l.bf16.f32 v30;
	v32 =	vadd.f32 v32, v33;
	v23 =	vadd.f32 v23, v36  }
0x154: {  	v58 =	vmul.f32 v24, v7;
	v28 =	vadd.f32 v49, v28;
	v27 =	vadd.f32 v30, v27  }
0x155: {  	v34 =	vld [tilespmem:s12+$0xFFFFFFC0];
	v50 =	vunpack.i.l.bf16.f32 v20;
	v41 =	vunpack.i.u.bf16.f32 v20;
	v32 =	vmax.f32 v32, $0.0e+00  }
0x156: {  	v20 =	vsub.f32 v31, v48;
	v23 =	vmax.f32 v23, $0.0e+00;
	v27 =	vadd.f32 v27, v40;
	[tilespmem:s11+$0xFFFFFFB0] =	vst v32  }
0x157: {  	v63 =	vld [tilespmem:s0+$0xFFFFFFC0];
	v60 =	vmul.f32 v24, v6;
	v21 =	vsub.f32 v38, v21;
	v28 =	vadd.f32 v28, v47;
	[tilespmem:s11+$0xFFFFFFA0] =	vst v23  }
0x158: {  	v26 =	vmul.f32 v26, v11;
	v52 =	vmul.f32 v20, v20;
	v43 =	vld [tilespmem:s25+$0xFFFFFFE0];
	v27 =	vmax.f32 v27, $0.0e+00  }
0x159: {  	v24 =	vmul.f32 v24, v9;
	v53 =	vmul.f32 v21, v21;
	v51 =	vld [tilespmem:s15+$0xFFFFFFE0];
	v28 =	vmax.f32 v28, $0.0e+00;
	[tilespmem:s11+$0x20] =	vst v27  }
0x15a: {  	v26 =	vadd.f32 v39, v26;
	v30 =	vunpack.i.u.bf16.f32 v34;
	(xrf2) =	vadd.scan.msk.f32 $0xffff, v52;
	[tilespmem:s11+$0x30] =	vst v28  }
0x15b: {  	v31 =	vunpack.i.l.bf16.f32 v37;
	v49 =	vmul.f32 v25, v8;
	v23 =	vmul.f32 v23, v12;
	(xrf2) =	vadd.scan.msk.f32 $0xffff, v53;
	v56 =	vld [tilespmem:s25+$0x20]  }
0x15c: {  	v34 =	vunpack.i.l.bf16.f32 v34;
	v31 =	vadd.f32 v50, v31;
	v50 =	vunpack.i.l.bf16.f32 v63;
	v59 =	vld [tilespmem:s15+$0x20]  }
0x15d: {  	v40 =	vmul.f32 v25, v9;
	v32 =	vmul.f32 v32, v13;
	v23 =	vadd.f32 v23, v26  }
0x15e: {  	v26 =	vmul.f32 v27, v12;
	v54 =	vunpack.i.u.bf16.f32 v43;
	v55 =	vunpack.i.u.bf16.f32 v51  }
0x15f: {  	v57 =	vunpack.i.l.bf16.f32 v43;
	v33 =	vunpack.i.l.bf16.f32 v51;
	v35 =	vadd.f32 v55, v54  }
0x160: {  	v27 =	vadd.f32 v41, v42;
	v33 =	vadd.f32 v33, v57;
	v62 =	vunpack.i.u.bf16.f32 v56  }
0x161: {  	v37 =	vunpack.i.l.bf16.f32 v56;
	v39 =	vunpack.i.l.bf16.f32 v59;
	v35 =	vadd.f32 v35, v58  }
0x162: {  	v45 =	vunpack.i.u.bf16.f32 v59;
	v33 =	vadd.f32 v33, v60;
	v37 =	vadd.f32 v39, v37  }
0x163: {  	v28 =	vmul.f32 v28, v13;
	v36 =	vadd.f32 v45, v62;
	v35 =	vmax.f32 v35, $0.0e+00  }
0x164: {  	v26 =	vadd.f32 v26, v22;
	v33 =	vmax.f32 v33, $0.0e+00;
	v47, _, _ =	vpop (xrf2);
	v37 =	vadd.f32 v37, v46;
	[tilespmem:s11+$0xFFFFFFD0] =	vst v35  }
0x165: {  	v23 =	vadd.f32 v23, v32;
	v32 =	vadd.f32 v36, v61;
	v48 =	vmul.f32 v33, v14;
	v22, _, _ =	vpop (xrf2);
	[tilespmem:s11+$0xFFFFFFC0] =	vst v33  }
0x166: {  	v26 =	vadd.f32 v26, v28;
	v22 =	vbroadcast v22, $0xF;
	v25 =	vmax.f32 v37, $0.0e+00;
	v33 =	vld [tilespmem:s25+$0xFFFFFFF0]  }
0x167: {  	v32 =	vmax.f32 v32, $0.0e+00;
	v52 =	vld [tilespmem:s15+$0xFFFFFFF0];
	v41 =	vadd.f32 v48, v23;
	v23 =	vunpack.i.u.bf16.f32 v63  }
0x168: {  	[tilespmem:s11+$0x40] =	vst v25;
	v25 =	vmul.f32 v25, v14;
	v30 =	vadd.f32 v23, v30;
	v51 =	vmul.f32 v22, v3  }
0x169: {  	v34 =	vadd.f32 v50, v34;
	[tilespmem:s11+$0x50] =	vst v32;
	v23 =	vbroadcast v47, $0xF;
	v53 =	vmul.f32 v22, v2  }
0x16a: {  	v58 =	vmul.f32 v35, v15;
	v54 =	vld [tilespmem:s25+$0x30];
	v26 =	vadd.f32 v25, v26;
	v28 =	vadd.f32 v51, v30  }
0x16b: {  	v55 =	vld [tilespmem:s15+$0x30];
	v30 =	vmul.f32 v23, v2;
	v34 =	vadd.f32 v34, v53;
	v25 =	vmul.f32 v23, v3  }
0x16c: {  	v56 =	vunpack.i.l.bf16.f32 v33;
	v33 =	vunpack.i.u.bf16.f32 v33;
	v57 =	vunpack.i.u.bf16.f32 v52  }
0x16d: {  	v38 =	vunpack.i.l.bf16.f32 v52;
	v28 =	vmax.f32 v28, $0.0e+00;
	v30 =	vadd.f32 v31, v30  }
0x16e: {  	s13 =	simm.s32 $0x39C0;
	v31 =	vmax.f32 v34, $0.0e+00;
	v25 =	vadd.f32 v25, v27;
	v27 =	vadd.f32 v57, v33  }
0x16f: {  	v33 =	vmul.f32 v32, v15;
	v46 =	vadd.f32 v38, v56;
	v32 =	vadd.f32 v41, v58;
	[tilespmem:s13+$0xFFFFFF90] =	vst v28  }
0x170: {  	[tilespmem:s13+$0xFFFFFF80] =	vst v31;
	v60 =	vunpack.i.u.bf16.f32 v54;
	v44 =	vunpack.i.l.bf16.f32 v55;
	v30 =	vmax.f32 v30, $0.0e+00  }
0x171: {  	v36 =	vunpack.i.l.bf16.f32 v54;
	v59 =	vld [tilespmem:s12+$0xFFFFFFD0];
	v25 =	vmax.f32 v25, $0.0e+00;
	v61 =	vmul.f32 v30, v10;
	[tilespmem:s13+$0x0] =	vst v30  }
0x172: {  	v37 =	vunpack.i.u.bf16.f32 v55;
	v24 =	vadd.f32 v27, v24;
	v62 =	vadd.f32 v44, v36;
	[tilespmem:s13+$0x10] =	vst v25  }
0x173: {  	v63 =	vadd.f32 v37, v60;
	v27 =	vmul.f32 v25, v11;
	v38 =	vld [tilespmem:s12+$0x10];
	v45 =	vadd.f32 $0.0e+00, v61  }
0x174: {  	s5 =	sand.u32 $0xFE, s5;
	v36 =	vld [tilespmem:s0+$0xFFFFFFD0];
	v37 =	vmul.f32 v22, v5;
	v29 =	vadd.f32 v46, v29;
	v30 =	vadd.f32 v62, v49  }
0x175: {  	s23 =	simm.s32 $0x6050;
	s24 =	simm.s32 $0x2;
	s16 =	simm.s32 $0x2E90;
	v40 =	vadd.f32 v63, v40;
	v25 =	vadd.f32 v45, v27;
	v27 =	vmax.f32 v24, $0.0e+00  }
0x176: {  	s17 =	simm.s32 $0x1B80;
	s25 =	simm.s32 $0x780;
	s15 =	simm.s32 $0x3390;
	v39 =	vld [tilespmem:s0+$0x10];
	v35 =	vunpack.i.u.bf16.f32 v59;
	v34 =	vunpack.i.l.bf16.f32 v59;
	v24 =	vmul.f32 v22, v8;
	[tilespmem:s11+$0xFFFFFFF0] =	vst v27  }
.LBB2_5:
0x177: {  	v41 =	vld [tilespmem:s16+$0x0];
	s24 =	sadd.s32 $0x2, s24;
	v42 =	vmul.f32 v22, v4;
	v43 =	vmul.f32 v23, v5;
	v40 =	vmax.f32 v40, $0.0e+00;
	s18 =	smov.u32 s23;
	s23 =	sadd.s32 $0x20, s23  }
0x178: {  	v31 =	vmul.f32 v31, v10;
	v46 =	vadd.f32 v26, v33;
	v44 =	vld [tilespmem:s17+$0x0];
	p1 =	slt.u32 s24, $0x26;
	v45 =	vunpack.i.l.bf16.f32 v38;
	[tilespmem:s11+$0x70] =	vst v40  }
0x179: {  	v33 =	vunpack.i.u.bf16.f32 v36;
	v36 =	vunpack.i.l.bf16.f32 v36;
	v38 =	vunpack.i.u.bf16.f32 v38;
	v26 =	vld [tilespmem:s25+$0xFFFFFFC0]  }
0x17a: {  	v28 =	vmul.f32 v28, v11;
	v48 =	vadd.f32 $0.0e+00, v31;
	v31 =	vadd.f32 v33, v35;
	v47 =	vld [tilespmem:s25+$0x0]  }
0x17b: {  	v34 =	vadd.f32 v36, v34;
	v35 =	vunpack.i.u.bf16.f32 v39;
	v36 =	vunpack.i.l.bf16.f32 v39;
	v33 =	vld [tilespmem:s16+$0xFFFFFFF0]  }
0x17c: {  	v31 =	vadd.f32 v31, v37;
	v37 =	vmul.f32 v23, v4;
	v35 =	vadd.f32 v35, v38;
	v39 =	vld [tilespmem:s15+$0xFFFFFFF0]  }
0x17d: {  	v34 =	vadd.f32 v34, v42;
	v36 =	vadd.f32 v36, v45;
	v38 =	vld [tilespmem:s15+$0x0];
	v49 =	vunpack.i.l.bf16.f32 v44  }
0x17e: {  	v44 =	vunpack.i.u.bf16.f32 v44;
	v45 =	vmax.f32 v31, $0.0e+00;
	v42 =	vunpack.i.u.bf16.f32 v26  }
0x17f: {  	v34 =	vmax.f32 v34, $0.0e+00;
	v50 =	vunpack.i.u.bf16.f32 v47;
	v31 =	vunpack.i.l.bf16.f32 v47;
	[tilespmem:s13+$0xFFFFFFB0] =	vst v45  }
0x180: {  	v36 =	vadd.f32 v36, v37;
	v37 =	vmax.f32 v29, $0.0e+00;
	v31 =	vadd.f32 v49, v31;
	[tilespmem:s13+$0xFFFFFFA0] =	vst v34  }
0x181: {  	v28 =	vadd.f32 v48, v28;
	v34 =	vmul.f32 v34, v12;
	v29 =	vsub.f32 v33, v39;
	v39 =	vld [tilespmem:s12+$0xFFFFFFE0];
	[tilespmem:s11+$0xFFFFFFE0] =	vst v37  }
0x182: {  	v36 =	vmax.f32 v36, $0.0e+00;
	v37 =	vmul.f32 v37, v16;
	v33 =	vsub.f32 v41, v38;
	v38 =	vld [tilespmem:s0+$0xFFFFFFE0]  }
0x183: {  	v28 =	vadd.f32 v34, v28;
	v34 =	vmul.f32 v36, v12;
	v41 =	vmul.f32 v29, v29;
	[tilespmem:s13+$0x20] =	vst v36  }
0x184: {  	v35 =	vadd.f32 v35, v43;
	v32 =	vadd.f32 v37, v32;
	v36 =	vmul.f32 v33, v33  }
0x185: {  	v27 =	vmul.f32 v27, v17;
	v30 =	vmax.f32 v30, $0.0e+00;
	v37 =	vadd.f32 v44, v50  }
0x186: {  	v43 =	vmul.f32 v30, v16;
	v35 =	vmax.f32 v35, $0.0e+00;
	(xrf2) =	vadd.scan.msk.f32 $0xffff, v36;
	v36 =	vunpack.i.u.bf16.f32 v39  }
0x187: {  	v39 =	vunpack.i.l.bf16.f32 v39;
	v44 =	vunpack.i.u.bf16.f32 v38;
	[tilespmem:s13+$0x30] =	vst v35;
	v35 =	vmul.f32 v35, v13  }
0x188: {  	v36 =	vadd.f32 v44, v36;
	v44 =	vmul.f32 v22, v7;
	v47 =	vld [tilespmem:s12+$0x20];
	[tilespmem:s11+$0x60] =	vst v30;
	v30 =	vmul.f32 v40, v17;
	s11 =	smov.u32 s13  }
0x189: {  	v43 =	vadd.f32 v43, v46;
	v27 =	vadd.f32 v32, v27;
	v40 =	vmul.f32 v45, v13;
	(xrf2) =	vadd.scan.msk.f32 $0xffff, v41;
	v41 =	vld [tilespmem:s0+$0x20]  }
0x18a: {  	v32 =	vmul.f32 v23, v9;
	v38 =	vunpack.i.l.bf16.f32 v38;
	v36 =	vadd.f32 v36, v44  }
0x18b: {  	v38 =	vadd.f32 v38, v39;
	v39 =	vmul.f32 v22, v6;
	v30 =	vadd.f32 v43, v30  }
0x18c: {  	v28 =	vadd.f32 v28, v40;
	v40 =	vmul.f32 v23, v7;
	v36 =	vmax.f32 v36, $0.0e+00  }
0x18d: {  	v38 =	vadd.f32 v38, v39;
	v39 =	vunpack.i.u.bf16.f32 v47;
	v43 =	vunpack.i.l.bf16.f32 v47;
	(xrf2) =	vadd.scan.msk.f32 $0xffff, v30  }
0x18e: {  	v45 =	vmul.f32 v23, v6;
	v30 =	vld [tilespmem:s17+$0xFFFFFFC0];
	[tilespmem:s13+$0xFFFFFFD0] =	vst v36;
	v44 =	vunpack.i.u.bf16.f32 v41;
	v41 =	vunpack.i.l.bf16.f32 v41  }
0x18f: {  	v38 =	vmax.f32 v38, $0.0e+00;
	v41 =	vadd.f32 v41, v43;
	v39 =	vadd.f32 v44, v39  }
0x190: {  	v25 =	vadd.f32 v34, v25;
	v43, _, _ =	vpop (xrf2);
	[tilespmem:s13+$0xFFFFFFC0] =	vst v38;
	v38 =	vmul.f32 v38, v14;
	(xrf2) =	vadd.scan.msk.f32 $0xffff, v27  }
0x191: {  	v27 =	vld [tilespmem:s12+$0xFFFFFFF0];
	v34 =	vadd.f32 v41, v45;
	v39 =	vadd.f32 v39, v40;
	v40 =	vmul.f32 v23, v8  }
0x192: {  	v25 =	vadd.f32 v25, v35;
	v44 =	vmul.f32 v22, v9;
	s13 =	sadd.s32 $0x100, s13;
	v41 =	vadd.f32 v38, v28;
	v38 =	vld [tilespmem:s0+$0xFFFFFFF0]  }
0x193: {  	v23 =	vunpack.i.u.bf16.f32 v30;
	v22, _, _ =	vpop (xrf2);
	v28 =	vmax.f32 v34, $0.0e+00;
	v34 =	vmax.f32 v39, $0.0e+00  }
0x194: {  	v22 =	vbroadcast v22, $0xF;
	v35 =	vadd.f32 v23, v42;
	[tilespmem:s11+$0x40] =	vst v28;
	v46 =	vmul.f32 v28, v14  }
0x195: {  	v39 =	vunpack.i.l.bf16.f32 v26;
	v30 =	vunpack.i.l.bf16.f32 v30;
	v23 =	vbroadcast v43, $0xF  }
0x196: {  	v42 =	vmul.f32 v22, v2;
	v43 =	vmul.f32 v22, v3;
	v26 =	vadd.f32 v46, v25;
	[tilespmem:s11+$0x50] =	vst v34  }
0x197: {  	v25 =	vadd.f32 v30, v39;
	v30 =	vmul.f32 v23, v2;
	v39 =	vunpack.i.l.bf16.f32 v27;
	v45 =	vld [tilespmem:s12+$0x30];
	v28, _, _ =	vpop (xrf2);
	s12 =	smov.u32 s25  }
0x198: {  	v35 =	vadd.f32 v43, v35;
	v43 =	vmul.f32 v23, v3;
	v46 =	vld [tilespmem:s0+$0x30];
	v47 =	vbroadcast v28, $0xF;
	s0 =	smov.u32 s17  }
0x199: {  	v27 =	vunpack.i.u.bf16.f32 v27;
	v25 =	vadd.f32 v25, v42;
	v42 =	vunpack.i.u.bf16.f32 v38  }
0x19a: {  	v30 =	vadd.f32 v31, v30;
	v28 =	vmax.f32 v35, $0.0e+00;
	v35 =	vmul.f32 v47, v19;
	v19, _, _ =	vpop (xrf2)  }
0x19b: {  	v31 =	vmax.f32 v25, $0.0e+00;
	v25 =	vadd.f32 v42, v27;
	[tilespmem:s13+$0xFFFFFF90] =	vst v28;
	v27 =	vbroadcast v19, $0xF;
	v19 =	vmovc v20;
	v20 =	vmovc v33  }
0x19c: {  	v30 =	vmax.f32 v30, $0.0e+00;
	v42 =	vmul.f32 v36, v15;
	v33 =	vadd.f32 v43, v37;
	[tilespmem:s13+$0xFFFFFF80] =	vst v31  }
0x19d: {  	v43 =	vunpack.i.u.bf16.f32 v45;
	v37 =	vld [tilespmem:s25+$0xFFFFFFD0];
	v47 =	vunpack.i.l.bf16.f32 v46;
	v48 =	vmul.f32 v27, v18;
	v18 =	vmovc v21;
	v21 =	vmovc v29  }
0x19e: {  	v27 =	vmul.f32 v30, v10;
	v29 =	vmax.f32 v33, $0.0e+00;
	[tilespmem:s13+$0x0] =	vst v30;
	v30 =	vadd.f32 v25, v44  }
0x19f: {  	v25 =	vmul.f32 v29, v11;
	v44 =	vunpack.i.l.bf16.f32 v45;
	v45 =	vadd.f32 v1, v35  }
0x1a0: {  	v49 =	vunpack.i.l.bf16.f32 v38;
	v35 =	vunpack.i.u.bf16.f32 v46;
	v27 =	vadd.f32 $0.0e+00, v27  }
.Ltmp1:
0x1a1: {  	v33 =	vmul.f32 v34, v15;
	v43 =	vadd.f32 v35, v43;
	v36 =	vld [tilespmem:s17+$0xFFFFFFD0];
	[tilespmem:s13+$0x10] =	vst v29;
	v29 =	vadd.f32 v47, v44;
	(pc) =	sbr.rel @p1 .LBB2_5-.Ltmp1, $4  }
0x1a2: {  	v44 =	vadd.f32 v49, v39;
	v35 =	vunpack.i.u.bf16.f32 v37;
	v34 =	vunpack.i.l.bf16.f32 v37;
	v38 =	vld [tilespmem:s25+$0x10];
	[tilespmem:s18+$0x0] =	vst v45  }
0x1a3: {  	v25 =	vadd.f32 v27, v25;
	v27 =	vmax.f32 v30, $0.0e+00;
	v45 =	vadd.f32 v1, v48  }
0x1a4: {  	v37 =	vmul.f32 v22, v5;
	s25 =	sadd.s32 $0x80, s25;
	v30 =	vadd.f32 v29, v40;
	v40 =	vadd.f32 v43, v32;
	v39 =	vld [tilespmem:s17+$0x10];
	[tilespmem:s11+$0xFFFFFFF0] =	vst v27  }
0x1a5: {  	s16 =	sadd.s32 $0x20, s16;
	s15 =	sadd.s32 $0x20, s15;
	v32 =	vadd.f32 v41, v42;
	v29 =	vadd.f32 v44, v24;
	v24 =	vmul.f32 v22, v8;
	s17 =	sadd.s32 $0x80, s17;
	[tilespmem:s18+$0xFFFFFFF0] =	vst v45  }
0x1a6: {  	v41 =	vunpack.i.u.bf16.f32 v36  }
0x1a7: {  	v59 =	vunpack.i.l.bf16.f32 v36;
	v60 =	vmul.f32 v22, v4;
	v35 =	vadd.f32 v41, v35  }
0x1a8: {  	v45 =	vmul.f32 v23, v4;
	v34 =	vadd.f32 v59, v34;
	v61 =	vunpack.i.l.bf16.f32 v38  }
0x1a9: {  	v62 =	vunpack.i.u.bf16.f32 v38;
	v35 =	vadd.f32 v35, v37;
	v44 =	vunpack.i.l.bf16.f32 v39  }
0x1aa: {  	v63 =	vunpack.i.u.bf16.f32 v39;
	v34 =	vadd.f32 v34, v60;
	v36 =	vadd.f32 v44, v61  }
0x1ab: {  	v46 =	vmul.f32 v23, v5;
	v37 =	vadd.f32 v63, v62;
	v35 =	vmax.f32 v35, $0.0e+00  }
0x1ac: {  	v34 =	vmax.f32 v34, $0.0e+00;
	[tilespmem:s13+$0xFFFFFFB0] =	vst v35;
	v36 =	vadd.f32 v36, v45  }
0x1ad: {  	[tilespmem:s13+$0xFFFFFFA0] =	vst v34;
	v37 =	vadd.f32 v37, v46  }
0x1ae: {  	v47 =	vld [tilespmem:s12+$0xFFFFFFE0];
	v36 =	vmax.f32 v36, $0.0e+00  }
0x1af: {  	v48 =	vld [tilespmem:s0+$0xFFFFFFE0];
	v37 =	vmax.f32 v37, $0.0e+00;
	[tilespmem:s13+$0x20] =	vst v36  }
0x1b0: {  	[tilespmem:s13+$0x30] =	vst v37  }
0x1b1: {  	v49 =	vld [tilespmem:s12+$0x20]  }
0x1b2: {  	v31 =	vmul.f32 v31, v10;
	v51 =	vmul.f32 v22, v7;
	v42 =	vld [tilespmem:s0+$0x20]  }
0x1b3: {  	v26 =	vadd.f32 v26, v33;
	v28 =	vmul.f32 v28, v11;
	v52 =	vmul.f32 v22, v6  }
0x1b4: {  	v54 =	vmul.f32 v23, v6;
	v50 =	vunpack.i.u.bf16.f32 v47;
	v43 =	vunpack.i.u.bf16.f32 v48  }
0x1b5: {  	v38 =	vunpack.i.l.bf16.f32 v47;
	v39 =	vunpack.i.l.bf16.f32 v48;
	v33 =	vadd.f32 v43, v50  }
0x1b6: {  	v55 =	vmul.f32 v23, v7;
	v31 =	vadd.f32 $0.0e+00, v31;
	v38 =	vadd.f32 v39, v38  }
0x1b7: {  	v33 =	vadd.f32 v33, v51;
	v41 =	vunpack.i.l.bf16.f32 v49;
	v44 =	vunpack.i.l.bf16.f32 v42  }
0x1b8: {  	v53 =	vunpack.i.u.bf16.f32 v49;
	v42 =	vunpack.i.u.bf16.f32 v42;
	v41 =	vadd.f32 v44, v41  }
0x1b9: {  	v30 =	vmax.f32 v30, $0.0e+00;
	v38 =	vadd.f32 v38, v52;
	v42 =	vadd.f32 v42, v53  }
0x1ba: {  	v27 =	vmul.f32 v27, v17;
	v33 =	vmax.f32 v33, $0.0e+00;
	v41 =	vadd.f32 v41, v54  }
0x1bb: {  	v28 =	vadd.f32 v31, v28;
	v31 =	vmax.f32 v38, $0.0e+00;
	[tilespmem:s13+$0xFFFFFFD0] =	vst v33;
	v56 =	vadd.f32 v42, v55  }
0x1bc: {  	v22 =	vmul.f32 v22, v9;
	v29 =	vmax.f32 v29, $0.0e+00;
	[tilespmem:s13+$0xFFFFFFC0] =	vst v31;
	v41 =	vmax.f32 v41, $0.0e+00  }
0x1bd: {  	v57 =	vmul.f32 v29, v16;
	v34 =	vmul.f32 v34, v12;
	v38 =	vmax.f32 v56, $0.0e+00;
	[tilespmem:s13+$0x40] =	vst v41  }
0x1be: {  	v40 =	vmax.f32 v40, $0.0e+00;
	v59 =	vmul.f32 v30, v16;
	v36 =	vmul.f32 v36, v12;
	v58 =	vld [tilespmem:s12+$0xFFFFFFF0];
	[tilespmem:s13+$0x50] =	vst v38  }
0x1bf: {  	v32 =	vadd.f32 v57, v32;
	v35 =	vmul.f32 v35, v13;
	v28 =	vadd.f32 v34, v28;
	v62 =	vld [tilespmem:s12+$0x30]  }
0x1c0: {  	v26 =	vadd.f32 v59, v26;
	v61 =	vmul.f32 v37, v13;
	v25 =	vadd.f32 v36, v25;
	v47 =	vld [tilespmem:s0+$0x30]  }
0x1c1: {  	v63 =	vmul.f32 v40, v17;
	v27 =	vadd.f32 v32, v27;
	v28 =	vadd.f32 v28, v35;
	v60 =	vld [tilespmem:s0+$0xFFFFFFF0]  }
0x1c2: {  	v25 =	vadd.f32 v25, v61;
	v31 =	vmul.f32 v31, v14;
	v49 =	vmul.f32 v41, v14  }
0x1c3: {  	v26 =	vadd.f32 v26, v63;
	v48 =	vmul.f32 v23, v9;
	v23 =	vmul.f32 v23, v8  }
0x1c4: {  	v28 =	vadd.f32 v31, v28;
	v55 =	vmul.f32 v38, v15;
	v25 =	vadd.f32 v49, v25  }
0x1c5: {  	v31 =	vunpack.i.l.bf16.f32 v58;
	v52 =	vunpack.i.l.bf16.f32 v47;
	v53 =	vunpack.i.l.bf16.f32 v62  }
0x1c6: {  	v50 =	vunpack.i.u.bf16.f32 v58;
	v54 =	vunpack.i.l.bf16.f32 v60;
	v39 =	vadd.f32 v52, v53  }
0x1c7: {  	v31 =	vadd.f32 v54, v31;
	v37 =	vunpack.i.u.bf16.f32 v62;
	v32 =	vunpack.i.u.bf16.f32 v47  }
0x1c8: {  	v51 =	vunpack.i.u.bf16.f32 v60;
	v32 =	vadd.f32 v32, v37;
	v23 =	vadd.f32 v39, v23  }
0x1c9: {  	v33 =	vmul.f32 v33, v15;
	v34 =	vadd.f32 v51, v50;
	v24 =	vadd.f32 v31, v24  }
0x1ca: {  	(xrf2) =	vadd.scan.msk.f32 $0xffff, v26;
	v25 =	vadd.f32 v25, v55;
	v31 =	vadd.f32 v32, v48;
	v23 =	vmax.f32 v23, $0.0e+00  }
0x1cb: {  	v22 =	vadd.f32 v34, v22;
	v24 =	vmax.f32 v24, $0.0e+00;
	v26 =	vmul.f32 v23, v16  }
0x1cc: {  	(xrf2) =	vadd.scan.msk.f32 $0xffff, v27;
	v28 =	vadd.f32 v28, v33;
	v56 =	vmul.f32 v24, v16;
	v31 =	vmax.f32 v31, $0.0e+00  }
0x1cd: {  	v22 =	vmax.f32 v22, $0.0e+00;
	v27 =	vmul.f32 v31, v17;
	v25 =	vadd.f32 v26, v25  }
0x1ce: {  	v26 =	vadd.f32 v56, v28;
	v28 =	vmul.f32 v22, v17  }
0x1cf: {  	v25 =	vadd.f32 v25, v27  }
0x1d0: {  	v26 =	vadd.f32 v26, v28  }
0x1d1: {  	(xrf2) =	vadd.scan.msk.f32 $0xffff, v25  }
0x1d2: {  	(xrf2) =	vadd.scan.msk.f32 $0xffff, v26;
	_ =	sdelay $0x1  }
0x1d3: {  	v25, _, _ =	vpop (xrf2)  }
0x1d4: {  	v25 =	vbroadcast v25, $0xF  }
0x1d5: {  	v26, _, _ =	vpop (xrf2)  }
0x1d6: {  	v19 =	vmul.f32 v25, v19;
	v25 =	vbroadcast v26, $0xF;
	_ =	sdelay $0x1  }
0x1d7: {  	[tilespmem:s11+$0x70] =	vst v40  }
0x1d8: {  	[tilespmem:s11+$0x60] =	vst v30;
	v18 =	vmul.f32 v25, v18;
	v19 =	vadd.f32 v1, v19  }
0x1d9: {  	[tilespmem:s11+$0xFFFFFFE0] =	vst v29;
	v25, _, _ =	vpop (xrf2)  }
0x1da: {  	[tilespmem:s23+$0x0] =	vst v19;
	v18 =	vadd.f32 v1, v18;
	v19 =	vbroadcast v25, $0xF;
	v25, _, _ =	vpop (xrf2)  }
0x1db: {  	[tilespmem:s13+$0xFFFFFFF0] =	vst v22;
	v22 =	vbroadcast v25, $0xF  }
0x1dc: {  	[tilespmem:s23+$0xFFFFFFF0] =	vst v18;
	v18 =	vmul.f32 v19, v20  }
0x1dd: {  	[tilespmem:s13+$0xFFFFFFE0] =	vst v24;
	v19 =	vmul.f32 v22, v21  }
0x1de: {  	s17 =	smul.u32 $0xA0, s5;
	[tilespmem:s13+$0x70] =	vst v31;
	v18 =	vadd.f32 v1, v18  }
0x1df: {  	s18 =	sadd.s32 $0x20, s23;
	[tilespmem:s13+$0x60] =	vst v23;
	v19 =	vadd.f32 v1, v19  }
0x1e0: {  	s30 =	sadd.s32 $0x320, s30;
	p1 =	seq.s32 s26, $0x7C;
	s0 =	sshrl.u32 s17, $0x2;
	[tilespmem:s18+$0x0] =	vst v18  }
0x1e1: {  	s5 =	sadd.s32 @!p1 $0x2, s29;
	s0 =	sadd.s32 s0, s30;
	[tilespmem:s18+$0xFFFFFFF0] =	vst v19  }
0x1e2: {  	[spmem:s2] =	stream.indirect.scatter.add.f32 [tilespmem:s1], [sflag:$0x3], $0x80, s0, s14, $0xb8;
	[tilespmem:$0x1CE40] =	vst v63  }
0x1e3: {  	s11 =	smulhi.u32 @!p1 $0x66666667, s5  }
0x1e4: {  	[spmem:s4] =	stream.indirect.scatter.add.f32 [tilespmem:s3], [sflag:$0x3], $0x10, s0, s14, $0xb8;
	[tilespmem:$0x1CE40] =	vst v63  }
0x1e5: {  	s0 =	sshrl.u32 @!p1 s11, $0x2  }
0x1e6: {  	s11 =	smul.u32 @!p1 $0xA, s0  }
0x1e7: {  	s0 =	sand.u32 @!p1 $0x1, s0  }
0x1e8: {  	p2 =	seq.s32 @!p1 s0, $0x1;
	s5 =	ssub.s32 @!p1 s5, s11  }
0x1e9: {  	s0 =	simm.s32 @!p1 $0x190;
	p2 =	por !p2, p1;
	s5 =	smul.u32 @!p1 $0x28, s5  }
0x1ea: {  	s0 =	simm.s32 @p2 $0x0  }
0x1eb: {  	s11 =	simm.s32 @!p1 $0x640;
	s0 =	sadd.s32 @!p1 s5, s0;
	s5 =	simm.s32 @!p1 $0x28  }
0x1ec: {  	[tilespmem:s11], [sflag:$0x1] =	stream.indirect.gather @!p1 [hbm4b:s6+s5], $0x40, s0, s5, $0xb8;
	[tilespmem:$0x1CE40] =	vst v63  }
0x1ed: {  	s12 =	simm.s32 @!p1 $0x1A40;
	s11 =	sadd.s32 @!p1 $0x320, s0  }
0x1ee: {  	[tilespmem:s12], [sflag:$0x1] =	stream.indirect.gather @!p1 [hbm4b:s7+s5], $0x40, s11, s5, $0xb8;
	[tilespmem:$0x1CE40] =	vst v63  }
0x1ef: {  	s12 =	simm.s32 @!p1 $0x2E40  }
0x1f0: {  	[tilespmem:s12], [sflag:$0x1] =	stream.indirect.gather @!p1 [hbm4b:s8+s5], $0x10, s0, s5, $0xb8;
	[tilespmem:$0x1CE40] =	vst v63  }
0x1f1: {  	s0 =	simm.s32 @!p1 $0x3340  }
0x1f2: {  	[tilespmem:s0], [sflag:$0x1] =	stream.indirect.gather @!p1 [hbm4b:s8+s5], $0x10, s11, s5, $0xb8;
	[tilespmem:$0x1CE40] =	vst v63  }
0x1f3: {  	_ =	swait.ge [sflag:s20], $0xA00  }
0x1f4: {  	[sflag:s20] =	ssyncset.done $0x0  }
0x1f5: {  	[sflag:s20] =	ssyncadd.s32 $0xFFFFF600  }
0x1f6: {  	_ =	swait.ge [sflag:s20], $0xA00  }
0x1f7: {  	[sflag:s20] =	ssyncset.done $0x0  }
0x1f8: {  	[sflag:s20] =	ssyncadd.s32 $0xFFFFF600  }
0x1f9: {  	_ =	swait.ge [sflag:s20], $0x280  }
0x1fa: {  	[sflag:s20] =	ssyncset.done $0x0  }
0x1fb: {  	[sflag:s20] =	ssyncadd.s32 $0xFFFFFD80  }
0x1fc: {  	_ =	swait.ge [sflag:s20], $0x280  }
0x1fd: {  	[sflag:s20] =	ssyncset.done $0x0  }
0x1fe: {  	s0 =	simm.s32 @!p0 $0x4;
	[sflag:s20] =	ssyncadd.s32 $0xFFFFFD80  }
0x1ff: {  	_ =	swait.ge @!p0 [sflag:s0], $0x1400  }
0x200: {  	[sflag:s0] =	ssyncset.done @!p0 $0x0  }
0x201: {  	[sflag:s0] =	ssyncadd.s32 @!p0 $0xFFFFEC00  }
0x202: {  	_ =	swait.ge @!p0 [sflag:s0], $0x280  }
0x203: {  	[sflag:s0] =	ssyncset.done @!p0 $0x0  }
0x204: {  	s23 =	simm.s32 $0x30D0;
	[sflag:s0] =	ssyncadd.s32 @!p0 $0xFFFFFD80  }
0x205: {  	v18 =	vld [tilespmem:s23+$0x0]  }
0x206: {  	s24 =	simm.s32 $0x35D0;
	v20 =	vld [tilespmem:s23+$0xFFFFFFF0]  }
0x207: {  	v19 =	vld [tilespmem:s24+$0x0]  }
0x208: {  	v21 =	vld [tilespmem:s24+$0xFFFFFFF0];
	_ =	sdelay $0x3  }
0x209: {  	v19 =	vsub.f32 v18, v19  }
0x20a: {  	v18 =	vsub.f32 v20, v21  }
0x20b: {  	v20 =	vmul.f32 v19, v19  }
0x20c: {  	v21 =	vmul.f32 v18, v18  }
0x20d: {  	(xrf2) =	vadd.scan.msk.f32 $0xffff, v20  }
0x20e: {  	(xrf2) =	vadd.scan.msk.f32 $0xffff, v21;
	_ =	sdelay $0x2  }
0x20f: {  	s25 =	simm.s32 $0x2480  }
0x210: {  	s29 =	simm.s32 $0x1080;
	v22 =	vld [tilespmem:s25+$0xFFFFFFC0]  }
0x211: {  	v23 =	vld [tilespmem:s29+$0x0]  }
0x212: {  	v20 =	vld [tilespmem:s25+$0x0]  }
0x213: {  	v21 =	vld [tilespmem:s29+$0xFFFFFFC0];
	_ =	sdelay $0x1  }
0x214: {  	v25, _, _ =	vpop (xrf2)  }
0x215: {  	v28 =	vunpack.i.u.bf16.f32 v22;
	v29 =	vunpack.i.u.bf16.f32 v23;
	v24, _, _ =	vpop (xrf2)  }
0x216: {  	v22 =	vunpack.i.l.bf16.f32 v22;
	v23 =	vunpack.i.l.bf16.f32 v23;
	v24 =	vbroadcast v24, $0xF  }
0x217: {  	v26 =	vunpack.i.l.bf16.f32 v20;
	v27 =	vunpack.i.u.bf16.f32 v21;
	v21 =	vunpack.i.l.bf16.f32 v21  }
0x218: {  	v27 =	vadd.f32 v28, v27;
	v25 =	vbroadcast v25, $0xF;
	v28 =	vmul.f32 v24, v3  }
0x219: {  	v20 =	vunpack.i.u.bf16.f32 v20;
	v21 =	vadd.f32 v22, v21;
	v30 =	vmul.f32 v24, v2  }
0x21a: {  	v22 =	vadd.f32 v26, v23;
	v23 =	vmul.f32 v25, v2;
	v26 =	vadd.f32 v28, v27  }
0x21b: {  	v20 =	vadd.f32 v20, v29;
	v27 =	vmul.f32 v25, v3;
	v21 =	vadd.f32 v21, v30  }
0x21c: {  	s11 =	simm.s32 $0x4CC0;
	v22 =	vadd.f32 v22, v23;
	v26 =	vmax.f32 v26, $0.0e+00  }
0x21d: {  	s12 =	simm.s32 $0x1100;
	v21 =	vmax.f32 v21, $0.0e+00;
	v20 =	vadd.f32 v27, v20;
	[tilespmem:s11+$0xFFFFFF90] =	vst v26  }
0x21e: {  	v61 =	vld [tilespmem:s12+$0x0];
	v22 =	vmax.f32 v22, $0.0e+00;
	[tilespmem:s11+$0xFFFFFF80] =	vst v21  }
0x21f: {  	[tilespmem:s11+$0x0] =	vst v22;
	v23 =	vld [tilespmem:s29+$0xFFFFFFD0];
	v20 =	vmax.f32 v20, $0.0e+00  }
0x220: {  	v22 =	vmul.f32 v22, v10;
	v27 =	vld [tilespmem:s25+$0xFFFFFFD0];
	[tilespmem:s11+$0x10] =	vst v20  }
0x221: {  	v28 =	vld [tilespmem:s29+$0x10]  }
0x222: {  	v21 =	vmul.f32 v21, v10;
	v22 =	vadd.f32 $0.0e+00, v22;
	v20 =	vmul.f32 v20, v11;
	v30 =	vld [tilespmem:s25+$0x10]  }
0x223: {  	s15 =	simm.s32 $0x30F0;
	v51 =	vunpack.i.u.bf16.f32 v61;
	v48 =	vmul.f32 v25, v4;
	v58 =	vmul.f32 v24, v5  }
0x224: {  	v31 =	vld [tilespmem:s15+$0x0];
	v46 =	vadd.f32 $0.0e+00, v21;
	v22 =	vadd.f32 v22, v20;
	v57 =	vunpack.i.u.bf16.f32 v23  }
0x225: {  	s0 =	simm.s32 $0x2500;
	v63 =	vld [tilespmem:s15+$0xFFFFFFF0];
	v23 =	vunpack.i.l.bf16.f32 v23;
	v59 =	vunpack.i.u.bf16.f32 v27;
	v27 =	vunpack.i.l.bf16.f32 v27  }
0x226: {  	s16 =	simm.s32 $0x35F0;
	v60 =	vmul.f32 v24, v4;
	v20 =	vld [tilespmem:s0+$0x0];
	v32 =	vadd.f32 v59, v57;
	v23 =	vadd.f32 v27, v23  }
0x227: {  	v45 =	vld [tilespmem:s16+$0x0];
	v27 =	vunpack.i.l.bf16.f32 v28;
	v47 =	vunpack.i.u.bf16.f32 v30;
	v30 =	vunpack.i.l.bf16.f32 v30  }
0x228: {  	v21 =	vld [tilespmem:s16+$0xFFFFFFF0];
	v28 =	vunpack.i.u.bf16.f32 v28;
	v32 =	vadd.f32 v32, v58;
	v27 =	vadd.f32 v30, v27  }
0x229: {  	v62 =	vmul.f32 v25, v5;
	v23 =	vadd.f32 v23, v60;
	v28 =	vadd.f32 v47, v28  }
0x22a: {  	v34 =	vld [tilespmem:s12+$0xFFFFFFC0];
	v26 =	vmul.f32 v26, v11;
	v32 =	vmax.f32 v32, $0.0e+00;
	v27 =	vadd.f32 v27, v48  }
0x22b: {  	v49 =	vunpack.i.l.bf16.f32 v20;
	v23 =	vmax.f32 v23, $0.0e+00;
	v28 =	vadd.f32 v28, v62;
	[tilespmem:s11+$0xFFFFFFB0] =	vst v32  }
0x22c: {  	v50 =	vunpack.i.u.bf16.f32 v20;
	v20 =	vsub.f32 v31, v45;
	[tilespmem:s11+$0xFFFFFFA0] =	vst v23;
	v27 =	vmax.f32 v27, $0.0e+00  }
0x22d: {  	v40 =	vmul.f32 v25, v9;
	v21 =	vsub.f32 v63, v21;
	v52 =	vld [tilespmem:s29+$0xFFFFFFE0];
	v28 =	vmax.f32 v28, $0.0e+00;
	[tilespmem:s11+$0x20] =	vst v27  }
0x22e: {  	v29 =	vmul.f32 v24, v8;
	v26 =	vadd.f32 v46, v26;
	v54 =	vmul.f32 v20, v20;
	v53 =	vld [tilespmem:s25+$0xFFFFFFE0];
	[tilespmem:s11+$0x30] =	vst v28  }
0x22f: {  	v59 =	vmul.f32 v24, v7;
	v30 =	vunpack.i.u.bf16.f32 v34;
	v55 =	vmul.f32 v21, v21;
	v57 =	vld [tilespmem:s29+$0x20]  }
0x230: {  	v31 =	vunpack.i.l.bf16.f32 v61;
	v61 =	vmul.f32 v24, v6;
	v23 =	vmul.f32 v23, v12;
	(xrf2) =	vadd.scan.msk.f32 $0xffff, v54;
	v60 =	vld [tilespmem:s25+$0x20]  }
0x231: {  	v47 =	vmul.f32 v25, v6;
	v34 =	vunpack.i.l.bf16.f32 v34;
	v35 =	vadd.f32 v50, v51;
	(xrf2) =	vadd.scan.msk.f32 $0xffff, v55  }
0x232: {  	v23 =	vadd.f32 v23, v26;
	v26 =	vmul.f32 v27, v12;
	v27 =	vunpack.i.u.bf16.f32 v52  }
0x233: {  	v56 =	vunpack.i.u.bf16.f32 v53;
	v58 =	vunpack.i.l.bf16.f32 v52;
	v33 =	vunpack.i.l.bf16.f32 v53  }
0x234: {  	v62 =	vmul.f32 v25, v7;
	v27 =	vadd.f32 v56, v27;
	v33 =	vadd.f32 v33, v58  }
0x235: {  	v63 =	vunpack.i.u.bf16.f32 v57;
	v37 =	vunpack.i.l.bf16.f32 v57;
	v39 =	vunpack.i.l.bf16.f32 v60  }
0x236: {  	v46 =	vunpack.i.u.bf16.f32 v60;
	v27 =	vadd.f32 v27, v59;
	v37 =	vadd.f32 v39, v37  }
0x237: {  	v45 =	vld [tilespmem:s0+$0xFFFFFFC0];
	v32 =	vmul.f32 v32, v13;
	v33 =	vadd.f32 v33, v61;
	v36 =	vadd.f32 v46, v63  }
0x238: {  	v50 =	vmul.f32 v25, v8;
	v48 =	vmax.f32 v27, $0.0e+00;
	v37 =	vadd.f32 v37, v47  }
0x239: {  	v23 =	vadd.f32 v23, v32;
	v33 =	vmax.f32 v33, $0.0e+00;
	v32 =	vadd.f32 v36, v62;
	[tilespmem:s11+$0xFFFFFFD0] =	vst v48  }
0x23a: {  	v28 =	vmul.f32 v28, v13;
	v26 =	vadd.f32 v26, v22;
	[tilespmem:s11+$0xFFFFFFC0] =	vst v33;
	v27, _, _ =	vpop (xrf2);
	v25 =	vmax.f32 v37, $0.0e+00  }
0x23b: {  	v31 =	vadd.f32 v49, v31;
	v49 =	vmul.f32 v33, v14;
	v32 =	vmax.f32 v32, $0.0e+00;
	v22, _, _ =	vpop (xrf2);
	[tilespmem:s11+$0x40] =	vst v25  }
0x23c: {  	v51 =	vunpack.i.l.bf16.f32 v45;
	v26 =	vadd.f32 v26, v28;
	v53 =	vld [tilespmem:s25+$0xFFFFFFF0];
	[tilespmem:s11+$0x50] =	vst v32;
	v22 =	vbroadcast v22, $0xF  }
0x23d: {  	v41 =	vadd.f32 v49, v23;
	v23 =	vunpack.i.u.bf16.f32 v45;
	v25 =	vmul.f32 v25, v14;
	v54 =	vld [tilespmem:s29+$0x30]  }
0x23e: {  	v30 =	vadd.f32 v23, v30;
	v23 =	vbroadcast v27, $0xF;
	v55 =	vld [tilespmem:s25+$0x30];
	v52 =	vmul.f32 v22, v3  }
0x23f: {  	v34 =	vadd.f32 v51, v34;
	v26 =	vadd.f32 v25, v26;
	v27 =	vmul.f32 v22, v2  }
0x240: {  	v33 =	vld [tilespmem:s29+$0xFFFFFFF0];
	v25 =	vmul.f32 v23, v3;
	v28 =	vadd.f32 v52, v30;
	v30 =	vmul.f32 v23, v2  }
0x241: {  	v24 =	vmul.f32 v24, v9;
	v56 =	vunpack.i.u.bf16.f32 v53;
	v34 =	vadd.f32 v34, v27  }
0x242: {  	v38 =	vunpack.i.l.bf16.f32 v53;
	v25 =	vadd.f32 v25, v35;
	v30 =	vadd.f32 v31, v30  }
0x243: {  	v59 =	vunpack.i.u.bf16.f32 v54;
	v61 =	vunpack.i.l.bf16.f32 v55;
	v36 =	vunpack.i.l.bf16.f32 v54  }
0x244: {  	s13 =	simm.s32 $0x4DC0;
	v37 =	vunpack.i.u.bf16.f32 v55;
	v27 =	vmax.f32 v28, $0.0e+00;
	v30 =	vmax.f32 v30, $0.0e+00  }
0x245: {  	v28 =	vunpack.i.l.bf16.f32 v33;
	v31 =	vmax.f32 v34, $0.0e+00;
	[tilespmem:s13+$0xFFFFFF90] =	vst v27;
	v60 =	vmul.f32 v30, v10  }
0x246: {  	v33 =	vunpack.i.u.bf16.f32 v33;
	v25 =	vmax.f32 v25, $0.0e+00;
	v62 =	vadd.f32 v61, v36;
	[tilespmem:s13+$0xFFFFFF80] =	vst v31  }
0x247: {  	v33 =	vadd.f32 v56, v33;
	v45 =	vmul.f32 v25, v11;
	[tilespmem:s13+$0x10] =	vst v25;
	v58 =	vld [tilespmem:s12+$0xFFFFFFD0];
	v39 =	vadd.f32 $0.0e+00, v60  }
0x248: {  	v57 =	vmul.f32 v48, v15;
	v37 =	vadd.f32 v37, v59;
	v63 =	vadd.f32 v38, v28;
	[tilespmem:s13+$0x0] =	vst v30  }
0x249: {  	v38 =	vmul.f32 v22, v5;
	v24 =	vadd.f32 v33, v24;
	v25 =	vadd.f32 v39, v45;
	v39 =	vld [tilespmem:s12+$0x10]  }
0x24a: {  	v36 =	vld [tilespmem:s0+$0xFFFFFFD0];
	v37 =	vadd.f32 v37, v40;
	v33 =	vmul.f32 v32, v15;
	v30 =	vadd.f32 v62, v50  }
0x24b: {  	s17 =	simm.s32 $0x2580;
	s5 =	simm.s32 $0x62D0;
	s23 =	simm.s32 $0x2;
	v32 =	vadd.f32 v41, v57;
	v29 =	vadd.f32 v63, v29;
	v28 =	vmax.f32 v24, $0.0e+00  }
0x24c: {  	s24 =	simm.s32 $0x1180;
	s15 =	simm.s32 $0x3610;
	s16 =	simm.s32 $0x3110;
	v40 =	vld [tilespmem:s0+$0x10];
	v24 =	vmul.f32 v22, v8;
	[tilespmem:s11+$0xFFFFFFF0] =	vst v28;
	v35 =	vunpack.i.u.bf16.f32 v58;
	v34 =	vunpack.i.l.bf16.f32 v58  }
.LBB2_7:
0x24d: {  	v41 =	vld [tilespmem:s16+$0x0];
	s23 =	sadd.s32 $0x2, s23;
	v42 =	vmul.f32 v22, v4;
	v43 =	vmul.f32 v23, v5;
	v37 =	vmax.f32 v37, $0.0e+00;
	s18 =	smov.u32 s5;
	s5 =	sadd.s32 $0x20, s5  }
0x24e: {  	v31 =	vmul.f32 v31, v10;
	v46 =	vadd.f32 v26, v33;
	v44 =	vld [tilespmem:s17+$0x0];
	p0 =	slt.u32 s23, $0x26;
	v45 =	vunpack.i.l.bf16.f32 v39;
	[tilespmem:s11+$0x70] =	vst v37  }
0x24f: {  	v33 =	vunpack.i.u.bf16.f32 v36;
	v36 =	vunpack.i.l.bf16.f32 v36;
	v39 =	vunpack.i.u.bf16.f32 v39;
	v26 =	vld [tilespmem:s24+$0xFFFFFFC0]  }
0x250: {  	v27 =	vmul.f32 v27, v11;
	v48 =	vadd.f32 $0.0e+00, v31;
	v31 =	vadd.f32 v33, v35;
	v47 =	vld [tilespmem:s24+$0x0]  }
0x251: {  	v34 =	vadd.f32 v36, v34;
	v35 =	vunpack.i.u.bf16.f32 v40;
	v36 =	vunpack.i.l.bf16.f32 v40;
	v33 =	vld [tilespmem:s16+$0xFFFFFFF0]  }
0x252: {  	v31 =	vadd.f32 v31, v38;
	v38 =	vmul.f32 v23, v4;
	v35 =	vadd.f32 v35, v39;
	v40 =	vld [tilespmem:s15+$0xFFFFFFF0]  }
0x253: {  	v34 =	vadd.f32 v34, v42;
	v36 =	vadd.f32 v36, v45;
	v39 =	vld [tilespmem:s15+$0x0];
	v49 =	vunpack.i.l.bf16.f32 v44  }
0x254: {  	v44 =	vunpack.i.u.bf16.f32 v44;
	v45 =	vmax.f32 v31, $0.0e+00;
	v42 =	vunpack.i.u.bf16.f32 v26  }
0x255: {  	v34 =	vmax.f32 v34, $0.0e+00;
	v50 =	vunpack.i.u.bf16.f32 v47;
	v31 =	vunpack.i.l.bf16.f32 v47;
	[tilespmem:s13+$0xFFFFFFB0] =	vst v45  }
0x256: {  	v36 =	vadd.f32 v36, v38;
	v38 =	vmax.f32 v29, $0.0e+00;
	v31 =	vadd.f32 v49, v31;
	[tilespmem:s13+$0xFFFFFFA0] =	vst v34  }
0x257: {  	v27 =	vadd.f32 v48, v27;
	v34 =	vmul.f32 v34, v12;
	v29 =	vsub.f32 v33, v40;
	v40 =	vld [tilespmem:s12+$0xFFFFFFE0];
	[tilespmem:s11+$0xFFFFFFE0] =	vst v38  }
0x258: {  	v36 =	vmax.f32 v36, $0.0e+00;
	v38 =	vmul.f32 v38, v16;
	v33 =	vsub.f32 v41, v39;
	v39 =	vld [tilespmem:s0+$0xFFFFFFE0]  }
0x259: {  	v27 =	vadd.f32 v34, v27;
	v34 =	vmul.f32 v36, v12;
	v41 =	vmul.f32 v29, v29;
	[tilespmem:s13+$0x20] =	vst v36  }
0x25a: {  	v35 =	vadd.f32 v35, v43;
	v32 =	vadd.f32 v38, v32;
	v36 =	vmul.f32 v33, v33  }
0x25b: {  	v28 =	vmul.f32 v28, v17;
	v30 =	vmax.f32 v30, $0.0e+00;
	v38 =	vadd.f32 v44, v50  }
0x25c: {  	v43 =	vmul.f32 v30, v16;
	v35 =	vmax.f32 v35, $0.0e+00;
	(xrf2) =	vadd.scan.msk.f32 $0xffff, v36;
	v36 =	vunpack.i.u.bf16.f32 v40  }
0x25d: {  	v40 =	vunpack.i.l.bf16.f32 v40;
	v44 =	vunpack.i.u.bf16.f32 v39;
	[tilespmem:s13+$0x30] =	vst v35;
	v35 =	vmul.f32 v35, v13  }
0x25e: {  	v36 =	vadd.f32 v44, v36;
	v44 =	vmul.f32 v22, v7;
	v47 =	vld [tilespmem:s12+$0x20];
	[tilespmem:s11+$0x60] =	vst v30;
	v30 =	vmul.f32 v37, v17;
	s11 =	smov.u32 s13  }
0x25f: {  	v43 =	vadd.f32 v43, v46;
	v28 =	vadd.f32 v32, v28;
	v37 =	vmul.f32 v45, v13;
	(xrf2) =	vadd.scan.msk.f32 $0xffff, v41;
	v41 =	vld [tilespmem:s0+$0x20]  }
0x260: {  	v32 =	vmul.f32 v23, v9;
	v39 =	vunpack.i.l.bf16.f32 v39;
	v36 =	vadd.f32 v36, v44  }
0x261: {  	v39 =	vadd.f32 v39, v40;
	v40 =	vmul.f32 v22, v6;
	v30 =	vadd.f32 v43, v30  }
0x262: {  	v27 =	vadd.f32 v27, v37;
	v37 =	vmul.f32 v23, v7;
	v36 =	vmax.f32 v36, $0.0e+00  }
0x263: {  	v39 =	vadd.f32 v39, v40;
	v40 =	vunpack.i.u.bf16.f32 v47;
	v43 =	vunpack.i.l.bf16.f32 v47;
	(xrf2) =	vadd.scan.msk.f32 $0xffff, v30  }
0x264: {  	v45 =	vmul.f32 v23, v6;
	v30 =	vld [tilespmem:s17+$0xFFFFFFC0];
	[tilespmem:s13+$0xFFFFFFD0] =	vst v36;
	v44 =	vunpack.i.u.bf16.f32 v41;
	v41 =	vunpack.i.l.bf16.f32 v41  }
0x265: {  	v39 =	vmax.f32 v39, $0.0e+00;
	v41 =	vadd.f32 v41, v43;
	v40 =	vadd.f32 v44, v40  }
0x266: {  	v25 =	vadd.f32 v34, v25;
	v43, _, _ =	vpop (xrf2);
	[tilespmem:s13+$0xFFFFFFC0] =	vst v39;
	v39 =	vmul.f32 v39, v14;
	(xrf2) =	vadd.scan.msk.f32 $0xffff, v28  }
0x267: {  	v28 =	vld [tilespmem:s12+$0xFFFFFFF0];
	v34 =	vadd.f32 v41, v45;
	v37 =	vadd.f32 v40, v37;
	v41 =	vmul.f32 v23, v8  }
0x268: {  	v25 =	vadd.f32 v25, v35;
	s13 =	sadd.s32 $0x100, s13;
	v40 =	vmul.f32 v22, v9;
	v44 =	vadd.f32 v39, v27;
	v39 =	vld [tilespmem:s0+$0xFFFFFFF0]  }
0x269: {  	v23 =	vunpack.i.u.bf16.f32 v30;
	v22, _, _ =	vpop (xrf2);
	v27 =	vmax.f32 v34, $0.0e+00;
	v34 =	vmax.f32 v37, $0.0e+00  }
0x26a: {  	v22 =	vbroadcast v22, $0xF;
	v35 =	vadd.f32 v23, v42;
	[tilespmem:s11+$0x40] =	vst v27;
	v46 =	vmul.f32 v27, v14  }
0x26b: {  	v37 =	vunpack.i.l.bf16.f32 v26;
	v30 =	vunpack.i.l.bf16.f32 v30;
	v23 =	vbroadcast v43, $0xF  }
0x26c: {  	v42 =	vmul.f32 v22, v2;
	v43 =	vmul.f32 v22, v3;
	v26 =	vadd.f32 v46, v25;
	[tilespmem:s11+$0x50] =	vst v34  }
0x26d: {  	v25 =	vadd.f32 v30, v37;
	v30 =	vmul.f32 v23, v2;
	v37 =	vunpack.i.l.bf16.f32 v28;
	v45 =	vld [tilespmem:s12+$0x30];
	v27, _, _ =	vpop (xrf2);
	s12 =	smov.u32 s24  }
0x26e: {  	v35 =	vadd.f32 v43, v35;
	v43 =	vmul.f32 v23, v3;
	v46 =	vld [tilespmem:s0+$0x30];
	v47 =	vbroadcast v27, $0xF;
	s0 =	smov.u32 s17  }
0x26f: {  	v28 =	vunpack.i.u.bf16.f32 v28;
	v25 =	vadd.f32 v25, v42;
	v42 =	vunpack.i.u.bf16.f32 v39  }
0x270: {  	v30 =	vadd.f32 v31, v30;
	v27 =	vmax.f32 v35, $0.0e+00;
	v35 =	vmul.f32 v47, v19;
	v19, _, _ =	vpop (xrf2)  }
0x271: {  	v31 =	vmax.f32 v25, $0.0e+00;
	v25 =	vadd.f32 v42, v28;
	[tilespmem:s13+$0xFFFFFF90] =	vst v27;
	v28 =	vbroadcast v19, $0xF;
	v19 =	vmovc v20;
	v20 =	vmovc v33  }
0x272: {  	v30 =	vmax.f32 v30, $0.0e+00;
	v42 =	vmul.f32 v36, v15;
	v33 =	vadd.f32 v43, v38;
	[tilespmem:s13+$0xFFFFFF80] =	vst v31  }
0x273: {  	v43 =	vunpack.i.u.bf16.f32 v45;
	v38 =	vld [tilespmem:s24+$0xFFFFFFD0];
	v47 =	vunpack.i.l.bf16.f32 v46;
	v48 =	vmul.f32 v28, v18;
	v18 =	vmovc v21;
	v21 =	vmovc v29  }
0x274: {  	v28 =	vmul.f32 v30, v10;
	v29 =	vmax.f32 v33, $0.0e+00;
	[tilespmem:s13+$0x0] =	vst v30;
	v30 =	vadd.f32 v25, v40  }
0x275: {  	v25 =	vmul.f32 v29, v11;
	v40 =	vunpack.i.l.bf16.f32 v45;
	v45 =	vadd.f32 v1, v35  }
0x276: {  	v49 =	vunpack.i.l.bf16.f32 v39;
	v35 =	vunpack.i.u.bf16.f32 v46;
	v28 =	vadd.f32 $0.0e+00, v28  }
.Ltmp2:
0x277: {  	v33 =	vmul.f32 v34, v15;
	v43 =	vadd.f32 v35, v43;
	v36 =	vld [tilespmem:s17+$0xFFFFFFD0];
	[tilespmem:s13+$0x10] =	vst v29;
	v29 =	vadd.f32 v47, v40;
	(pc) =	sbr.rel @p0 .LBB2_7-.Ltmp2, $4  }
0x278: {  	v46 =	vadd.f32 v49, v37;
	v35 =	vunpack.i.u.bf16.f32 v38;
	v34 =	vunpack.i.l.bf16.f32 v38;
	v39 =	vld [tilespmem:s24+$0x10];
	[tilespmem:s18+$0x0] =	vst v45  }
0x279: {  	v25 =	vadd.f32 v28, v25;
	v28 =	vmax.f32 v30, $0.0e+00;
	v45 =	vadd.f32 v1, v48  }
0x27a: {  	v37 =	vadd.f32 v43, v32;
	v38 =	vmul.f32 v22, v5;
	s24 =	sadd.s32 $0x80, s24;
	v30 =	vadd.f32 v29, v41;
	v40 =	vld [tilespmem:s17+$0x10];
	[tilespmem:s11+$0xFFFFFFF0] =	vst v28  }
0x27b: {  	s16 =	sadd.s32 $0x20, s16;
	s15 =	sadd.s32 $0x20, s15;
	v32 =	vadd.f32 v44, v42;
	v29 =	vadd.f32 v46, v24;
	v24 =	vmul.f32 v22, v8;
	s17 =	sadd.s32 $0x80, s17;
	[tilespmem:s18+$0xFFFFFFF0] =	vst v45  }
0x27c: {  	v41 =	vunpack.i.u.bf16.f32 v36  }
0x27d: {  	v49 =	vunpack.i.l.bf16.f32 v36;
	v50 =	vmul.f32 v22, v4;
	v35 =	vadd.f32 v41, v35  }
0x27e: {  	v55 =	vmul.f32 v23, v4;
	v34 =	vadd.f32 v49, v34;
	v51 =	vunpack.i.l.bf16.f32 v39  }
0x27f: {  	v52 =	vunpack.i.u.bf16.f32 v39;
	v35 =	vadd.f32 v35, v38;
	v54 =	vunpack.i.l.bf16.f32 v40  }
0x280: {  	v34 =	vadd.f32 v34, v50;
	v53 =	vunpack.i.u.bf16.f32 v40;
	v36 =	vadd.f32 v54, v51  }
0x281: {  	v56 =	vmul.f32 v23, v5;
	v38 =	vadd.f32 v53, v52;
	v35 =	vmax.f32 v35, $0.0e+00  }
0x282: {  	v34 =	vmax.f32 v34, $0.0e+00;
	[tilespmem:s13+$0xFFFFFFB0] =	vst v35;
	v36 =	vadd.f32 v36, v55  }
0x283: {  	[tilespmem:s13+$0xFFFFFFA0] =	vst v34;
	v38 =	vadd.f32 v38, v56  }
0x284: {  	v57 =	vld [tilespmem:s12+$0xFFFFFFE0];
	v36 =	vmax.f32 v36, $0.0e+00  }
0x285: {  	v58 =	vld [tilespmem:s0+$0xFFFFFFE0];
	v38 =	vmax.f32 v38, $0.0e+00;
	[tilespmem:s13+$0x20] =	vst v36  }
0x286: {  	[tilespmem:s13+$0x30] =	vst v38  }
0x287: {  	v59 =	vld [tilespmem:s12+$0x20]  }
0x288: {  	v31 =	vmul.f32 v31, v10;
	v60 =	vmul.f32 v22, v7;
	v44 =	vld [tilespmem:s0+$0x20]  }
0x289: {  	v61 =	vmul.f32 v22, v6;
	v26 =	vadd.f32 v26, v33;
	v33 =	vmax.f32 v37, $0.0e+00  }
0x28a: {  	v47 =	vmul.f32 v23, v6;
	v42 =	vunpack.i.u.bf16.f32 v57;
	v43 =	vunpack.i.u.bf16.f32 v58  }
0x28b: {  	v39 =	vunpack.i.l.bf16.f32 v57;
	v41 =	vunpack.i.l.bf16.f32 v58;
	v42 =	vadd.f32 v43, v42  }
0x28c: {  	v27 =	vmul.f32 v27, v11;
	v48 =	vmul.f32 v23, v7;
	v39 =	vadd.f32 v41, v39  }
0x28d: {  	v62 =	vadd.f32 v42, v60;
	v40 =	vunpack.i.l.bf16.f32 v59;
	v45 =	vunpack.i.l.bf16.f32 v44  }
0x28e: {  	v63 =	vunpack.i.u.bf16.f32 v59;
	v46 =	vunpack.i.u.bf16.f32 v44;
	v40 =	vadd.f32 v45, v40  }
0x28f: {  	v30 =	vmax.f32 v30, $0.0e+00;
	v39 =	vadd.f32 v39, v61;
	v41 =	vadd.f32 v46, v63  }
0x290: {  	v31 =	vadd.f32 $0.0e+00, v31;
	v37 =	vmax.f32 v62, $0.0e+00;
	v40 =	vadd.f32 v40, v47  }
0x291: {  	v29 =	vmax.f32 v29, $0.0e+00;
	v49 =	vmax.f32 v39, $0.0e+00;
	[tilespmem:s13+$0xFFFFFFD0] =	vst v37;
	v50 =	vadd.f32 v41, v48  }
0x292: {  	v27 =	vadd.f32 v31, v27;
	v51 =	vmul.f32 v29, v16;
	[tilespmem:s13+$0xFFFFFFC0] =	vst v49;
	v40 =	vmax.f32 v40, $0.0e+00  }
0x293: {  	v53 =	vmul.f32 v30, v16;
	v34 =	vmul.f32 v34, v12;
	v39 =	vmax.f32 v50, $0.0e+00;
	[tilespmem:s13+$0x40] =	vst v40  }
0x294: {  	v28 =	vmul.f32 v28, v17;
	v32 =	vadd.f32 v51, v32;
	v36 =	vmul.f32 v36, v12;
	v52 =	vld [tilespmem:s12+$0xFFFFFFF0];
	[tilespmem:s13+$0x50] =	vst v39  }
0x295: {  	v35 =	vmul.f32 v35, v13;
	v26 =	vadd.f32 v53, v26;
	v27 =	vadd.f32 v34, v27;
	v56 =	vld [tilespmem:s12+$0x30]  }
0x296: {  	v28 =	vadd.f32 v32, v28;
	v55 =	vmul.f32 v38, v13;
	v25 =	vadd.f32 v36, v25;
	v58 =	vld [tilespmem:s0+$0x30]  }
0x297: {  	v27 =	vadd.f32 v27, v35;
	v57 =	vmul.f32 v33, v17;
	v59 =	vmul.f32 v23, v9;
	v54 =	vld [tilespmem:s0+$0xFFFFFFF0]  }
0x298: {  	v25 =	vadd.f32 v25, v55;
	v31 =	vmul.f32 v49, v14;
	v60 =	vmul.f32 v40, v14  }
0x299: {  	v26 =	vadd.f32 v26, v57;
	v61 =	vmul.f32 v23, v8;
	v48 =	vmul.f32 v22, v9  }
0x29a: {  	v27 =	vadd.f32 v31, v27;
	v51 =	vmul.f32 v39, v15;
	v25 =	vadd.f32 v60, v25  }
0x29b: {  	v62 =	vunpack.i.l.bf16.f32 v52;
	v45 =	vunpack.i.l.bf16.f32 v58;
	v46 =	vunpack.i.l.bf16.f32 v56  }
0x29c: {  	v63 =	vunpack.i.u.bf16.f32 v52;
	v47 =	vunpack.i.l.bf16.f32 v54;
	v40 =	vadd.f32 v45, v46  }
0x29d: {  	v31 =	vadd.f32 v47, v62;
	v38 =	vunpack.i.u.bf16.f32 v56;
	v36 =	vunpack.i.u.bf16.f32 v58  }
0x29e: {  	v44 =	vunpack.i.u.bf16.f32 v54;
	v49 =	vadd.f32 v36, v38;
	v23 =	vadd.f32 v40, v61  }
0x29f: {  	v50 =	vmul.f32 v37, v15;
	v32 =	vadd.f32 v44, v63;
	v24 =	vadd.f32 v31, v24  }
0x2a0: {  	v25 =	vadd.f32 v25, v51;
	v52 =	vadd.f32 v49, v59;
	v23 =	vmax.f32 v23, $0.0e+00  }
0x2a1: {  	(xrf2) =	vadd.scan.msk.f32 $0xffff, v26;
	v22 =	vadd.f32 v32, v48;
	v24 =	vmax.f32 v24, $0.0e+00;
	v53 =	vmul.f32 v23, v16  }
0x2a2: {  	v27 =	vadd.f32 v27, v50;
	v54 =	vmul.f32 v24, v16;
	v31 =	vmax.f32 v52, $0.0e+00  }
0x2a3: {  	(xrf2) =	vadd.scan.msk.f32 $0xffff, v28;
	v22 =	vmax.f32 v22, $0.0e+00;
	v55 =	vmul.f32 v31, v17;
	v25 =	vadd.f32 v53, v25  }
0x2a4: {  	v57 =	vmul.f32 v22, v17;
	v56 =	vadd.f32 v54, v27  }
0x2a5: {  	v25 =	vadd.f32 v25, v55  }
0x2a6: {  	v26 =	vadd.f32 v56, v57  }
0x2a7: {  	(xrf2) =	vadd.scan.msk.f32 $0xffff, v25  }
0x2a8: {  	(xrf2) =	vadd.scan.msk.f32 $0xffff, v26;
	_ =	sdelay $0x2  }
0x2a9: {  	v58, _, _ =	vpop (xrf2)  }
0x2aa: {  	v25 =	vbroadcast v58, $0xF  }
0x2ab: {  	v59, _, _ =	vpop (xrf2)  }
0x2ac: {  	v60 =	vbroadcast v59, $0xF;
	v19 =	vmul.f32 v25, v19  }
0x2ad: {  	[tilespmem:s11+$0x70] =	vst v33  }
0x2ae: {  	[tilespmem:s11+$0x60] =	vst v30;
	v18 =	vmul.f32 v60, v18;
	v19 =	vadd.f32 v1, v19  }
0x2af: {  	[tilespmem:s11+$0xFFFFFFE0] =	vst v29;
	v61, _, _ =	vpop (xrf2)  }
0x2b0: {  	v18 =	vadd.f32 v1, v18;
	[tilespmem:s5+$0x0] =	vst v19;
	v19 =	vbroadcast v61, $0xF;
	v62, _, _ =	vpop (xrf2)  }
0x2b1: {  	[tilespmem:s13+$0xFFFFFFF0] =	vst v22;
	v63 =	vbroadcast v62, $0xF  }
0x2b2: {  	[tilespmem:s5+$0xFFFFFFF0] =	vst v18;
	v18 =	vmul.f32 v19, v20  }
0x2b3: {  	[tilespmem:s13+$0xFFFFFFE0] =	vst v24;
	v19 =	vmul.f32 v63, v21  }
0x2b4: {  	s28 =	smul.u32 $0xA0, s28;
	s26 =	sadd.s32 $0x1, s26;
	[tilespmem:s13+$0x70] =	vst v31;
	v18 =	vadd.f32 v1, v18  }
0x2b5: {  	s29 =	sadd.s32 $0x20, s5;
	p0 =	sne.s32 s26, $0x7D;
	[tilespmem:s13+$0x60] =	vst v23;
	v19 =	vadd.f32 v1, v19  }
.Ltmp3:
0x2b6: {  	s0 =	sshrl.u32 s28, $0x2;
	[tilespmem:s29+$0x0] =	vst v18;
	(pc) =	sbr.rel @p0 .LBB2_4-.Ltmp3, $4  }
0x2b7: {  	s0 =	sadd.s32 s0, s30;
	[tilespmem:s29+$0xFFFFFFF0] =	vst v19  }
0x2b8: {  	[spmem:s2] =	stream.indirect.scatter.add.f32 [tilespmem:s21], [sflag:$0x4], $0x80, s0, s14, $0xb8;
	[tilespmem:$0x1CE40] =	vst v63  }
0x2b9: {  	_ = 	snop  }
0x2ba: {  	[spmem:s4] =	stream.indirect.scatter.add.f32 [tilespmem:s22], [sflag:$0x4], $0x10, s0, s14, $0xb8;
	[tilespmem:$0x1CE40] =	vst v63  }
0x2bb: {  	s0 =	simm.s32 $0x3  }
0x2bc: {  	_ =	swait.ge [sflag:s0], $0x1400  }
0x2bd: {  	[sflag:s0] =	ssyncset.done $0x0  }
0x2be: {  	[sflag:s0] =	ssyncadd.s32 $0xFFFFEC00  }
0x2bf: {  	_ =	swait.ge [sflag:s0], $0x280  }
0x2c0: {  	[sflag:s0] =	ssyncset.done $0x0  }
0x2c1: {  	s24 =	simm.s32 $0x4;
	[sflag:s0] =	ssyncadd.s32 $0xFFFFFD80  }
0x2c2: {  	_ =	swait.ge [sflag:s24], $0x1400  }
0x2c3: {  	[sflag:s24] =	ssyncset.done $0x0  }
0x2c4: {  	[sflag:s24] =	ssyncadd.s32 $0xFFFFEC00  }
0x2c5: {  	_ =	swait.ge [sflag:s24], $0x280  }
0x2c6: {  	[sflag:s24] =	ssyncset.done $0x0  }
0x2c7: {  	[sflag:s24] =	ssyncadd.s32 $0xFFFFFD80  }
0x2c8: {  	[bflag:$0x0] =	sbarrier.arrive $0xFFFF  }
0x2c9: {  	s25 =	stileid.u32;
	s11 =	sld [smem:$0x7F8]  }
0x2ca: {  	s0 =	sshll.u32 s25, $0x6;
	s15 =	rddreg [dreg:$0x6]  }
0x2cb: {  	s0 =	sor.u32 $0x1C06, s0;
	s5 =	sshrl.u32 s15, $0x3  }
0x2cc: {  	[hbm:s11], [sflag:s0] =	dma.local [spmem:s5], $0x2800  }
0x2cd: {  	_ =	swait.ge [sflag:s31], $0x2800  }
0x2ce: {  	s28 =	sld [smem:$0x7F9]  }
0x2cf: {  	[sflag:s31] =	ssyncset.done $0x0;
	s16 =	rddreg [dreg:$0x7]  }
0x2d0: {  	[sflag:s31] =	ssyncadd.s32 $0xFFFFD800;
	s26 =	sshrl.u32 s16, $0x3  }
0x2d1: {  	[hbm:s28], [sflag:s0] =	dma.local [spmem:s26], $0x500  }
0x2d2: {  	_ =	swait.ge [sflag:s31], $0x500  }
0x2d3: {  	s29 =	sld [smem:$0x7F1]  }
0x2d4: {  	s30 =	sld [smem:$0x7FA];
	_ =	sdelay $0x1  }
0x2d5: {  	s5 =	sadd.s32 $0x1, s29  }
0x2d6: {  	p0 =	sne.s32 s5, s30  }
.Ltmp4:
0x2d7: {  	_ = 	snop;
	(pc) =	sbr.rel @p0 .LBB2_1-.Ltmp4, $3  }
0x2d8: {  	_ =	sdelay $0x1  }
0x2d9: {  	[sflag:s31] =	ssyncset.done $0x0  }
0x2da: {  	s12 =	simm.s32 $0x320;
	[sflag:s31] =	ssyncadd.s32 $0xFFFFFB00  }
0x2db: {  	_ =	sfence.sel $0x180000  }
0x2dc: {  	[bflag:$0x0] =	sbarrier.arrive $0xFFFF  }
0x2dd: {  	_ =	strace $0x90000047  }
0x2de: {  	s0 =	stileid.u32;
	[bflag:$0x2] =	sbarrier.arrive $0xFFFF  }
0x2df: {  	p0 =	sne.s32 s0, $0x0;
	s0 =	rddreg [dreg:$0x4]  }
0x2e0: {  	s0 =	sadd.s32 @!p0 $0x100000, s0  }
0x2e1: {  	[sflag:s0] =	ssyncadd.tile.s32 @!p0 $0x1;
	_ =	shalt  }
.Lfunc_end2:
_tile_overlayer_lowered:
.L_overlay_start_2:
0x2e2: {  	(tag) =	ssettag $0x2  }
0x2e3: {  	s0 =	rddreg [dreg:$0x0];
	s2 =	stileid.u32  }
0x2e4: {  	s1 =	rddreg [dreg:$0x1];
	p0 =	sne.s32 s2, $0x0  }
0x2e5: {  	s3 =	rddreg [dreg:$0x2];
	[bflag:$0x3] =	sbarrier.arrive $0xFFFF;
	s2 =	simm.s32 @!p0 $0x1C06  }
0x2e6: {  	[timem:s3], [sflag:s2] =	dma.local @!p0 [hbm:s0], s1  }
0x2e7: {  	s0 =	simm.s32 @!p0 $0x6  }
0x2e8: {  	_ =	swait.ge @!p0 [sflag:s0], s1  }
0x2e9: {  	s1 =	ssub.s32 @!p0 $0x0, s1;
	[sflag:s0] =	ssyncset.done @!p0 $0x0  }
0x2ea: {  	[sflag:s0] =	ssyncadd.s32 @!p0 s1  }
0x2eb: {  	[bflag:$0x3] =	sbarrier.arrive $0xFFFF  }
0x2ec: {  	_ =	shalt  }

</sc_bundles>
